<compile_context>
chip_gen: v7x
topology: tpu7x:2x2x1
jax: 0.10.2.dev20260603
libtpu: 0.0.44.dev20260713+nightly
codegen_flags: <defaults>
</compile_context>

<pallas_src>
import functools

import jax
import jax.numpy as jnp
import numpy as np
from jax import lax
from jax.experimental import pallas as pl
from jax.experimental.pallas import tpu as pltpu
from jax.experimental.pallas import tpu_sc as plsc

NN = 10000
NE = 320000
NG = 20
NPG = 500
SP = 512
HID = 64
NH = 8
DH = HID // NH
W = 80
CO = 64

NC, NS = 2, 16
NWK = NC * NS
EPW = NE // NWK
CH = 80
NCHUNK = EPW // CH

BE = 2000
BN = 2000

def _silu(x):
    return x / (1.0 + jnp.exp(-x))


def _bdot(a, b):
    return jnp.dot(a.astype(jnp.bfloat16), b.astype(jnp.bfloat16),
                   preferred_element_type=jnp.float32)


def _b(x):
    return x.astype(jnp.bfloat16).astype(jnp.float32)


@functools.cache
def _build_sc_kernels():
    mesh = plsc.VectorSubcoreMesh(core_axis_name="c", subcore_axis_name="s",
                                  num_cores=NC, num_subcores=NS)

    @functools.partial(
        pl.kernel,
        out_type=(
            jax.ShapeDtypeStruct((NE, W), jnp.float32),
            jax.ShapeDtypeStruct((NE, W), jnp.float32),
        ),
        mesh=mesh,
        scratch_types=[
            pltpu.VMEM((NCHUNK, CH), jnp.int32),
            pltpu.VMEM((NCHUNK, CH), jnp.int32),
            pltpu.VMEM((CH, W), jnp.float32),
            pltpu.SemaphoreType.DMA,
        ],
        compiler_params=pltpu.CompilerParams(use_tc_tiling_on_sc=False),
    )
    def _sc_gather(tab, src3d, dst3d, fs_out, fd_out, idx_s, idx_d, rows, sem):
        c = lax.axis_index("c")
        s = lax.axis_index("s")
        wid = s * NC + c
        base = wid * NCHUNK
        pltpu.sync_copy(src3d.at[wid], idx_s)
        pltpu.sync_copy(dst3d.at[wid], idx_d)

        def body(j, carry):
            off = (base + j) * CH
            pltpu.async_copy(tab.at[idx_s.at[j]], rows, sem).wait()
            pltpu.sync_copy(rows, fs_out.at[pl.ds(off, CH)])
            pltpu.async_copy(tab.at[idx_d.at[j]], rows, sem).wait()
            pltpu.sync_copy(rows, fd_out.at[pl.ds(off, CH)])
            return carry

        lax.fori_loop(0, NCHUNK, body, 0)

    @functools.partial(
        pl.kernel,
        out_type=jax.ShapeDtypeStruct((NC, NN, W), jnp.float32),
        mesh=mesh,
        scratch_types=[
            pltpu.VMEM((NCHUNK, CH), jnp.int32),
            pltpu.VMEM((CH, W), jnp.float32),
            pltpu.VMEM_SHARED((NN, W), jnp.float32),
        ],
        compiler_params=pltpu.CompilerParams(use_tc_tiling_on_sc=False),
    )
    def _sc_scatter(msg, dst3d, zeros_hbm, out, idx_d, msg_v, accum):
        c = lax.axis_index("c")
        s = lax.axis_index("s")
        wid = s * NC + c
        base = wid * NCHUNK
        rpt = 624
        pltpu.sync_copy(zeros_hbm.at[pl.ds(s * rpt, rpt)],
                        accum.at[pl.ds(s * rpt, rpt)])

        @pl.when(s == NS - 1)
        def _():
            pltpu.sync_copy(zeros_hbm.at[pl.ds(NS * rpt, NN - NS * rpt)],
                            accum.at[pl.ds(NS * rpt, NN - NS * rpt)])

        pltpu.sync_copy(dst3d.at[wid], idx_d)
        plsc.subcore_barrier()

        def body(j, carry):
            off = (base + j) * CH
            pltpu.sync_copy(msg.at[pl.ds(off, CH)], msg_v)
            pltpu.sync_copy(msg_v, accum.at[idx_d.at[j]], add=True)
            return carry

        lax.fori_loop(0, NCHUNK, body, 0)
        plsc.subcore_barrier()
        pltpu.sync_copy(accum.at[pl.ds(s * rpt, rpt)],
                        out.at[c, pl.ds(s * rpt, rpt)])

        @pl.when(s == NS - 1)
        def _():
            pltpu.sync_copy(accum.at[pl.ds(NS * rpt, NN - NS * rpt)],
                            out.at[c, pl.ds(NS * rpt, NN - NS * rpt)])

    return _sc_gather, _sc_scatter


def _edge_body(ind, fs_ref, fd_ref, ea_ref, ew1_ref, eb1_ref,
               ew2_ref, eb2_ref, cw1_ref, cb1_ref, cw2_ref, out_ref):
    fs = fs_ref[...]
    fd = fd_ref[...]
    xd = fs[:, CO:W] - fd[:, CO:W]
    radial = (xd[:, 0:1] * xd[:, 0:1] + xd[:, 1:2] * xd[:, 1:2]
              + xd[:, 2:3] * xd[:, 2:3])
    xdn = xd / (jnp.sqrt(radial) + 1e-30)
    ew1 = ew1_ref[...]
    if ind == 20:
        f = jnp.concatenate([fs[:, 0:ind], fd[:, 0:ind], radial, ea_ref[...]],
                            axis=1)
        m1 = _bdot(f, ew1) + eb1_ref[...]
    else:
        f = jnp.concatenate([fs[:, 0:ind], fd[:, 0:ind], radial, ea_ref[...]],
                            axis=1)
        m1 = _bdot(f, ew1) + eb1_ref[...]
    m1 = _silu(m1)
    mh = _silu(_bdot(m1, ew2_ref[...]) + eb2_ref[...])
    cw = _bdot(_silu(_bdot(mh, cw1_ref[...]) + cb1_ref[...]),
               cw2_ref[...])
    mx = cw * xdn
    lane = lax.broadcasted_iota(jnp.int32, mx.shape, 1)
    mx = jnp.where(lane == 3, jnp.float32(1.0), jnp.where(lane < 3, mx, 0.0))
    out_ref[...] = jnp.concatenate([mh, mx], axis=1)


def _edge_call(ind, fs, fd, ea, ew1, eb1, ew2, eb2, cw1, cb1, cw2):
    nblk = NE // BE
    full = lambda shape: pl.BlockSpec(shape, lambda i: (0, 0))
    return pl.pallas_call(
        functools.partial(_edge_body, ind),
        grid=(nblk,),
        in_specs=[
            pl.BlockSpec((BE, W), lambda i: (i, 0)),
            pl.BlockSpec((BE, W), lambda i: (i, 0)),
            pl.BlockSpec((BE, 1), lambda i: (i, 0)),
            full((2 * ind + 2, HID)), full((1, HID)),
            full((HID, HID)), full((1, HID)), full((HID, HID)), full((1, HID)),
            full((HID, 1)),
        ],
        out_specs=pl.BlockSpec((BE, W), lambda i: (i, 0)),
        out_shape=jax.ShapeDtypeStruct((NE, W), jnp.float32),
    )(fs, fd, ea, ew1, eb1, ew2, eb2, cw1, cb1, cw2)


def _node_body(ind, tab_ref, p_ref, nw1_ref, nb1_ref, nw2_ref, nb2_ref,
               out_ref):
    tab = tab_ref[...]
    acc = p_ref[0] + p_ref[1]
    h = tab[:, 0:ind]
    hn = acc[:, 0:CO]
    deg = jnp.maximum(acc[:, CO + 3:CO + 4], 1.0)
    dx = acc[:, CO:W] / deg
    lane = lax.broadcasted_iota(jnp.int32, dx.shape, 1)
    dx = jnp.where(lane < 3, dx, 0.0)
    coord_new = tab[:, CO:W] + dx
    h_in = jnp.concatenate([h, hn], axis=1)
    hi = _silu(_bdot(h_in, nw1_ref[...]) + nb1_ref[...])
    h_new = _bdot(hi, nw2_ref[...]) + nb2_ref[...]
    out_ref[...] = jnp.concatenate([h_new, coord_new], axis=1)


def _node_call(ind, tab, partials, nw1, nb1, nw2, nb2):
    nblk = NN // BN
    full = lambda shape: pl.BlockSpec(shape, lambda i: (0, 0))
    return pl.pallas_call(
        functools.partial(_node_body, ind),
        grid=(nblk,),
        in_specs=[
            pl.BlockSpec((BN, W), lambda i: (i, 0)),
            pl.BlockSpec((NC, BN, W), lambda i: (0, i, 0)),
            full((ind + HID, HID)), full((1, HID)),
            full((HID, HID)), full((1, HID)),
        ],
        out_specs=pl.BlockSpec((BN, W), lambda i: (i, 0)),
        out_shape=jax.ShapeDtypeStruct((NN, W), jnp.float32),
    )(tab, partials, nw1, nb1, nw2, nb2)


def _attn_body(h_ref, wq_ref, bq_ref, wk_ref, bk_ref, wv_ref, bv_ref,
               wo_ref, bo_ref, clsw_ref, clsb_ref, hw_ref, hb_ref,
               nw_ref, nb_ref, fo_ref, np_ref):
    hb = h_ref[0]
    q = _bdot(hb, wq_ref[...]) + bq_ref[...]
    k = _bdot(hb, wk_ref[...]) + bk_ref[...]
    v = _bdot(hb, wv_ref[...]) + bv_ref[...]
    scale = jnp.float32(1.0 / np.sqrt(DH))
    kmask = lax.broadcasted_iota(jnp.int32, (SP, SP), 1) < NPG
    outs = []
    for hd in range(NH):
        sl = slice(hd * DH, (hd + 1) * DH)
        qh, kh, vh = q[:, sl], k[:, sl], v[:, sl]
        lg = lax.dot_general(qh.astype(jnp.bfloat16), kh.astype(jnp.bfloat16),
                             (((1,), (1,)), ((), ())),
                             preferred_element_type=jnp.float32) * scale
        lg = jnp.where(kmask, lg, jnp.float32(-1e30))
        m = jnp.max(lg, axis=1, keepdims=True)
        e = jnp.exp(lg - m)
        wsm = e / jnp.sum(e, axis=1, keepdims=True)
        outs.append(_bdot(wsm, vh))
    attn = jnp.concatenate(outs, axis=1)
    attn = _bdot(attn, wo_ref[...]) + bo_ref[...]
    qmask = lax.broadcasted_iota(jnp.int32, (SP, HID), 0) < NPG
    attn = jnp.where(qmask, attn, 0.0)
    pooled = jnp.sum(attn, axis=0, keepdims=True) * jnp.float32(1.0 / NPG)
    fus = jnp.maximum(_bdot(pooled, clsw_ref[...]) + clsb_ref[...], 0.0)
    i = pl.program_id(0)
    fo_ref[pl.ds(i, 1), :] = _bdot(fus, hw_ref[...]) + hb_ref[...]
    np_ref[pl.ds(i, 1), :] = _bdot(fus, nw_ref[...]) + nb_ref[...]


def _attn_call(h3, p):
    full = lambda shape: pl.BlockSpec(shape, lambda i: (0, 0))
    return pl.pallas_call(
        _attn_body,
        grid=(NG,),
        in_specs=[
            pl.BlockSpec((1, SP, HID), lambda i: (i, 0, 0)),
            full((HID, HID)), full((1, HID)),
            full((HID, HID)), full((1, HID)),
            full((HID, HID)), full((1, HID)),
            full((HID, HID)), full((1, HID)),
            full((HID, 32)), full((1, 32)),
            full((32, 1)), full((1, 1)),
            full((32, 20)), full((1, 20)),
        ],
        out_specs=[
            pl.BlockSpec((NG, 1), lambda i: (0, 0)),
            pl.BlockSpec((NG, 20), lambda i: (0, 0)),
        ],
        out_shape=[
            jax.ShapeDtypeStruct((NG, 1), jnp.float32),
            jax.ShapeDtypeStruct((NG, 20), jnp.float32),
        ],
    )(h3, p["Wq"], p["bq"].reshape(1, HID), p["Wk"], p["bk"].reshape(1, HID),
      p["Wv"], p["bv"].reshape(1, HID), p["Wo"], p["bo"].reshape(1, HID),
      p["cls_W"], p["cls_b"].reshape(1, 32), p["head_W"],
      p["head_b"].reshape(1, 1), p["node_W"], p["node_b"].reshape(1, 20))


def kernel(x, edge_index, edge_attr, sequence_data, peptide_property, params):
    f32 = jnp.float32
    src3d = edge_index[0].reshape(NWK, NCHUNK, CH)
    dst3d = edge_index[1].reshape(NWK, NCHUNK, CH)
    ea = edge_attr.astype(f32)

    tab = jnp.concatenate(
        [x[:, :20], jnp.zeros((NN, CO - 20), f32),
         x[:, 20:23], jnp.zeros((NN, W - CO - 3), f32)], axis=1)
    zeros_acc = jnp.zeros((NN, W), f32)
    sc_gather, sc_scatter = _build_sc_kernels()

    for li, p in enumerate(params["layers"]):
        in_dim = 20 if li == 0 else HID
        fs, fd = sc_gather(tab, src3d, dst3d)
        msg = _edge_call(in_dim, fs, fd, ea, p["eW1"],
                         p["eb1"].reshape(1, HID), p["eW2"],
                         p["eb2"].reshape(1, HID), p["cW1"],
                         p["cb1"].reshape(1, HID), p["cW2"])
        partials = sc_scatter(msg, dst3d, zeros_acc)
        tab = _node_call(in_dim, tab, partials, p["nW1"],
                         p["nb1"].reshape(1, HID), p["nW2"],
                         p["nb2"].reshape(1, HID))

    h3 = tab[:, :HID].reshape(NG, NPG, HID)
    h3 = jnp.pad(h3, ((0, 0), (0, SP - NPG), (0, 0)))
    final_output, node_prediction = _attn_call(h3, params)
    return final_output, node_prediction

# --- scband reference (transcript-rebuilt; emitter-appended) ---
"""Pipeline reference for scband-structure-model-ssl-32461362823533 (READ-ONLY COPY).

The authoritative reference and input builder live on the scoring server;
editing this copy changes nothing except your own understanding.
"""

import jax, jax.numpy as jnp
import numpy as np

N_NODES = 10000
N_EDGES = 320000
N_GRAPHS = 20
NODES_PER_GRAPH = 500
HID = 64
N_HEADS = 8
N_LAYERS = 6

def _lin(key, fi, fo):
    return jax.random.normal(key, (fi, fo), dtype=jnp.float32) * (1.0 / np.sqrt(fi))

def _make_layer(key, in_dim):
    ks = jax.random.split(key, 6)
    ein = 2 * in_dim + 2
    return {
        "eW1": _lin(ks[0], ein, HID), "eb1": jnp.zeros((HID,), jnp.float32),
        "eW2": _lin(ks[1], HID, HID), "eb2": jnp.zeros((HID,), jnp.float32),
        "nW1": _lin(ks[2], in_dim + HID, HID), "nb1": jnp.zeros((HID,), jnp.float32),
        "nW2": _lin(ks[3], HID, HID), "nb2": jnp.zeros((HID,), jnp.float32),
        "cW1": _lin(ks[4], HID, HID), "cb1": jnp.zeros((HID,), jnp.float32),
        "cW2": _lin(ks[5], HID, 1),
    }

def setup_inputs(seed: int = 0):
    key = jax.random.key(seed)
    ks = jax.random.split(key, 24)
    x = jax.random.normal(ks[0], (N_NODES, 23), dtype=jnp.float32)
    edge_index = jax.random.randint(ks[1], (2, N_EDGES), 0, N_NODES, dtype=jnp.int32)
    edge_attr = jax.random.normal(ks[2], (N_EDGES, 1), dtype=jnp.float32)
    sequence_data = jax.random.normal(ks[3], (N_GRAPHS, 50), dtype=jnp.float32)
    peptide_property = jax.random.normal(ks[4], (N_GRAPHS, 4), dtype=jnp.float32)
    layers = [_make_layer(ks[5], 20)] + [_make_layer(ks[6 + i], HID) for i in range(N_LAYERS - 1)]
    params = {
        "layers": layers,
        "Wq": _lin(ks[12], HID, HID), "bq": jnp.zeros((HID,), jnp.float32),
        "Wk": _lin(ks[13], HID, HID), "bk": jnp.zeros((HID,), jnp.float32),
        "Wv": _lin(ks[14], HID, HID), "bv": jnp.zeros((HID,), jnp.float32),
        "Wo": _lin(ks[15], HID, HID), "bo": jnp.zeros((HID,), jnp.float32),
        "cls_W": _lin(ks[16], HID, 32), "cls_b": jnp.zeros((32,), jnp.float32),
        "head_W": _lin(ks[17], 32, 1), "head_b": jnp.zeros((1,), jnp.float32),
        "node_W": _lin(ks[18], 32, 20), "node_b": jnp.zeros((20,), jnp.float32),
    }
    return {"x": x, "edge_index": edge_index, "edge_attr": edge_attr,
            "sequence_data": sequence_data, "peptide_property": peptide_property,
            "params": params}

def _egnn_layer(h, coord, edge_attr, src, dst, p):
    x_diff = coord[src] - coord[dst]
    radial = jnp.sum(x_diff * x_diff, axis=1, keepdims=True)
    x_diff = x_diff / (jnp.sqrt(radial) + 1e-30)
    f = jnp.concatenate([h[src], h[dst], radial, edge_attr], axis=-1)
    m = jax.nn.silu(f @ p["eW1"] + p["eb1"])
    msg_h = jax.nn.silu(m @ p["eW2"] + p["eb2"])
    cw = jax.nn.silu(msg_h @ p["cW1"] + p["cb1"]) @ p["cW2"]
    msg_x = cw * x_diff
    n = h.shape[0]
    h_neigh = jax.ops.segment_sum(msg_h, dst, num_segments=n)
    x_sum = jax.ops.segment_sum(msg_x, dst, num_segments=n)
    deg = jax.ops.segment_sum(jnp.ones((dst.shape[0], 1), jnp.float32), dst, num_segments=n)
    x_neigh = x_sum / jnp.maximum(deg, 1.0)
    h_in = jnp.concatenate([h, h_neigh], axis=-1)
    h_new = jax.nn.silu(h_in @ p["nW1"] + p["nb1"]) @ p["nW2"] + p["nb2"]
    coord_new = coord + x_neigh
    return h_new, coord_new

def _mha(x, params):
    B, S, D = x.shape
    dh = D // N_HEADS
    q = (x @ params["Wq"] + params["bq"]).reshape(B, S, N_HEADS, dh).transpose(0, 2, 1, 3)
    k = (x @ params["Wk"] + params["bk"]).reshape(B, S, N_HEADS, dh).transpose(0, 2, 1, 3)
    v = (x @ params["Wv"] + params["bv"]).reshape(B, S, N_HEADS, dh).transpose(0, 2, 1, 3)
    logits = jnp.einsum("bhqd,bhkd->bhqk", q, k) / np.sqrt(dh)
    w = jax.nn.softmax(logits, axis=-1)
    out = jnp.einsum("bhqk,bhkd->bhqd", w, v).transpose(0, 2, 1, 3).reshape(B, S, D)
    out = out @ params["Wo"] + params["bo"]
    return out, w

def reference(x, edge_index, edge_attr, sequence_data, peptide_property, params):
    node_feat = x[:, :20]
    coord = x[:, 20:]
    src = edge_index[0]
    dst = edge_index[1]
    for p in params["layers"]:
        node_feat, coord = _egnn_layer(node_feat, coord, edge_attr, src, dst, p)
    h = node_feat.reshape(N_GRAPHS, NODES_PER_GRAPH, HID)
    attn_out, attn_w = _mha(h, params)
    attn_flat = attn_out.reshape(-1, HID)
    batch = jnp.repeat(jnp.arange(N_GRAPHS), NODES_PER_GRAPH)
    pooled = jax.ops.segment_sum(attn_flat, batch, num_segments=N_GRAPHS) / float(NODES_PER_GRAPH)
    fusion = jax.nn.relu(pooled @ params["cls_W"] + params["cls_b"])
    final_output = fusion @ params["head_W"] + params["head_b"]
    node_prediction = fusion @ params["node_W"] + params["node_b"]
    return final_output, node_prediction

if __name__ == "__main__":
    import jax
    _d = setup_inputs()
    print(jax.jit(kernel)(*tuple(_d.values())))

</pallas_src>

<mosaic_0001>
#map = affine_map<(d0, d1) -> (0, 0)>
#map1 = affine_map<(d0, d1) -> (0, 0, 0)>
module attributes {stable_mosaic.version = 14 : i64} {
  func.func @_sc_gather(%arg0: i32, %arg1: i32, %arg2: memref<10000x80xf32, #tpu.memory_space<hbm>>, %arg3: memref<32x125x80xi32, #tpu.memory_space<hbm>>, %arg4: memref<32x125x80xi32, #tpu.memory_space<hbm>>, %arg5: memref<320000x80xf32, #tpu.memory_space<hbm>>, %arg6: memref<320000x80xf32, #tpu.memory_space<hbm>>, %arg7: memref<125x80xi32, #tpu.memory_space<vmem>>, %arg8: memref<125x80xi32, #tpu.memory_space<vmem>>, %arg9: memref<80x80xf32, #tpu.memory_space<vmem>>, %arg10: memref<!tpu.dma_semaphore, #tpu.memory_space<semaphore_mem>>) attributes {dimension_semantics = [#tpu.dimension_semantics<core_parallel>, #tpu.dimension_semantics<subcore_parallel>], iteration_bounds = array<i64: 2, 16>, scalar_prefetch = 0 : i64, scratch_operands = 4 : i64, tpu.core_type = #tpu.core_type<sc_vector_subcore>, window_params = [{transform_indices = #map}, {transform_indices = #map1}, {transform_indices = #map1}, {transform_indices = #map}, {transform_indices = #map}]} {
    %mul3A = arith.constant 2 : i32
    %mul3A_0 = arith.muli %arg1, %mul3A : i32
    %add3A = arith.addi %mul3A_0, %arg0 : i32
    %mul3A_1 = arith.constant 125 : i32
    %mul3A_2 = arith.muli %add3A, %mul3A_1 : i32
    "tpu.region"() ({
      %run_scoped3A = tpu.sem_alloc : memref<!tpu.dma_semaphore, #tpu.memory_space<semaphore_mem>>
      %dma_start3A = arith.constant 0 : i32
      %dma_start3A_8 = arith.constant 0 : i32
      %dma_start3A_9 = tpu.memref_slice %arg3[%add3A, %dma_start3A, %dma_start3A_8] : memref<32x125x80xi32, #tpu.memory_space<hbm>> -> memref<1x125x80xi32, #tpu.memory_space<hbm>>
      %dma_start3A_10 = tpu.memref_squeeze %dma_start3A_9 : memref<1x125x80xi32, #tpu.memory_space<hbm>> -> memref<125x80xi32, #tpu.memory_space<hbm>>
      %dma_start3A_11 = arith.constant 0 : i32
      %dma_start3A_12 = arith.constant 0 : i32
      %dma_start3A_13 = tpu.memref_slice %arg3[%add3A, %dma_start3A_11, %dma_start3A_12] : memref<32x125x80xi32, #tpu.memory_space<hbm>> -> memref<1x125x80xi32, #tpu.memory_space<hbm>>
      %dma_start3A_14 = tpu.memref_squeeze %dma_start3A_13 : memref<1x125x80xi32, #tpu.memory_space<hbm>> -> memref<125x80xi32, #tpu.memory_space<hbm>>
      tpu.enqueue_dma source(%dma_start3A_14 : memref<125x80xi32, #tpu.memory_space<hbm>>) target(%arg7 : memref<125x80xi32, #tpu.memory_space<vmem>>) target_semaphore(%run_scoped3A : memref<!tpu.dma_semaphore, #tpu.memory_space<semaphore_mem>>)
      %dma_wait3A = arith.constant 0 : i32
      %dma_wait3A_15 = arith.constant 0 : i32
      %dma_wait3A_16 = tpu.memref_slice %arg3[%add3A, %dma_wait3A, %dma_wait3A_15] : memref<32x125x80xi32, #tpu.memory_space<hbm>> -> memref<1x125x80xi32, #tpu.memory_space<hbm>>
      %dma_wait3A_17 = tpu.memref_squeeze %dma_wait3A_16 : memref<1x125x80xi32, #tpu.memory_space<hbm>> -> memref<125x80xi32, #tpu.memory_space<hbm>>
      %dma_wait3A_18 = arith.constant 0 : i32
      %dma_wait3A_19 = arith.constant 0 : i32
      %dma_wait3A_20 = tpu.memref_slice %arg3[%add3A, %dma_wait3A_18, %dma_wait3A_19] : memref<32x125x80xi32, #tpu.memory_space<hbm>> -> memref<1x125x80xi32, #tpu.memory_space<hbm>>
      %dma_wait3A_21 = tpu.memref_squeeze %dma_wait3A_20 : memref<1x125x80xi32, #tpu.memory_space<hbm>> -> memref<125x80xi32, #tpu.memory_space<hbm>>
      tpu.wait_dma2 semaphore(%run_scoped3A : memref<!tpu.dma_semaphore, #tpu.memory_space<semaphore_mem>>) src(%dma_wait3A_21 : memref<125x80xi32, #tpu.memory_space<hbm>>) dst(%arg7 : memref<125x80xi32, #tpu.memory_space<vmem>>)
      tpu.yield
    }) : () -> ()
    "tpu.region"() ({
      %run_scoped3A = tpu.sem_alloc : memref<!tpu.dma_semaphore, #tpu.memory_space<semaphore_mem>>
      %dma_start3A = arith.constant 0 : i32
      %dma_start3A_8 = arith.constant 0 : i32
      %dma_start3A_9 = tpu.memref_slice %arg4[%add3A, %dma_start3A, %dma_start3A_8] : memref<32x125x80xi32, #tpu.memory_space<hbm>> -> memref<1x125x80xi32, #tpu.memory_space<hbm>>
      %dma_start3A_10 = tpu.memref_squeeze %dma_start3A_9 : memref<1x125x80xi32, #tpu.memory_space<hbm>> -> memref<125x80xi32, #tpu.memory_space<hbm>>
      %dma_start3A_11 = arith.constant 0 : i32
      %dma_start3A_12 = arith.constant 0 : i32
      %dma_start3A_13 = tpu.memref_slice %arg4[%add3A, %dma_start3A_11, %dma_start3A_12] : memref<32x125x80xi32, #tpu.memory_space<hbm>> -> memref<1x125x80xi32, #tpu.memory_space<hbm>>
      %dma_start3A_14 = tpu.memref_squeeze %dma_start3A_13 : memref<1x125x80xi32, #tpu.memory_space<hbm>> -> memref<125x80xi32, #tpu.memory_space<hbm>>
      tpu.enqueue_dma source(%dma_start3A_14 : memref<125x80xi32, #tpu.memory_space<hbm>>) target(%arg8 : memref<125x80xi32, #tpu.memory_space<vmem>>) target_semaphore(%run_scoped3A : memref<!tpu.dma_semaphore, #tpu.memory_space<semaphore_mem>>)
      %dma_wait3A = arith.constant 0 : i32
      %dma_wait3A_15 = arith.constant 0 : i32
      %dma_wait3A_16 = tpu.memref_slice %arg4[%add3A, %dma_wait3A, %dma_wait3A_15] : memref<32x125x80xi32, #tpu.memory_space<hbm>> -> memref<1x125x80xi32, #tpu.memory_space<hbm>>
      %dma_wait3A_17 = tpu.memref_squeeze %dma_wait3A_16 : memref<1x125x80xi32, #tpu.memory_space<hbm>> -> memref<125x80xi32, #tpu.memory_space<hbm>>
      %dma_wait3A_18 = arith.constant 0 : i32
      %dma_wait3A_19 = arith.constant 0 : i32
      %dma_wait3A_20 = tpu.memref_slice %arg4[%add3A, %dma_wait3A_18, %dma_wait3A_19] : memref<32x125x80xi32, #tpu.memory_space<hbm>> -> memref<1x125x80xi32, #tpu.memory_space<hbm>>
      %dma_wait3A_21 = tpu.memref_squeeze %dma_wait3A_20 : memref<1x125x80xi32, #tpu.memory_space<hbm>> -> memref<125x80xi32, #tpu.memory_space<hbm>>
      tpu.wait_dma2 semaphore(%run_scoped3A : memref<!tpu.dma_semaphore, #tpu.memory_space<semaphore_mem>>) src(%dma_wait3A_21 : memref<125x80xi32, #tpu.memory_space<hbm>>) dst(%arg8 : memref<125x80xi32, #tpu.memory_space<vmem>>)
      tpu.yield
    }) : () -> ()
    %scan3A = arith.constant 0 : i32
    %scan3A_3 = arith.constant 0 : i32
    %scan3A_4 = arith.constant 125 : i32
    %scan3A_5 = arith.addi %scan3A_3, %scan3A_4 : i32
    %scan3A_6 = arith.constant 1 : i32
    scf.for %scan3A_8 = %scan3A_3 to %scan3A_5 step %scan3A_6  : i32 {
      %add3A_9 = arith.addi %mul3A_2, %scan3A_8 : i32
      %mul3A_10 = arith.constant 80 : i32
      %mul3A_11 = arith.muli %add3A_9, %mul3A_10 : i32
      %dma_start3A = arith.constant 0 : i32
      %dma_start3A_12 = tpu.memref_slice %arg7[%scan3A_8, %dma_start3A] : memref<125x80xi32, #tpu.memory_space<vmem>> -> memref<1x80xi32, #tpu.memory_space<vmem>>
      %dma_start3A_13 = tpu.memref_squeeze %dma_start3A_12 : memref<1x80xi32, #tpu.memory_space<vmem>> -> memref<80xi32, #tpu.memory_space<vmem>>
      %dma_start3A_14 = arith.constant 0 : i32
      %dma_start3A_15 = arith.constant 0 : i32
      %dma_start3A_16 = tpu.memref_slice %arg2[%dma_start3A_14, %dma_start3A_15] : memref<10000x80xf32, #tpu.memory_space<hbm>> -> memref<10000x80xf32, #tpu.memory_space<hbm>>
      tpu.enqueue_indirect_dma source(%dma_start3A_16 : memref<10000x80xf32, #tpu.memory_space<hbm>>) target(%arg9 : memref<80x80xf32, #tpu.memory_space<vmem>>) offsets(%dma_start3A_13 : memref<80xi32, #tpu.memory_space<vmem>>) semaphore(%arg10 : memref<!tpu.dma_semaphore, #tpu.memory_space<semaphore_mem>>)
      %dma_wait3A = arith.constant 0 : i32
      %dma_wait3A_17 = tpu.memref_slice %arg7[%scan3A_8, %dma_wait3A] : memref<125x80xi32, #tpu.memory_space<vmem>> -> memref<1x80xi32, #tpu.memory_space<vmem>>
      %dma_wait3A_18 = tpu.memref_squeeze %dma_wait3A_17 : memref<1x80xi32, #tpu.memory_space<vmem>> -> memref<80xi32, #tpu.memory_space<vmem>>
      %dma_wait3A_19 = arith.constant 0 : i32
      %dma_wait3A_20 = arith.constant 0 : i32
      %dma_wait3A_21 = tpu.memref_slice %arg2[%dma_wait3A_19, %dma_wait3A_20] : memref<10000x80xf32, #tpu.memory_space<hbm>> -> memref<10000x80xf32, #tpu.memory_space<hbm>>
      tpu.wait_indirect_dma semaphore(%arg10 : memref<!tpu.dma_semaphore, #tpu.memory_space<semaphore_mem>>) src(%dma_wait3A_21 : memref<10000x80xf32, #tpu.memory_space<hbm>>) dst(%arg9 : memref<80x80xf32, #tpu.memory_space<vmem>>)
      "tpu.region"() ({
        %run_scoped3A = tpu.sem_alloc : memref<!tpu.dma_semaphore, #tpu.memory_space<semaphore_mem>>
        %dma_start3A_34 = arith.constant 0 : i32
        %dma_start3A_35 = tpu.memref_slice %arg5[%mul3A_11, %dma_start3A_34] : memref<320000x80xf32, #tpu.memory_space<hbm>> -> memref<80x80xf32, #tpu.memory_space<hbm>>
        %dma_start3A_36 = arith.constant 0 : i32
        %dma_start3A_37 = tpu.memref_slice %arg5[%mul3A_11, %dma_start3A_36] : memref<320000x80xf32, #tpu.memory_space<hbm>> -> memref<80x80xf32, #tpu.memory_space<hbm>>
        tpu.enqueue_dma source(%arg9 : memref<80x80xf32, #tpu.memory_space<vmem>>) target(%dma_start3A_37 : memref<80x80xf32, #tpu.memory_space<hbm>>) target_semaphore(%run_scoped3A : memref<!tpu.dma_semaphore, #tpu.memory_space<semaphore_mem>>)
        %dma_wait3A_38 = arith.constant 0 : i32
        %dma_wait3A_39 = tpu.memref_slice %arg5[%mul3A_11, %dma_wait3A_38] : memref<320000x80xf32, #tpu.memory_space<hbm>> -> memref<80x80xf32, #tpu.memory_space<hbm>>
        %dma_wait3A_40 = arith.constant 0 : i32
        %dma_wait3A_41 = tpu.memref_slice %arg5[%mul3A_11, %dma_wait3A_40] : memref<320000x80xf32, #tpu.memory_space<hbm>> -> memref<80x80xf32, #tpu.memory_space<hbm>>
        tpu.wait_dma2 semaphore(%run_scoped3A : memref<!tpu.dma_semaphore, #tpu.memory_space<semaphore_mem>>) src(%arg9 : memref<80x80xf32, #tpu.memory_space<vmem>>) dst(%dma_wait3A_41 : memref<80x80xf32, #tpu.memory_space<hbm>>)
        tpu.yield
      }) : () -> ()
      %dma_start3A_22 = arith.constant 0 : i32
      %dma_start3A_23 = tpu.memref_slice %arg8[%scan3A_8, %dma_start3A_22] : memref<125x80xi32, #tpu.memory_space<vmem>> -> memref<1x80xi32, #tpu.memory_space<vmem>>
      %dma_start3A_24 = tpu.memref_squeeze %dma_start3A_23 : memref<1x80xi32, #tpu.memory_space<vmem>> -> memref<80xi32, #tpu.memory_space<vmem>>
      %dma_start3A_25 = arith.constant 0 : i32
      %dma_start3A_26 = arith.constant 0 : i32
      %dma_start3A_27 = tpu.memref_slice %arg2[%dma_start3A_25, %dma_start3A_26] : memref<10000x80xf32, #tpu.memory_space<hbm>> -> memref<10000x80xf32, #tpu.memory_space<hbm>>
      tpu.enqueue_indirect_dma source(%dma_start3A_27 : memref<10000x80xf32, #tpu.memory_space<hbm>>) target(%arg9 : memref<80x80xf32, #tpu.memory_space<vmem>>) offsets(%dma_start3A_24 : memref<80xi32, #tpu.memory_space<vmem>>) semaphore(%arg10 : memref<!tpu.dma_semaphore, #tpu.memory_space<semaphore_mem>>)
      %dma_wait3A_28 = arith.constant 0 : i32
      %dma_wait3A_29 = tpu.memref_slice %arg8[%scan3A_8, %dma_wait3A_28] : memref<125x80xi32, #tpu.memory_space<vmem>> -> memref<1x80xi32, #tpu.memory_space<vmem>>
      %dma_wait3A_30 = tpu.memref_squeeze %dma_wait3A_29 : memref<1x80xi32, #tpu.memory_space<vmem>> -> memref<80xi32, #tpu.memory_space<vmem>>
      %dma_wait3A_31 = arith.constant 0 : i32
      %dma_wait3A_32 = arith.constant 0 : i32
      %dma_wait3A_33 = tpu.memref_slice %arg2[%dma_wait3A_31, %dma_wait3A_32] : memref<10000x80xf32, #tpu.memory_space<hbm>> -> memref<10000x80xf32, #tpu.memory_space<hbm>>
      tpu.wait_indirect_dma semaphore(%arg10 : memref<!tpu.dma_semaphore, #tpu.memory_space<semaphore_mem>>) src(%dma_wait3A_33 : memref<10000x80xf32, #tpu.memory_space<hbm>>) dst(%arg9 : memref<80x80xf32, #tpu.memory_space<vmem>>)
      "tpu.region"() ({
        %run_scoped3A = tpu.sem_alloc : memref<!tpu.dma_semaphore, #tpu.memory_space<semaphore_mem>>
        %dma_start3A_34 = arith.constant 0 : i32
        %dma_start3A_35 = tpu.memref_slice %arg6[%mul3A_11, %dma_start3A_34] : memref<320000x80xf32, #tpu.memory_space<hbm>> -> memref<80x80xf32, #tpu.memory_space<hbm>>
        %dma_start3A_36 = arith.constant 0 : i32
        %dma_start3A_37 = tpu.memref_slice %arg6[%mul3A_11, %dma_start3A_36] : memref<320000x80xf32, #tpu.memory_space<hbm>> -> memref<80x80xf32, #tpu.memory_space<hbm>>
        tpu.enqueue_dma source(%arg9 : memref<80x80xf32, #tpu.memory_space<vmem>>) target(%dma_start3A_37 : memref<80x80xf32, #tpu.memory_space<hbm>>) target_semaphore(%run_scoped3A : memref<!tpu.dma_semaphore, #tpu.memory_space<semaphore_mem>>)
        %dma_wait3A_38 = arith.constant 0 : i32
        %dma_wait3A_39 = tpu.memref_slice %arg6[%mul3A_11, %dma_wait3A_38] : memref<320000x80xf32, #tpu.memory_space<hbm>> -> memref<80x80xf32, #tpu.memory_space<hbm>>
        %dma_wait3A_40 = arith.constant 0 : i32
        %dma_wait3A_41 = tpu.memref_slice %arg6[%mul3A_11, %dma_wait3A_40] : memref<320000x80xf32, #tpu.memory_space<hbm>> -> memref<80x80xf32, #tpu.memory_space<hbm>>
        tpu.wait_dma2 semaphore(%run_scoped3A : memref<!tpu.dma_semaphore, #tpu.memory_space<semaphore_mem>>) src(%arg9 : memref<80x80xf32, #tpu.memory_space<vmem>>) dst(%dma_wait3A_41 : memref<80x80xf32, #tpu.memory_space<hbm>>)
        tpu.yield
      }) : () -> ()
    }
    %scan3A_7 = arith.constant 125 : i32
    return
  }
}

#map = affine_map<(d0, d1) -> (0, 0)>
#map1 = affine_map<(d0, d1) -> (0, 0, 0)>
module attributes {stable_mosaic.version = 14 : i64} {
  func.func @_sc_scatter(%arg0: i32, %arg1: i32, %arg2: memref<320000x80xf32, #tpu.memory_space<hbm>>, %arg3: memref<32x125x80xi32, #tpu.memory_space<hbm>>, %arg4: memref<10000x80xf32, #tpu.memory_space<hbm>>, %arg5: memref<2x10000x80xf32, #tpu.memory_space<hbm>>, %arg6: memref<125x80xi32, #tpu.memory_space<vmem>>, %arg7: memref<80x80xf32, #tpu.memory_space<vmem>>, %arg8: memref<10000x80xf32, #tpu.memory_space<vmem_shared>>) attributes {dimension_semantics = [#tpu.dimension_semantics<core_parallel>, #tpu.dimension_semantics<subcore_parallel>], iteration_bounds = array<i64: 2, 16>, scalar_prefetch = 0 : i64, scratch_operands = 3 : i64, tpu.core_type = #tpu.core_type<sc_vector_subcore>, window_params = [{transform_indices = #map}, {transform_indices = #map1}, {transform_indices = #map}, {transform_indices = #map1}]} {
    %mul3A = arith.constant 2 : i32
    %mul3A_0 = arith.muli %arg1, %mul3A : i32
    %add3A = arith.addi %mul3A_0, %arg0 : i32
    %mul3A_1 = arith.constant 125 : i32
    %mul3A_2 = arith.muli %add3A, %mul3A_1 : i32
    %mul3A_3 = arith.constant 624 : i32
    %mul3A_4 = arith.muli %arg1, %mul3A_3 : i32
    %mul3A_5 = arith.constant 624 : i32
    %mul3A_6 = arith.muli %arg1, %mul3A_5 : i32
    "tpu.region"() ({
      %run_scoped3A = tpu.sem_alloc : memref<!tpu.dma_semaphore, #tpu.memory_space<semaphore_mem>>
      %dma_start3A = arith.constant 0 : i32
      %dma_start3A_24 = tpu.memref_slice %arg8[%mul3A_6, %dma_start3A] : memref<10000x80xf32, #tpu.memory_space<vmem_shared>> -> memref<624x80xf32, #tpu.memory_space<vmem_shared>>
      %dma_start3A_25 = arith.constant 0 : i32
      %dma_start3A_26 = tpu.memref_slice %arg4[%mul3A_4, %dma_start3A_25] : memref<10000x80xf32, #tpu.memory_space<hbm>> -> memref<624x80xf32, #tpu.memory_space<hbm>>
      tpu.enqueue_dma source(%dma_start3A_26 : memref<624x80xf32, #tpu.memory_space<hbm>>) target(%dma_start3A_24 : memref<624x80xf32, #tpu.memory_space<vmem_shared>>) target_semaphore(%run_scoped3A : memref<!tpu.dma_semaphore, #tpu.memory_space<semaphore_mem>>)
      %dma_wait3A = arith.constant 0 : i32
      %dma_wait3A_27 = tpu.memref_slice %arg8[%mul3A_6, %dma_wait3A] : memref<10000x80xf32, #tpu.memory_space<vmem_shared>> -> memref<624x80xf32, #tpu.memory_space<vmem_shared>>
      %dma_wait3A_28 = arith.constant 0 : i32
      %dma_wait3A_29 = tpu.memref_slice %arg4[%mul3A_4, %dma_wait3A_28] : memref<10000x80xf32, #tpu.memory_space<hbm>> -> memref<624x80xf32, #tpu.memory_space<hbm>>
      tpu.wait_dma2 semaphore(%run_scoped3A : memref<!tpu.dma_semaphore, #tpu.memory_space<semaphore_mem>>) src(%dma_wait3A_29 : memref<624x80xf32, #tpu.memory_space<hbm>>) dst(%dma_wait3A_27 : memref<624x80xf32, #tpu.memory_space<vmem_shared>>)
      tpu.yield
    }) : () -> ()
    %eq3A = arith.constant 15 : i32
    %eq3A_7 = arith.cmpi eq, %arg1, %eq3A : i32
    %convert_element_type3A = arith.extui %eq3A_7 : i1 to i32
    %cond3A = arith.constant 0 : i32
    %cond3A_8 = arith.cmpi ne, %convert_element_type3A, %cond3A : i32
    scf.if %cond3A_8 {
      "tpu.region"() ({
        %run_scoped3A = tpu.sem_alloc : memref<!tpu.dma_semaphore, #tpu.memory_space<semaphore_mem>>
        %dma_start3A = arith.constant 9984 : i32
        %dma_start3A_24 = arith.constant 0 : i32
        %dma_start3A_25 = tpu.memref_slice %arg8[%dma_start3A, %dma_start3A_24] : memref<10000x80xf32, #tpu.memory_space<vmem_shared>> -> memref<16x80xf32, #tpu.memory_space<vmem_shared>>
        %dma_start3A_26 = arith.constant 9984 : i32
        %dma_start3A_27 = arith.constant 0 : i32
        %dma_start3A_28 = tpu.memref_slice %arg4[%dma_start3A_26, %dma_start3A_27] : memref<10000x80xf32, #tpu.memory_space<hbm>> -> memref<16x80xf32, #tpu.memory_space<hbm>>
        tpu.enqueue_dma source(%dma_start3A_28 : memref<16x80xf32, #tpu.memory_space<hbm>>) target(%dma_start3A_25 : memref<16x80xf32, #tpu.memory_space<vmem_shared>>) target_semaphore(%run_scoped3A : memref<!tpu.dma_semaphore, #tpu.memory_space<semaphore_mem>>)
        %dma_wait3A = arith.constant 9984 : i32
        %dma_wait3A_29 = arith.constant 0 : i32
        %dma_wait3A_30 = tpu.memref_slice %arg8[%dma_wait3A, %dma_wait3A_29] : memref<10000x80xf32, #tpu.memory_space<vmem_shared>> -> memref<16x80xf32, #tpu.memory_space<vmem_shared>>
        %dma_wait3A_31 = arith.constant 9984 : i32
        %dma_wait3A_32 = arith.constant 0 : i32
        %dma_wait3A_33 = tpu.memref_slice %arg4[%dma_wait3A_31, %dma_wait3A_32] : memref<10000x80xf32, #tpu.memory_space<hbm>> -> memref<16x80xf32, #tpu.memory_space<hbm>>
        tpu.wait_dma2 semaphore(%run_scoped3A : memref<!tpu.dma_semaphore, #tpu.memory_space<semaphore_mem>>) src(%dma_wait3A_33 : memref<16x80xf32, #tpu.memory_space<hbm>>) dst(%dma_wait3A_30 : memref<16x80xf32, #tpu.memory_space<vmem_shared>>)
        tpu.yield
      }) : () -> ()
    } else {
    }
    "tpu.region"() ({
      %run_scoped3A = tpu.sem_alloc : memref<!tpu.dma_semaphore, #tpu.memory_space<semaphore_mem>>
      %dma_start3A = arith.constant 0 : i32
      %dma_start3A_24 = arith.constant 0 : i32
      %dma_start3A_25 = tpu.memref_slice %arg3[%add3A, %dma_start3A, %dma_start3A_24] : memref<32x125x80xi32, #tpu.memory_space<hbm>> -> memref<1x125x80xi32, #tpu.memory_space<hbm>>
      %dma_start3A_26 = tpu.memref_squeeze %dma_start3A_25 : memref<1x125x80xi32, #tpu.memory_space<hbm>> -> memref<125x80xi32, #tpu.memory_space<hbm>>
      %dma_start3A_27 = arith.constant 0 : i32
      %dma_start3A_28 = arith.constant 0 : i32
      %dma_start3A_29 = tpu.memref_slice %arg3[%add3A, %dma_start3A_27, %dma_start3A_28] : memref<32x125x80xi32, #tpu.memory_space<hbm>> -> memref<1x125x80xi32, #tpu.memory_space<hbm>>
      %dma_start3A_30 = tpu.memref_squeeze %dma_start3A_29 : memref<1x125x80xi32, #tpu.memory_space<hbm>> -> memref<125x80xi32, #tpu.memory_space<hbm>>
      tpu.enqueue_dma source(%dma_start3A_30 : memref<125x80xi32, #tpu.memory_space<hbm>>) target(%arg6 : memref<125x80xi32, #tpu.memory_space<vmem>>) target_semaphore(%run_scoped3A : memref<!tpu.dma_semaphore, #tpu.memory_space<semaphore_mem>>)
      %dma_wait3A = arith.constant 0 : i32
      %dma_wait3A_31 = arith.constant 0 : i32
      %dma_wait3A_32 = tpu.memref_slice %arg3[%add3A, %dma_wait3A, %dma_wait3A_31] : memref<32x125x80xi32, #tpu.memory_space<hbm>> -> memref<1x125x80xi32, #tpu.memory_space<hbm>>
      %dma_wait3A_33 = tpu.memref_squeeze %dma_wait3A_32 : memref<1x125x80xi32, #tpu.memory_space<hbm>> -> memref<125x80xi32, #tpu.memory_space<hbm>>
      %dma_wait3A_34 = arith.constant 0 : i32
      %dma_wait3A_35 = arith.constant 0 : i32
      %dma_wait3A_36 = tpu.memref_slice %arg3[%add3A, %dma_wait3A_34, %dma_wait3A_35] : memref<32x125x80xi32, #tpu.memory_space<hbm>> -> memref<1x125x80xi32, #tpu.memory_space<hbm>>
      %dma_wait3A_37 = tpu.memref_squeeze %dma_wait3A_36 : memref<1x125x80xi32, #tpu.memory_space<hbm>> -> memref<125x80xi32, #tpu.memory_space<hbm>>
      tpu.wait_dma2 semaphore(%run_scoped3A : memref<!tpu.dma_semaphore, #tpu.memory_space<semaphore_mem>>) src(%dma_wait3A_37 : memref<125x80xi32, #tpu.memory_space<hbm>>) dst(%arg6 : memref<125x80xi32, #tpu.memory_space<vmem>>)
      tpu.yield
    }) : () -> ()
    %barrier3A = arith.constant 0 : index
    tpu.barrier barrier_id(%barrier3A)
    %scan3A = arith.constant 0 : i32
    %scan3A_9 = arith.constant 0 : i32
    %scan3A_10 = arith.constant 125 : i32
    %scan3A_11 = arith.addi %scan3A_9, %scan3A_10 : i32
    %scan3A_12 = arith.constant 1 : i32
    scf.for %scan3A_24 = %scan3A_9 to %scan3A_11 step %scan3A_12  : i32 {
      %add3A_25 = arith.addi %mul3A_2, %scan3A_24 : i32
      %mul3A_26 = arith.constant 80 : i32
      %mul3A_27 = arith.muli %add3A_25, %mul3A_26 : i32
      "tpu.region"() ({
        %run_scoped3A = tpu.sem_alloc : memref<!tpu.dma_semaphore, #tpu.memory_space<semaphore_mem>>
        %dma_start3A = arith.constant 0 : i32
        %dma_start3A_28 = tpu.memref_slice %arg2[%mul3A_27, %dma_start3A] : memref<320000x80xf32, #tpu.memory_space<hbm>> -> memref<80x80xf32, #tpu.memory_space<hbm>>
        %dma_start3A_29 = arith.constant 0 : i32
        %dma_start3A_30 = tpu.memref_slice %arg2[%mul3A_27, %dma_start3A_29] : memref<320000x80xf32, #tpu.memory_space<hbm>> -> memref<80x80xf32, #tpu.memory_space<hbm>>
        tpu.enqueue_dma source(%dma_start3A_30 : memref<80x80xf32, #tpu.memory_space<hbm>>) target(%arg7 : memref<80x80xf32, #tpu.memory_space<vmem>>) target_semaphore(%run_scoped3A : memref<!tpu.dma_semaphore, #tpu.memory_space<semaphore_mem>>)
        %dma_wait3A = arith.constant 0 : i32
        %dma_wait3A_31 = tpu.memref_slice %arg2[%mul3A_27, %dma_wait3A] : memref<320000x80xf32, #tpu.memory_space<hbm>> -> memref<80x80xf32, #tpu.memory_space<hbm>>
        %dma_wait3A_32 = arith.constant 0 : i32
        %dma_wait3A_33 = tpu.memref_slice %arg2[%mul3A_27, %dma_wait3A_32] : memref<320000x80xf32, #tpu.memory_space<hbm>> -> memref<80x80xf32, #tpu.memory_space<hbm>>
        tpu.wait_dma2 semaphore(%run_scoped3A : memref<!tpu.dma_semaphore, #tpu.memory_space<semaphore_mem>>) src(%dma_wait3A_33 : memref<80x80xf32, #tpu.memory_space<hbm>>) dst(%arg7 : memref<80x80xf32, #tpu.memory_space<vmem>>)
        tpu.yield
      }) : () -> ()
      "tpu.region"() ({
        %run_scoped3A = tpu.sem_alloc : memref<!tpu.dma_semaphore, #tpu.memory_space<semaphore_mem>>
        %dma_start3A = arith.constant 0 : i32
        %dma_start3A_28 = tpu.memref_slice %arg6[%scan3A_24, %dma_start3A] : memref<125x80xi32, #tpu.memory_space<vmem>> -> memref<1x80xi32, #tpu.memory_space<vmem>>
        %dma_start3A_29 = tpu.memref_squeeze %dma_start3A_28 : memref<1x80xi32, #tpu.memory_space<vmem>> -> memref<80xi32, #tpu.memory_space<vmem>>
        %dma_start3A_30 = arith.constant 0 : i32
        %dma_start3A_31 = arith.constant 0 : i32
        %dma_start3A_32 = tpu.memref_slice %arg8[%dma_start3A_30, %dma_start3A_31] : memref<10000x80xf32, #tpu.memory_space<vmem_shared>> -> memref<10000x80xf32, #tpu.memory_space<vmem_shared>>
        tpu.enqueue_indirect_dma source(%arg7 : memref<80x80xf32, #tpu.memory_space<vmem>>) target(%dma_start3A_32 : memref<10000x80xf32, #tpu.memory_space<vmem_shared>>) offsets(%dma_start3A_29 : memref<80xi32, #tpu.memory_space<vmem>>) semaphore(%run_scoped3A : memref<!tpu.dma_semaphore, #tpu.memory_space<semaphore_mem>>) {add = true}
        %dma_wait3A = arith.constant 0 : i32
        %dma_wait3A_33 = tpu.memref_slice %arg6[%scan3A_24, %dma_wait3A] : memref<125x80xi32, #tpu.memory_space<vmem>> -> memref<1x80xi32, #tpu.memory_space<vmem>>
        %dma_wait3A_34 = tpu.memref_squeeze %dma_wait3A_33 : memref<1x80xi32, #tpu.memory_space<vmem>> -> memref<80xi32, #tpu.memory_space<vmem>>
        %dma_wait3A_35 = arith.constant 0 : i32
        %dma_wait3A_36 = arith.constant 0 : i32
        %dma_wait3A_37 = tpu.memref_slice %arg8[%dma_wait3A_35, %dma_wait3A_36] : memref<10000x80xf32, #tpu.memory_space<vmem_shared>> -> memref<10000x80xf32, #tpu.memory_space<vmem_shared>>
        tpu.wait_indirect_dma semaphore(%run_scoped3A : memref<!tpu.dma_semaphore, #tpu.memory_space<semaphore_mem>>) src(%arg7 : memref<80x80xf32, #tpu.memory_space<vmem>>) dst(%dma_wait3A_37 : memref<10000x80xf32, #tpu.memory_space<vmem_shared>>)
        tpu.yield
      }) : () -> ()
    }
    %scan3A_13 = arith.constant 125 : i32
    %barrier3A_14 = arith.constant 0 : index
    tpu.barrier barrier_id(%barrier3A_14)
    %mul3A_15 = arith.constant 624 : i32
    %mul3A_16 = arith.muli %arg1, %mul3A_15 : i32
    %mul3A_17 = arith.constant 624 : i32
    %mul3A_18 = arith.muli %arg1, %mul3A_17 : i32
    "tpu.region"() ({
      %run_scoped3A = tpu.sem_alloc : memref<!tpu.dma_semaphore, #tpu.memory_space<semaphore_mem>>
      %dma_start3A = arith.constant 0 : i32
      %dma_start3A_24 = tpu.memref_slice %arg5[%arg0, %mul3A_18, %dma_start3A] : memref<2x10000x80xf32, #tpu.memory_space<hbm>> -> memref<1x624x80xf32, #tpu.memory_space<hbm>>
      %dma_start3A_25 = tpu.memref_squeeze %dma_start3A_24 : memref<1x624x80xf32, #tpu.memory_space<hbm>> -> memref<624x80xf32, #tpu.memory_space<hbm>>
      %dma_start3A_26 = arith.constant 0 : i32
      %dma_start3A_27 = tpu.memref_slice %arg8[%mul3A_16, %dma_start3A_26] : memref<10000x80xf32, #tpu.memory_space<vmem_shared>> -> memref<624x80xf32, #tpu.memory_space<vmem_shared>>
      tpu.enqueue_dma source(%dma_start3A_27 : memref<624x80xf32, #tpu.memory_space<vmem_shared>>) target(%dma_start3A_25 : memref<624x80xf32, #tpu.memory_space<hbm>>) target_semaphore(%run_scoped3A : memref<!tpu.dma_semaphore, #tpu.memory_space<semaphore_mem>>)
      %dma_wait3A = arith.constant 0 : i32
      %dma_wait3A_28 = tpu.memref_slice %arg5[%arg0, %mul3A_18, %dma_wait3A] : memref<2x10000x80xf32, #tpu.memory_space<hbm>> -> memref<1x624x80xf32, #tpu.memory_space<hbm>>
      %dma_wait3A_29 = tpu.memref_squeeze %dma_wait3A_28 : memref<1x624x80xf32, #tpu.memory_space<hbm>> -> memref<624x80xf32, #tpu.memory_space<hbm>>
      %dma_wait3A_30 = arith.constant 0 : i32
      %dma_wait3A_31 = tpu.memref_slice %arg8[%mul3A_16, %dma_wait3A_30] : memref<10000x80xf32, #tpu.memory_space<vmem_shared>> -> memref<624x80xf32, #tpu.memory_space<vmem_shared>>
      tpu.wait_dma2 semaphore(%run_scoped3A : memref<!tpu.dma_semaphore, #tpu.memory_space<semaphore_mem>>) src(%dma_wait3A_31 : memref<624x80xf32, #tpu.memory_space<vmem_shared>>) dst(%dma_wait3A_29 : memref<624x80xf32, #tpu.memory_space<hbm>>)
      tpu.yield
    }) : () -> ()
    %eq3A_19 = arith.constant 15 : i32
    %eq3A_20 = arith.cmpi eq, %arg1, %eq3A_19 : i32
    %convert_element_type3A_21 = arith.extui %eq3A_20 : i1 to i32
    %cond3A_22 = arith.constant 0 : i32
    %cond3A_23 = arith.cmpi ne, %convert_element_type3A_21, %cond3A_22 : i32
    scf.if %cond3A_23 {
      "tpu.region"() ({
        %run_scoped3A = tpu.sem_alloc : memref<!tpu.dma_semaphore, #tpu.memory_space<semaphore_mem>>
        %dma_start3A = arith.constant 9984 : i32
        %dma_start3A_24 = arith.constant 0 : i32
        %dma_start3A_25 = tpu.memref_slice %arg5[%arg0, %dma_start3A, %dma_start3A_24] : memref<2x10000x80xf32, #tpu.memory_space<hbm>> -> memref<1x16x80xf32, #tpu.memory_space<hbm>>
        %dma_start3A_26 = tpu.memref_squeeze %dma_start3A_25 : memref<1x16x80xf32, #tpu.memory_space<hbm>> -> memref<16x80xf32, #tpu.memory_space<hbm>>
        %dma_start3A_27 = arith.constant 9984 : i32
        %dma_start3A_28 = arith.constant 0 : i32
        %dma_start3A_29 = tpu.memref_slice %arg8[%dma_start3A_27, %dma_start3A_28] : memref<10000x80xf32, #tpu.memory_space<vmem_shared>> -> memref<16x80xf32, #tpu.memory_space<vmem_shared>>
        tpu.enqueue_dma source(%dma_start3A_29 : memref<16x80xf32, #tpu.memory_space<vmem_shared>>) target(%dma_start3A_26 : memref<16x80xf32, #tpu.memory_space<hbm>>) target_semaphore(%run_scoped3A : memref<!tpu.dma_semaphore, #tpu.memory_space<semaphore_mem>>)
        %dma_wait3A = arith.constant 9984 : i32
        %dma_wait3A_30 = arith.constant 0 : i32
        %dma_wait3A_31 = tpu.memref_slice %arg5[%arg0, %dma_wait3A, %dma_wait3A_30] : memref<2x10000x80xf32, #tpu.memory_space<hbm>> -> memref<1x16x80xf32, #tpu.memory_space<hbm>>
        %dma_wait3A_32 = tpu.memref_squeeze %dma_wait3A_31 : memref<1x16x80xf32, #tpu.memory_space<hbm>> -> memref<16x80xf32, #tpu.memory_space<hbm>>
        %dma_wait3A_33 = arith.constant 9984 : i32
        %dma_wait3A_34 = arith.constant 0 : i32
        %dma_wait3A_35 = tpu.memref_slice %arg8[%dma_wait3A_33, %dma_wait3A_34] : memref<10000x80xf32, #tpu.memory_space<vmem_shared>> -> memref<16x80xf32, #tpu.memory_space<vmem_shared>>
        tpu.wait_dma2 semaphore(%run_scoped3A : memref<!tpu.dma_semaphore, #tpu.memory_space<semaphore_mem>>) src(%dma_wait3A_35 : memref<16x80xf32, #tpu.memory_space<vmem_shared>>) dst(%dma_wait3A_32 : memref<16x80xf32, #tpu.memory_space<hbm>>)
        tpu.yield
      }) : () -> ()
    } else {
    }
    return
  }
}

#map = affine_map<(d0, d1) -> (0, 0)>
#map1 = affine_map<(d0, d1) -> (0, 0, 0)>
module attributes {stable_mosaic.version = 14 : i64} {
  func.func @_sc_scatter(%arg0: i32, %arg1: i32, %arg2: memref<320000x80xf32, #tpu.memory_space<hbm>>, %arg3: memref<32x125x80xi32, #tpu.memory_space<hbm>>, %arg4: memref<10000x80xf32, #tpu.memory_space<hbm>>, %arg5: memref<2x10000x80xf32, #tpu.memory_space<hbm>>, %arg6: memref<125x80xi32, #tpu.memory_space<vmem>>, %arg7: memref<80x80xf32, #tpu.memory_space<vmem>>, %arg8: memref<10000x80xf32, #tpu.memory_space<vmem_shared>>) attributes {dimension_semantics = [#tpu.dimension_semantics<core_parallel>, #tpu.dimension_semantics<subcore_parallel>], iteration_bounds = array<i64: 2, 16>, scalar_prefetch = 0 : i64, scratch_operands = 3 : i64, tpu.core_type = #tpu.core_type<sc_vector_subcore>, window_params = [{transform_indices = #map}, {transform_indices = #map1}, {transform_indices = #map}, {transform_indices = #map1}]} {
    %mul3A = arith.constant 2 : i32
    %mul3A_0 = arith.muli %arg1, %mul3A : i32
    %add3A = arith.addi %mul3A_0, %arg0 : i32
    %mul3A_1 = arith.constant 125 : i32
    %mul3A_2 = arith.muli %add3A, %mul3A_1 : i32
    %mul3A_3 = arith.constant 624 : i32
    %mul3A_4 = arith.muli %arg1, %mul3A_3 : i32
    %mul3A_5 = arith.constant 624 : i32
    %mul3A_6 = arith.muli %arg1, %mul3A_5 : i32
    "tpu.region"() ({
      %run_scoped3A = tpu.sem_alloc : memref<!tpu.dma_semaphore, #tpu.memory_space<semaphore_mem>>
      %dma_start3A = arith.constant 0 : i32
      %dma_start3A_24 = tpu.memref_slice %arg8[%mul3A_6, %dma_start3A] : memref<10000x80xf32, #tpu.memory_space<vmem_shared>> -> memref<624x80xf32, #tpu.memory_space<vmem_shared>>
      %dma_start3A_25 = arith.constant 0 : i32
      %dma_start3A_26 = tpu.memref_slice %arg4[%mul3A_4, %dma_start3A_25] : memref<10000x80xf32, #tpu.memory_space<hbm>> -> memref<624x80xf32, #tpu.memory_space<hbm>>
      tpu.enqueue_dma source(%dma_start3A_26 : memref<624x80xf32, #tpu.memory_space<hbm>>) target(%dma_start3A_24 : memref<624x80xf32, #tpu.memory_space<vmem_shared>>) target_semaphore(%run_scoped3A : memref<!tpu.dma_semaphore, #tpu.memory_space<semaphore_mem>>)
      %dma_wait3A = arith.constant 0 : i32
      %dma_wait3A_27 = tpu.memref_slice %arg8[%mul3A_6, %dma_wait3A] : memref<10000x80xf32, #tpu.memory_space<vmem_shared>> -> memref<624x80xf32, #tpu.memory_space<vmem_shared>>
      %dma_wait3A_28 = arith.constant 0 : i32
      %dma_wait3A_29 = tpu.memref_slice %arg4[%mul3A_4, %dma_wait3A_28] : memref<10000x80xf32, #tpu.memory_space<hbm>> -> memref<624x80xf32, #tpu.memory_space<hbm>>
      tpu.wait_dma2 semaphore(%run_scoped3A : memref<!tpu.dma_semaphore, #tpu.memory_space<semaphore_mem>>) src(%dma_wait3A_29 : memref<624x80xf32, #tpu.memory_space<hbm>>) dst(%dma_wait3A_27 : memref<624x80xf32, #tpu.memory_space<vmem_shared>>)
      tpu.yield
    }) : () -> ()
    %eq3A = arith.constant 15 : i32
    %eq3A_7 = arith.cmpi eq, %arg1, %eq3A : i32
    %convert_element_type3A = arith.extui %eq3A_7 : i1 to i32
    %cond3A = arith.constant 0 : i32
    %cond3A_8 = arith.cmpi ne, %convert_element_type3A, %cond3A : i32
    scf.if %cond3A_8 {
      "tpu.region"() ({
        %run_scoped3A = tpu.sem_alloc : memref<!tpu.dma_semaphore, #tpu.memory_space<semaphore_mem>>
        %dma_start3A = arith.constant 9984 : i32
        %dma_start3A_24 = arith.constant 0 : i32
        %dma_start3A_25 = tpu.memref_slice %arg8[%dma_start3A, %dma_start3A_24] : memref<10000x80xf32, #tpu.memory_space<vmem_shared>> -> memref<16x80xf32, #tpu.memory_space<vmem_shared>>
        %dma_start3A_26 = arith.constant 9984 : i32
        %dma_start3A_27 = arith.constant 0 : i32
        %dma_start3A_28 = tpu.memref_slice %arg4[%dma_start3A_26, %dma_start3A_27] : memref<10000x80xf32, #tpu.memory_space<hbm>> -> memref<16x80xf32, #tpu.memory_space<hbm>>
        tpu.enqueue_dma source(%dma_start3A_28 : memref<16x80xf32, #tpu.memory_space<hbm>>) target(%dma_start3A_25 : memref<16x80xf32, #tpu.memory_space<vmem_shared>>) target_semaphore(%run_scoped3A : memref<!tpu.dma_semaphore, #tpu.memory_space<semaphore_mem>>)
        %dma_wait3A = arith.constant 9984 : i32
        %dma_wait3A_29 = arith.constant 0 : i32
        %dma_wait3A_30 = tpu.memref_slice %arg8[%dma_wait3A, %dma_wait3A_29] : memref<10000x80xf32, #tpu.memory_space<vmem_shared>> -> memref<16x80xf32, #tpu.memory_space<vmem_shared>>
        %dma_wait3A_31 = arith.constant 9984 : i32
        %dma_wait3A_32 = arith.constant 0 : i32
        %dma_wait3A_33 = tpu.memref_slice %arg4[%dma_wait3A_31, %dma_wait3A_32] : memref<10000x80xf32, #tpu.memory_space<hbm>> -> memref<16x80xf32, #tpu.memory_space<hbm>>
        tpu.wait_dma2 semaphore(%run_scoped3A : memref<!tpu.dma_semaphore, #tpu.memory_space<semaphore_mem>>) src(%dma_wait3A_33 : memref<16x80xf32, #tpu.memory_space<hbm>>) dst(%dma_wait3A_30 : memref<16x80xf32, #tpu.memory_space<vmem_shared>>)
        tpu.yield
      }) : () -> ()
    } else {
    }
    "tpu.region"() ({
      %run_scoped3A = tpu.sem_alloc : memref<!tpu.dma_semaphore, #tpu.memory_space<semaphore_mem>>
      %dma_start3A = arith.constant 0 : i32
      %dma_start3A_24 = arith.constant 0 : i32
      %dma_start3A_25 = tpu.memref_slice %arg3[%add3A, %dma_start3A, %dma_start3A_24] : memref<32x125x80xi32, #tpu.memory_space<hbm>> -> memref<1x125x80xi32, #tpu.memory_space<hbm>>
      %dma_start3A_26 = tpu.memref_squeeze %dma_start3A_25 : memref<1x125x80xi32, #tpu.memory_space<hbm>> -> memref<125x80xi32, #tpu.memory_space<hbm>>
      %dma_start3A_27 = arith.constant 0 : i32
      %dma_start3A_28 = arith.constant 0 : i32
      %dma_start3A_29 = tpu.memref_slice %arg3[%add3A, %dma_start3A_27, %dma_start3A_28] : memref<32x125x80xi32, #tpu.memory_space<hbm>> -> memref<1x125x80xi32, #tpu.memory_space<hbm>>
      %dma_start3A_30 = tpu.memref_squeeze %dma_start3A_29 : memref<1x125x80xi32, #tpu.memory_space<hbm>> -> memref<125x80xi32, #tpu.memory_space<hbm>>
      tpu.enqueue_dma source(%dma_start3A_30 : memref<125x80xi32, #tpu.memory_space<hbm>>) target(%arg6 : memref<125x80xi32, #tpu.memory_space<vmem>>) target_semaphore(%run_scoped3A : memref<!tpu.dma_semaphore, #tpu.memory_space<semaphore_mem>>)
      %dma_wait3A = arith.constant 0 : i32
      %dma_wait3A_31 = arith.constant 0 : i32
      %dma_wait3A_32 = tpu.memref_slice %arg3[%add3A, %dma_wait3A, %dma_wait3A_31] : memref<32x125x80xi32, #tpu.memory_space<hbm>> -> memref<1x125x80xi32, #tpu.memory_space<hbm>>
      %dma_wait3A_33 = tpu.memref_squeeze %dma_wait3A_32 : memref<1x125x80xi32, #tpu.memory_space<hbm>> -> memref<125x80xi32, #tpu.memory_space<hbm>>
      %dma_wait3A_34 = arith.constant 0 : i32
      %dma_wait3A_35 = arith.constant 0 : i32
      %dma_wait3A_36 = tpu.memref_slice %arg3[%add3A, %dma_wait3A_34, %dma_wait3A_35] : memref<32x125x80xi32, #tpu.memory_space<hbm>> -> memref<1x125x80xi32, #tpu.memory_space<hbm>>
      %dma_wait3A_37 = tpu.memref_squeeze %dma_wait3A_36 : memref<1x125x80xi32, #tpu.memory_space<hbm>> -> memref<125x80xi32, #tpu.memory_space<hbm>>
      tpu.wait_dma2 semaphore(%run_scoped3A : memref<!tpu.dma_semaphore, #tpu.memory_space<semaphore_mem>>) src(%dma_wait3A_37 : memref<125x80xi32, #tpu.memory_space<hbm>>) dst(%arg6 : memref<125x80xi32, #tpu.memory_space<vmem>>)
      tpu.yield
    }) : () -> ()
    %barrier3A = arith.constant 0 : index
    tpu.barrier barrier_id(%barrier3A)
    %scan3A = arith.constant 0 : i32
    %scan3A_9 = arith.constant 0 : i32
    %scan3A_10 = arith.constant 125 : i32
    %scan3A_11 = arith.addi %scan3A_9, %scan3A_10 : i32
    %scan3A_12 = arith.constant 1 : i32
    scf.for %scan3A_24 = %scan3A_9 to %scan3A_11 step %scan3A_12  : i32 {
      %add3A_25 = arith.addi %mul3A_2, %scan3A_24 : i32
      %mul3A_26 = arith.constant 80 : i32
      %mul3A_27 = arith.muli %add3A_25, %mul3A_26 : i32
      "tpu.region"() ({
        %run_scoped3A = tpu.sem_alloc : memref<!tpu.dma_semaphore, #tpu.memory_space<semaphore_mem>>
        %dma_start3A = arith.constant 0 : i32
        %dma_start3A_28 = tpu.memref_slice %arg2[%mul3A_27, %dma_start3A] : memref<320000x80xf32, #tpu.memory_space<hbm>> -> memref<80x80xf32, #tpu.memory_space<hbm>>
        %dma_start3A_29 = arith.constant 0 : i32
        %dma_start3A_30 = tpu.memref_slice %arg2[%mul3A_27, %dma_start3A_29] : memref<320000x80xf32, #tpu.memory_space<hbm>> -> memref<80x80xf32, #tpu.memory_space<hbm>>
        tpu.enqueue_dma source(%dma_start3A_30 : memref<80x80xf32, #tpu.memory_space<hbm>>) target(%arg7 : memref<80x80xf32, #tpu.memory_space<vmem>>) target_semaphore(%run_scoped3A : memref<!tpu.dma_semaphore, #tpu.memory_space<semaphore_mem>>)
        %dma_wait3A = arith.constant 0 : i32
        %dma_wait3A_31 = tpu.memref_slice %arg2[%mul3A_27, %dma_wait3A] : memref<320000x80xf32, #tpu.memory_space<hbm>> -> memref<80x80xf32, #tpu.memory_space<hbm>>
        %dma_wait3A_32 = arith.constant 0 : i32
        %dma_wait3A_33 = tpu.memref_slice %arg2[%mul3A_27, %dma_wait3A_32] : memref<320000x80xf32, #tpu.memory_space<hbm>> -> memref<80x80xf32, #tpu.memory_space<hbm>>
        tpu.wait_dma2 semaphore(%run_scoped3A : memref<!tpu.dma_semaphore, #tpu.memory_space<semaphore_mem>>) src(%dma_wait3A_33 : memref<80x80xf32, #tpu.memory_space<hbm>>) dst(%arg7 : memref<80x80xf32, #tpu.memory_space<vmem>>)
        tpu.yield
      }) : () -> ()
      "tpu.region"() ({
        %run_scoped3A = tpu.sem_alloc : memref<!tpu.dma_semaphore, #tpu.memory_space<semaphore_mem>>
        %dma_start3A = arith.constant 0 : i32
        %dma_start3A_28 = tpu.memref_slice %arg6[%scan3A_24, %dma_start3A] : memref<125x80xi32, #tpu.memory_space<vmem>> -> memref<1x80xi32, #tpu.memory_space<vmem>>
        %dma_start3A_29 = tpu.memref_squeeze %dma_start3A_28 : memref<1x80xi32, #tpu.memory_space<vmem>> -> memref<80xi32, #tpu.memory_space<vmem>>
        %dma_start3A_30 = arith.constant 0 : i32
        %dma_start3A_31 = arith.constant 0 : i32
        %dma_start3A_32 = tpu.memref_slice %arg8[%dma_start3A_30, %dma_start3A_31] : memref<10000x80xf32, #tpu.memory_space<vmem_shared>> -> memref<10000x80xf32, #tpu.memory_space<vmem_shared>>
        tpu.enqueue_indirect_dma source(%arg7 : memref<80x80xf32, #tpu.memory_space<vmem>>) target(%dma_start3A_32 : memref<10000x80xf32, #tpu.memory_space<vmem_shared>>) offsets(%dma_start3A_29 : memref<80xi32, #tpu.memory_space<vmem>>) semaphore(%run_scoped3A : memref<!tpu.dma_semaphore, #tpu.memory_space<semaphore_mem>>) {add = true}
        %dma_wait3A = arith.constant 0 : i32
        %dma_wait3A_33 = tpu.memref_slice %arg6[%scan3A_24, %dma_wait3A] : memref<125x80xi32, #tpu.memory_space<vmem>> -> memref<1x80xi32, #tpu.memory_space<vmem>>
        %dma_wait3A_34 = tpu.memref_squeeze %dma_wait3A_33 : memref<1x80xi32, #tpu.memory_space<vmem>> -> memref<80xi32, #tpu.memory_space<vmem>>
        %dma_wait3A_35 = arith.constant 0 : i32
        %dma_wait3A_36 = arith.constant 0 : i32
        %dma_wait3A_37 = tpu.memref_slice %arg8[%dma_wait3A_35, %dma_wait3A_36] : memref<10000x80xf32, #tpu.memory_space<vmem_shared>> -> memref<10000x80xf32, #tpu.memory_space<vmem_shared>>
        tpu.wait_indirect_dma semaphore(%run_scoped3A : memref<!tpu.dma_semaphore, #tpu.memory_space<semaphore_mem>>) src(%arg7 : memref<80x80xf32, #tpu.memory_space<vmem>>) dst(%dma_wait3A_37 : memref<10000x80xf32, #tpu.memory_space<vmem_shared>>)
        tpu.yield
      }) : () -> ()
    }
    %scan3A_13 = arith.constant 125 : i32
    %barrier3A_14 = arith.constant 0 : index
    tpu.barrier barrier_id(%barrier3A_14)
    %mul3A_15 = arith.constant 624 : i32
    %mul3A_16 = arith.muli %arg1, %mul3A_15 : i32
    %mul3A_17 = arith.constant 624 : i32
    %mul3A_18 = arith.muli %arg1, %mul3A_17 : i32
    "tpu.region"() ({
      %run_scoped3A = tpu.sem_alloc : memref<!tpu.dma_semaphore, #tpu.memory_space<semaphore_mem>>
      %dma_start3A = arith.constant 0 : i32
      %dma_start3A_24 = tpu.memref_slice %arg5[%arg0, %mul3A_18, %dma_start3A] : memref<2x10000x80xf32, #tpu.memory_space<hbm>> -> memref<1x624x80xf32, #tpu.memory_space<hbm>>
      %dma_start3A_25 = tpu.memref_squeeze %dma_start3A_24 : memref<1x624x80xf32, #tpu.memory_space<hbm>> -> memref<624x80xf32, #tpu.memory_space<hbm>>
      %dma_start3A_26 = arith.constant 0 : i32
      %dma_start3A_27 = tpu.memref_slice %arg8[%mul3A_16, %dma_start3A_26] : memref<10000x80xf32, #tpu.memory_space<vmem_shared>> -> memref<624x80xf32, #tpu.memory_space<vmem_shared>>
      tpu.enqueue_dma source(%dma_start3A_27 : memref<624x80xf32, #tpu.memory_space<vmem_shared>>) target(%dma_start3A_25 : memref<624x80xf32, #tpu.memory_space<hbm>>) target_semaphore(%run_scoped3A : memref<!tpu.dma_semaphore, #tpu.memory_space<semaphore_mem>>)
      %dma_wait3A = arith.constant 0 : i32
      %dma_wait3A_28 = tpu.memref_slice %arg5[%arg0, %mul3A_18, %dma_wait3A] : memref<2x10000x80xf32, #tpu.memory_space<hbm>> -> memref<1x624x80xf32, #tpu.memory_space<hbm>>
      %dma_wait3A_29 = tpu.memref_squeeze %dma_wait3A_28 : memref<1x624x80xf32, #tpu.memory_space<hbm>> -> memref<624x80xf32, #tpu.memory_space<hbm>>
      %dma_wait3A_30 = arith.constant 0 : i32
      %dma_wait3A_31 = tpu.memref_slice %arg8[%mul3A_16, %dma_wait3A_30] : memref<10000x80xf32, #tpu.memory_space<vmem_shared>> -> memref<624x80xf32, #tpu.memory_space<vmem_shared>>
      tpu.wait_dma2 semaphore(%run_scoped3A : memref<!tpu.dma_semaphore, #tpu.memory_space<semaphore_mem>>) src(%dma_wait3A_31 : memref<624x80xf32, #tpu.memory_space<vmem_shared>>) dst(%dma_wait3A_29 : memref<624x80xf32, #tpu.memory_space<hbm>>)
      tpu.yield
    }) : () -> ()
    %eq3A_19 = arith.constant 15 : i32
    %eq3A_20 = arith.cmpi eq, %arg1, %eq3A_19 : i32
    %convert_element_type3A_21 = arith.extui %eq3A_20 : i1 to i32
    %cond3A_22 = arith.constant 0 : i32
    %cond3A_23 = arith.cmpi ne, %convert_element_type3A_21, %cond3A_22 : i32
    scf.if %cond3A_23 {
      "tpu.region"() ({
        %run_scoped3A = tpu.sem_alloc : memref<!tpu.dma_semaphore, #tpu.memory_space<semaphore_mem>>
        %dma_start3A = arith.constant 9984 : i32
        %dma_start3A_24 = arith.constant 0 : i32
        %dma_start3A_25 = tpu.memref_slice %arg5[%arg0, %dma_start3A, %dma_start3A_24] : memref<2x10000x80xf32, #tpu.memory_space<hbm>> -> memref<1x16x80xf32, #tpu.memory_space<hbm>>
        %dma_start3A_26 = tpu.memref_squeeze %dma_start3A_25 : memref<1x16x80xf32, #tpu.memory_space<hbm>> -> memref<16x80xf32, #tpu.memory_space<hbm>>
        %dma_start3A_27 = arith.constant 9984 : i32
        %dma_start3A_28 = arith.constant 0 : i32
        %dma_start3A_29 = tpu.memref_slice %arg8[%dma_start3A_27, %dma_start3A_28] : memref<10000x80xf32, #tpu.memory_space<vmem_shared>> -> memref<16x80xf32, #tpu.memory_space<vmem_shared>>
        tpu.enqueue_dma source(%dma_start3A_29 : memref<16x80xf32, #tpu.memory_space<vmem_shared>>) target(%dma_start3A_26 : memref<16x80xf32, #tpu.memory_space<hbm>>) target_semaphore(%run_scoped3A : memref<!tpu.dma_semaphore, #tpu.memory_space<semaphore_mem>>)
        %dma_wait3A = arith.constant 9984 : i32
        %dma_wait3A_30 = arith.constant 0 : i32
        %dma_wait3A_31 = tpu.memref_slice %arg5[%arg0, %dma_wait3A, %dma_wait3A_30] : memref<2x10000x80xf32, #tpu.memory_space<hbm>> -> memref<1x16x80xf32, #tpu.memory_space<hbm>>
        %dma_wait3A_32 = tpu.memref_squeeze %dma_wait3A_31 : memref<1x16x80xf32, #tpu.memory_space<hbm>> -> memref<16x80xf32, #tpu.memory_space<hbm>>
        %dma_wait3A_33 = arith.constant 9984 : i32
        %dma_wait3A_34 = arith.constant 0 : i32
        %dma_wait3A_35 = tpu.memref_slice %arg8[%dma_wait3A_33, %dma_wait3A_34] : memref<10000x80xf32, #tpu.memory_space<vmem_shared>> -> memref<16x80xf32, #tpu.memory_space<vmem_shared>>
        tpu.wait_dma2 semaphore(%run_scoped3A : memref<!tpu.dma_semaphore, #tpu.memory_space<semaphore_mem>>) src(%dma_wait3A_35 : memref<16x80xf32, #tpu.memory_space<vmem_shared>>) dst(%dma_wait3A_32 : memref<16x80xf32, #tpu.memory_space<hbm>>)
        tpu.yield
      }) : () -> ()
    } else {
    }
    return
  }
}

#map = affine_map<(d0, d1) -> (0, 0)>
#map1 = affine_map<(d0, d1) -> (0, 0, 0)>
module attributes {stable_mosaic.version = 14 : i64} {
  func.func @_sc_gather(%arg0: i32, %arg1: i32, %arg2: memref<10000x80xf32, #tpu.memory_space<hbm>>, %arg3: memref<32x125x80xi32, #tpu.memory_space<hbm>>, %arg4: memref<32x125x80xi32, #tpu.memory_space<hbm>>, %arg5: memref<320000x80xf32, #tpu.memory_space<hbm>>, %arg6: memref<320000x80xf32, #tpu.memory_space<hbm>>, %arg7: memref<125x80xi32, #tpu.memory_space<vmem>>, %arg8: memref<125x80xi32, #tpu.memory_space<vmem>>, %arg9: memref<80x80xf32, #tpu.memory_space<vmem>>, %arg10: memref<!tpu.dma_semaphore, #tpu.memory_space<semaphore_mem>>) attributes {dimension_semantics = [#tpu.dimension_semantics<core_parallel>, #tpu.dimension_semantics<subcore_parallel>], iteration_bounds = array<i64: 2, 16>, scalar_prefetch = 0 : i64, scratch_operands = 4 : i64, tpu.core_type = #tpu.core_type<sc_vector_subcore>, window_params = [{transform_indices = #map}, {transform_indices = #map1}, {transform_indices = #map1}, {transform_indices = #map}, {transform_indices = #map}]} {
    %mul3A = arith.constant 2 : i32
    %mul3A_0 = arith.muli %arg1, %mul3A : i32
    %add3A = arith.addi %mul3A_0, %arg0 : i32
    %mul3A_1 = arith.constant 125 : i32
    %mul3A_2 = arith.muli %add3A, %mul3A_1 : i32
    "tpu.region"() ({
      %run_scoped3A = tpu.sem_alloc : memref<!tpu.dma_semaphore, #tpu.memory_space<semaphore_mem>>
      %dma_start3A = arith.constant 0 : i32
      %dma_start3A_8 = arith.constant 0 : i32
      %dma_start3A_9 = tpu.memref_slice %arg3[%add3A, %dma_start3A, %dma_start3A_8] : memref<32x125x80xi32, #tpu.memory_space<hbm>> -> memref<1x125x80xi32, #tpu.memory_space<hbm>>
      %dma_start3A_10 = tpu.memref_squeeze %dma_start3A_9 : memref<1x125x80xi32, #tpu.memory_space<hbm>> -> memref<125x80xi32, #tpu.memory_space<hbm>>
      %dma_start3A_11 = arith.constant 0 : i32
      %dma_start3A_12 = arith.constant 0 : i32
      %dma_start3A_13 = tpu.memref_slice %arg3[%add3A, %dma_start3A_11, %dma_start3A_12] : memref<32x125x80xi32, #tpu.memory_space<hbm>> -> memref<1x125x80xi32, #tpu.memory_space<hbm>>
      %dma_start3A_14 = tpu.memref_squeeze %dma_start3A_13 : memref<1x125x80xi32, #tpu.memory_space<hbm>> -> memref<125x80xi32, #tpu.memory_space<hbm>>
      tpu.enqueue_dma source(%dma_start3A_14 : memref<125x80xi32, #tpu.memory_space<hbm>>) target(%arg7 : memref<125x80xi32, #tpu.memory_space<vmem>>) target_semaphore(%run_scoped3A : memref<!tpu.dma_semaphore, #tpu.memory_space<semaphore_mem>>)
      %dma_wait3A = arith.constant 0 : i32
      %dma_wait3A_15 = arith.constant 0 : i32
      %dma_wait3A_16 = tpu.memref_slice %arg3[%add3A, %dma_wait3A, %dma_wait3A_15] : memref<32x125x80xi32, #tpu.memory_space<hbm>> -> memref<1x125x80xi32, #tpu.memory_space<hbm>>
      %dma_wait3A_17 = tpu.memref_squeeze %dma_wait3A_16 : memref<1x125x80xi32, #tpu.memory_space<hbm>> -> memref<125x80xi32, #tpu.memory_space<hbm>>
      %dma_wait3A_18 = arith.constant 0 : i32
      %dma_wait3A_19 = arith.constant 0 : i32
      %dma_wait3A_20 = tpu.memref_slice %arg3[%add3A, %dma_wait3A_18, %dma_wait3A_19] : memref<32x125x80xi32, #tpu.memory_space<hbm>> -> memref<1x125x80xi32, #tpu.memory_space<hbm>>
      %dma_wait3A_21 = tpu.memref_squeeze %dma_wait3A_20 : memref<1x125x80xi32, #tpu.memory_space<hbm>> -> memref<125x80xi32, #tpu.memory_space<hbm>>
      tpu.wait_dma2 semaphore(%run_scoped3A : memref<!tpu.dma_semaphore, #tpu.memory_space<semaphore_mem>>) src(%dma_wait3A_21 : memref<125x80xi32, #tpu.memory_space<hbm>>) dst(%arg7 : memref<125x80xi32, #tpu.memory_space<vmem>>)
      tpu.yield
    }) : () -> ()
    "tpu.region"() ({
      %run_scoped3A = tpu.sem_alloc : memref<!tpu.dma_semaphore, #tpu.memory_space<semaphore_mem>>
      %dma_start3A = arith.constant 0 : i32
      %dma_start3A_8 = arith.constant 0 : i32
      %dma_start3A_9 = tpu.memref_slice %arg4[%add3A, %dma_start3A, %dma_start3A_8] : memref<32x125x80xi32, #tpu.memory_space<hbm>> -> memref<1x125x80xi32, #tpu.memory_space<hbm>>
      %dma_start3A_10 = tpu.memref_squeeze %dma_start3A_9 : memref<1x125x80xi32, #tpu.memory_space<hbm>> -> memref<125x80xi32, #tpu.memory_space<hbm>>
      %dma_start3A_11 = arith.constant 0 : i32
      %dma_start3A_12 = arith.constant 0 : i32
      %dma_start3A_13 = tpu.memref_slice %arg4[%add3A, %dma_start3A_11, %dma_start3A_12] : memref<32x125x80xi32, #tpu.memory_space<hbm>> -> memref<1x125x80xi32, #tpu.memory_space<hbm>>
      %dma_start3A_14 = tpu.memref_squeeze %dma_start3A_13 : memref<1x125x80xi32, #tpu.memory_space<hbm>> -> memref<125x80xi32, #tpu.memory_space<hbm>>
      tpu.enqueue_dma source(%dma_start3A_14 : memref<125x80xi32, #tpu.memory_space<hbm>>) target(%arg8 : memref<125x80xi32, #tpu.memory_space<vmem>>) target_semaphore(%run_scoped3A : memref<!tpu.dma_semaphore, #tpu.memory_space<semaphore_mem>>)
      %dma_wait3A = arith.constant 0 : i32
      %dma_wait3A_15 = arith.constant 0 : i32
      %dma_wait3A_16 = tpu.memref_slice %arg4[%add3A, %dma_wait3A, %dma_wait3A_15] : memref<32x125x80xi32, #tpu.memory_space<hbm>> -> memref<1x125x80xi32, #tpu.memory_space<hbm>>
      %dma_wait3A_17 = tpu.memref_squeeze %dma_wait3A_16 : memref<1x125x80xi32, #tpu.memory_space<hbm>> -> memref<125x80xi32, #tpu.memory_space<hbm>>
      %dma_wait3A_18 = arith.constant 0 : i32
      %dma_wait3A_19 = arith.constant 0 : i32
      %dma_wait3A_20 = tpu.memref_slice %arg4[%add3A, %dma_wait3A_18, %dma_wait3A_19] : memref<32x125x80xi32, #tpu.memory_space<hbm>> -> memref<1x125x80xi32, #tpu.memory_space<hbm>>
      %dma_wait3A_21 = tpu.memref_squeeze %dma_wait3A_20 : memref<1x125x80xi32, #tpu.memory_space<hbm>> -> memref<125x80xi32, #tpu.memory_space<hbm>>
      tpu.wait_dma2 semaphore(%run_scoped3A : memref<!tpu.dma_semaphore, #tpu.memory_space<semaphore_mem>>) src(%dma_wait3A_21 : memref<125x80xi32, #tpu.memory_space<hbm>>) dst(%arg8 : memref<125x80xi32, #tpu.memory_space<vmem>>)
      tpu.yield
    }) : () -> ()
    %scan3A = arith.constant 0 : i32
    %scan3A_3 = arith.constant 0 : i32
    %scan3A_4 = arith.constant 125 : i32
    %scan3A_5 = arith.addi %scan3A_3, %scan3A_4 : i32
    %scan3A_6 = arith.constant 1 : i32
    scf.for %scan3A_8 = %scan3A_3 to %scan3A_5 step %scan3A_6  : i32 {
      %add3A_9 = arith.addi %mul3A_2, %scan3A_8 : i32
      %mul3A_10 = arith.constant 80 : i32
      %mul3A_11 = arith.muli %add3A_9, %mul3A_10 : i32
      %dma_start3A = arith.constant 0 : i32
      %dma_start3A_12 = tpu.memref_slice %arg7[%scan3A_8, %dma_start3A] : memref<125x80xi32, #tpu.memory_space<vmem>> -> memref<1x80xi32, #tpu.memory_space<vmem>>
      %dma_start3A_13 = tpu.memref_squeeze %dma_start3A_12 : memref<1x80xi32, #tpu.memory_space<vmem>> -> memref<80xi32, #tpu.memory_space<vmem>>
      %dma_start3A_14 = arith.constant 0 : i32
      %dma_start3A_15 = arith.constant 0 : i32
      %dma_start3A_16 = tpu.memref_slice %arg2[%dma_start3A_14, %dma_start3A_15] : memref<10000x80xf32, #tpu.memory_space<hbm>> -> memref<10000x80xf32, #tpu.memory_space<hbm>>
      tpu.enqueue_indirect_dma source(%dma_start3A_16 : memref<10000x80xf32, #tpu.memory_space<hbm>>) target(%arg9 : memref<80x80xf32, #tpu.memory_space<vmem>>) offsets(%dma_start3A_13 : memref<80xi32, #tpu.memory_space<vmem>>) semaphore(%arg10 : memref<!tpu.dma_semaphore, #tpu.memory_space<semaphore_mem>>)
      %dma_wait3A = arith.constant 0 : i32
      %dma_wait3A_17 = tpu.memref_slice %arg7[%scan3A_8, %dma_wait3A] : memref<125x80xi32, #tpu.memory_space<vmem>> -> memref<1x80xi32, #tpu.memory_space<vmem>>
      %dma_wait3A_18 = tpu.memref_squeeze %dma_wait3A_17 : memref<1x80xi32, #tpu.memory_space<vmem>> -> memref<80xi32, #tpu.memory_space<vmem>>
      %dma_wait3A_19 = arith.constant 0 : i32
      %dma_wait3A_20 = arith.constant 0 : i32
      %dma_wait3A_21 = tpu.memref_slice %arg2[%dma_wait3A_19, %dma_wait3A_20] : memref<10000x80xf32, #tpu.memory_space<hbm>> -> memref<10000x80xf32, #tpu.memory_space<hbm>>
      tpu.wait_indirect_dma semaphore(%arg10 : memref<!tpu.dma_semaphore, #tpu.memory_space<semaphore_mem>>) src(%dma_wait3A_21 : memref<10000x80xf32, #tpu.memory_space<hbm>>) dst(%arg9 : memref<80x80xf32, #tpu.memory_space<vmem>>)
      "tpu.region"() ({
        %run_scoped3A = tpu.sem_alloc : memref<!tpu.dma_semaphore, #tpu.memory_space<semaphore_mem>>
        %dma_start3A_34 = arith.constant 0 : i32
        %dma_start3A_35 = tpu.memref_slice %arg5[%mul3A_11, %dma_start3A_34] : memref<320000x80xf32, #tpu.memory_space<hbm>> -> memref<80x80xf32, #tpu.memory_space<hbm>>
        %dma_start3A_36 = arith.constant 0 : i32
        %dma_start3A_37 = tpu.memref_slice %arg5[%mul3A_11, %dma_start3A_36] : memref<320000x80xf32, #tpu.memory_space<hbm>> -> memref<80x80xf32, #tpu.memory_space<hbm>>
        tpu.enqueue_dma source(%arg9 : memref<80x80xf32, #tpu.memory_space<vmem>>) target(%dma_start3A_37 : memref<80x80xf32, #tpu.memory_space<hbm>>) target_semaphore(%run_scoped3A : memref<!tpu.dma_semaphore, #tpu.memory_space<semaphore_mem>>)
        %dma_wait3A_38 = arith.constant 0 : i32
        %dma_wait3A_39 = tpu.memref_slice %arg5[%mul3A_11, %dma_wait3A_38] : memref<320000x80xf32, #tpu.memory_space<hbm>> -> memref<80x80xf32, #tpu.memory_space<hbm>>
        %dma_wait3A_40 = arith.constant 0 : i32
        %dma_wait3A_41 = tpu.memref_slice %arg5[%mul3A_11, %dma_wait3A_40] : memref<320000x80xf32, #tpu.memory_space<hbm>> -> memref<80x80xf32, #tpu.memory_space<hbm>>
        tpu.wait_dma2 semaphore(%run_scoped3A : memref<!tpu.dma_semaphore, #tpu.memory_space<semaphore_mem>>) src(%arg9 : memref<80x80xf32, #tpu.memory_space<vmem>>) dst(%dma_wait3A_41 : memref<80x80xf32, #tpu.memory_space<hbm>>)
        tpu.yield
      }) : () -> ()
      %dma_start3A_22 = arith.constant 0 : i32
      %dma_start3A_23 = tpu.memref_slice %arg8[%scan3A_8, %dma_start3A_22] : memref<125x80xi32, #tpu.memory_space<vmem>> -> memref<1x80xi32, #tpu.memory_space<vmem>>
      %dma_start3A_24 = tpu.memref_squeeze %dma_start3A_23 : memref<1x80xi32, #tpu.memory_space<vmem>> -> memref<80xi32, #tpu.memory_space<vmem>>
      %dma_start3A_25 = arith.constant 0 : i32
      %dma_start3A_26 = arith.constant 0 : i32
      %dma_start3A_27 = tpu.memref_slice %arg2[%dma_start3A_25, %dma_start3A_26] : memref<10000x80xf32, #tpu.memory_space<hbm>> -> memref<10000x80xf32, #tpu.memory_space<hbm>>
      tpu.enqueue_indirect_dma source(%dma_start3A_27 : memref<10000x80xf32, #tpu.memory_space<hbm>>) target(%arg9 : memref<80x80xf32, #tpu.memory_space<vmem>>) offsets(%dma_start3A_24 : memref<80xi32, #tpu.memory_space<vmem>>) semaphore(%arg10 : memref<!tpu.dma_semaphore, #tpu.memory_space<semaphore_mem>>)
      %dma_wait3A_28 = arith.constant 0 : i32
      %dma_wait3A_29 = tpu.memref_slice %arg8[%scan3A_8, %dma_wait3A_28] : memref<125x80xi32, #tpu.memory_space<vmem>> -> memref<1x80xi32, #tpu.memory_space<vmem>>
      %dma_wait3A_30 = tpu.memref_squeeze %dma_wait3A_29 : memref<1x80xi32, #tpu.memory_space<vmem>> -> memref<80xi32, #tpu.memory_space<vmem>>
      %dma_wait3A_31 = arith.constant 0 : i32
      %dma_wait3A_32 = arith.constant 0 : i32
      %dma_wait3A_33 = tpu.memref_slice %arg2[%dma_wait3A_31, %dma_wait3A_32] : memref<10000x80xf32, #tpu.memory_space<hbm>> -> memref<10000x80xf32, #tpu.memory_space<hbm>>
      tpu.wait_indirect_dma semaphore(%arg10 : memref<!tpu.dma_semaphore, #tpu.memory_space<semaphore_mem>>) src(%dma_wait3A_33 : memref<10000x80xf32, #tpu.memory_space<hbm>>) dst(%arg9 : memref<80x80xf32, #tpu.memory_space<vmem>>)
      "tpu.region"() ({
        %run_scoped3A = tpu.sem_alloc : memref<!tpu.dma_semaphore, #tpu.memory_space<semaphore_mem>>
        %dma_start3A_34 = arith.constant 0 : i32
        %dma_start3A_35 = tpu.memref_slice %arg6[%mul3A_11, %dma_start3A_34] : memref<320000x80xf32, #tpu.memory_space<hbm>> -> memref<80x80xf32, #tpu.memory_space<hbm>>
        %dma_start3A_36 = arith.constant 0 : i32
        %dma_start3A_37 = tpu.memref_slice %arg6[%mul3A_11, %dma_start3A_36] : memref<320000x80xf32, #tpu.memory_space<hbm>> -> memref<80x80xf32, #tpu.memory_space<hbm>>
        tpu.enqueue_dma source(%arg9 : memref<80x80xf32, #tpu.memory_space<vmem>>) target(%dma_start3A_37 : memref<80x80xf32, #tpu.memory_space<hbm>>) target_semaphore(%run_scoped3A : memref<!tpu.dma_semaphore, #tpu.memory_space<semaphore_mem>>)
        %dma_wait3A_38 = arith.constant 0 : i32
        %dma_wait3A_39 = tpu.memref_slice %arg6[%mul3A_11, %dma_wait3A_38] : memref<320000x80xf32, #tpu.memory_space<hbm>> -> memref<80x80xf32, #tpu.memory_space<hbm>>
        %dma_wait3A_40 = arith.constant 0 : i32
        %dma_wait3A_41 = tpu.memref_slice %arg6[%mul3A_11, %dma_wait3A_40] : memref<320000x80xf32, #tpu.memory_space<hbm>> -> memref<80x80xf32, #tpu.memory_space<hbm>>
        tpu.wait_dma2 semaphore(%run_scoped3A : memref<!tpu.dma_semaphore, #tpu.memory_space<semaphore_mem>>) src(%arg9 : memref<80x80xf32, #tpu.memory_space<vmem>>) dst(%dma_wait3A_41 : memref<80x80xf32, #tpu.memory_space<hbm>>)
        tpu.yield
      }) : () -> ()
    }
    %scan3A_7 = arith.constant 125 : i32
    return
  }
}

#map = affine_map<(d0, d1) -> (0, 0)>
#map1 = affine_map<(d0, d1) -> (0, 0, 0)>
module attributes {stable_mosaic.version = 14 : i64} {
  func.func @_sc_gather(%arg0: i32, %arg1: i32, %arg2: memref<10000x80xf32, #tpu.memory_space<hbm>>, %arg3: memref<32x125x80xi32, #tpu.memory_space<hbm>>, %arg4: memref<32x125x80xi32, #tpu.memory_space<hbm>>, %arg5: memref<320000x80xf32, #tpu.memory_space<hbm>>, %arg6: memref<320000x80xf32, #tpu.memory_space<hbm>>, %arg7: memref<125x80xi32, #tpu.memory_space<vmem>>, %arg8: memref<125x80xi32, #tpu.memory_space<vmem>>, %arg9: memref<80x80xf32, #tpu.memory_space<vmem>>, %arg10: memref<!tpu.dma_semaphore, #tpu.memory_space<semaphore_mem>>) attributes {dimension_semantics = [#tpu.dimension_semantics<core_parallel>, #tpu.dimension_semantics<subcore_parallel>], iteration_bounds = array<i64: 2, 16>, scalar_prefetch = 0 : i64, scratch_operands = 4 : i64, tpu.core_type = #tpu.core_type<sc_vector_subcore>, window_params = [{transform_indices = #map}, {transform_indices = #map1}, {transform_indices = #map1}, {transform_indices = #map}, {transform_indices = #map}]} {
    %mul3A = arith.constant 2 : i32
    %mul3A_0 = arith.muli %arg1, %mul3A : i32
    %add3A = arith.addi %mul3A_0, %arg0 : i32
    %mul3A_1 = arith.constant 125 : i32
    %mul3A_2 = arith.muli %add3A, %mul3A_1 : i32
    "tpu.region"() ({
      %run_scoped3A = tpu.sem_alloc : memref<!tpu.dma_semaphore, #tpu.memory_space<semaphore_mem>>
      %dma_start3A = arith.constant 0 : i32
      %dma_start3A_8 = arith.constant 0 : i32
      %dma_start3A_9 = tpu.memref_slice %arg3[%add3A, %dma_start3A, %dma_start3A_8] : memref<32x125x80xi32, #tpu.memory_space<hbm>> -> memref<1x125x80xi32, #tpu.memory_space<hbm>>
      %dma_start3A_10 = tpu.memref_squeeze %dma_start3A_9 : memref<1x125x80xi32, #tpu.memory_space<hbm>> -> memref<125x80xi32, #tpu.memory_space<hbm>>
      %dma_start3A_11 = arith.constant 0 : i32
      %dma_start3A_12 = arith.constant 0 : i32
      %dma_start3A_13 = tpu.memref_slice %arg3[%add3A, %dma_start3A_11, %dma_start3A_12] : memref<32x125x80xi32, #tpu.memory_space<hbm>> -> memref<1x125x80xi32, #tpu.memory_space<hbm>>
      %dma_start3A_14 = tpu.memref_squeeze %dma_start3A_13 : memref<1x125x80xi32, #tpu.memory_space<hbm>> -> memref<125x80xi32, #tpu.memory_space<hbm>>
      tpu.enqueue_dma source(%dma_start3A_14 : memref<125x80xi32, #tpu.memory_space<hbm>>) target(%arg7 : memref<125x80xi32, #tpu.memory_space<vmem>>) target_semaphore(%run_scoped3A : memref<!tpu.dma_semaphore, #tpu.memory_space<semaphore_mem>>)
      %dma_wait3A = arith.constant 0 : i32
      %dma_wait3A_15 = arith.constant 0 : i32
      %dma_wait3A_16 = tpu.memref_slice %arg3[%add3A, %dma_wait3A, %dma_wait3A_15] : memref<32x125x80xi32, #tpu.memory_space<hbm>> -> memref<1x125x80xi32, #tpu.memory_space<hbm>>
      %dma_wait3A_17 = tpu.memref_squeeze %dma_wait3A_16 : memref<1x125x80xi32, #tpu.memory_space<hbm>> -> memref<125x80xi32, #tpu.memory_space<hbm>>
      %dma_wait3A_18 = arith.constant 0 : i32
      %dma_wait3A_19 = arith.constant 0 : i32
      %dma_wait3A_20 = tpu.memref_slice %arg3[%add3A, %dma_wait3A_18, %dma_wait3A_19] : memref<32x125x80xi32, #tpu.memory_space<hbm>> -> memref<1x125x80xi32, #tpu.memory_space<hbm>>
      %dma_wait3A_21 = tpu.memref_squeeze %dma_wait3A_20 : memref<1x125x80xi32, #tpu.memory_space<hbm>> -> memref<125x80xi32, #tpu.memory_space<hbm>>
      tpu.wait_dma2 semaphore(%run_scoped3A : memref<!tpu.dma_semaphore, #tpu.memory_space<semaphore_mem>>) src(%dma_wait3A_21 : memref<125x80xi32, #tpu.memory_space<hbm>>) dst(%arg7 : memref<125x80xi32, #tpu.memory_space<vmem>>)
      tpu.yield
    }) : () -> ()
    "tpu.region"() ({
      %run_scoped3A = tpu.sem_alloc : memref<!tpu.dma_semaphore, #tpu.memory_space<semaphore_mem>>
      %dma_start3A = arith.constant 0 : i32
      %dma_start3A_8 = arith.constant 0 : i32
      %dma_start3A_9 = tpu.memref_slice %arg4[%add3A, %dma_start3A, %dma_start3A_8] : memref<32x125x80xi32, #tpu.memory_space<hbm>> -> memref<1x125x80xi32, #tpu.memory_space<hbm>>
      %dma_start3A_10 = tpu.memref_squeeze %dma_start3A_9 : memref<1x125x80xi32, #tpu.memory_space<hbm>> -> memref<125x80xi32, #tpu.memory_space<hbm>>
      %dma_start3A_11 = arith.constant 0 : i32
      %dma_start3A_12 = arith.constant 0 : i32
      %dma_start3A_13 = tpu.memref_slice %arg4[%add3A, %dma_start3A_11, %dma_start3A_12] : memref<32x125x80xi32, #tpu.memory_space<hbm>> -> memref<1x125x80xi32, #tpu.memory_space<hbm>>
      %dma_start3A_14 = tpu.memref_squeeze %dma_start3A_13 : memref<1x125x80xi32, #tpu.memory_space<hbm>> -> memref<125x80xi32, #tpu.memory_space<hbm>>
      tpu.enqueue_dma source(%dma_start3A_14 : memref<125x80xi32, #tpu.memory_space<hbm>>) target(%arg8 : memref<125x80xi32, #tpu.memory_space<vmem>>) target_semaphore(%run_scoped3A : memref<!tpu.dma_semaphore, #tpu.memory_space<semaphore_mem>>)
      %dma_wait3A = arith.constant 0 : i32
      %dma_wait3A_15 = arith.constant 0 : i32
      %dma_wait3A_16 = tpu.memref_slice %arg4[%add3A, %dma_wait3A, %dma_wait3A_15] : memref<32x125x80xi32, #tpu.memory_space<hbm>> -> memref<1x125x80xi32, #tpu.memory_space<hbm>>
      %dma_wait3A_17 = tpu.memref_squeeze %dma_wait3A_16 : memref<1x125x80xi32, #tpu.memory_space<hbm>> -> memref<125x80xi32, #tpu.memory_space<hbm>>
      %dma_wait3A_18 = arith.constant 0 : i32
      %dma_wait3A_19 = arith.constant 0 : i32
      %dma_wait3A_20 = tpu.memref_slice %arg4[%add3A, %dma_wait3A_18, %dma_wait3A_19] : memref<32x125x80xi32, #tpu.memory_space<hbm>> -> memref<1x125x80xi32, #tpu.memory_space<hbm>>
      %dma_wait3A_21 = tpu.memref_squeeze %dma_wait3A_20 : memref<1x125x80xi32, #tpu.memory_space<hbm>> -> memref<125x80xi32, #tpu.memory_space<hbm>>
      tpu.wait_dma2 semaphore(%run_scoped3A : memref<!tpu.dma_semaphore, #tpu.memory_space<semaphore_mem>>) src(%dma_wait3A_21 : memref<125x80xi32, #tpu.memory_space<hbm>>) dst(%arg8 : memref<125x80xi32, #tpu.memory_space<vmem>>)
      tpu.yield
    }) : () -> ()
    %scan3A = arith.constant 0 : i32
    %scan3A_3 = arith.constant 0 : i32
    %scan3A_4 = arith.constant 125 : i32
    %scan3A_5 = arith.addi %scan3A_3, %scan3A_4 : i32
    %scan3A_6 = arith.constant 1 : i32
    scf.for %scan3A_8 = %scan3A_3 to %scan3A_5 step %scan3A_6  : i32 {
      %add3A_9 = arith.addi %mul3A_2, %scan3A_8 : i32
      %mul3A_10 = arith.constant 80 : i32
      %mul3A_11 = arith.muli %add3A_9, %mul3A_10 : i32
      %dma_start3A = arith.constant 0 : i32
      %dma_start3A_12 = tpu.memref_slice %arg7[%scan3A_8, %dma_start3A] : memref<125x80xi32, #tpu.memory_space<vmem>> -> memref<1x80xi32, #tpu.memory_space<vmem>>
      %dma_start3A_13 = tpu.memref_squeeze %dma_start3A_12 : memref<1x80xi32, #tpu.memory_space<vmem>> -> memref<80xi32, #tpu.memory_space<vmem>>
      %dma_start3A_14 = arith.constant 0 : i32
      %dma_start3A_15 = arith.constant 0 : i32
      %dma_start3A_16 = tpu.memref_slice %arg2[%dma_start3A_14, %dma_start3A_15] : memref<10000x80xf32, #tpu.memory_space<hbm>> -> memref<10000x80xf32, #tpu.memory_space<hbm>>
      tpu.enqueue_indirect_dma source(%dma_start3A_16 : memref<10000x80xf32, #tpu.memory_space<hbm>>) target(%arg9 : memref<80x80xf32, #tpu.memory_space<vmem>>) offsets(%dma_start3A_13 : memref<80xi32, #tpu.memory_space<vmem>>) semaphore(%arg10 : memref<!tpu.dma_semaphore, #tpu.memory_space<semaphore_mem>>)
      %dma_wait3A = arith.constant 0 : i32
      %dma_wait3A_17 = tpu.memref_slice %arg7[%scan3A_8, %dma_wait3A] : memref<125x80xi32, #tpu.memory_space<vmem>> -> memref<1x80xi32, #tpu.memory_space<vmem>>
      %dma_wait3A_18 = tpu.memref_squeeze %dma_wait3A_17 : memref<1x80xi32, #tpu.memory_space<vmem>> -> memref<80xi32, #tpu.memory_space<vmem>>
      %dma_wait3A_19 = arith.constant 0 : i32
      %dma_wait3A_20 = arith.constant 0 : i32
      %dma_wait3A_21 = tpu.memref_slice %arg2[%dma_wait3A_19, %dma_wait3A_20] : memref<10000x80xf32, #tpu.memory_space<hbm>> -> memref<10000x80xf32, #tpu.memory_space<hbm>>
      tpu.wait_indirect_dma semaphore(%arg10 : memref<!tpu.dma_semaphore, #tpu.memory_space<semaphore_mem>>) src(%dma_wait3A_21 : memref<10000x80xf32, #tpu.memory_space<hbm>>) dst(%arg9 : memref<80x80xf32, #tpu.memory_space<vmem>>)
      "tpu.region"() ({
        %run_scoped3A = tpu.sem_alloc : memref<!tpu.dma_semaphore, #tpu.memory_space<semaphore_mem>>
        %dma_start3A_34 = arith.constant 0 : i32
        %dma_start3A_35 = tpu.memref_slice %arg5[%mul3A_11, %dma_start3A_34] : memref<320000x80xf32, #tpu.memory_space<hbm>> -> memref<80x80xf32, #tpu.memory_space<hbm>>
        %dma_start3A_36 = arith.constant 0 : i32
        %dma_start3A_37 = tpu.memref_slice %arg5[%mul3A_11, %dma_start3A_36] : memref<320000x80xf32, #tpu.memory_space<hbm>> -> memref<80x80xf32, #tpu.memory_space<hbm>>
        tpu.enqueue_dma source(%arg9 : memref<80x80xf32, #tpu.memory_space<vmem>>) target(%dma_start3A_37 : memref<80x80xf32, #tpu.memory_space<hbm>>) target_semaphore(%run_scoped3A : memref<!tpu.dma_semaphore, #tpu.memory_space<semaphore_mem>>)
        %dma_wait3A_38 = arith.constant 0 : i32
        %dma_wait3A_39 = tpu.memref_slice %arg5[%mul3A_11, %dma_wait3A_38] : memref<320000x80xf32, #tpu.memory_space<hbm>> -> memref<80x80xf32, #tpu.memory_space<hbm>>
        %dma_wait3A_40 = arith.constant 0 : i32
        %dma_wait3A_41 = tpu.memref_slice %arg5[%mul3A_11, %dma_wait3A_40] : memref<320000x80xf32, #tpu.memory_space<hbm>> -> memref<80x80xf32, #tpu.memory_space<hbm>>
        tpu.wait_dma2 semaphore(%run_scoped3A : memref<!tpu.dma_semaphore, #tpu.memory_space<semaphore_mem>>) src(%arg9 : memref<80x80xf32, #tpu.memory_space<vmem>>) dst(%dma_wait3A_41 : memref<80x80xf32, #tpu.memory_space<hbm>>)
        tpu.yield
      }) : () -> ()
      %dma_start3A_22 = arith.constant 0 : i32
      %dma_start3A_23 = tpu.memref_slice %arg8[%scan3A_8, %dma_start3A_22] : memref<125x80xi32, #tpu.memory_space<vmem>> -> memref<1x80xi32, #tpu.memory_space<vmem>>
      %dma_start3A_24 = tpu.memref_squeeze %dma_start3A_23 : memref<1x80xi32, #tpu.memory_space<vmem>> -> memref<80xi32, #tpu.memory_space<vmem>>
      %dma_start3A_25 = arith.constant 0 : i32
      %dma_start3A_26 = arith.constant 0 : i32
      %dma_start3A_27 = tpu.memref_slice %arg2[%dma_start3A_25, %dma_start3A_26] : memref<10000x80xf32, #tpu.memory_space<hbm>> -> memref<10000x80xf32, #tpu.memory_space<hbm>>
      tpu.enqueue_indirect_dma source(%dma_start3A_27 : memref<10000x80xf32, #tpu.memory_space<hbm>>) target(%arg9 : memref<80x80xf32, #tpu.memory_space<vmem>>) offsets(%dma_start3A_24 : memref<80xi32, #tpu.memory_space<vmem>>) semaphore(%arg10 : memref<!tpu.dma_semaphore, #tpu.memory_space<semaphore_mem>>)
      %dma_wait3A_28 = arith.constant 0 : i32
      %dma_wait3A_29 = tpu.memref_slice %arg8[%scan3A_8, %dma_wait3A_28] : memref<125x80xi32, #tpu.memory_space<vmem>> -> memref<1x80xi32, #tpu.memory_space<vmem>>
      %dma_wait3A_30 = tpu.memref_squeeze %dma_wait3A_29 : memref<1x80xi32, #tpu.memory_space<vmem>> -> memref<80xi32, #tpu.memory_space<vmem>>
      %dma_wait3A_31 = arith.constant 0 : i32
      %dma_wait3A_32 = arith.constant 0 : i32
      %dma_wait3A_33 = tpu.memref_slice %arg2[%dma_wait3A_31, %dma_wait3A_32] : memref<10000x80xf32, #tpu.memory_space<hbm>> -> memref<10000x80xf32, #tpu.memory_space<hbm>>
      tpu.wait_indirect_dma semaphore(%arg10 : memref<!tpu.dma_semaphore, #tpu.memory_space<semaphore_mem>>) src(%dma_wait3A_33 : memref<10000x80xf32, #tpu.memory_space<hbm>>) dst(%arg9 : memref<80x80xf32, #tpu.memory_space<vmem>>)
      "tpu.region"() ({
        %run_scoped3A = tpu.sem_alloc : memref<!tpu.dma_semaphore, #tpu.memory_space<semaphore_mem>>
        %dma_start3A_34 = arith.constant 0 : i32
        %dma_start3A_35 = tpu.memref_slice %arg6[%mul3A_11, %dma_start3A_34] : memref<320000x80xf32, #tpu.memory_space<hbm>> -> memref<80x80xf32, #tpu.memory_space<hbm>>
        %dma_start3A_36 = arith.constant 0 : i32
        %dma_start3A_37 = tpu.memref_slice %arg6[%mul3A_11, %dma_start3A_36] : memref<320000x80xf32, #tpu.memory_space<hbm>> -> memref<80x80xf32, #tpu.memory_space<hbm>>
        tpu.enqueue_dma source(%arg9 : memref<80x80xf32, #tpu.memory_space<vmem>>) target(%dma_start3A_37 : memref<80x80xf32, #tpu.memory_space<hbm>>) target_semaphore(%run_scoped3A : memref<!tpu.dma_semaphore, #tpu.memory_space<semaphore_mem>>)
        %dma_wait3A_38 = arith.constant 0 : i32
        %dma_wait3A_39 = tpu.memref_slice %arg6[%mul3A_11, %dma_wait3A_38] : memref<320000x80xf32, #tpu.memory_space<hbm>> -> memref<80x80xf32, #tpu.memory_space<hbm>>
        %dma_wait3A_40 = arith.constant 0 : i32
        %dma_wait3A_41 = tpu.memref_slice %arg6[%mul3A_11, %dma_wait3A_40] : memref<320000x80xf32, #tpu.memory_space<hbm>> -> memref<80x80xf32, #tpu.memory_space<hbm>>
        tpu.wait_dma2 semaphore(%run_scoped3A : memref<!tpu.dma_semaphore, #tpu.memory_space<semaphore_mem>>) src(%arg9 : memref<80x80xf32, #tpu.memory_space<vmem>>) dst(%dma_wait3A_41 : memref<80x80xf32, #tpu.memory_space<hbm>>)
        tpu.yield
      }) : () -> ()
    }
    %scan3A_7 = arith.constant 125 : i32
    return
  }
}

#map = affine_map<(d0, d1) -> (0, 0)>
#map1 = affine_map<(d0, d1) -> (0, 0, 0)>
module attributes {stable_mosaic.version = 14 : i64} {
  func.func @_sc_scatter(%arg0: i32, %arg1: i32, %arg2: memref<320000x80xf32, #tpu.memory_space<hbm>>, %arg3: memref<32x125x80xi32, #tpu.memory_space<hbm>>, %arg4: memref<10000x80xf32, #tpu.memory_space<hbm>>, %arg5: memref<2x10000x80xf32, #tpu.memory_space<hbm>>, %arg6: memref<125x80xi32, #tpu.memory_space<vmem>>, %arg7: memref<80x80xf32, #tpu.memory_space<vmem>>, %arg8: memref<10000x80xf32, #tpu.memory_space<vmem_shared>>) attributes {dimension_semantics = [#tpu.dimension_semantics<core_parallel>, #tpu.dimension_semantics<subcore_parallel>], iteration_bounds = array<i64: 2, 16>, scalar_prefetch = 0 : i64, scratch_operands = 3 : i64, tpu.core_type = #tpu.core_type<sc_vector_subcore>, window_params = [{transform_indices = #map}, {transform_indices = #map1}, {transform_indices = #map}, {transform_indices = #map1}]} {
    %mul3A = arith.constant 2 : i32
    %mul3A_0 = arith.muli %arg1, %mul3A : i32
    %add3A = arith.addi %mul3A_0, %arg0 : i32
    %mul3A_1 = arith.constant 125 : i32
    %mul3A_2 = arith.muli %add3A, %mul3A_1 : i32
    %mul3A_3 = arith.constant 624 : i32
    %mul3A_4 = arith.muli %arg1, %mul3A_3 : i32
    %mul3A_5 = arith.constant 624 : i32
    %mul3A_6 = arith.muli %arg1, %mul3A_5 : i32
    "tpu.region"() ({
      %run_scoped3A = tpu.sem_alloc : memref<!tpu.dma_semaphore, #tpu.memory_space<semaphore_mem>>
      %dma_start3A = arith.constant 0 : i32
      %dma_start3A_24 = tpu.memref_slice %arg8[%mul3A_6, %dma_start3A] : memref<10000x80xf32, #tpu.memory_space<vmem_shared>> -> memref<624x80xf32, #tpu.memory_space<vmem_shared>>
      %dma_start3A_25 = arith.constant 0 : i32
      %dma_start3A_26 = tpu.memref_slice %arg4[%mul3A_4, %dma_start3A_25] : memref<10000x80xf32, #tpu.memory_space<hbm>> -> memref<624x80xf32, #tpu.memory_space<hbm>>
      tpu.enqueue_dma source(%dma_start3A_26 : memref<624x80xf32, #tpu.memory_space<hbm>>) target(%dma_start3A_24 : memref<624x80xf32, #tpu.memory_space<vmem_shared>>) target_semaphore(%run_scoped3A : memref<!tpu.dma_semaphore, #tpu.memory_space<semaphore_mem>>)
      %dma_wait3A = arith.constant 0 : i32
      %dma_wait3A_27 = tpu.memref_slice %arg8[%mul3A_6, %dma_wait3A] : memref<10000x80xf32, #tpu.memory_space<vmem_shared>> -> memref<624x80xf32, #tpu.memory_space<vmem_shared>>
      %dma_wait3A_28 = arith.constant 0 : i32
      %dma_wait3A_29 = tpu.memref_slice %arg4[%mul3A_4, %dma_wait3A_28] : memref<10000x80xf32, #tpu.memory_space<hbm>> -> memref<624x80xf32, #tpu.memory_space<hbm>>
      tpu.wait_dma2 semaphore(%run_scoped3A : memref<!tpu.dma_semaphore, #tpu.memory_space<semaphore_mem>>) src(%dma_wait3A_29 : memref<624x80xf32, #tpu.memory_space<hbm>>) dst(%dma_wait3A_27 : memref<624x80xf32, #tpu.memory_space<vmem_shared>>)
      tpu.yield
    }) : () -> ()
    %eq3A = arith.constant 15 : i32
    %eq3A_7 = arith.cmpi eq, %arg1, %eq3A : i32
    %convert_element_type3A = arith.extui %eq3A_7 : i1 to i32
    %cond3A = arith.constant 0 : i32
    %cond3A_8 = arith.cmpi ne, %convert_element_type3A, %cond3A : i32
    scf.if %cond3A_8 {
      "tpu.region"() ({
        %run_scoped3A = tpu.sem_alloc : memref<!tpu.dma_semaphore, #tpu.memory_space<semaphore_mem>>
        %dma_start3A = arith.constant 9984 : i32
        %dma_start3A_24 = arith.constant 0 : i32
        %dma_start3A_25 = tpu.memref_slice %arg8[%dma_start3A, %dma_start3A_24] : memref<10000x80xf32, #tpu.memory_space<vmem_shared>> -> memref<16x80xf32, #tpu.memory_space<vmem_shared>>
        %dma_start3A_26 = arith.constant 9984 : i32
        %dma_start3A_27 = arith.constant 0 : i32
        %dma_start3A_28 = tpu.memref_slice %arg4[%dma_start3A_26, %dma_start3A_27] : memref<10000x80xf32, #tpu.memory_space<hbm>> -> memref<16x80xf32, #tpu.memory_space<hbm>>
        tpu.enqueue_dma source(%dma_start3A_28 : memref<16x80xf32, #tpu.memory_space<hbm>>) target(%dma_start3A_25 : memref<16x80xf32, #tpu.memory_space<vmem_shared>>) target_semaphore(%run_scoped3A : memref<!tpu.dma_semaphore, #tpu.memory_space<semaphore_mem>>)
        %dma_wait3A = arith.constant 9984 : i32
        %dma_wait3A_29 = arith.constant 0 : i32
        %dma_wait3A_30 = tpu.memref_slice %arg8[%dma_wait3A, %dma_wait3A_29] : memref<10000x80xf32, #tpu.memory_space<vmem_shared>> -> memref<16x80xf32, #tpu.memory_space<vmem_shared>>
        %dma_wait3A_31 = arith.constant 9984 : i32
        %dma_wait3A_32 = arith.constant 0 : i32
        %dma_wait3A_33 = tpu.memref_slice %arg4[%dma_wait3A_31, %dma_wait3A_32] : memref<10000x80xf32, #tpu.memory_space<hbm>> -> memref<16x80xf32, #tpu.memory_space<hbm>>
        tpu.wait_dma2 semaphore(%run_scoped3A : memref<!tpu.dma_semaphore, #tpu.memory_space<semaphore_mem>>) src(%dma_wait3A_33 : memref<16x80xf32, #tpu.memory_space<hbm>>) dst(%dma_wait3A_30 : memref<16x80xf32, #tpu.memory_space<vmem_shared>>)
        tpu.yield
      }) : () -> ()
    } else {
    }
    "tpu.region"() ({
      %run_scoped3A = tpu.sem_alloc : memref<!tpu.dma_semaphore, #tpu.memory_space<semaphore_mem>>
      %dma_start3A = arith.constant 0 : i32
      %dma_start3A_24 = arith.constant 0 : i32
      %dma_start3A_25 = tpu.memref_slice %arg3[%add3A, %dma_start3A, %dma_start3A_24] : memref<32x125x80xi32, #tpu.memory_space<hbm>> -> memref<1x125x80xi32, #tpu.memory_space<hbm>>
      %dma_start3A_26 = tpu.memref_squeeze %dma_start3A_25 : memref<1x125x80xi32, #tpu.memory_space<hbm>> -> memref<125x80xi32, #tpu.memory_space<hbm>>
      %dma_start3A_27 = arith.constant 0 : i32
      %dma_start3A_28 = arith.constant 0 : i32
      %dma_start3A_29 = tpu.memref_slice %arg3[%add3A, %dma_start3A_27, %dma_start3A_28] : memref<32x125x80xi32, #tpu.memory_space<hbm>> -> memref<1x125x80xi32, #tpu.memory_space<hbm>>
      %dma_start3A_30 = tpu.memref_squeeze %dma_start3A_29 : memref<1x125x80xi32, #tpu.memory_space<hbm>> -> memref<125x80xi32, #tpu.memory_space<hbm>>
      tpu.enqueue_dma source(%dma_start3A_30 : memref<125x80xi32, #tpu.memory_space<hbm>>) target(%arg6 : memref<125x80xi32, #tpu.memory_space<vmem>>) target_semaphore(%run_scoped3A : memref<!tpu.dma_semaphore, #tpu.memory_space<semaphore_mem>>)
      %dma_wait3A = arith.constant 0 : i32
      %dma_wait3A_31 = arith.constant 0 : i32
      %dma_wait3A_32 = tpu.memref_slice %arg3[%add3A, %dma_wait3A, %dma_wait3A_31] : memref<32x125x80xi32, #tpu.memory_space<hbm>> -> memref<1x125x80xi32, #tpu.memory_space<hbm>>
      %dma_wait3A_33 = tpu.memref_squeeze %dma_wait3A_32 : memref<1x125x80xi32, #tpu.memory_space<hbm>> -> memref<125x80xi32, #tpu.memory_space<hbm>>
      %dma_wait3A_34 = arith.constant 0 : i32
      %dma_wait3A_35 = arith.constant 0 : i32
      %dma_wait3A_36 = tpu.memref_slice %arg3[%add3A, %dma_wait3A_34, %dma_wait3A_35] : memref<32x125x80xi32, #tpu.memory_space<hbm>> -> memref<1x125x80xi32, #tpu.memory_space<hbm>>
      %dma_wait3A_37 = tpu.memref_squeeze %dma_wait3A_36 : memref<1x125x80xi32, #tpu.memory_space<hbm>> -> memref<125x80xi32, #tpu.memory_space<hbm>>
      tpu.wait_dma2 semaphore(%run_scoped3A : memref<!tpu.dma_semaphore, #tpu.memory_space<semaphore_mem>>) src(%dma_wait3A_37 : memref<125x80xi32, #tpu.memory_space<hbm>>) dst(%arg6 : memref<125x80xi32, #tpu.memory_space<vmem>>)
      tpu.yield
    }) : () -> ()
    %barrier3A = arith.constant 0 : index
    tpu.barrier barrier_id(%barrier3A)
    %scan3A = arith.constant 0 : i32
    %scan3A_9 = arith.constant 0 : i32
    %scan3A_10 = arith.constant 125 : i32
    %scan3A_11 = arith.addi %scan3A_9, %scan3A_10 : i32
    %scan3A_12 = arith.constant 1 : i32
    scf.for %scan3A_24 = %scan3A_9 to %scan3A_11 step %scan3A_12  : i32 {
      %add3A_25 = arith.addi %mul3A_2, %scan3A_24 : i32
      %mul3A_26 = arith.constant 80 : i32
      %mul3A_27 = arith.muli %add3A_25, %mul3A_26 : i32
      "tpu.region"() ({
        %run_scoped3A = tpu.sem_alloc : memref<!tpu.dma_semaphore, #tpu.memory_space<semaphore_mem>>
        %dma_start3A = arith.constant 0 : i32
        %dma_start3A_28 = tpu.memref_slice %arg2[%mul3A_27, %dma_start3A] : memref<320000x80xf32, #tpu.memory_space<hbm>> -> memref<80x80xf32, #tpu.memory_space<hbm>>
        %dma_start3A_29 = arith.constant 0 : i32
        %dma_start3A_30 = tpu.memref_slice %arg2[%mul3A_27, %dma_start3A_29] : memref<320000x80xf32, #tpu.memory_space<hbm>> -> memref<80x80xf32, #tpu.memory_space<hbm>>
        tpu.enqueue_dma source(%dma_start3A_30 : memref<80x80xf32, #tpu.memory_space<hbm>>) target(%arg7 : memref<80x80xf32, #tpu.memory_space<vmem>>) target_semaphore(%run_scoped3A : memref<!tpu.dma_semaphore, #tpu.memory_space<semaphore_mem>>)
        %dma_wait3A = arith.constant 0 : i32
        %dma_wait3A_31 = tpu.memref_slice %arg2[%mul3A_27, %dma_wait3A] : memref<320000x80xf32, #tpu.memory_space<hbm>> -> memref<80x80xf32, #tpu.memory_space<hbm>>
        %dma_wait3A_32 = arith.constant 0 : i32
        %dma_wait3A_33 = tpu.memref_slice %arg2[%mul3A_27, %dma_wait3A_32] : memref<320000x80xf32, #tpu.memory_space<hbm>> -> memref<80x80xf32, #tpu.memory_space<hbm>>
        tpu.wait_dma2 semaphore(%run_scoped3A : memref<!tpu.dma_semaphore, #tpu.memory_space<semaphore_mem>>) src(%dma_wait3A_33 : memref<80x80xf32, #tpu.memory_space<hbm>>) dst(%arg7 : memref<80x80xf32, #tpu.memory_space<vmem>>)
        tpu.yield
      }) : () -> ()
      "tpu.region"() ({
        %run_scoped3A = tpu.sem_alloc : memref<!tpu.dma_semaphore, #tpu.memory_space<semaphore_mem>>
        %dma_start3A = arith.constant 0 : i32
        %dma_start3A_28 = tpu.memref_slice %arg6[%scan3A_24, %dma_start3A] : memref<125x80xi32, #tpu.memory_space<vmem>> -> memref<1x80xi32, #tpu.memory_space<vmem>>
        %dma_start3A_29 = tpu.memref_squeeze %dma_start3A_28 : memref<1x80xi32, #tpu.memory_space<vmem>> -> memref<80xi32, #tpu.memory_space<vmem>>
        %dma_start3A_30 = arith.constant 0 : i32
        %dma_start3A_31 = arith.constant 0 : i32
        %dma_start3A_32 = tpu.memref_slice %arg8[%dma_start3A_30, %dma_start3A_31] : memref<10000x80xf32, #tpu.memory_space<vmem_shared>> -> memref<10000x80xf32, #tpu.memory_space<vmem_shared>>
        tpu.enqueue_indirect_dma source(%arg7 : memref<80x80xf32, #tpu.memory_space<vmem>>) target(%dma_start3A_32 : memref<10000x80xf32, #tpu.memory_space<vmem_shared>>) offsets(%dma_start3A_29 : memref<80xi32, #tpu.memory_space<vmem>>) semaphore(%run_scoped3A : memref<!tpu.dma_semaphore, #tpu.memory_space<semaphore_mem>>) {add = true}
        %dma_wait3A = arith.constant 0 : i32
        %dma_wait3A_33 = tpu.memref_slice %arg6[%scan3A_24, %dma_wait3A] : memref<125x80xi32, #tpu.memory_space<vmem>> -> memref<1x80xi32, #tpu.memory_space<vmem>>
        %dma_wait3A_34 = tpu.memref_squeeze %dma_wait3A_33 : memref<1x80xi32, #tpu.memory_space<vmem>> -> memref<80xi32, #tpu.memory_space<vmem>>
        %dma_wait3A_35 = arith.constant 0 : i32
        %dma_wait3A_36 = arith.constant 0 : i32
        %dma_wait3A_37 = tpu.memref_slice %arg8[%dma_wait3A_35, %dma_wait3A_36] : memref<10000x80xf32, #tpu.memory_space<vmem_shared>> -> memref<10000x80xf32, #tpu.memory_space<vmem_shared>>
        tpu.wait_indirect_dma semaphore(%run_scoped3A : memref<!tpu.dma_semaphore, #tpu.memory_space<semaphore_mem>>) src(%arg7 : memref<80x80xf32, #tpu.memory_space<vmem>>) dst(%dma_wait3A_37 : memref<10000x80xf32, #tpu.memory_space<vmem_shared>>)
        tpu.yield
      }) : () -> ()
    }
    %scan3A_13 = arith.constant 125 : i32
    %barrier3A_14 = arith.constant 0 : index
    tpu.barrier barrier_id(%barrier3A_14)
    %mul3A_15 = arith.constant 624 : i32
    %mul3A_16 = arith.muli %arg1, %mul3A_15 : i32
    %mul3A_17 = arith.constant 624 : i32
    %mul3A_18 = arith.muli %arg1, %mul3A_17 : i32
    "tpu.region"() ({
      %run_scoped3A = tpu.sem_alloc : memref<!tpu.dma_semaphore, #tpu.memory_space<semaphore_mem>>
      %dma_start3A = arith.constant 0 : i32
      %dma_start3A_24 = tpu.memref_slice %arg5[%arg0, %mul3A_18, %dma_start3A] : memref<2x10000x80xf32, #tpu.memory_space<hbm>> -> memref<1x624x80xf32, #tpu.memory_space<hbm>>
      %dma_start3A_25 = tpu.memref_squeeze %dma_start3A_24 : memref<1x624x80xf32, #tpu.memory_space<hbm>> -> memref<624x80xf32, #tpu.memory_space<hbm>>
      %dma_start3A_26 = arith.constant 0 : i32
      %dma_start3A_27 = tpu.memref_slice %arg8[%mul3A_16, %dma_start3A_26] : memref<10000x80xf32, #tpu.memory_space<vmem_shared>> -> memref<624x80xf32, #tpu.memory_space<vmem_shared>>
      tpu.enqueue_dma source(%dma_start3A_27 : memref<624x80xf32, #tpu.memory_space<vmem_shared>>) target(%dma_start3A_25 : memref<624x80xf32, #tpu.memory_space<hbm>>) target_semaphore(%run_scoped3A : memref<!tpu.dma_semaphore, #tpu.memory_space<semaphore_mem>>)
      %dma_wait3A = arith.constant 0 : i32
      %dma_wait3A_28 = tpu.memref_slice %arg5[%arg0, %mul3A_18, %dma_wait3A] : memref<2x10000x80xf32, #tpu.memory_space<hbm>> -> memref<1x624x80xf32, #tpu.memory_space<hbm>>
      %dma_wait3A_29 = tpu.memref_squeeze %dma_wait3A_28 : memref<1x624x80xf32, #tpu.memory_space<hbm>> -> memref<624x80xf32, #tpu.memory_space<hbm>>
      %dma_wait3A_30 = arith.constant 0 : i32
      %dma_wait3A_31 = tpu.memref_slice %arg8[%mul3A_16, %dma_wait3A_30] : memref<10000x80xf32, #tpu.memory_space<vmem_shared>> -> memref<624x80xf32, #tpu.memory_space<vmem_shared>>
      tpu.wait_dma2 semaphore(%run_scoped3A : memref<!tpu.dma_semaphore, #tpu.memory_space<semaphore_mem>>) src(%dma_wait3A_31 : memref<624x80xf32, #tpu.memory_space<vmem_shared>>) dst(%dma_wait3A_29 : memref<624x80xf32, #tpu.memory_space<hbm>>)
      tpu.yield
    }) : () -> ()
    %eq3A_19 = arith.constant 15 : i32
    %eq3A_20 = arith.cmpi eq, %arg1, %eq3A_19 : i32
    %convert_element_type3A_21 = arith.extui %eq3A_20 : i1 to i32
    %cond3A_22 = arith.constant 0 : i32
    %cond3A_23 = arith.cmpi ne, %convert_element_type3A_21, %cond3A_22 : i32
    scf.if %cond3A_23 {
      "tpu.region"() ({
        %run_scoped3A = tpu.sem_alloc : memref<!tpu.dma_semaphore, #tpu.memory_space<semaphore_mem>>
        %dma_start3A = arith.constant 9984 : i32
        %dma_start3A_24 = arith.constant 0 : i32
        %dma_start3A_25 = tpu.memref_slice %arg5[%arg0, %dma_start3A, %dma_start3A_24] : memref<2x10000x80xf32, #tpu.memory_space<hbm>> -> memref<1x16x80xf32, #tpu.memory_space<hbm>>
        %dma_start3A_26 = tpu.memref_squeeze %dma_start3A_25 : memref<1x16x80xf32, #tpu.memory_space<hbm>> -> memref<16x80xf32, #tpu.memory_space<hbm>>
        %dma_start3A_27 = arith.constant 9984 : i32
        %dma_start3A_28 = arith.constant 0 : i32
        %dma_start3A_29 = tpu.memref_slice %arg8[%dma_start3A_27, %dma_start3A_28] : memref<10000x80xf32, #tpu.memory_space<vmem_shared>> -> memref<16x80xf32, #tpu.memory_space<vmem_shared>>
        tpu.enqueue_dma source(%dma_start3A_29 : memref<16x80xf32, #tpu.memory_space<vmem_shared>>) target(%dma_start3A_26 : memref<16x80xf32, #tpu.memory_space<hbm>>) target_semaphore(%run_scoped3A : memref<!tpu.dma_semaphore, #tpu.memory_space<semaphore_mem>>)
        %dma_wait3A = arith.constant 9984 : i32
        %dma_wait3A_30 = arith.constant 0 : i32
        %dma_wait3A_31 = tpu.memref_slice %arg5[%arg0, %dma_wait3A, %dma_wait3A_30] : memref<2x10000x80xf32, #tpu.memory_space<hbm>> -> memref<1x16x80xf32, #tpu.memory_space<hbm>>
        %dma_wait3A_32 = tpu.memref_squeeze %dma_wait3A_31 : memref<1x16x80xf32, #tpu.memory_space<hbm>> -> memref<16x80xf32, #tpu.memory_space<hbm>>
        %dma_wait3A_33 = arith.constant 9984 : i32
        %dma_wait3A_34 = arith.constant 0 : i32
        %dma_wait3A_35 = tpu.memref_slice %arg8[%dma_wait3A_33, %dma_wait3A_34] : memref<10000x80xf32, #tpu.memory_space<vmem_shared>> -> memref<16x80xf32, #tpu.memory_space<vmem_shared>>
        tpu.wait_dma2 semaphore(%run_scoped3A : memref<!tpu.dma_semaphore, #tpu.memory_space<semaphore_mem>>) src(%dma_wait3A_35 : memref<16x80xf32, #tpu.memory_space<vmem_shared>>) dst(%dma_wait3A_32 : memref<16x80xf32, #tpu.memory_space<hbm>>)
        tpu.yield
      }) : () -> ()
    } else {
    }
    return
  }
}

#map = affine_map<(d0, d1) -> (0, 0)>
#map1 = affine_map<(d0, d1) -> (0, 0, 0)>
module attributes {stable_mosaic.version = 14 : i64} {
  func.func @_sc_gather(%arg0: i32, %arg1: i32, %arg2: memref<10000x80xf32, #tpu.memory_space<hbm>>, %arg3: memref<32x125x80xi32, #tpu.memory_space<hbm>>, %arg4: memref<32x125x80xi32, #tpu.memory_space<hbm>>, %arg5: memref<320000x80xf32, #tpu.memory_space<hbm>>, %arg6: memref<320000x80xf32, #tpu.memory_space<hbm>>, %arg7: memref<125x80xi32, #tpu.memory_space<vmem>>, %arg8: memref<125x80xi32, #tpu.memory_space<vmem>>, %arg9: memref<80x80xf32, #tpu.memory_space<vmem>>, %arg10: memref<!tpu.dma_semaphore, #tpu.memory_space<semaphore_mem>>) attributes {dimension_semantics = [#tpu.dimension_semantics<core_parallel>, #tpu.dimension_semantics<subcore_parallel>], iteration_bounds = array<i64: 2, 16>, scalar_prefetch = 0 : i64, scratch_operands = 4 : i64, tpu.core_type = #tpu.core_type<sc_vector_subcore>, window_params = [{transform_indices = #map}, {transform_indices = #map1}, {transform_indices = #map1}, {transform_indices = #map}, {transform_indices = #map}]} {
    %mul3A = arith.constant 2 : i32
    %mul3A_0 = arith.muli %arg1, %mul3A : i32
    %add3A = arith.addi %mul3A_0, %arg0 : i32
    %mul3A_1 = arith.constant 125 : i32
    %mul3A_2 = arith.muli %add3A, %mul3A_1 : i32
    "tpu.region"() ({
      %run_scoped3A = tpu.sem_alloc : memref<!tpu.dma_semaphore, #tpu.memory_space<semaphore_mem>>
      %dma_start3A = arith.constant 0 : i32
      %dma_start3A_8 = arith.constant 0 : i32
      %dma_start3A_9 = tpu.memref_slice %arg3[%add3A, %dma_start3A, %dma_start3A_8] : memref<32x125x80xi32, #tpu.memory_space<hbm>> -> memref<1x125x80xi32, #tpu.memory_space<hbm>>
      %dma_start3A_10 = tpu.memref_squeeze %dma_start3A_9 : memref<1x125x80xi32, #tpu.memory_space<hbm>> -> memref<125x80xi32, #tpu.memory_space<hbm>>
      %dma_start3A_11 = arith.constant 0 : i32
      %dma_start3A_12 = arith.constant 0 : i32
      %dma_start3A_13 = tpu.memref_slice %arg3[%add3A, %dma_start3A_11, %dma_start3A_12] : memref<32x125x80xi32, #tpu.memory_space<hbm>> -> memref<1x125x80xi32, #tpu.memory_space<hbm>>
      %dma_start3A_14 = tpu.memref_squeeze %dma_start3A_13 : memref<1x125x80xi32, #tpu.memory_space<hbm>> -> memref<125x80xi32, #tpu.memory_space<hbm>>
      tpu.enqueue_dma source(%dma_start3A_14 : memref<125x80xi32, #tpu.memory_space<hbm>>) target(%arg7 : memref<125x80xi32, #tpu.memory_space<vmem>>) target_semaphore(%run_scoped3A : memref<!tpu.dma_semaphore, #tpu.memory_space<semaphore_mem>>)
      %dma_wait3A = arith.constant 0 : i32
      %dma_wait3A_15 = arith.constant 0 : i32
      %dma_wait3A_16 = tpu.memref_slice %arg3[%add3A, %dma_wait3A, %dma_wait3A_15] : memref<32x125x80xi32, #tpu.memory_space<hbm>> -> memref<1x125x80xi32, #tpu.memory_space<hbm>>
      %dma_wait3A_17 = tpu.memref_squeeze %dma_wait3A_16 : memref<1x125x80xi32, #tpu.memory_space<hbm>> -> memref<125x80xi32, #tpu.memory_space<hbm>>
      %dma_wait3A_18 = arith.constant 0 : i32
      %dma_wait3A_19 = arith.constant 0 : i32
      %dma_wait3A_20 = tpu.memref_slice %arg3[%add3A, %dma_wait3A_18, %dma_wait3A_19] : memref<32x125x80xi32, #tpu.memory_space<hbm>> -> memref<1x125x80xi32, #tpu.memory_space<hbm>>
      %dma_wait3A_21 = tpu.memref_squeeze %dma_wait3A_20 : memref<1x125x80xi32, #tpu.memory_space<hbm>> -> memref<125x80xi32, #tpu.memory_space<hbm>>
      tpu.wait_dma2 semaphore(%run_scoped3A : memref<!tpu.dma_semaphore, #tpu.memory_space<semaphore_mem>>) src(%dma_wait3A_21 : memref<125x80xi32, #tpu.memory_space<hbm>>) dst(%arg7 : memref<125x80xi32, #tpu.memory_space<vmem>>)
      tpu.yield
    }) : () -> ()
    "tpu.region"() ({
      %run_scoped3A = tpu.sem_alloc : memref<!tpu.dma_semaphore, #tpu.memory_space<semaphore_mem>>
      %dma_start3A = arith.constant 0 : i32
      %dma_start3A_8 = arith.constant 0 : i32
      %dma_start3A_9 = tpu.memref_slice %arg4[%add3A, %dma_start3A, %dma_start3A_8] : memref<32x125x80xi32, #tpu.memory_space<hbm>> -> memref<1x125x80xi32, #tpu.memory_space<hbm>>
      %dma_start3A_10 = tpu.memref_squeeze %dma_start3A_9 : memref<1x125x80xi32, #tpu.memory_space<hbm>> -> memref<125x80xi32, #tpu.memory_space<hbm>>
      %dma_start3A_11 = arith.constant 0 : i32
      %dma_start3A_12 = arith.constant 0 : i32
      %dma_start3A_13 = tpu.memref_slice %arg4[%add3A, %dma_start3A_11, %dma_start3A_12] : memref<32x125x80xi32, #tpu.memory_space<hbm>> -> memref<1x125x80xi32, #tpu.memory_space<hbm>>
      %dma_start3A_14 = tpu.memref_squeeze %dma_start3A_13 : memref<1x125x80xi32, #tpu.memory_space<hbm>> -> memref<125x80xi32, #tpu.memory_space<hbm>>
      tpu.enqueue_dma source(%dma_start3A_14 : memref<125x80xi32, #tpu.memory_space<hbm>>) target(%arg8 : memref<125x80xi32, #tpu.memory_space<vmem>>) target_semaphore(%run_scoped3A : memref<!tpu.dma_semaphore, #tpu.memory_space<semaphore_mem>>)
      %dma_wait3A = arith.constant 0 : i32
      %dma_wait3A_15 = arith.constant 0 : i32
      %dma_wait3A_16 = tpu.memref_slice %arg4[%add3A, %dma_wait3A, %dma_wait3A_15] : memref<32x125x80xi32, #tpu.memory_space<hbm>> -> memref<1x125x80xi32, #tpu.memory_space<hbm>>
      %dma_wait3A_17 = tpu.memref_squeeze %dma_wait3A_16 : memref<1x125x80xi32, #tpu.memory_space<hbm>> -> memref<125x80xi32, #tpu.memory_space<hbm>>
      %dma_wait3A_18 = arith.constant 0 : i32
      %dma_wait3A_19 = arith.constant 0 : i32
      %dma_wait3A_20 = tpu.memref_slice %arg4[%add3A, %dma_wait3A_18, %dma_wait3A_19] : memref<32x125x80xi32, #tpu.memory_space<hbm>> -> memref<1x125x80xi32, #tpu.memory_space<hbm>>
      %dma_wait3A_21 = tpu.memref_squeeze %dma_wait3A_20 : memref<1x125x80xi32, #tpu.memory_space<hbm>> -> memref<125x80xi32, #tpu.memory_space<hbm>>
      tpu.wait_dma2 semaphore(%run_scoped3A : memref<!tpu.dma_semaphore, #tpu.memory_space<semaphore_mem>>) src(%dma_wait3A_21 : memref<125x80xi32, #tpu.memory_space<hbm>>) dst(%arg8 : memref<125x80xi32, #tpu.memory_space<vmem>>)
      tpu.yield
    }) : () -> ()
    %scan3A = arith.constant 0 : i32
    %scan3A_3 = arith.constant 0 : i32
    %scan3A_4 = arith.constant 125 : i32
    %scan3A_5 = arith.addi %scan3A_3, %scan3A_4 : i32
    %scan3A_6 = arith.constant 1 : i32
    scf.for %scan3A_8 = %scan3A_3 to %scan3A_5 step %scan3A_6  : i32 {
      %add3A_9 = arith.addi %mul3A_2, %scan3A_8 : i32
      %mul3A_10 = arith.constant 80 : i32
      %mul3A_11 = arith.muli %add3A_9, %mul3A_10 : i32
      %dma_start3A = arith.constant 0 : i32
      %dma_start3A_12 = tpu.memref_slice %arg7[%scan3A_8, %dma_start3A] : memref<125x80xi32, #tpu.memory_space<vmem>> -> memref<1x80xi32, #tpu.memory_space<vmem>>
      %dma_start3A_13 = tpu.memref_squeeze %dma_start3A_12 : memref<1x80xi32, #tpu.memory_space<vmem>> -> memref<80xi32, #tpu.memory_space<vmem>>
      %dma_start3A_14 = arith.constant 0 : i32
      %dma_start3A_15 = arith.constant 0 : i32
      %dma_start3A_16 = tpu.memref_slice %arg2[%dma_start3A_14, %dma_start3A_15] : memref<10000x80xf32, #tpu.memory_space<hbm>> -> memref<10000x80xf32, #tpu.memory_space<hbm>>
      tpu.enqueue_indirect_dma source(%dma_start3A_16 : memref<10000x80xf32, #tpu.memory_space<hbm>>) target(%arg9 : memref<80x80xf32, #tpu.memory_space<vmem>>) offsets(%dma_start3A_13 : memref<80xi32, #tpu.memory_space<vmem>>) semaphore(%arg10 : memref<!tpu.dma_semaphore, #tpu.memory_space<semaphore_mem>>)
      %dma_wait3A = arith.constant 0 : i32
      %dma_wait3A_17 = tpu.memref_slice %arg7[%scan3A_8, %dma_wait3A] : memref<125x80xi32, #tpu.memory_space<vmem>> -> memref<1x80xi32, #tpu.memory_space<vmem>>
      %dma_wait3A_18 = tpu.memref_squeeze %dma_wait3A_17 : memref<1x80xi32, #tpu.memory_space<vmem>> -> memref<80xi32, #tpu.memory_space<vmem>>
      %dma_wait3A_19 = arith.constant 0 : i32
      %dma_wait3A_20 = arith.constant 0 : i32
      %dma_wait3A_21 = tpu.memref_slice %arg2[%dma_wait3A_19, %dma_wait3A_20] : memref<10000x80xf32, #tpu.memory_space<hbm>> -> memref<10000x80xf32, #tpu.memory_space<hbm>>
      tpu.wait_indirect_dma semaphore(%arg10 : memref<!tpu.dma_semaphore, #tpu.memory_space<semaphore_mem>>) src(%dma_wait3A_21 : memref<10000x80xf32, #tpu.memory_space<hbm>>) dst(%arg9 : memref<80x80xf32, #tpu.memory_space<vmem>>)
      "tpu.region"() ({
        %run_scoped3A = tpu.sem_alloc : memref<!tpu.dma_semaphore, #tpu.memory_space<semaphore_mem>>
        %dma_start3A_34 = arith.constant 0 : i32
        %dma_start3A_35 = tpu.memref_slice %arg5[%mul3A_11, %dma_start3A_34] : memref<320000x80xf32, #tpu.memory_space<hbm>> -> memref<80x80xf32, #tpu.memory_space<hbm>>
        %dma_start3A_36 = arith.constant 0 : i32
        %dma_start3A_37 = tpu.memref_slice %arg5[%mul3A_11, %dma_start3A_36] : memref<320000x80xf32, #tpu.memory_space<hbm>> -> memref<80x80xf32, #tpu.memory_space<hbm>>
        tpu.enqueue_dma source(%arg9 : memref<80x80xf32, #tpu.memory_space<vmem>>) target(%dma_start3A_37 : memref<80x80xf32, #tpu.memory_space<hbm>>) target_semaphore(%run_scoped3A : memref<!tpu.dma_semaphore, #tpu.memory_space<semaphore_mem>>)
        %dma_wait3A_38 = arith.constant 0 : i32
        %dma_wait3A_39 = tpu.memref_slice %arg5[%mul3A_11, %dma_wait3A_38] : memref<320000x80xf32, #tpu.memory_space<hbm>> -> memref<80x80xf32, #tpu.memory_space<hbm>>
        %dma_wait3A_40 = arith.constant 0 : i32
        %dma_wait3A_41 = tpu.memref_slice %arg5[%mul3A_11, %dma_wait3A_40] : memref<320000x80xf32, #tpu.memory_space<hbm>> -> memref<80x80xf32, #tpu.memory_space<hbm>>
        tpu.wait_dma2 semaphore(%run_scoped3A : memref<!tpu.dma_semaphore, #tpu.memory_space<semaphore_mem>>) src(%arg9 : memref<80x80xf32, #tpu.memory_space<vmem>>) dst(%dma_wait3A_41 : memref<80x80xf32, #tpu.memory_space<hbm>>)
        tpu.yield
      }) : () -> ()
      %dma_start3A_22 = arith.constant 0 : i32
      %dma_start3A_23 = tpu.memref_slice %arg8[%scan3A_8, %dma_start3A_22] : memref<125x80xi32, #tpu.memory_space<vmem>> -> memref<1x80xi32, #tpu.memory_space<vmem>>
      %dma_start3A_24 = tpu.memref_squeeze %dma_start3A_23 : memref<1x80xi32, #tpu.memory_space<vmem>> -> memref<80xi32, #tpu.memory_space<vmem>>
      %dma_start3A_25 = arith.constant 0 : i32
      %dma_start3A_26 = arith.constant 0 : i32
      %dma_start3A_27 = tpu.memref_slice %arg2[%dma_start3A_25, %dma_start3A_26] : memref<10000x80xf32, #tpu.memory_space<hbm>> -> memref<10000x80xf32, #tpu.memory_space<hbm>>
      tpu.enqueue_indirect_dma source(%dma_start3A_27 : memref<10000x80xf32, #tpu.memory_space<hbm>>) target(%arg9 : memref<80x80xf32, #tpu.memory_space<vmem>>) offsets(%dma_start3A_24 : memref<80xi32, #tpu.memory_space<vmem>>) semaphore(%arg10 : memref<!tpu.dma_semaphore, #tpu.memory_space<semaphore_mem>>)
      %dma_wait3A_28 = arith.constant 0 : i32
      %dma_wait3A_29 = tpu.memref_slice %arg8[%scan3A_8, %dma_wait3A_28] : memref<125x80xi32, #tpu.memory_space<vmem>> -> memref<1x80xi32, #tpu.memory_space<vmem>>
      %dma_wait3A_30 = tpu.memref_squeeze %dma_wait3A_29 : memref<1x80xi32, #tpu.memory_space<vmem>> -> memref<80xi32, #tpu.memory_space<vmem>>
      %dma_wait3A_31 = arith.constant 0 : i32
      %dma_wait3A_32 = arith.constant 0 : i32
      %dma_wait3A_33 = tpu.memref_slice %arg2[%dma_wait3A_31, %dma_wait3A_32] : memref<10000x80xf32, #tpu.memory_space<hbm>> -> memref<10000x80xf32, #tpu.memory_space<hbm>>
      tpu.wait_indirect_dma semaphore(%arg10 : memref<!tpu.dma_semaphore, #tpu.memory_space<semaphore_mem>>) src(%dma_wait3A_33 : memref<10000x80xf32, #tpu.memory_space<hbm>>) dst(%arg9 : memref<80x80xf32, #tpu.memory_space<vmem>>)
      "tpu.region"() ({
        %run_scoped3A = tpu.sem_alloc : memref<!tpu.dma_semaphore, #tpu.memory_space<semaphore_mem>>
        %dma_start3A_34 = arith.constant 0 : i32
        %dma_start3A_35 = tpu.memref_slice %arg6[%mul3A_11, %dma_start3A_34] : memref<320000x80xf32, #tpu.memory_space<hbm>> -> memref<80x80xf32, #tpu.memory_space<hbm>>
        %dma_start3A_36 = arith.constant 0 : i32
        %dma_start3A_37 = tpu.memref_slice %arg6[%mul3A_11, %dma_start3A_36] : memref<320000x80xf32, #tpu.memory_space<hbm>> -> memref<80x80xf32, #tpu.memory_space<hbm>>
        tpu.enqueue_dma source(%arg9 : memref<80x80xf32, #tpu.memory_space<vmem>>) target(%dma_start3A_37 : memref<80x80xf32, #tpu.memory_space<hbm>>) target_semaphore(%run_scoped3A : memref<!tpu.dma_semaphore, #tpu.memory_space<semaphore_mem>>)
        %dma_wait3A_38 = arith.constant 0 : i32
        %dma_wait3A_39 = tpu.memref_slice %arg6[%mul3A_11, %dma_wait3A_38] : memref<320000x80xf32, #tpu.memory_space<hbm>> -> memref<80x80xf32, #tpu.memory_space<hbm>>
        %dma_wait3A_40 = arith.constant 0 : i32
        %dma_wait3A_41 = tpu.memref_slice %arg6[%mul3A_11, %dma_wait3A_40] : memref<320000x80xf32, #tpu.memory_space<hbm>> -> memref<80x80xf32, #tpu.memory_space<hbm>>
        tpu.wait_dma2 semaphore(%run_scoped3A : memref<!tpu.dma_semaphore, #tpu.memory_space<semaphore_mem>>) src(%arg9 : memref<80x80xf32, #tpu.memory_space<vmem>>) dst(%dma_wait3A_41 : memref<80x80xf32, #tpu.memory_space<hbm>>)
        tpu.yield
      }) : () -> ()
    }
    %scan3A_7 = arith.constant 125 : i32
    return
  }
}

#map = affine_map<(d0, d1) -> (0, 0)>
#map1 = affine_map<(d0, d1) -> (0, 0, 0)>
module attributes {stable_mosaic.version = 14 : i64} {
  func.func @_sc_scatter(%arg0: i32, %arg1: i32, %arg2: memref<320000x80xf32, #tpu.memory_space<hbm>>, %arg3: memref<32x125x80xi32, #tpu.memory_space<hbm>>, %arg4: memref<10000x80xf32, #tpu.memory_space<hbm>>, %arg5: memref<2x10000x80xf32, #tpu.memory_space<hbm>>, %arg6: memref<125x80xi32, #tpu.memory_space<vmem>>, %arg7: memref<80x80xf32, #tpu.memory_space<vmem>>, %arg8: memref<10000x80xf32, #tpu.memory_space<vmem_shared>>) attributes {dimension_semantics = [#tpu.dimension_semantics<core_parallel>, #tpu.dimension_semantics<subcore_parallel>], iteration_bounds = array<i64: 2, 16>, scalar_prefetch = 0 : i64, scratch_operands = 3 : i64, tpu.core_type = #tpu.core_type<sc_vector_subcore>, window_params = [{transform_indices = #map}, {transform_indices = #map1}, {transform_indices = #map}, {transform_indices = #map1}]} {
    %mul3A = arith.constant 2 : i32
    %mul3A_0 = arith.muli %arg1, %mul3A : i32
    %add3A = arith.addi %mul3A_0, %arg0 : i32
    %mul3A_1 = arith.constant 125 : i32
    %mul3A_2 = arith.muli %add3A, %mul3A_1 : i32
    %mul3A_3 = arith.constant 624 : i32
    %mul3A_4 = arith.muli %arg1, %mul3A_3 : i32
    %mul3A_5 = arith.constant 624 : i32
    %mul3A_6 = arith.muli %arg1, %mul3A_5 : i32
    "tpu.region"() ({
      %run_scoped3A = tpu.sem_alloc : memref<!tpu.dma_semaphore, #tpu.memory_space<semaphore_mem>>
      %dma_start3A = arith.constant 0 : i32
      %dma_start3A_24 = tpu.memref_slice %arg8[%mul3A_6, %dma_start3A] : memref<10000x80xf32, #tpu.memory_space<vmem_shared>> -> memref<624x80xf32, #tpu.memory_space<vmem_shared>>
      %dma_start3A_25 = arith.constant 0 : i32
      %dma_start3A_26 = tpu.memref_slice %arg4[%mul3A_4, %dma_start3A_25] : memref<10000x80xf32, #tpu.memory_space<hbm>> -> memref<624x80xf32, #tpu.memory_space<hbm>>
      tpu.enqueue_dma source(%dma_start3A_26 : memref<624x80xf32, #tpu.memory_space<hbm>>) target(%dma_start3A_24 : memref<624x80xf32, #tpu.memory_space<vmem_shared>>) target_semaphore(%run_scoped3A : memref<!tpu.dma_semaphore, #tpu.memory_space<semaphore_mem>>)
      %dma_wait3A = arith.constant 0 : i32
      %dma_wait3A_27 = tpu.memref_slice %arg8[%mul3A_6, %dma_wait3A] : memref<10000x80xf32, #tpu.memory_space<vmem_shared>> -> memref<624x80xf32, #tpu.memory_space<vmem_shared>>
      %dma_wait3A_28 = arith.constant 0 : i32
      %dma_wait3A_29 = tpu.memref_slice %arg4[%mul3A_4, %dma_wait3A_28] : memref<10000x80xf32, #tpu.memory_space<hbm>> -> memref<624x80xf32, #tpu.memory_space<hbm>>
      tpu.wait_dma2 semaphore(%run_scoped3A : memref<!tpu.dma_semaphore, #tpu.memory_space<semaphore_mem>>) src(%dma_wait3A_29 : memref<624x80xf32, #tpu.memory_space<hbm>>) dst(%dma_wait3A_27 : memref<624x80xf32, #tpu.memory_space<vmem_shared>>)
      tpu.yield
    }) : () -> ()
    %eq3A = arith.constant 15 : i32
    %eq3A_7 = arith.cmpi eq, %arg1, %eq3A : i32
    %convert_element_type3A = arith.extui %eq3A_7 : i1 to i32
    %cond3A = arith.constant 0 : i32
    %cond3A_8 = arith.cmpi ne, %convert_element_type3A, %cond3A : i32
    scf.if %cond3A_8 {
      "tpu.region"() ({
        %run_scoped3A = tpu.sem_alloc : memref<!tpu.dma_semaphore, #tpu.memory_space<semaphore_mem>>
        %dma_start3A = arith.constant 9984 : i32
        %dma_start3A_24 = arith.constant 0 : i32
        %dma_start3A_25 = tpu.memref_slice %arg8[%dma_start3A, %dma_start3A_24] : memref<10000x80xf32, #tpu.memory_space<vmem_shared>> -> memref<16x80xf32, #tpu.memory_space<vmem_shared>>
        %dma_start3A_26 = arith.constant 9984 : i32
        %dma_start3A_27 = arith.constant 0 : i32
        %dma_start3A_28 = tpu.memref_slice %arg4[%dma_start3A_26, %dma_start3A_27] : memref<10000x80xf32, #tpu.memory_space<hbm>> -> memref<16x80xf32, #tpu.memory_space<hbm>>
        tpu.enqueue_dma source(%dma_start3A_28 : memref<16x80xf32, #tpu.memory_space<hbm>>) target(%dma_start3A_25 : memref<16x80xf32, #tpu.memory_space<vmem_shared>>) target_semaphore(%run_scoped3A : memref<!tpu.dma_semaphore, #tpu.memory_space<semaphore_mem>>)
        %dma_wait3A = arith.constant 9984 : i32
        %dma_wait3A_29 = arith.constant 0 : i32
        %dma_wait3A_30 = tpu.memref_slice %arg8[%dma_wait3A, %dma_wait3A_29] : memref<10000x80xf32, #tpu.memory_space<vmem_shared>> -> memref<16x80xf32, #tpu.memory_space<vmem_shared>>
        %dma_wait3A_31 = arith.constant 9984 : i32
        %dma_wait3A_32 = arith.constant 0 : i32
        %dma_wait3A_33 = tpu.memref_slice %arg4[%dma_wait3A_31, %dma_wait3A_32] : memref<10000x80xf32, #tpu.memory_space<hbm>> -> memref<16x80xf32, #tpu.memory_space<hbm>>
        tpu.wait_dma2 semaphore(%run_scoped3A : memref<!tpu.dma_semaphore, #tpu.memory_space<semaphore_mem>>) src(%dma_wait3A_33 : memref<16x80xf32, #tpu.memory_space<hbm>>) dst(%dma_wait3A_30 : memref<16x80xf32, #tpu.memory_space<vmem_shared>>)
        tpu.yield
      }) : () -> ()
    } else {
    }
    "tpu.region"() ({
      %run_scoped3A = tpu.sem_alloc : memref<!tpu.dma_semaphore, #tpu.memory_space<semaphore_mem>>
      %dma_start3A = arith.constant 0 : i32
      %dma_start3A_24 = arith.constant 0 : i32
      %dma_start3A_25 = tpu.memref_slice %arg3[%add3A, %dma_start3A, %dma_start3A_24] : memref<32x125x80xi32, #tpu.memory_space<hbm>> -> memref<1x125x80xi32, #tpu.memory_space<hbm>>
      %dma_start3A_26 = tpu.memref_squeeze %dma_start3A_25 : memref<1x125x80xi32, #tpu.memory_space<hbm>> -> memref<125x80xi32, #tpu.memory_space<hbm>>
      %dma_start3A_27 = arith.constant 0 : i32
      %dma_start3A_28 = arith.constant 0 : i32
      %dma_start3A_29 = tpu.memref_slice %arg3[%add3A, %dma_start3A_27, %dma_start3A_28] : memref<32x125x80xi32, #tpu.memory_space<hbm>> -> memref<1x125x80xi32, #tpu.memory_space<hbm>>
      %dma_start3A_30 = tpu.memref_squeeze %dma_start3A_29 : memref<1x125x80xi32, #tpu.memory_space<hbm>> -> memref<125x80xi32, #tpu.memory_space<hbm>>
      tpu.enqueue_dma source(%dma_start3A_30 : memref<125x80xi32, #tpu.memory_space<hbm>>) target(%arg6 : memref<125x80xi32, #tpu.memory_space<vmem>>) target_semaphore(%run_scoped3A : memref<!tpu.dma_semaphore, #tpu.memory_space<semaphore_mem>>)
      %dma_wait3A = arith.constant 0 : i32
      %dma_wait3A_31 = arith.constant 0 : i32
      %dma_wait3A_32 = tpu.memref_slice %arg3[%add3A, %dma_wait3A, %dma_wait3A_31] : memref<32x125x80xi32, #tpu.memory_space<hbm>> -> memref<1x125x80xi32, #tpu.memory_space<hbm>>
      %dma_wait3A_33 = tpu.memref_squeeze %dma_wait3A_32 : memref<1x125x80xi32, #tpu.memory_space<hbm>> -> memref<125x80xi32, #tpu.memory_space<hbm>>
      %dma_wait3A_34 = arith.constant 0 : i32
      %dma_wait3A_35 = arith.constant 0 : i32
      %dma_wait3A_36 = tpu.memref_slice %arg3[%add3A, %dma_wait3A_34, %dma_wait3A_35] : memref<32x125x80xi32, #tpu.memory_space<hbm>> -> memref<1x125x80xi32, #tpu.memory_space<hbm>>
      %dma_wait3A_37 = tpu.memref_squeeze %dma_wait3A_36 : memref<1x125x80xi32, #tpu.memory_space<hbm>> -> memref<125x80xi32, #tpu.memory_space<hbm>>
      tpu.wait_dma2 semaphore(%run_scoped3A : memref<!tpu.dma_semaphore, #tpu.memory_space<semaphore_mem>>) src(%dma_wait3A_37 : memref<125x80xi32, #tpu.memory_space<hbm>>) dst(%arg6 : memref<125x80xi32, #tpu.memory_space<vmem>>)
      tpu.yield
    }) : () -> ()
    %barrier3A = arith.constant 0 : index
    tpu.barrier barrier_id(%barrier3A)
    %scan3A = arith.constant 0 : i32
    %scan3A_9 = arith.constant 0 : i32
    %scan3A_10 = arith.constant 125 : i32
    %scan3A_11 = arith.addi %scan3A_9, %scan3A_10 : i32
    %scan3A_12 = arith.constant 1 : i32
    scf.for %scan3A_24 = %scan3A_9 to %scan3A_11 step %scan3A_12  : i32 {
      %add3A_25 = arith.addi %mul3A_2, %scan3A_24 : i32
      %mul3A_26 = arith.constant 80 : i32
      %mul3A_27 = arith.muli %add3A_25, %mul3A_26 : i32
      "tpu.region"() ({
        %run_scoped3A = tpu.sem_alloc : memref<!tpu.dma_semaphore, #tpu.memory_space<semaphore_mem>>
        %dma_start3A = arith.constant 0 : i32
        %dma_start3A_28 = tpu.memref_slice %arg2[%mul3A_27, %dma_start3A] : memref<320000x80xf32, #tpu.memory_space<hbm>> -> memref<80x80xf32, #tpu.memory_space<hbm>>
        %dma_start3A_29 = arith.constant 0 : i32
        %dma_start3A_30 = tpu.memref_slice %arg2[%mul3A_27, %dma_start3A_29] : memref<320000x80xf32, #tpu.memory_space<hbm>> -> memref<80x80xf32, #tpu.memory_space<hbm>>
        tpu.enqueue_dma source(%dma_start3A_30 : memref<80x80xf32, #tpu.memory_space<hbm>>) target(%arg7 : memref<80x80xf32, #tpu.memory_space<vmem>>) target_semaphore(%run_scoped3A : memref<!tpu.dma_semaphore, #tpu.memory_space<semaphore_mem>>)
        %dma_wait3A = arith.constant 0 : i32
        %dma_wait3A_31 = tpu.memref_slice %arg2[%mul3A_27, %dma_wait3A] : memref<320000x80xf32, #tpu.memory_space<hbm>> -> memref<80x80xf32, #tpu.memory_space<hbm>>
        %dma_wait3A_32 = arith.constant 0 : i32
        %dma_wait3A_33 = tpu.memref_slice %arg2[%mul3A_27, %dma_wait3A_32] : memref<320000x80xf32, #tpu.memory_space<hbm>> -> memref<80x80xf32, #tpu.memory_space<hbm>>
        tpu.wait_dma2 semaphore(%run_scoped3A : memref<!tpu.dma_semaphore, #tpu.memory_space<semaphore_mem>>) src(%dma_wait3A_33 : memref<80x80xf32, #tpu.memory_space<hbm>>) dst(%arg7 : memref<80x80xf32, #tpu.memory_space<vmem>>)
        tpu.yield
      }) : () -> ()
      "tpu.region"() ({
        %run_scoped3A = tpu.sem_alloc : memref<!tpu.dma_semaphore, #tpu.memory_space<semaphore_mem>>
        %dma_start3A = arith.constant 0 : i32
        %dma_start3A_28 = tpu.memref_slice %arg6[%scan3A_24, %dma_start3A] : memref<125x80xi32, #tpu.memory_space<vmem>> -> memref<1x80xi32, #tpu.memory_space<vmem>>
        %dma_start3A_29 = tpu.memref_squeeze %dma_start3A_28 : memref<1x80xi32, #tpu.memory_space<vmem>> -> memref<80xi32, #tpu.memory_space<vmem>>
        %dma_start3A_30 = arith.constant 0 : i32
        %dma_start3A_31 = arith.constant 0 : i32
        %dma_start3A_32 = tpu.memref_slice %arg8[%dma_start3A_30, %dma_start3A_31] : memref<10000x80xf32, #tpu.memory_space<vmem_shared>> -> memref<10000x80xf32, #tpu.memory_space<vmem_shared>>
        tpu.enqueue_indirect_dma source(%arg7 : memref<80x80xf32, #tpu.memory_space<vmem>>) target(%dma_start3A_32 : memref<10000x80xf32, #tpu.memory_space<vmem_shared>>) offsets(%dma_start3A_29 : memref<80xi32, #tpu.memory_space<vmem>>) semaphore(%run_scoped3A : memref<!tpu.dma_semaphore, #tpu.memory_space<semaphore_mem>>) {add = true}
        %dma_wait3A = arith.constant 0 : i32
        %dma_wait3A_33 = tpu.memref_slice %arg6[%scan3A_24, %dma_wait3A] : memref<125x80xi32, #tpu.memory_space<vmem>> -> memref<1x80xi32, #tpu.memory_space<vmem>>
        %dma_wait3A_34 = tpu.memref_squeeze %dma_wait3A_33 : memref<1x80xi32, #tpu.memory_space<vmem>> -> memref<80xi32, #tpu.memory_space<vmem>>
        %dma_wait3A_35 = arith.constant 0 : i32
        %dma_wait3A_36 = arith.constant 0 : i32
        %dma_wait3A_37 = tpu.memref_slice %arg8[%dma_wait3A_35, %dma_wait3A_36] : memref<10000x80xf32, #tpu.memory_space<vmem_shared>> -> memref<10000x80xf32, #tpu.memory_space<vmem_shared>>
        tpu.wait_indirect_dma semaphore(%run_scoped3A : memref<!tpu.dma_semaphore, #tpu.memory_space<semaphore_mem>>) src(%arg7 : memref<80x80xf32, #tpu.memory_space<vmem>>) dst(%dma_wait3A_37 : memref<10000x80xf32, #tpu.memory_space<vmem_shared>>)
        tpu.yield
      }) : () -> ()
    }
    %scan3A_13 = arith.constant 125 : i32
    %barrier3A_14 = arith.constant 0 : index
    tpu.barrier barrier_id(%barrier3A_14)
    %mul3A_15 = arith.constant 624 : i32
    %mul3A_16 = arith.muli %arg1, %mul3A_15 : i32
    %mul3A_17 = arith.constant 624 : i32
    %mul3A_18 = arith.muli %arg1, %mul3A_17 : i32
    "tpu.region"() ({
      %run_scoped3A = tpu.sem_alloc : memref<!tpu.dma_semaphore, #tpu.memory_space<semaphore_mem>>
      %dma_start3A = arith.constant 0 : i32
      %dma_start3A_24 = tpu.memref_slice %arg5[%arg0, %mul3A_18, %dma_start3A] : memref<2x10000x80xf32, #tpu.memory_space<hbm>> -> memref<1x624x80xf32, #tpu.memory_space<hbm>>
      %dma_start3A_25 = tpu.memref_squeeze %dma_start3A_24 : memref<1x624x80xf32, #tpu.memory_space<hbm>> -> memref<624x80xf32, #tpu.memory_space<hbm>>
      %dma_start3A_26 = arith.constant 0 : i32
      %dma_start3A_27 = tpu.memref_slice %arg8[%mul3A_16, %dma_start3A_26] : memref<10000x80xf32, #tpu.memory_space<vmem_shared>> -> memref<624x80xf32, #tpu.memory_space<vmem_shared>>
      tpu.enqueue_dma source(%dma_start3A_27 : memref<624x80xf32, #tpu.memory_space<vmem_shared>>) target(%dma_start3A_25 : memref<624x80xf32, #tpu.memory_space<hbm>>) target_semaphore(%run_scoped3A : memref<!tpu.dma_semaphore, #tpu.memory_space<semaphore_mem>>)
      %dma_wait3A = arith.constant 0 : i32
      %dma_wait3A_28 = tpu.memref_slice %arg5[%arg0, %mul3A_18, %dma_wait3A] : memref<2x10000x80xf32, #tpu.memory_space<hbm>> -> memref<1x624x80xf32, #tpu.memory_space<hbm>>
      %dma_wait3A_29 = tpu.memref_squeeze %dma_wait3A_28 : memref<1x624x80xf32, #tpu.memory_space<hbm>> -> memref<624x80xf32, #tpu.memory_space<hbm>>
      %dma_wait3A_30 = arith.constant 0 : i32
      %dma_wait3A_31 = tpu.memref_slice %arg8[%mul3A_16, %dma_wait3A_30] : memref<10000x80xf32, #tpu.memory_space<vmem_shared>> -> memref<624x80xf32, #tpu.memory_space<vmem_shared>>
      tpu.wait_dma2 semaphore(%run_scoped3A : memref<!tpu.dma_semaphore, #tpu.memory_space<semaphore_mem>>) src(%dma_wait3A_31 : memref<624x80xf32, #tpu.memory_space<vmem_shared>>) dst(%dma_wait3A_29 : memref<624x80xf32, #tpu.memory_space<hbm>>)
      tpu.yield
    }) : () -> ()
    %eq3A_19 = arith.constant 15 : i32
    %eq3A_20 = arith.cmpi eq, %arg1, %eq3A_19 : i32
    %convert_element_type3A_21 = arith.extui %eq3A_20 : i1 to i32
    %cond3A_22 = arith.constant 0 : i32
    %cond3A_23 = arith.cmpi ne, %convert_element_type3A_21, %cond3A_22 : i32
    scf.if %cond3A_23 {
      "tpu.region"() ({
        %run_scoped3A = tpu.sem_alloc : memref<!tpu.dma_semaphore, #tpu.memory_space<semaphore_mem>>
        %dma_start3A = arith.constant 9984 : i32
        %dma_start3A_24 = arith.constant 0 : i32
        %dma_start3A_25 = tpu.memref_slice %arg5[%arg0, %dma_start3A, %dma_start3A_24] : memref<2x10000x80xf32, #tpu.memory_space<hbm>> -> memref<1x16x80xf32, #tpu.memory_space<hbm>>
        %dma_start3A_26 = tpu.memref_squeeze %dma_start3A_25 : memref<1x16x80xf32, #tpu.memory_space<hbm>> -> memref<16x80xf32, #tpu.memory_space<hbm>>
        %dma_start3A_27 = arith.constant 9984 : i32
        %dma_start3A_28 = arith.constant 0 : i32
        %dma_start3A_29 = tpu.memref_slice %arg8[%dma_start3A_27, %dma_start3A_28] : memref<10000x80xf32, #tpu.memory_space<vmem_shared>> -> memref<16x80xf32, #tpu.memory_space<vmem_shared>>
        tpu.enqueue_dma source(%dma_start3A_29 : memref<16x80xf32, #tpu.memory_space<vmem_shared>>) target(%dma_start3A_26 : memref<16x80xf32, #tpu.memory_space<hbm>>) target_semaphore(%run_scoped3A : memref<!tpu.dma_semaphore, #tpu.memory_space<semaphore_mem>>)
        %dma_wait3A = arith.constant 9984 : i32
        %dma_wait3A_30 = arith.constant 0 : i32
        %dma_wait3A_31 = tpu.memref_slice %arg5[%arg0, %dma_wait3A, %dma_wait3A_30] : memref<2x10000x80xf32, #tpu.memory_space<hbm>> -> memref<1x16x80xf32, #tpu.memory_space<hbm>>
        %dma_wait3A_32 = tpu.memref_squeeze %dma_wait3A_31 : memref<1x16x80xf32, #tpu.memory_space<hbm>> -> memref<16x80xf32, #tpu.memory_space<hbm>>
        %dma_wait3A_33 = arith.constant 9984 : i32
        %dma_wait3A_34 = arith.constant 0 : i32
        %dma_wait3A_35 = tpu.memref_slice %arg8[%dma_wait3A_33, %dma_wait3A_34] : memref<10000x80xf32, #tpu.memory_space<vmem_shared>> -> memref<16x80xf32, #tpu.memory_space<vmem_shared>>
        tpu.wait_dma2 semaphore(%run_scoped3A : memref<!tpu.dma_semaphore, #tpu.memory_space<semaphore_mem>>) src(%dma_wait3A_35 : memref<16x80xf32, #tpu.memory_space<vmem_shared>>) dst(%dma_wait3A_32 : memref<16x80xf32, #tpu.memory_space<hbm>>)
        tpu.yield
      }) : () -> ()
    } else {
    }
    return
  }
}

#map = affine_map<(d0, d1) -> (0, 0)>
#map1 = affine_map<(d0, d1) -> (0, 0, 0)>
module attributes {stable_mosaic.version = 14 : i64} {
  func.func @_sc_gather(%arg0: i32, %arg1: i32, %arg2: memref<10000x80xf32, #tpu.memory_space<hbm>>, %arg3: memref<32x125x80xi32, #tpu.memory_space<hbm>>, %arg4: memref<32x125x80xi32, #tpu.memory_space<hbm>>, %arg5: memref<320000x80xf32, #tpu.memory_space<hbm>>, %arg6: memref<320000x80xf32, #tpu.memory_space<hbm>>, %arg7: memref<125x80xi32, #tpu.memory_space<vmem>>, %arg8: memref<125x80xi32, #tpu.memory_space<vmem>>, %arg9: memref<80x80xf32, #tpu.memory_space<vmem>>, %arg10: memref<!tpu.dma_semaphore, #tpu.memory_space<semaphore_mem>>) attributes {dimension_semantics = [#tpu.dimension_semantics<core_parallel>, #tpu.dimension_semantics<subcore_parallel>], iteration_bounds = array<i64: 2, 16>, scalar_prefetch = 0 : i64, scratch_operands = 4 : i64, tpu.core_type = #tpu.core_type<sc_vector_subcore>, window_params = [{transform_indices = #map}, {transform_indices = #map1}, {transform_indices = #map1}, {transform_indices = #map}, {transform_indices = #map}]} {
    %mul3A = arith.constant 2 : i32
    %mul3A_0 = arith.muli %arg1, %mul3A : i32
    %add3A = arith.addi %mul3A_0, %arg0 : i32
    %mul3A_1 = arith.constant 125 : i32
    %mul3A_2 = arith.muli %add3A, %mul3A_1 : i32
    "tpu.region"() ({
      %run_scoped3A = tpu.sem_alloc : memref<!tpu.dma_semaphore, #tpu.memory_space<semaphore_mem>>
      %dma_start3A = arith.constant 0 : i32
      %dma_start3A_8 = arith.constant 0 : i32
      %dma_start3A_9 = tpu.memref_slice %arg3[%add3A, %dma_start3A, %dma_start3A_8] : memref<32x125x80xi32, #tpu.memory_space<hbm>> -> memref<1x125x80xi32, #tpu.memory_space<hbm>>
      %dma_start3A_10 = tpu.memref_squeeze %dma_start3A_9 : memref<1x125x80xi32, #tpu.memory_space<hbm>> -> memref<125x80xi32, #tpu.memory_space<hbm>>
      %dma_start3A_11 = arith.constant 0 : i32
      %dma_start3A_12 = arith.constant 0 : i32
      %dma_start3A_13 = tpu.memref_slice %arg3[%add3A, %dma_start3A_11, %dma_start3A_12] : memref<32x125x80xi32, #tpu.memory_space<hbm>> -> memref<1x125x80xi32, #tpu.memory_space<hbm>>
      %dma_start3A_14 = tpu.memref_squeeze %dma_start3A_13 : memref<1x125x80xi32, #tpu.memory_space<hbm>> -> memref<125x80xi32, #tpu.memory_space<hbm>>
      tpu.enqueue_dma source(%dma_start3A_14 : memref<125x80xi32, #tpu.memory_space<hbm>>) target(%arg7 : memref<125x80xi32, #tpu.memory_space<vmem>>) target_semaphore(%run_scoped3A : memref<!tpu.dma_semaphore, #tpu.memory_space<semaphore_mem>>)
      %dma_wait3A = arith.constant 0 : i32
      %dma_wait3A_15 = arith.constant 0 : i32
      %dma_wait3A_16 = tpu.memref_slice %arg3[%add3A, %dma_wait3A, %dma_wait3A_15] : memref<32x125x80xi32, #tpu.memory_space<hbm>> -> memref<1x125x80xi32, #tpu.memory_space<hbm>>
      %dma_wait3A_17 = tpu.memref_squeeze %dma_wait3A_16 : memref<1x125x80xi32, #tpu.memory_space<hbm>> -> memref<125x80xi32, #tpu.memory_space<hbm>>
      %dma_wait3A_18 = arith.constant 0 : i32
      %dma_wait3A_19 = arith.constant 0 : i32
      %dma_wait3A_20 = tpu.memref_slice %arg3[%add3A, %dma_wait3A_18, %dma_wait3A_19] : memref<32x125x80xi32, #tpu.memory_space<hbm>> -> memref<1x125x80xi32, #tpu.memory_space<hbm>>
      %dma_wait3A_21 = tpu.memref_squeeze %dma_wait3A_20 : memref<1x125x80xi32, #tpu.memory_space<hbm>> -> memref<125x80xi32, #tpu.memory_space<hbm>>
      tpu.wait_dma2 semaphore(%run_scoped3A : memref<!tpu.dma_semaphore, #tpu.memory_space<semaphore_mem>>) src(%dma_wait3A_21 : memref<125x80xi32, #tpu.memory_space<hbm>>) dst(%arg7 : memref<125x80xi32, #tpu.memory_space<vmem>>)
      tpu.yield
    }) : () -> ()
    "tpu.region"() ({
      %run_scoped3A = tpu.sem_alloc : memref<!tpu.dma_semaphore, #tpu.memory_space<semaphore_mem>>
      %dma_start3A = arith.constant 0 : i32
      %dma_start3A_8 = arith.constant 0 : i32
      %dma_start3A_9 = tpu.memref_slice %arg4[%add3A, %dma_start3A, %dma_start3A_8] : memref<32x125x80xi32, #tpu.memory_space<hbm>> -> memref<1x125x80xi32, #tpu.memory_space<hbm>>
      %dma_start3A_10 = tpu.memref_squeeze %dma_start3A_9 : memref<1x125x80xi32, #tpu.memory_space<hbm>> -> memref<125x80xi32, #tpu.memory_space<hbm>>
      %dma_start3A_11 = arith.constant 0 : i32
      %dma_start3A_12 = arith.constant 0 : i32
      %dma_start3A_13 = tpu.memref_slice %arg4[%add3A, %dma_start3A_11, %dma_start3A_12] : memref<32x125x80xi32, #tpu.memory_space<hbm>> -> memref<1x125x80xi32, #tpu.memory_space<hbm>>
      %dma_start3A_14 = tpu.memref_squeeze %dma_start3A_13 : memref<1x125x80xi32, #tpu.memory_space<hbm>> -> memref<125x80xi32, #tpu.memory_space<hbm>>
      tpu.enqueue_dma source(%dma_start3A_14 : memref<125x80xi32, #tpu.memory_space<hbm>>) target(%arg8 : memref<125x80xi32, #tpu.memory_space<vmem>>) target_semaphore(%run_scoped3A : memref<!tpu.dma_semaphore, #tpu.memory_space<semaphore_mem>>)
      %dma_wait3A = arith.constant 0 : i32
      %dma_wait3A_15 = arith.constant 0 : i32
      %dma_wait3A_16 = tpu.memref_slice %arg4[%add3A, %dma_wait3A, %dma_wait3A_15] : memref<32x125x80xi32, #tpu.memory_space<hbm>> -> memref<1x125x80xi32, #tpu.memory_space<hbm>>
      %dma_wait3A_17 = tpu.memref_squeeze %dma_wait3A_16 : memref<1x125x80xi32, #tpu.memory_space<hbm>> -> memref<125x80xi32, #tpu.memory_space<hbm>>
      %dma_wait3A_18 = arith.constant 0 : i32
      %dma_wait3A_19 = arith.constant 0 : i32
      %dma_wait3A_20 = tpu.memref_slice %arg4[%add3A, %dma_wait3A_18, %dma_wait3A_19] : memref<32x125x80xi32, #tpu.memory_space<hbm>> -> memref<1x125x80xi32, #tpu.memory_space<hbm>>
      %dma_wait3A_21 = tpu.memref_squeeze %dma_wait3A_20 : memref<1x125x80xi32, #tpu.memory_space<hbm>> -> memref<125x80xi32, #tpu.memory_space<hbm>>
      tpu.wait_dma2 semaphore(%run_scoped3A : memref<!tpu.dma_semaphore, #tpu.memory_space<semaphore_mem>>) src(%dma_wait3A_21 : memref<125x80xi32, #tpu.memory_space<hbm>>) dst(%arg8 : memref<125x80xi32, #tpu.memory_space<vmem>>)
      tpu.yield
    }) : () -> ()
    %scan3A = arith.constant 0 : i32
    %scan3A_3 = arith.constant 0 : i32
    %scan3A_4 = arith.constant 125 : i32
    %scan3A_5 = arith.addi %scan3A_3, %scan3A_4 : i32
    %scan3A_6 = arith.constant 1 : i32
    scf.for %scan3A_8 = %scan3A_3 to %scan3A_5 step %scan3A_6  : i32 {
      %add3A_9 = arith.addi %mul3A_2, %scan3A_8 : i32
      %mul3A_10 = arith.constant 80 : i32
      %mul3A_11 = arith.muli %add3A_9, %mul3A_10 : i32
      %dma_start3A = arith.constant 0 : i32
      %dma_start3A_12 = tpu.memref_slice %arg7[%scan3A_8, %dma_start3A] : memref<125x80xi32, #tpu.memory_space<vmem>> -> memref<1x80xi32, #tpu.memory_space<vmem>>
      %dma_start3A_13 = tpu.memref_squeeze %dma_start3A_12 : memref<1x80xi32, #tpu.memory_space<vmem>> -> memref<80xi32, #tpu.memory_space<vmem>>
      %dma_start3A_14 = arith.constant 0 : i32
      %dma_start3A_15 = arith.constant 0 : i32
      %dma_start3A_16 = tpu.memref_slice %arg2[%dma_start3A_14, %dma_start3A_15] : memref<10000x80xf32, #tpu.memory_space<hbm>> -> memref<10000x80xf32, #tpu.memory_space<hbm>>
      tpu.enqueue_indirect_dma source(%dma_start3A_16 : memref<10000x80xf32, #tpu.memory_space<hbm>>) target(%arg9 : memref<80x80xf32, #tpu.memory_space<vmem>>) offsets(%dma_start3A_13 : memref<80xi32, #tpu.memory_space<vmem>>) semaphore(%arg10 : memref<!tpu.dma_semaphore, #tpu.memory_space<semaphore_mem>>)
      %dma_wait3A = arith.constant 0 : i32
      %dma_wait3A_17 = tpu.memref_slice %arg7[%scan3A_8, %dma_wait3A] : memref<125x80xi32, #tpu.memory_space<vmem>> -> memref<1x80xi32, #tpu.memory_space<vmem>>
      %dma_wait3A_18 = tpu.memref_squeeze %dma_wait3A_17 : memref<1x80xi32, #tpu.memory_space<vmem>> -> memref<80xi32, #tpu.memory_space<vmem>>
      %dma_wait3A_19 = arith.constant 0 : i32
      %dma_wait3A_20 = arith.constant 0 : i32
      %dma_wait3A_21 = tpu.memref_slice %arg2[%dma_wait3A_19, %dma_wait3A_20] : memref<10000x80xf32, #tpu.memory_space<hbm>> -> memref<10000x80xf32, #tpu.memory_space<hbm>>
      tpu.wait_indirect_dma semaphore(%arg10 : memref<!tpu.dma_semaphore, #tpu.memory_space<semaphore_mem>>) src(%dma_wait3A_21 : memref<10000x80xf32, #tpu.memory_space<hbm>>) dst(%arg9 : memref<80x80xf32, #tpu.memory_space<vmem>>)
      "tpu.region"() ({
        %run_scoped3A = tpu.sem_alloc : memref<!tpu.dma_semaphore, #tpu.memory_space<semaphore_mem>>
        %dma_start3A_34 = arith.constant 0 : i32
        %dma_start3A_35 = tpu.memref_slice %arg5[%mul3A_11, %dma_start3A_34] : memref<320000x80xf32, #tpu.memory_space<hbm>> -> memref<80x80xf32, #tpu.memory_space<hbm>>
        %dma_start3A_36 = arith.constant 0 : i32
        %dma_start3A_37 = tpu.memref_slice %arg5[%mul3A_11, %dma_start3A_36] : memref<320000x80xf32, #tpu.memory_space<hbm>> -> memref<80x80xf32, #tpu.memory_space<hbm>>
        tpu.enqueue_dma source(%arg9 : memref<80x80xf32, #tpu.memory_space<vmem>>) target(%dma_start3A_37 : memref<80x80xf32, #tpu.memory_space<hbm>>) target_semaphore(%run_scoped3A : memref<!tpu.dma_semaphore, #tpu.memory_space<semaphore_mem>>)
        %dma_wait3A_38 = arith.constant 0 : i32
        %dma_wait3A_39 = tpu.memref_slice %arg5[%mul3A_11, %dma_wait3A_38] : memref<320000x80xf32, #tpu.memory_space<hbm>> -> memref<80x80xf32, #tpu.memory_space<hbm>>
        %dma_wait3A_40 = arith.constant 0 : i32
        %dma_wait3A_41 = tpu.memref_slice %arg5[%mul3A_11, %dma_wait3A_40] : memref<320000x80xf32, #tpu.memory_space<hbm>> -> memref<80x80xf32, #tpu.memory_space<hbm>>
        tpu.wait_dma2 semaphore(%run_scoped3A : memref<!tpu.dma_semaphore, #tpu.memory_space<semaphore_mem>>) src(%arg9 : memref<80x80xf32, #tpu.memory_space<vmem>>) dst(%dma_wait3A_41 : memref<80x80xf32, #tpu.memory_space<hbm>>)
        tpu.yield
      }) : () -> ()
      %dma_start3A_22 = arith.constant 0 : i32
      %dma_start3A_23 = tpu.memref_slice %arg8[%scan3A_8, %dma_start3A_22] : memref<125x80xi32, #tpu.memory_space<vmem>> -> memref<1x80xi32, #tpu.memory_space<vmem>>
      %dma_start3A_24 = tpu.memref_squeeze %dma_start3A_23 : memref<1x80xi32, #tpu.memory_space<vmem>> -> memref<80xi32, #tpu.memory_space<vmem>>
      %dma_start3A_25 = arith.constant 0 : i32
      %dma_start3A_26 = arith.constant 0 : i32
      %dma_start3A_27 = tpu.memref_slice %arg2[%dma_start3A_25, %dma_start3A_26] : memref<10000x80xf32, #tpu.memory_space<hbm>> -> memref<10000x80xf32, #tpu.memory_space<hbm>>
      tpu.enqueue_indirect_dma source(%dma_start3A_27 : memref<10000x80xf32, #tpu.memory_space<hbm>>) target(%arg9 : memref<80x80xf32, #tpu.memory_space<vmem>>) offsets(%dma_start3A_24 : memref<80xi32, #tpu.memory_space<vmem>>) semaphore(%arg10 : memref<!tpu.dma_semaphore, #tpu.memory_space<semaphore_mem>>)
      %dma_wait3A_28 = arith.constant 0 : i32
      %dma_wait3A_29 = tpu.memref_slice %arg8[%scan3A_8, %dma_wait3A_28] : memref<125x80xi32, #tpu.memory_space<vmem>> -> memref<1x80xi32, #tpu.memory_space<vmem>>
      %dma_wait3A_30 = tpu.memref_squeeze %dma_wait3A_29 : memref<1x80xi32, #tpu.memory_space<vmem>> -> memref<80xi32, #tpu.memory_space<vmem>>
      %dma_wait3A_31 = arith.constant 0 : i32
      %dma_wait3A_32 = arith.constant 0 : i32
      %dma_wait3A_33 = tpu.memref_slice %arg2[%dma_wait3A_31, %dma_wait3A_32] : memref<10000x80xf32, #tpu.memory_space<hbm>> -> memref<10000x80xf32, #tpu.memory_space<hbm>>
      tpu.wait_indirect_dma semaphore(%arg10 : memref<!tpu.dma_semaphore, #tpu.memory_space<semaphore_mem>>) src(%dma_wait3A_33 : memref<10000x80xf32, #tpu.memory_space<hbm>>) dst(%arg9 : memref<80x80xf32, #tpu.memory_space<vmem>>)
      "tpu.region"() ({
        %run_scoped3A = tpu.sem_alloc : memref<!tpu.dma_semaphore, #tpu.memory_space<semaphore_mem>>
        %dma_start3A_34 = arith.constant 0 : i32
        %dma_start3A_35 = tpu.memref_slice %arg6[%mul3A_11, %dma_start3A_34] : memref<320000x80xf32, #tpu.memory_space<hbm>> -> memref<80x80xf32, #tpu.memory_space<hbm>>
        %dma_start3A_36 = arith.constant 0 : i32
        %dma_start3A_37 = tpu.memref_slice %arg6[%mul3A_11, %dma_start3A_36] : memref<320000x80xf32, #tpu.memory_space<hbm>> -> memref<80x80xf32, #tpu.memory_space<hbm>>
        tpu.enqueue_dma source(%arg9 : memref<80x80xf32, #tpu.memory_space<vmem>>) target(%dma_start3A_37 : memref<80x80xf32, #tpu.memory_space<hbm>>) target_semaphore(%run_scoped3A : memref<!tpu.dma_semaphore, #tpu.memory_space<semaphore_mem>>)
        %dma_wait3A_38 = arith.constant 0 : i32
        %dma_wait3A_39 = tpu.memref_slice %arg6[%mul3A_11, %dma_wait3A_38] : memref<320000x80xf32, #tpu.memory_space<hbm>> -> memref<80x80xf32, #tpu.memory_space<hbm>>
        %dma_wait3A_40 = arith.constant 0 : i32
        %dma_wait3A_41 = tpu.memref_slice %arg6[%mul3A_11, %dma_wait3A_40] : memref<320000x80xf32, #tpu.memory_space<hbm>> -> memref<80x80xf32, #tpu.memory_space<hbm>>
        tpu.wait_dma2 semaphore(%run_scoped3A : memref<!tpu.dma_semaphore, #tpu.memory_space<semaphore_mem>>) src(%arg9 : memref<80x80xf32, #tpu.memory_space<vmem>>) dst(%dma_wait3A_41 : memref<80x80xf32, #tpu.memory_space<hbm>>)
        tpu.yield
      }) : () -> ()
    }
    %scan3A_7 = arith.constant 125 : i32
    return
  }
}

#map = affine_map<(d0, d1) -> (0, 0)>
#map1 = affine_map<(d0, d1) -> (0, 0, 0)>
module attributes {stable_mosaic.version = 14 : i64} {
  func.func @_sc_scatter(%arg0: i32, %arg1: i32, %arg2: memref<320000x80xf32, #tpu.memory_space<hbm>>, %arg3: memref<32x125x80xi32, #tpu.memory_space<hbm>>, %arg4: memref<10000x80xf32, #tpu.memory_space<hbm>>, %arg5: memref<2x10000x80xf32, #tpu.memory_space<hbm>>, %arg6: memref<125x80xi32, #tpu.memory_space<vmem>>, %arg7: memref<80x80xf32, #tpu.memory_space<vmem>>, %arg8: memref<10000x80xf32, #tpu.memory_space<vmem_shared>>) attributes {dimension_semantics = [#tpu.dimension_semantics<core_parallel>, #tpu.dimension_semantics<subcore_parallel>], iteration_bounds = array<i64: 2, 16>, scalar_prefetch = 0 : i64, scratch_operands = 3 : i64, tpu.core_type = #tpu.core_type<sc_vector_subcore>, window_params = [{transform_indices = #map}, {transform_indices = #map1}, {transform_indices = #map}, {transform_indices = #map1}]} {
    %mul3A = arith.constant 2 : i32
    %mul3A_0 = arith.muli %arg1, %mul3A : i32
    %add3A = arith.addi %mul3A_0, %arg0 : i32
    %mul3A_1 = arith.constant 125 : i32
    %mul3A_2 = arith.muli %add3A, %mul3A_1 : i32
    %mul3A_3 = arith.constant 624 : i32
    %mul3A_4 = arith.muli %arg1, %mul3A_3 : i32
    %mul3A_5 = arith.constant 624 : i32
    %mul3A_6 = arith.muli %arg1, %mul3A_5 : i32
    "tpu.region"() ({
      %run_scoped3A = tpu.sem_alloc : memref<!tpu.dma_semaphore, #tpu.memory_space<semaphore_mem>>
      %dma_start3A = arith.constant 0 : i32
      %dma_start3A_24 = tpu.memref_slice %arg8[%mul3A_6, %dma_start3A] : memref<10000x80xf32, #tpu.memory_space<vmem_shared>> -> memref<624x80xf32, #tpu.memory_space<vmem_shared>>
      %dma_start3A_25 = arith.constant 0 : i32
      %dma_start3A_26 = tpu.memref_slice %arg4[%mul3A_4, %dma_start3A_25] : memref<10000x80xf32, #tpu.memory_space<hbm>> -> memref<624x80xf32, #tpu.memory_space<hbm>>
      tpu.enqueue_dma source(%dma_start3A_26 : memref<624x80xf32, #tpu.memory_space<hbm>>) target(%dma_start3A_24 : memref<624x80xf32, #tpu.memory_space<vmem_shared>>) target_semaphore(%run_scoped3A : memref<!tpu.dma_semaphore, #tpu.memory_space<semaphore_mem>>)
      %dma_wait3A = arith.constant 0 : i32
      %dma_wait3A_27 = tpu.memref_slice %arg8[%mul3A_6, %dma_wait3A] : memref<10000x80xf32, #tpu.memory_space<vmem_shared>> -> memref<624x80xf32, #tpu.memory_space<vmem_shared>>
      %dma_wait3A_28 = arith.constant 0 : i32
      %dma_wait3A_29 = tpu.memref_slice %arg4[%mul3A_4, %dma_wait3A_28] : memref<10000x80xf32, #tpu.memory_space<hbm>> -> memref<624x80xf32, #tpu.memory_space<hbm>>
      tpu.wait_dma2 semaphore(%run_scoped3A : memref<!tpu.dma_semaphore, #tpu.memory_space<semaphore_mem>>) src(%dma_wait3A_29 : memref<624x80xf32, #tpu.memory_space<hbm>>) dst(%dma_wait3A_27 : memref<624x80xf32, #tpu.memory_space<vmem_shared>>)
      tpu.yield
    }) : () -> ()
    %eq3A = arith.constant 15 : i32
    %eq3A_7 = arith.cmpi eq, %arg1, %eq3A : i32
    %convert_element_type3A = arith.extui %eq3A_7 : i1 to i32
    %cond3A = arith.constant 0 : i32
    %cond3A_8 = arith.cmpi ne, %convert_element_type3A, %cond3A : i32
    scf.if %cond3A_8 {
      "tpu.region"() ({
        %run_scoped3A = tpu.sem_alloc : memref<!tpu.dma_semaphore, #tpu.memory_space<semaphore_mem>>
        %dma_start3A = arith.constant 9984 : i32
        %dma_start3A_24 = arith.constant 0 : i32
        %dma_start3A_25 = tpu.memref_slice %arg8[%dma_start3A, %dma_start3A_24] : memref<10000x80xf32, #tpu.memory_space<vmem_shared>> -> memref<16x80xf32, #tpu.memory_space<vmem_shared>>
        %dma_start3A_26 = arith.constant 9984 : i32
        %dma_start3A_27 = arith.constant 0 : i32
        %dma_start3A_28 = tpu.memref_slice %arg4[%dma_start3A_26, %dma_start3A_27] : memref<10000x80xf32, #tpu.memory_space<hbm>> -> memref<16x80xf32, #tpu.memory_space<hbm>>
        tpu.enqueue_dma source(%dma_start3A_28 : memref<16x80xf32, #tpu.memory_space<hbm>>) target(%dma_start3A_25 : memref<16x80xf32, #tpu.memory_space<vmem_shared>>) target_semaphore(%run_scoped3A : memref<!tpu.dma_semaphore, #tpu.memory_space<semaphore_mem>>)
        %dma_wait3A = arith.constant 9984 : i32
        %dma_wait3A_29 = arith.constant 0 : i32
        %dma_wait3A_30 = tpu.memref_slice %arg8[%dma_wait3A, %dma_wait3A_29] : memref<10000x80xf32, #tpu.memory_space<vmem_shared>> -> memref<16x80xf32, #tpu.memory_space<vmem_shared>>
        %dma_wait3A_31 = arith.constant 9984 : i32
        %dma_wait3A_32 = arith.constant 0 : i32
        %dma_wait3A_33 = tpu.memref_slice %arg4[%dma_wait3A_31, %dma_wait3A_32] : memref<10000x80xf32, #tpu.memory_space<hbm>> -> memref<16x80xf32, #tpu.memory_space<hbm>>
        tpu.wait_dma2 semaphore(%run_scoped3A : memref<!tpu.dma_semaphore, #tpu.memory_space<semaphore_mem>>) src(%dma_wait3A_33 : memref<16x80xf32, #tpu.memory_space<hbm>>) dst(%dma_wait3A_30 : memref<16x80xf32, #tpu.memory_space<vmem_shared>>)
        tpu.yield
      }) : () -> ()
    } else {
    }
    "tpu.region"() ({
      %run_scoped3A = tpu.sem_alloc : memref<!tpu.dma_semaphore, #tpu.memory_space<semaphore_mem>>
      %dma_start3A = arith.constant 0 : i32
      %dma_start3A_24 = arith.constant 0 : i32
      %dma_start3A_25 = tpu.memref_slice %arg3[%add3A, %dma_start3A, %dma_start3A_24] : memref<32x125x80xi32, #tpu.memory_space<hbm>> -> memref<1x125x80xi32, #tpu.memory_space<hbm>>
      %dma_start3A_26 = tpu.memref_squeeze %dma_start3A_25 : memref<1x125x80xi32, #tpu.memory_space<hbm>> -> memref<125x80xi32, #tpu.memory_space<hbm>>
      %dma_start3A_27 = arith.constant 0 : i32
      %dma_start3A_28 = arith.constant 0 : i32
      %dma_start3A_29 = tpu.memref_slice %arg3[%add3A, %dma_start3A_27, %dma_start3A_28] : memref<32x125x80xi32, #tpu.memory_space<hbm>> -> memref<1x125x80xi32, #tpu.memory_space<hbm>>
      %dma_start3A_30 = tpu.memref_squeeze %dma_start3A_29 : memref<1x125x80xi32, #tpu.memory_space<hbm>> -> memref<125x80xi32, #tpu.memory_space<hbm>>
      tpu.enqueue_dma source(%dma_start3A_30 : memref<125x80xi32, #tpu.memory_space<hbm>>) target(%arg6 : memref<125x80xi32, #tpu.memory_space<vmem>>) target_semaphore(%run_scoped3A : memref<!tpu.dma_semaphore, #tpu.memory_space<semaphore_mem>>)
      %dma_wait3A = arith.constant 0 : i32
      %dma_wait3A_31 = arith.constant 0 : i32
      %dma_wait3A_32 = tpu.memref_slice %arg3[%add3A, %dma_wait3A, %dma_wait3A_31] : memref<32x125x80xi32, #tpu.memory_space<hbm>> -> memref<1x125x80xi32, #tpu.memory_space<hbm>>
      %dma_wait3A_33 = tpu.memref_squeeze %dma_wait3A_32 : memref<1x125x80xi32, #tpu.memory_space<hbm>> -> memref<125x80xi32, #tpu.memory_space<hbm>>
      %dma_wait3A_34 = arith.constant 0 : i32
      %dma_wait3A_35 = arith.constant 0 : i32
      %dma_wait3A_36 = tpu.memref_slice %arg3[%add3A, %dma_wait3A_34, %dma_wait3A_35] : memref<32x125x80xi32, #tpu.memory_space<hbm>> -> memref<1x125x80xi32, #tpu.memory_space<hbm>>
      %dma_wait3A_37 = tpu.memref_squeeze %dma_wait3A_36 : memref<1x125x80xi32, #tpu.memory_space<hbm>> -> memref<125x80xi32, #tpu.memory_space<hbm>>
      tpu.wait_dma2 semaphore(%run_scoped3A : memref<!tpu.dma_semaphore, #tpu.memory_space<semaphore_mem>>) src(%dma_wait3A_37 : memref<125x80xi32, #tpu.memory_space<hbm>>) dst(%arg6 : memref<125x80xi32, #tpu.memory_space<vmem>>)
      tpu.yield
    }) : () -> ()
    %barrier3A = arith.constant 0 : index
    tpu.barrier barrier_id(%barrier3A)
    %scan3A = arith.constant 0 : i32
    %scan3A_9 = arith.constant 0 : i32
    %scan3A_10 = arith.constant 125 : i32
    %scan3A_11 = arith.addi %scan3A_9, %scan3A_10 : i32
    %scan3A_12 = arith.constant 1 : i32
    scf.for %scan3A_24 = %scan3A_9 to %scan3A_11 step %scan3A_12  : i32 {
      %add3A_25 = arith.addi %mul3A_2, %scan3A_24 : i32
      %mul3A_26 = arith.constant 80 : i32
      %mul3A_27 = arith.muli %add3A_25, %mul3A_26 : i32
      "tpu.region"() ({
        %run_scoped3A = tpu.sem_alloc : memref<!tpu.dma_semaphore, #tpu.memory_space<semaphore_mem>>
        %dma_start3A = arith.constant 0 : i32
        %dma_start3A_28 = tpu.memref_slice %arg2[%mul3A_27, %dma_start3A] : memref<320000x80xf32, #tpu.memory_space<hbm>> -> memref<80x80xf32, #tpu.memory_space<hbm>>
        %dma_start3A_29 = arith.constant 0 : i32
        %dma_start3A_30 = tpu.memref_slice %arg2[%mul3A_27, %dma_start3A_29] : memref<320000x80xf32, #tpu.memory_space<hbm>> -> memref<80x80xf32, #tpu.memory_space<hbm>>
        tpu.enqueue_dma source(%dma_start3A_30 : memref<80x80xf32, #tpu.memory_space<hbm>>) target(%arg7 : memref<80x80xf32, #tpu.memory_space<vmem>>) target_semaphore(%run_scoped3A : memref<!tpu.dma_semaphore, #tpu.memory_space<semaphore_mem>>)
        %dma_wait3A = arith.constant 0 : i32
        %dma_wait3A_31 = tpu.memref_slice %arg2[%mul3A_27, %dma_wait3A] : memref<320000x80xf32, #tpu.memory_space<hbm>> -> memref<80x80xf32, #tpu.memory_space<hbm>>
        %dma_wait3A_32 = arith.constant 0 : i32
        %dma_wait3A_33 = tpu.memref_slice %arg2[%mul3A_27, %dma_wait3A_32] : memref<320000x80xf32, #tpu.memory_space<hbm>> -> memref<80x80xf32, #tpu.memory_space<hbm>>
        tpu.wait_dma2 semaphore(%run_scoped3A : memref<!tpu.dma_semaphore, #tpu.memory_space<semaphore_mem>>) src(%dma_wait3A_33 : memref<80x80xf32, #tpu.memory_space<hbm>>) dst(%arg7 : memref<80x80xf32, #tpu.memory_space<vmem>>)
        tpu.yield
      }) : () -> ()
      "tpu.region"() ({
        %run_scoped3A = tpu.sem_alloc : memref<!tpu.dma_semaphore, #tpu.memory_space<semaphore_mem>>
        %dma_start3A = arith.constant 0 : i32
        %dma_start3A_28 = tpu.memref_slice %arg6[%scan3A_24, %dma_start3A] : memref<125x80xi32, #tpu.memory_space<vmem>> -> memref<1x80xi32, #tpu.memory_space<vmem>>
        %dma_start3A_29 = tpu.memref_squeeze %dma_start3A_28 : memref<1x80xi32, #tpu.memory_space<vmem>> -> memref<80xi32, #tpu.memory_space<vmem>>
        %dma_start3A_30 = arith.constant 0 : i32
        %dma_start3A_31 = arith.constant 0 : i32
        %dma_start3A_32 = tpu.memref_slice %arg8[%dma_start3A_30, %dma_start3A_31] : memref<10000x80xf32, #tpu.memory_space<vmem_shared>> -> memref<10000x80xf32, #tpu.memory_space<vmem_shared>>
        tpu.enqueue_indirect_dma source(%arg7 : memref<80x80xf32, #tpu.memory_space<vmem>>) target(%dma_start3A_32 : memref<10000x80xf32, #tpu.memory_space<vmem_shared>>) offsets(%dma_start3A_29 : memref<80xi32, #tpu.memory_space<vmem>>) semaphore(%run_scoped3A : memref<!tpu.dma_semaphore, #tpu.memory_space<semaphore_mem>>) {add = true}
        %dma_wait3A = arith.constant 0 : i32
        %dma_wait3A_33 = tpu.memref_slice %arg6[%scan3A_24, %dma_wait3A] : memref<125x80xi32, #tpu.memory_space<vmem>> -> memref<1x80xi32, #tpu.memory_space<vmem>>
        %dma_wait3A_34 = tpu.memref_squeeze %dma_wait3A_33 : memref<1x80xi32, #tpu.memory_space<vmem>> -> memref<80xi32, #tpu.memory_space<vmem>>
        %dma_wait3A_35 = arith.constant 0 : i32
        %dma_wait3A_36 = arith.constant 0 : i32
        %dma_wait3A_37 = tpu.memref_slice %arg8[%dma_wait3A_35, %dma_wait3A_36] : memref<10000x80xf32, #tpu.memory_space<vmem_shared>> -> memref<10000x80xf32, #tpu.memory_space<vmem_shared>>
        tpu.wait_indirect_dma semaphore(%run_scoped3A : memref<!tpu.dma_semaphore, #tpu.memory_space<semaphore_mem>>) src(%arg7 : memref<80x80xf32, #tpu.memory_space<vmem>>) dst(%dma_wait3A_37 : memref<10000x80xf32, #tpu.memory_space<vmem_shared>>)
        tpu.yield
      }) : () -> ()
    }
    %scan3A_13 = arith.constant 125 : i32
    %barrier3A_14 = arith.constant 0 : index
    tpu.barrier barrier_id(%barrier3A_14)
    %mul3A_15 = arith.constant 624 : i32
    %mul3A_16 = arith.muli %arg1, %mul3A_15 : i32
    %mul3A_17 = arith.constant 624 : i32
    %mul3A_18 = arith.muli %arg1, %mul3A_17 : i32
    "tpu.region"() ({
      %run_scoped3A = tpu.sem_alloc : memref<!tpu.dma_semaphore, #tpu.memory_space<semaphore_mem>>
      %dma_start3A = arith.constant 0 : i32
      %dma_start3A_24 = tpu.memref_slice %arg5[%arg0, %mul3A_18, %dma_start3A] : memref<2x10000x80xf32, #tpu.memory_space<hbm>> -> memref<1x624x80xf32, #tpu.memory_space<hbm>>
      %dma_start3A_25 = tpu.memref_squeeze %dma_start3A_24 : memref<1x624x80xf32, #tpu.memory_space<hbm>> -> memref<624x80xf32, #tpu.memory_space<hbm>>
      %dma_start3A_26 = arith.constant 0 : i32
      %dma_start3A_27 = tpu.memref_slice %arg8[%mul3A_16, %dma_start3A_26] : memref<10000x80xf32, #tpu.memory_space<vmem_shared>> -> memref<624x80xf32, #tpu.memory_space<vmem_shared>>
      tpu.enqueue_dma source(%dma_start3A_27 : memref<624x80xf32, #tpu.memory_space<vmem_shared>>) target(%dma_start3A_25 : memref<624x80xf32, #tpu.memory_space<hbm>>) target_semaphore(%run_scoped3A : memref<!tpu.dma_semaphore, #tpu.memory_space<semaphore_mem>>)
      %dma_wait3A = arith.constant 0 : i32
      %dma_wait3A_28 = tpu.memref_slice %arg5[%arg0, %mul3A_18, %dma_wait3A] : memref<2x10000x80xf32, #tpu.memory_space<hbm>> -> memref<1x624x80xf32, #tpu.memory_space<hbm>>
      %dma_wait3A_29 = tpu.memref_squeeze %dma_wait3A_28 : memref<1x624x80xf32, #tpu.memory_space<hbm>> -> memref<624x80xf32, #tpu.memory_space<hbm>>
      %dma_wait3A_30 = arith.constant 0 : i32
      %dma_wait3A_31 = tpu.memref_slice %arg8[%mul3A_16, %dma_wait3A_30] : memref<10000x80xf32, #tpu.memory_space<vmem_shared>> -> memref<624x80xf32, #tpu.memory_space<vmem_shared>>
      tpu.wait_dma2 semaphore(%run_scoped3A : memref<!tpu.dma_semaphore, #tpu.memory_space<semaphore_mem>>) src(%dma_wait3A_31 : memref<624x80xf32, #tpu.memory_space<vmem_shared>>) dst(%dma_wait3A_29 : memref<624x80xf32, #tpu.memory_space<hbm>>)
      tpu.yield
    }) : () -> ()
    %eq3A_19 = arith.constant 15 : i32
    %eq3A_20 = arith.cmpi eq, %arg1, %eq3A_19 : i32
    %convert_element_type3A_21 = arith.extui %eq3A_20 : i1 to i32
    %cond3A_22 = arith.constant 0 : i32
    %cond3A_23 = arith.cmpi ne, %convert_element_type3A_21, %cond3A_22 : i32
    scf.if %cond3A_23 {
      "tpu.region"() ({
        %run_scoped3A = tpu.sem_alloc : memref<!tpu.dma_semaphore, #tpu.memory_space<semaphore_mem>>
        %dma_start3A = arith.constant 9984 : i32
        %dma_start3A_24 = arith.constant 0 : i32
        %dma_start3A_25 = tpu.memref_slice %arg5[%arg0, %dma_start3A, %dma_start3A_24] : memref<2x10000x80xf32, #tpu.memory_space<hbm>> -> memref<1x16x80xf32, #tpu.memory_space<hbm>>
        %dma_start3A_26 = tpu.memref_squeeze %dma_start3A_25 : memref<1x16x80xf32, #tpu.memory_space<hbm>> -> memref<16x80xf32, #tpu.memory_space<hbm>>
        %dma_start3A_27 = arith.constant 9984 : i32
        %dma_start3A_28 = arith.constant 0 : i32
        %dma_start3A_29 = tpu.memref_slice %arg8[%dma_start3A_27, %dma_start3A_28] : memref<10000x80xf32, #tpu.memory_space<vmem_shared>> -> memref<16x80xf32, #tpu.memory_space<vmem_shared>>
        tpu.enqueue_dma source(%dma_start3A_29 : memref<16x80xf32, #tpu.memory_space<vmem_shared>>) target(%dma_start3A_26 : memref<16x80xf32, #tpu.memory_space<hbm>>) target_semaphore(%run_scoped3A : memref<!tpu.dma_semaphore, #tpu.memory_space<semaphore_mem>>)
        %dma_wait3A = arith.constant 9984 : i32
        %dma_wait3A_30 = arith.constant 0 : i32
        %dma_wait3A_31 = tpu.memref_slice %arg5[%arg0, %dma_wait3A, %dma_wait3A_30] : memref<2x10000x80xf32, #tpu.memory_space<hbm>> -> memref<1x16x80xf32, #tpu.memory_space<hbm>>
        %dma_wait3A_32 = tpu.memref_squeeze %dma_wait3A_31 : memref<1x16x80xf32, #tpu.memory_space<hbm>> -> memref<16x80xf32, #tpu.memory_space<hbm>>
        %dma_wait3A_33 = arith.constant 9984 : i32
        %dma_wait3A_34 = arith.constant 0 : i32
        %dma_wait3A_35 = tpu.memref_slice %arg8[%dma_wait3A_33, %dma_wait3A_34] : memref<10000x80xf32, #tpu.memory_space<vmem_shared>> -> memref<16x80xf32, #tpu.memory_space<vmem_shared>>
        tpu.wait_dma2 semaphore(%run_scoped3A : memref<!tpu.dma_semaphore, #tpu.memory_space<semaphore_mem>>) src(%dma_wait3A_35 : memref<16x80xf32, #tpu.memory_space<vmem_shared>>) dst(%dma_wait3A_32 : memref<16x80xf32, #tpu.memory_space<hbm>>)
        tpu.yield
      }) : () -> ()
    } else {
    }
    return
  }
}

#map = affine_map<(d0, d1) -> (0, 0)>
#map1 = affine_map<(d0, d1) -> (0, 0, 0)>
module attributes {stable_mosaic.version = 14 : i64} {
  func.func @_sc_gather(%arg0: i32, %arg1: i32, %arg2: memref<10000x80xf32, #tpu.memory_space<hbm>>, %arg3: memref<32x125x80xi32, #tpu.memory_space<hbm>>, %arg4: memref<32x125x80xi32, #tpu.memory_space<hbm>>, %arg5: memref<320000x80xf32, #tpu.memory_space<hbm>>, %arg6: memref<320000x80xf32, #tpu.memory_space<hbm>>, %arg7: memref<125x80xi32, #tpu.memory_space<vmem>>, %arg8: memref<125x80xi32, #tpu.memory_space<vmem>>, %arg9: memref<80x80xf32, #tpu.memory_space<vmem>>, %arg10: memref<!tpu.dma_semaphore, #tpu.memory_space<semaphore_mem>>) attributes {dimension_semantics = [#tpu.dimension_semantics<core_parallel>, #tpu.dimension_semantics<subcore_parallel>], iteration_bounds = array<i64: 2, 16>, scalar_prefetch = 0 : i64, scratch_operands = 4 : i64, tpu.core_type = #tpu.core_type<sc_vector_subcore>, window_params = [{transform_indices = #map}, {transform_indices = #map1}, {transform_indices = #map1}, {transform_indices = #map}, {transform_indices = #map}]} {
    %mul3A = arith.constant 2 : i32
    %mul3A_0 = arith.muli %arg1, %mul3A : i32
    %add3A = arith.addi %mul3A_0, %arg0 : i32
    %mul3A_1 = arith.constant 125 : i32
    %mul3A_2 = arith.muli %add3A, %mul3A_1 : i32
    "tpu.region"() ({
      %run_scoped3A = tpu.sem_alloc : memref<!tpu.dma_semaphore, #tpu.memory_space<semaphore_mem>>
      %dma_start3A = arith.constant 0 : i32
      %dma_start3A_8 = arith.constant 0 : i32
      %dma_start3A_9 = tpu.memref_slice %arg3[%add3A, %dma_start3A, %dma_start3A_8] : memref<32x125x80xi32, #tpu.memory_space<hbm>> -> memref<1x125x80xi32, #tpu.memory_space<hbm>>
      %dma_start3A_10 = tpu.memref_squeeze %dma_start3A_9 : memref<1x125x80xi32, #tpu.memory_space<hbm>> -> memref<125x80xi32, #tpu.memory_space<hbm>>
      %dma_start3A_11 = arith.constant 0 : i32
      %dma_start3A_12 = arith.constant 0 : i32
      %dma_start3A_13 = tpu.memref_slice %arg3[%add3A, %dma_start3A_11, %dma_start3A_12] : memref<32x125x80xi32, #tpu.memory_space<hbm>> -> memref<1x125x80xi32, #tpu.memory_space<hbm>>
      %dma_start3A_14 = tpu.memref_squeeze %dma_start3A_13 : memref<1x125x80xi32, #tpu.memory_space<hbm>> -> memref<125x80xi32, #tpu.memory_space<hbm>>
      tpu.enqueue_dma source(%dma_start3A_14 : memref<125x80xi32, #tpu.memory_space<hbm>>) target(%arg7 : memref<125x80xi32, #tpu.memory_space<vmem>>) target_semaphore(%run_scoped3A : memref<!tpu.dma_semaphore, #tpu.memory_space<semaphore_mem>>)
      %dma_wait3A = arith.constant 0 : i32
      %dma_wait3A_15 = arith.constant 0 : i32
      %dma_wait3A_16 = tpu.memref_slice %arg3[%add3A, %dma_wait3A, %dma_wait3A_15] : memref<32x125x80xi32, #tpu.memory_space<hbm>> -> memref<1x125x80xi32, #tpu.memory_space<hbm>>
      %dma_wait3A_17 = tpu.memref_squeeze %dma_wait3A_16 : memref<1x125x80xi32, #tpu.memory_space<hbm>> -> memref<125x80xi32, #tpu.memory_space<hbm>>
      %dma_wait3A_18 = arith.constant 0 : i32
      %dma_wait3A_19 = arith.constant 0 : i32
      %dma_wait3A_20 = tpu.memref_slice %arg3[%add3A, %dma_wait3A_18, %dma_wait3A_19] : memref<32x125x80xi32, #tpu.memory_space<hbm>> -> memref<1x125x80xi32, #tpu.memory_space<hbm>>
      %dma_wait3A_21 = tpu.memref_squeeze %dma_wait3A_20 : memref<1x125x80xi32, #tpu.memory_space<hbm>> -> memref<125x80xi32, #tpu.memory_space<hbm>>
      tpu.wait_dma2 semaphore(%run_scoped3A : memref<!tpu.dma_semaphore, #tpu.memory_space<semaphore_mem>>) src(%dma_wait3A_21 : memref<125x80xi32, #tpu.memory_space<hbm>>) dst(%arg7 : memref<125x80xi32, #tpu.memory_space<vmem>>)
      tpu.yield
    }) : () -> ()
    "tpu.region"() ({
      %run_scoped3A = tpu.sem_alloc : memref<!tpu.dma_semaphore, #tpu.memory_space<semaphore_mem>>
      %dma_start3A = arith.constant 0 : i32
      %dma_start3A_8 = arith.constant 0 : i32
      %dma_start3A_9 = tpu.memref_slice %arg4[%add3A, %dma_start3A, %dma_start3A_8] : memref<32x125x80xi32, #tpu.memory_space<hbm>> -> memref<1x125x80xi32, #tpu.memory_space<hbm>>
      %dma_start3A_10 = tpu.memref_squeeze %dma_start3A_9 : memref<1x125x80xi32, #tpu.memory_space<hbm>> -> memref<125x80xi32, #tpu.memory_space<hbm>>
      %dma_start3A_11 = arith.constant 0 : i32
      %dma_start3A_12 = arith.constant 0 : i32
      %dma_start3A_13 = tpu.memref_slice %arg4[%add3A, %dma_start3A_11, %dma_start3A_12] : memref<32x125x80xi32, #tpu.memory_space<hbm>> -> memref<1x125x80xi32, #tpu.memory_space<hbm>>
      %dma_start3A_14 = tpu.memref_squeeze %dma_start3A_13 : memref<1x125x80xi32, #tpu.memory_space<hbm>> -> memref<125x80xi32, #tpu.memory_space<hbm>>
      tpu.enqueue_dma source(%dma_start3A_14 : memref<125x80xi32, #tpu.memory_space<hbm>>) target(%arg8 : memref<125x80xi32, #tpu.memory_space<vmem>>) target_semaphore(%run_scoped3A : memref<!tpu.dma_semaphore, #tpu.memory_space<semaphore_mem>>)
      %dma_wait3A = arith.constant 0 : i32
      %dma_wait3A_15 = arith.constant 0 : i32
      %dma_wait3A_16 = tpu.memref_slice %arg4[%add3A, %dma_wait3A, %dma_wait3A_15] : memref<32x125x80xi32, #tpu.memory_space<hbm>> -> memref<1x125x80xi32, #tpu.memory_space<hbm>>
      %dma_wait3A_17 = tpu.memref_squeeze %dma_wait3A_16 : memref<1x125x80xi32, #tpu.memory_space<hbm>> -> memref<125x80xi32, #tpu.memory_space<hbm>>
      %dma_wait3A_18 = arith.constant 0 : i32
      %dma_wait3A_19 = arith.constant 0 : i32
      %dma_wait3A_20 = tpu.memref_slice %arg4[%add3A, %dma_wait3A_18, %dma_wait3A_19] : memref<32x125x80xi32, #tpu.memory_space<hbm>> -> memref<1x125x80xi32, #tpu.memory_space<hbm>>
      %dma_wait3A_21 = tpu.memref_squeeze %dma_wait3A_20 : memref<1x125x80xi32, #tpu.memory_space<hbm>> -> memref<125x80xi32, #tpu.memory_space<hbm>>
      tpu.wait_dma2 semaphore(%run_scoped3A : memref<!tpu.dma_semaphore, #tpu.memory_space<semaphore_mem>>) src(%dma_wait3A_21 : memref<125x80xi32, #tpu.memory_space<hbm>>) dst(%arg8 : memref<125x80xi32, #tpu.memory_space<vmem>>)
      tpu.yield
    }) : () -> ()
    %scan3A = arith.constant 0 : i32
    %scan3A_3 = arith.constant 0 : i32
    %scan3A_4 = arith.constant 125 : i32
    %scan3A_5 = arith.addi %scan3A_3, %scan3A_4 : i32
    %scan3A_6 = arith.constant 1 : i32
    scf.for %scan3A_8 = %scan3A_3 to %scan3A_5 step %scan3A_6  : i32 {
      %add3A_9 = arith.addi %mul3A_2, %scan3A_8 : i32
      %mul3A_10 = arith.constant 80 : i32
      %mul3A_11 = arith.muli %add3A_9, %mul3A_10 : i32
      %dma_start3A = arith.constant 0 : i32
      %dma_start3A_12 = tpu.memref_slice %arg7[%scan3A_8, %dma_start3A] : memref<125x80xi32, #tpu.memory_space<vmem>> -> memref<1x80xi32, #tpu.memory_space<vmem>>
      %dma_start3A_13 = tpu.memref_squeeze %dma_start3A_12 : memref<1x80xi32, #tpu.memory_space<vmem>> -> memref<80xi32, #tpu.memory_space<vmem>>
      %dma_start3A_14 = arith.constant 0 : i32
      %dma_start3A_15 = arith.constant 0 : i32
      %dma_start3A_16 = tpu.memref_slice %arg2[%dma_start3A_14, %dma_start3A_15] : memref<10000x80xf32, #tpu.memory_space<hbm>> -> memref<10000x80xf32, #tpu.memory_space<hbm>>
      tpu.enqueue_indirect_dma source(%dma_start3A_16 : memref<10000x80xf32, #tpu.memory_space<hbm>>) target(%arg9 : memref<80x80xf32, #tpu.memory_space<vmem>>) offsets(%dma_start3A_13 : memref<80xi32, #tpu.memory_space<vmem>>) semaphore(%arg10 : memref<!tpu.dma_semaphore, #tpu.memory_space<semaphore_mem>>)
      %dma_wait3A = arith.constant 0 : i32
      %dma_wait3A_17 = tpu.memref_slice %arg7[%scan3A_8, %dma_wait3A] : memref<125x80xi32, #tpu.memory_space<vmem>> -> memref<1x80xi32, #tpu.memory_space<vmem>>
      %dma_wait3A_18 = tpu.memref_squeeze %dma_wait3A_17 : memref<1x80xi32, #tpu.memory_space<vmem>> -> memref<80xi32, #tpu.memory_space<vmem>>
      %dma_wait3A_19 = arith.constant 0 : i32
      %dma_wait3A_20 = arith.constant 0 : i32
      %dma_wait3A_21 = tpu.memref_slice %arg2[%dma_wait3A_19, %dma_wait3A_20] : memref<10000x80xf32, #tpu.memory_space<hbm>> -> memref<10000x80xf32, #tpu.memory_space<hbm>>
      tpu.wait_indirect_dma semaphore(%arg10 : memref<!tpu.dma_semaphore, #tpu.memory_space<semaphore_mem>>) src(%dma_wait3A_21 : memref<10000x80xf32, #tpu.memory_space<hbm>>) dst(%arg9 : memref<80x80xf32, #tpu.memory_space<vmem>>)
      "tpu.region"() ({
        %run_scoped3A = tpu.sem_alloc : memref<!tpu.dma_semaphore, #tpu.memory_space<semaphore_mem>>
        %dma_start3A_34 = arith.constant 0 : i32
        %dma_start3A_35 = tpu.memref_slice %arg5[%mul3A_11, %dma_start3A_34] : memref<320000x80xf32, #tpu.memory_space<hbm>> -> memref<80x80xf32, #tpu.memory_space<hbm>>
        %dma_start3A_36 = arith.constant 0 : i32
        %dma_start3A_37 = tpu.memref_slice %arg5[%mul3A_11, %dma_start3A_36] : memref<320000x80xf32, #tpu.memory_space<hbm>> -> memref<80x80xf32, #tpu.memory_space<hbm>>
        tpu.enqueue_dma source(%arg9 : memref<80x80xf32, #tpu.memory_space<vmem>>) target(%dma_start3A_37 : memref<80x80xf32, #tpu.memory_space<hbm>>) target_semaphore(%run_scoped3A : memref<!tpu.dma_semaphore, #tpu.memory_space<semaphore_mem>>)
        %dma_wait3A_38 = arith.constant 0 : i32
        %dma_wait3A_39 = tpu.memref_slice %arg5[%mul3A_11, %dma_wait3A_38] : memref<320000x80xf32, #tpu.memory_space<hbm>> -> memref<80x80xf32, #tpu.memory_space<hbm>>
        %dma_wait3A_40 = arith.constant 0 : i32
        %dma_wait3A_41 = tpu.memref_slice %arg5[%mul3A_11, %dma_wait3A_40] : memref<320000x80xf32, #tpu.memory_space<hbm>> -> memref<80x80xf32, #tpu.memory_space<hbm>>
        tpu.wait_dma2 semaphore(%run_scoped3A : memref<!tpu.dma_semaphore, #tpu.memory_space<semaphore_mem>>) src(%arg9 : memref<80x80xf32, #tpu.memory_space<vmem>>) dst(%dma_wait3A_41 : memref<80x80xf32, #tpu.memory_space<hbm>>)
        tpu.yield
      }) : () -> ()
      %dma_start3A_22 = arith.constant 0 : i32
      %dma_start3A_23 = tpu.memref_slice %arg8[%scan3A_8, %dma_start3A_22] : memref<125x80xi32, #tpu.memory_space<vmem>> -> memref<1x80xi32, #tpu.memory_space<vmem>>
      %dma_start3A_24 = tpu.memref_squeeze %dma_start3A_23 : memref<1x80xi32, #tpu.memory_space<vmem>> -> memref<80xi32, #tpu.memory_space<vmem>>
      %dma_start3A_25 = arith.constant 0 : i32
      %dma_start3A_26 = arith.constant 0 : i32
      %dma_start3A_27 = tpu.memref_slice %arg2[%dma_start3A_25, %dma_start3A_26] : memref<10000x80xf32, #tpu.memory_space<hbm>> -> memref<10000x80xf32, #tpu.memory_space<hbm>>
      tpu.enqueue_indirect_dma source(%dma_start3A_27 : memref<10000x80xf32, #tpu.memory_space<hbm>>) target(%arg9 : memref<80x80xf32, #tpu.memory_space<vmem>>) offsets(%dma_start3A_24 : memref<80xi32, #tpu.memory_space<vmem>>) semaphore(%arg10 : memref<!tpu.dma_semaphore, #tpu.memory_space<semaphore_mem>>)
      %dma_wait3A_28 = arith.constant 0 : i32
      %dma_wait3A_29 = tpu.memref_slice %arg8[%scan3A_8, %dma_wait3A_28] : memref<125x80xi32, #tpu.memory_space<vmem>> -> memref<1x80xi32, #tpu.memory_space<vmem>>
      %dma_wait3A_30 = tpu.memref_squeeze %dma_wait3A_29 : memref<1x80xi32, #tpu.memory_space<vmem>> -> memref<80xi32, #tpu.memory_space<vmem>>
      %dma_wait3A_31 = arith.constant 0 : i32
      %dma_wait3A_32 = arith.constant 0 : i32
      %dma_wait3A_33 = tpu.memref_slice %arg2[%dma_wait3A_31, %dma_wait3A_32] : memref<10000x80xf32, #tpu.memory_space<hbm>> -> memref<10000x80xf32, #tpu.memory_space<hbm>>
      tpu.wait_indirect_dma semaphore(%arg10 : memref<!tpu.dma_semaphore, #tpu.memory_space<semaphore_mem>>) src(%dma_wait3A_33 : memref<10000x80xf32, #tpu.memory_space<hbm>>) dst(%arg9 : memref<80x80xf32, #tpu.memory_space<vmem>>)
      "tpu.region"() ({
        %run_scoped3A = tpu.sem_alloc : memref<!tpu.dma_semaphore, #tpu.memory_space<semaphore_mem>>
        %dma_start3A_34 = arith.constant 0 : i32
        %dma_start3A_35 = tpu.memref_slice %arg6[%mul3A_11, %dma_start3A_34] : memref<320000x80xf32, #tpu.memory_space<hbm>> -> memref<80x80xf32, #tpu.memory_space<hbm>>
        %dma_start3A_36 = arith.constant 0 : i32
        %dma_start3A_37 = tpu.memref_slice %arg6[%mul3A_11, %dma_start3A_36] : memref<320000x80xf32, #tpu.memory_space<hbm>> -> memref<80x80xf32, #tpu.memory_space<hbm>>
        tpu.enqueue_dma source(%arg9 : memref<80x80xf32, #tpu.memory_space<vmem>>) target(%dma_start3A_37 : memref<80x80xf32, #tpu.memory_space<hbm>>) target_semaphore(%run_scoped3A : memref<!tpu.dma_semaphore, #tpu.memory_space<semaphore_mem>>)
        %dma_wait3A_38 = arith.constant 0 : i32
        %dma_wait3A_39 = tpu.memref_slice %arg6[%mul3A_11, %dma_wait3A_38] : memref<320000x80xf32, #tpu.memory_space<hbm>> -> memref<80x80xf32, #tpu.memory_space<hbm>>
        %dma_wait3A_40 = arith.constant 0 : i32
        %dma_wait3A_41 = tpu.memref_slice %arg6[%mul3A_11, %dma_wait3A_40] : memref<320000x80xf32, #tpu.memory_space<hbm>> -> memref<80x80xf32, #tpu.memory_space<hbm>>
        tpu.wait_dma2 semaphore(%run_scoped3A : memref<!tpu.dma_semaphore, #tpu.memory_space<semaphore_mem>>) src(%arg9 : memref<80x80xf32, #tpu.memory_space<vmem>>) dst(%dma_wait3A_41 : memref<80x80xf32, #tpu.memory_space<hbm>>)
        tpu.yield
      }) : () -> ()
    }
    %scan3A_7 = arith.constant 125 : i32
    return
  }
}

#map = affine_map<(d0, d1) -> (0, 0)>
#map1 = affine_map<(d0, d1) -> (0, 0, 0)>
module attributes {stable_mosaic.version = 14 : i64} {
  func.func @_sc_scatter(%arg0: i32, %arg1: i32, %arg2: memref<320000x80xf32, #tpu.memory_space<hbm>>, %arg3: memref<32x125x80xi32, #tpu.memory_space<hbm>>, %arg4: memref<10000x80xf32, #tpu.memory_space<hbm>>, %arg5: memref<2x10000x80xf32, #tpu.memory_space<hbm>>, %arg6: memref<125x80xi32, #tpu.memory_space<vmem>>, %arg7: memref<80x80xf32, #tpu.memory_space<vmem>>, %arg8: memref<10000x80xf32, #tpu.memory_space<vmem_shared>>) attributes {dimension_semantics = [#tpu.dimension_semantics<core_parallel>, #tpu.dimension_semantics<subcore_parallel>], iteration_bounds = array<i64: 2, 16>, scalar_prefetch = 0 : i64, scratch_operands = 3 : i64, tpu.core_type = #tpu.core_type<sc_vector_subcore>, window_params = [{transform_indices = #map}, {transform_indices = #map1}, {transform_indices = #map}, {transform_indices = #map1}]} {
    %mul3A = arith.constant 2 : i32
    %mul3A_0 = arith.muli %arg1, %mul3A : i32
    %add3A = arith.addi %mul3A_0, %arg0 : i32
    %mul3A_1 = arith.constant 125 : i32
    %mul3A_2 = arith.muli %add3A, %mul3A_1 : i32
    %mul3A_3 = arith.constant 624 : i32
    %mul3A_4 = arith.muli %arg1, %mul3A_3 : i32
    %mul3A_5 = arith.constant 624 : i32
    %mul3A_6 = arith.muli %arg1, %mul3A_5 : i32
    "tpu.region"() ({
      %run_scoped3A = tpu.sem_alloc : memref<!tpu.dma_semaphore, #tpu.memory_space<semaphore_mem>>
      %dma_start3A = arith.constant 0 : i32
      %dma_start3A_24 = tpu.memref_slice %arg8[%mul3A_6, %dma_start3A] : memref<10000x80xf32, #tpu.memory_space<vmem_shared>> -> memref<624x80xf32, #tpu.memory_space<vmem_shared>>
      %dma_start3A_25 = arith.constant 0 : i32
      %dma_start3A_26 = tpu.memref_slice %arg4[%mul3A_4, %dma_start3A_25] : memref<10000x80xf32, #tpu.memory_space<hbm>> -> memref<624x80xf32, #tpu.memory_space<hbm>>
      tpu.enqueue_dma source(%dma_start3A_26 : memref<624x80xf32, #tpu.memory_space<hbm>>) target(%dma_start3A_24 : memref<624x80xf32, #tpu.memory_space<vmem_shared>>) target_semaphore(%run_scoped3A : memref<!tpu.dma_semaphore, #tpu.memory_space<semaphore_mem>>)
      %dma_wait3A = arith.constant 0 : i32
      %dma_wait3A_27 = tpu.memref_slice %arg8[%mul3A_6, %dma_wait3A] : memref<10000x80xf32, #tpu.memory_space<vmem_shared>> -> memref<624x80xf32, #tpu.memory_space<vmem_shared>>
      %dma_wait3A_28 = arith.constant 0 : i32
      %dma_wait3A_29 = tpu.memref_slice %arg4[%mul3A_4, %dma_wait3A_28] : memref<10000x80xf32, #tpu.memory_space<hbm>> -> memref<624x80xf32, #tpu.memory_space<hbm>>
      tpu.wait_dma2 semaphore(%run_scoped3A : memref<!tpu.dma_semaphore, #tpu.memory_space<semaphore_mem>>) src(%dma_wait3A_29 : memref<624x80xf32, #tpu.memory_space<hbm>>) dst(%dma_wait3A_27 : memref<624x80xf32, #tpu.memory_space<vmem_shared>>)
      tpu.yield
    }) : () -> ()
    %eq3A = arith.constant 15 : i32
    %eq3A_7 = arith.cmpi eq, %arg1, %eq3A : i32
    %convert_element_type3A = arith.extui %eq3A_7 : i1 to i32
    %cond3A = arith.constant 0 : i32
    %cond3A_8 = arith.cmpi ne, %convert_element_type3A, %cond3A : i32
    scf.if %cond3A_8 {
      "tpu.region"() ({
        %run_scoped3A = tpu.sem_alloc : memref<!tpu.dma_semaphore, #tpu.memory_space<semaphore_mem>>
        %dma_start3A = arith.constant 9984 : i32
        %dma_start3A_24 = arith.constant 0 : i32
        %dma_start3A_25 = tpu.memref_slice %arg8[%dma_start3A, %dma_start3A_24] : memref<10000x80xf32, #tpu.memory_space<vmem_shared>> -> memref<16x80xf32, #tpu.memory_space<vmem_shared>>
        %dma_start3A_26 = arith.constant 9984 : i32
        %dma_start3A_27 = arith.constant 0 : i32
        %dma_start3A_28 = tpu.memref_slice %arg4[%dma_start3A_26, %dma_start3A_27] : memref<10000x80xf32, #tpu.memory_space<hbm>> -> memref<16x80xf32, #tpu.memory_space<hbm>>
        tpu.enqueue_dma source(%dma_start3A_28 : memref<16x80xf32, #tpu.memory_space<hbm>>) target(%dma_start3A_25 : memref<16x80xf32, #tpu.memory_space<vmem_shared>>) target_semaphore(%run_scoped3A : memref<!tpu.dma_semaphore, #tpu.memory_space<semaphore_mem>>)
        %dma_wait3A = arith.constant 9984 : i32
        %dma_wait3A_29 = arith.constant 0 : i32
        %dma_wait3A_30 = tpu.memref_slice %arg8[%dma_wait3A, %dma_wait3A_29] : memref<10000x80xf32, #tpu.memory_space<vmem_shared>> -> memref<16x80xf32, #tpu.memory_space<vmem_shared>>
        %dma_wait3A_31 = arith.constant 9984 : i32
        %dma_wait3A_32 = arith.constant 0 : i32
        %dma_wait3A_33 = tpu.memref_slice %arg4[%dma_wait3A_31, %dma_wait3A_32] : memref<10000x80xf32, #tpu.memory_space<hbm>> -> memref<16x80xf32, #tpu.memory_space<hbm>>
        tpu.wait_dma2 semaphore(%run_scoped3A : memref<!tpu.dma_semaphore, #tpu.memory_space<semaphore_mem>>) src(%dma_wait3A_33 : memref<16x80xf32, #tpu.memory_space<hbm>>) dst(%dma_wait3A_30 : memref<16x80xf32, #tpu.memory_space<vmem_shared>>)
        tpu.yield
      }) : () -> ()
    } else {
    }
    "tpu.region"() ({
      %run_scoped3A = tpu.sem_alloc : memref<!tpu.dma_semaphore, #tpu.memory_space<semaphore_mem>>
      %dma_start3A = arith.constant 0 : i32
      %dma_start3A_24 = arith.constant 0 : i32
      %dma_start3A_25 = tpu.memref_slice %arg3[%add3A, %dma_start3A, %dma_start3A_24] : memref<32x125x80xi32, #tpu.memory_space<hbm>> -> memref<1x125x80xi32, #tpu.memory_space<hbm>>
      %dma_start3A_26 = tpu.memref_squeeze %dma_start3A_25 : memref<1x125x80xi32, #tpu.memory_space<hbm>> -> memref<125x80xi32, #tpu.memory_space<hbm>>
      %dma_start3A_27 = arith.constant 0 : i32
      %dma_start3A_28 = arith.constant 0 : i32
      %dma_start3A_29 = tpu.memref_slice %arg3[%add3A, %dma_start3A_27, %dma_start3A_28] : memref<32x125x80xi32, #tpu.memory_space<hbm>> -> memref<1x125x80xi32, #tpu.memory_space<hbm>>
      %dma_start3A_30 = tpu.memref_squeeze %dma_start3A_29 : memref<1x125x80xi32, #tpu.memory_space<hbm>> -> memref<125x80xi32, #tpu.memory_space<hbm>>
      tpu.enqueue_dma source(%dma_start3A_30 : memref<125x80xi32, #tpu.memory_space<hbm>>) target(%arg6 : memref<125x80xi32, #tpu.memory_space<vmem>>) target_semaphore(%run_scoped3A : memref<!tpu.dma_semaphore, #tpu.memory_space<semaphore_mem>>)
      %dma_wait3A = arith.constant 0 : i32
      %dma_wait3A_31 = arith.constant 0 : i32
      %dma_wait3A_32 = tpu.memref_slice %arg3[%add3A, %dma_wait3A, %dma_wait3A_31] : memref<32x125x80xi32, #tpu.memory_space<hbm>> -> memref<1x125x80xi32, #tpu.memory_space<hbm>>
      %dma_wait3A_33 = tpu.memref_squeeze %dma_wait3A_32 : memref<1x125x80xi32, #tpu.memory_space<hbm>> -> memref<125x80xi32, #tpu.memory_space<hbm>>
      %dma_wait3A_34 = arith.constant 0 : i32
      %dma_wait3A_35 = arith.constant 0 : i32
      %dma_wait3A_36 = tpu.memref_slice %arg3[%add3A, %dma_wait3A_34, %dma_wait3A_35] : memref<32x125x80xi32, #tpu.memory_space<hbm>> -> memref<1x125x80xi32, #tpu.memory_space<hbm>>
      %dma_wait3A_37 = tpu.memref_squeeze %dma_wait3A_36 : memref<1x125x80xi32, #tpu.memory_space<hbm>> -> memref<125x80xi32, #tpu.memory_space<hbm>>
      tpu.wait_dma2 semaphore(%run_scoped3A : memref<!tpu.dma_semaphore, #tpu.memory_space<semaphore_mem>>) src(%dma_wait3A_37 : memref<125x80xi32, #tpu.memory_space<hbm>>) dst(%arg6 : memref<125x80xi32, #tpu.memory_space<vmem>>)
      tpu.yield
    }) : () -> ()
    %barrier3A = arith.constant 0 : index
    tpu.barrier barrier_id(%barrier3A)
    %scan3A = arith.constant 0 : i32
    %scan3A_9 = arith.constant 0 : i32
    %scan3A_10 = arith.constant 125 : i32
    %scan3A_11 = arith.addi %scan3A_9, %scan3A_10 : i32
    %scan3A_12 = arith.constant 1 : i32
    scf.for %scan3A_24 = %scan3A_9 to %scan3A_11 step %scan3A_12  : i32 {
      %add3A_25 = arith.addi %mul3A_2, %scan3A_24 : i32
      %mul3A_26 = arith.constant 80 : i32
      %mul3A_27 = arith.muli %add3A_25, %mul3A_26 : i32
      "tpu.region"() ({
        %run_scoped3A = tpu.sem_alloc : memref<!tpu.dma_semaphore, #tpu.memory_space<semaphore_mem>>
        %dma_start3A = arith.constant 0 : i32
        %dma_start3A_28 = tpu.memref_slice %arg2[%mul3A_27, %dma_start3A] : memref<320000x80xf32, #tpu.memory_space<hbm>> -> memref<80x80xf32, #tpu.memory_space<hbm>>
        %dma_start3A_29 = arith.constant 0 : i32
        %dma_start3A_30 = tpu.memref_slice %arg2[%mul3A_27, %dma_start3A_29] : memref<320000x80xf32, #tpu.memory_space<hbm>> -> memref<80x80xf32, #tpu.memory_space<hbm>>
        tpu.enqueue_dma source(%dma_start3A_30 : memref<80x80xf32, #tpu.memory_space<hbm>>) target(%arg7 : memref<80x80xf32, #tpu.memory_space<vmem>>) target_semaphore(%run_scoped3A : memref<!tpu.dma_semaphore, #tpu.memory_space<semaphore_mem>>)
        %dma_wait3A = arith.constant 0 : i32
        %dma_wait3A_31 = tpu.memref_slice %arg2[%mul3A_27, %dma_wait3A] : memref<320000x80xf32, #tpu.memory_space<hbm>> -> memref<80x80xf32, #tpu.memory_space<hbm>>
        %dma_wait3A_32 = arith.constant 0 : i32
        %dma_wait3A_33 = tpu.memref_slice %arg2[%mul3A_27, %dma_wait3A_32] : memref<320000x80xf32, #tpu.memory_space<hbm>> -> memref<80x80xf32, #tpu.memory_space<hbm>>
        tpu.wait_dma2 semaphore(%run_scoped3A : memref<!tpu.dma_semaphore, #tpu.memory_space<semaphore_mem>>) src(%dma_wait3A_33 : memref<80x80xf32, #tpu.memory_space<hbm>>) dst(%arg7 : memref<80x80xf32, #tpu.memory_space<vmem>>)
        tpu.yield
      }) : () -> ()
      "tpu.region"() ({
        %run_scoped3A = tpu.sem_alloc : memref<!tpu.dma_semaphore, #tpu.memory_space<semaphore_mem>>
        %dma_start3A = arith.constant 0 : i32
        %dma_start3A_28 = tpu.memref_slice %arg6[%scan3A_24, %dma_start3A] : memref<125x80xi32, #tpu.memory_space<vmem>> -> memref<1x80xi32, #tpu.memory_space<vmem>>
        %dma_start3A_29 = tpu.memref_squeeze %dma_start3A_28 : memref<1x80xi32, #tpu.memory_space<vmem>> -> memref<80xi32, #tpu.memory_space<vmem>>
        %dma_start3A_30 = arith.constant 0 : i32
        %dma_start3A_31 = arith.constant 0 : i32
        %dma_start3A_32 = tpu.memref_slice %arg8[%dma_start3A_30, %dma_start3A_31] : memref<10000x80xf32, #tpu.memory_space<vmem_shared>> -> memref<10000x80xf32, #tpu.memory_space<vmem_shared>>
        tpu.enqueue_indirect_dma source(%arg7 : memref<80x80xf32, #tpu.memory_space<vmem>>) target(%dma_start3A_32 : memref<10000x80xf32, #tpu.memory_space<vmem_shared>>) offsets(%dma_start3A_29 : memref<80xi32, #tpu.memory_space<vmem>>) semaphore(%run_scoped3A : memref<!tpu.dma_semaphore, #tpu.memory_space<semaphore_mem>>) {add = true}
        %dma_wait3A = arith.constant 0 : i32
        %dma_wait3A_33 = tpu.memref_slice %arg6[%scan3A_24, %dma_wait3A] : memref<125x80xi32, #tpu.memory_space<vmem>> -> memref<1x80xi32, #tpu.memory_space<vmem>>
        %dma_wait3A_34 = tpu.memref_squeeze %dma_wait3A_33 : memref<1x80xi32, #tpu.memory_space<vmem>> -> memref<80xi32, #tpu.memory_space<vmem>>
        %dma_wait3A_35 = arith.constant 0 : i32
        %dma_wait3A_36 = arith.constant 0 : i32
        %dma_wait3A_37 = tpu.memref_slice %arg8[%dma_wait3A_35, %dma_wait3A_36] : memref<10000x80xf32, #tpu.memory_space<vmem_shared>> -> memref<10000x80xf32, #tpu.memory_space<vmem_shared>>
        tpu.wait_indirect_dma semaphore(%run_scoped3A : memref<!tpu.dma_semaphore, #tpu.memory_space<semaphore_mem>>) src(%arg7 : memref<80x80xf32, #tpu.memory_space<vmem>>) dst(%dma_wait3A_37 : memref<10000x80xf32, #tpu.memory_space<vmem_shared>>)
        tpu.yield
      }) : () -> ()
    }
    %scan3A_13 = arith.constant 125 : i32
    %barrier3A_14 = arith.constant 0 : index
    tpu.barrier barrier_id(%barrier3A_14)
    %mul3A_15 = arith.constant 624 : i32
    %mul3A_16 = arith.muli %arg1, %mul3A_15 : i32
    %mul3A_17 = arith.constant 624 : i32
    %mul3A_18 = arith.muli %arg1, %mul3A_17 : i32
    "tpu.region"() ({
      %run_scoped3A = tpu.sem_alloc : memref<!tpu.dma_semaphore, #tpu.memory_space<semaphore_mem>>
      %dma_start3A = arith.constant 0 : i32
      %dma_start3A_24 = tpu.memref_slice %arg5[%arg0, %mul3A_18, %dma_start3A] : memref<2x10000x80xf32, #tpu.memory_space<hbm>> -> memref<1x624x80xf32, #tpu.memory_space<hbm>>
      %dma_start3A_25 = tpu.memref_squeeze %dma_start3A_24 : memref<1x624x80xf32, #tpu.memory_space<hbm>> -> memref<624x80xf32, #tpu.memory_space<hbm>>
      %dma_start3A_26 = arith.constant 0 : i32
      %dma_start3A_27 = tpu.memref_slice %arg8[%mul3A_16, %dma_start3A_26] : memref<10000x80xf32, #tpu.memory_space<vmem_shared>> -> memref<624x80xf32, #tpu.memory_space<vmem_shared>>
      tpu.enqueue_dma source(%dma_start3A_27 : memref<624x80xf32, #tpu.memory_space<vmem_shared>>) target(%dma_start3A_25 : memref<624x80xf32, #tpu.memory_space<hbm>>) target_semaphore(%run_scoped3A : memref<!tpu.dma_semaphore, #tpu.memory_space<semaphore_mem>>)
      %dma_wait3A = arith.constant 0 : i32
      %dma_wait3A_28 = tpu.memref_slice %arg5[%arg0, %mul3A_18, %dma_wait3A] : memref<2x10000x80xf32, #tpu.memory_space<hbm>> -> memref<1x624x80xf32, #tpu.memory_space<hbm>>
      %dma_wait3A_29 = tpu.memref_squeeze %dma_wait3A_28 : memref<1x624x80xf32, #tpu.memory_space<hbm>> -> memref<624x80xf32, #tpu.memory_space<hbm>>
      %dma_wait3A_30 = arith.constant 0 : i32
      %dma_wait3A_31 = tpu.memref_slice %arg8[%mul3A_16, %dma_wait3A_30] : memref<10000x80xf32, #tpu.memory_space<vmem_shared>> -> memref<624x80xf32, #tpu.memory_space<vmem_shared>>
      tpu.wait_dma2 semaphore(%run_scoped3A : memref<!tpu.dma_semaphore, #tpu.memory_space<semaphore_mem>>) src(%dma_wait3A_31 : memref<624x80xf32, #tpu.memory_space<vmem_shared>>) dst(%dma_wait3A_29 : memref<624x80xf32, #tpu.memory_space<hbm>>)
      tpu.yield
    }) : () -> ()
    %eq3A_19 = arith.constant 15 : i32
    %eq3A_20 = arith.cmpi eq, %arg1, %eq3A_19 : i32
    %convert_element_type3A_21 = arith.extui %eq3A_20 : i1 to i32
    %cond3A_22 = arith.constant 0 : i32
    %cond3A_23 = arith.cmpi ne, %convert_element_type3A_21, %cond3A_22 : i32
    scf.if %cond3A_23 {
      "tpu.region"() ({
        %run_scoped3A = tpu.sem_alloc : memref<!tpu.dma_semaphore, #tpu.memory_space<semaphore_mem>>
        %dma_start3A = arith.constant 9984 : i32
        %dma_start3A_24 = arith.constant 0 : i32
        %dma_start3A_25 = tpu.memref_slice %arg5[%arg0, %dma_start3A, %dma_start3A_24] : memref<2x10000x80xf32, #tpu.memory_space<hbm>> -> memref<1x16x80xf32, #tpu.memory_space<hbm>>
        %dma_start3A_26 = tpu.memref_squeeze %dma_start3A_25 : memref<1x16x80xf32, #tpu.memory_space<hbm>> -> memref<16x80xf32, #tpu.memory_space<hbm>>
        %dma_start3A_27 = arith.constant 9984 : i32
        %dma_start3A_28 = arith.constant 0 : i32
        %dma_start3A_29 = tpu.memref_slice %arg8[%dma_start3A_27, %dma_start3A_28] : memref<10000x80xf32, #tpu.memory_space<vmem_shared>> -> memref<16x80xf32, #tpu.memory_space<vmem_shared>>
        tpu.enqueue_dma source(%dma_start3A_29 : memref<16x80xf32, #tpu.memory_space<vmem_shared>>) target(%dma_start3A_26 : memref<16x80xf32, #tpu.memory_space<hbm>>) target_semaphore(%run_scoped3A : memref<!tpu.dma_semaphore, #tpu.memory_space<semaphore_mem>>)
        %dma_wait3A = arith.constant 9984 : i32
        %dma_wait3A_30 = arith.constant 0 : i32
        %dma_wait3A_31 = tpu.memref_slice %arg5[%arg0, %dma_wait3A, %dma_wait3A_30] : memref<2x10000x80xf32, #tpu.memory_space<hbm>> -> memref<1x16x80xf32, #tpu.memory_space<hbm>>
        %dma_wait3A_32 = tpu.memref_squeeze %dma_wait3A_31 : memref<1x16x80xf32, #tpu.memory_space<hbm>> -> memref<16x80xf32, #tpu.memory_space<hbm>>
        %dma_wait3A_33 = arith.constant 9984 : i32
        %dma_wait3A_34 = arith.constant 0 : i32
        %dma_wait3A_35 = tpu.memref_slice %arg8[%dma_wait3A_33, %dma_wait3A_34] : memref<10000x80xf32, #tpu.memory_space<vmem_shared>> -> memref<16x80xf32, #tpu.memory_space<vmem_shared>>
        tpu.wait_dma2 semaphore(%run_scoped3A : memref<!tpu.dma_semaphore, #tpu.memory_space<semaphore_mem>>) src(%dma_wait3A_35 : memref<16x80xf32, #tpu.memory_space<vmem_shared>>) dst(%dma_wait3A_32 : memref<16x80xf32, #tpu.memory_space<hbm>>)
        tpu.yield
      }) : () -> ()
    } else {
    }
    return
  }
}

module attributes {stable_mosaic.version = 14 : i64} {
  func.func @_edge_body(%arg0: i32, %arg1: memref<2000x80xf32, #tpu.memory_space<vmem>>, %arg2: memref<2000x80xf32, #tpu.memory_space<vmem>>, %arg3: memref<2000x1xf32, #tpu.memory_space<vmem>>, %arg4: memref<42x64xf32, #tpu.memory_space<vmem>>, %arg5: memref<1x64xf32, #tpu.memory_space<vmem>>, %arg6: memref<64x64xf32, #tpu.memory_space<vmem>>, %arg7: memref<1x64xf32, #tpu.memory_space<vmem>>, %arg8: memref<64x64xf32, #tpu.memory_space<vmem>>, %arg9: memref<1x64xf32, #tpu.memory_space<vmem>>, %arg10: memref<64x1xf32, #tpu.memory_space<vmem>>, %arg11: memref<2000x80xf32, #tpu.memory_space<vmem>>) attributes {dimension_semantics = [#tpu.dimension_semantics<arbitrary>], iteration_bounds = array<i64: 160>, scalar_prefetch = 0 : i64, scratch_operands = 0 : i64, tpu.core_type = #tpu.core_type<tc>, window_params = [{transform_indices = @transform_0, window_bounds = array<i64: 2000, 80>}, {transform_indices = @transform_1, window_bounds = array<i64: 2000, 80>}, {transform_indices = @transform_2, window_bounds = array<i64: 2000, 1>}, {pipeline_mode = #tpu.pipeline_mode<synchronous>, transform_indices = @transform_3, window_bounds = array<i64: 42, 64>}, {pipeline_mode = #tpu.pipeline_mode<synchronous>, transform_indices = @transform_4, window_bounds = array<i64: 1, 64>}, {pipeline_mode = #tpu.pipeline_mode<synchronous>, transform_indices = @transform_5, window_bounds = array<i64: 64, 64>}, {pipeline_mode = #tpu.pipeline_mode<synchronous>, transform_indices = @transform_6, window_bounds = array<i64: 1, 64>}, {pipeline_mode = #tpu.pipeline_mode<synchronous>, transform_indices = @transform_7, window_bounds = array<i64: 64, 64>}, {pipeline_mode = #tpu.pipeline_mode<synchronous>, transform_indices = @transform_8, window_bounds = array<i64: 1, 64>}, {pipeline_mode = #tpu.pipeline_mode<synchronous>, transform_indices = @transform_9, window_bounds = array<i64: 64, 1>}, {transform_indices = @transform_10, window_bounds = array<i64: 2000, 80>}]} {
    %get3A = arith.constant 0 : index
    %get3A_0 = arith.constant 0 : index
    %get3A_1 = vector.load %arg1[%get3A, %get3A_0] : memref<2000x80xf32, #tpu.memory_space<vmem>>, vector<2000x80xf32>
    %get3A_2 = arith.constant 0 : index
    %get3A_3 = arith.constant 0 : index
    %get3A_4 = vector.load %arg2[%get3A_2, %get3A_3] : memref<2000x80xf32, #tpu.memory_space<vmem>>, vector<2000x80xf32>
    %slice3A = vector.extract_strided_slice %get3A_1 {offsets = [0, 64], sizes = [2000, 16], strides = [1, 1]} : vector<2000x80xf32> to vector<2000x16xf32>
    %slice3A_5 = vector.extract_strided_slice %get3A_4 {offsets = [0, 64], sizes = [2000, 16], strides = [1, 1]} : vector<2000x80xf32> to vector<2000x16xf32>
    %sub3A = arith.subf %slice3A, %slice3A_5 : vector<2000x16xf32>
    %slice3A_6 = vector.extract_strided_slice %sub3A {offsets = [0, 0], sizes = [2000, 1], strides = [1, 1]} : vector<2000x16xf32> to vector<2000x1xf32>
    %slice3A_7 = vector.extract_strided_slice %sub3A {offsets = [0, 0], sizes = [2000, 1], strides = [1, 1]} : vector<2000x16xf32> to vector<2000x1xf32>
    %mul3A = arith.mulf %slice3A_6, %slice3A_7 : vector<2000x1xf32>
    %slice3A_8 = vector.extract_strided_slice %sub3A {offsets = [0, 1], sizes = [2000, 1], strides = [1, 1]} : vector<2000x16xf32> to vector<2000x1xf32>
    %slice3A_9 = vector.extract_strided_slice %sub3A {offsets = [0, 1], sizes = [2000, 1], strides = [1, 1]} : vector<2000x16xf32> to vector<2000x1xf32>
    %mul3A_10 = arith.mulf %slice3A_8, %slice3A_9 : vector<2000x1xf32>
    %add3A = arith.addf %mul3A, %mul3A_10 : vector<2000x1xf32>
    %slice3A_11 = vector.extract_strided_slice %sub3A {offsets = [0, 2], sizes = [2000, 1], strides = [1, 1]} : vector<2000x16xf32> to vector<2000x1xf32>
    %slice3A_12 = vector.extract_strided_slice %sub3A {offsets = [0, 2], sizes = [2000, 1], strides = [1, 1]} : vector<2000x16xf32> to vector<2000x1xf32>
    %mul3A_13 = arith.mulf %slice3A_11, %slice3A_12 : vector<2000x1xf32>
    %add3A_14 = arith.addf %add3A, %mul3A_13 : vector<2000x1xf32>
    %sqrt3A = math.sqrt %add3A_14 : vector<2000x1xf32>
    %add3A_15 = arith.constant 1.000000e-30 : f32
    %add3A_16 = vector.broadcast %add3A_15 : f32 to vector<2000x1xf32>
    %add3A_17 = arith.addf %sqrt3A, %add3A_16 : vector<2000x1xf32>
    %div3A = vector.broadcast %add3A_17 : vector<2000x1xf32> to vector<2000x16xf32>
    %div3A_18 = arith.divf %sub3A, %div3A : vector<2000x16xf32>
    %get3A_19 = arith.constant 0 : index
    %get3A_20 = arith.constant 0 : index
    %get3A_21 = vector.load %arg4[%get3A_19, %get3A_20] : memref<42x64xf32, #tpu.memory_space<vmem>>, vector<42x64xf32>
    %slice3A_22 = vector.extract_strided_slice %get3A_1 {offsets = [0, 0], sizes = [2000, 20], strides = [1, 1]} : vector<2000x80xf32> to vector<2000x20xf32>
    %slice3A_23 = vector.extract_strided_slice %get3A_4 {offsets = [0, 0], sizes = [2000, 20], strides = [1, 1]} : vector<2000x80xf32> to vector<2000x20xf32>
    %get3A_24 = arith.constant 0 : index
    %get3A_25 = arith.constant 0 : index
    %get3A_26 = vector.load %arg3[%get3A_24, %get3A_25] : memref<2000x1xf32, #tpu.memory_space<vmem>>, vector<2000x1xf32>
    %concatenate3A = tpu.concatenate %slice3A_22, %slice3A_23, %add3A_14, %get3A_26 in 1 : vector<2000x20xf32>, vector<2000x20xf32>, vector<2000x1xf32>, vector<2000x1xf32> -> vector<2000x42xf32>
    %convert_element_type3A = arith.truncf %concatenate3A : vector<2000x42xf32> to vector<2000x42xbf16>
    %convert_element_type3A_27 = arith.truncf %get3A_21 : vector<42x64xf32> to vector<42x64xbf16>
    %dot_general3A = arith.constant dense<0.000000e+00> : vector<2000x64xf32>
    %dot_general3A_28 = tpu.matmul %convert_element_type3A, %convert_element_type3A_27, %dot_general3A {dimension_numbers = #tpu.dot_dimension_numbers<[1], [0], [0], [1], [0, 0, 1, 1], [], []>, transpose_lhs_hint = false} : vector<2000x42xbf16>, vector<42x64xbf16>, vector<2000x64xf32> -> vector<2000x64xf32>
    %get3A_29 = arith.constant 0 : index
    %get3A_30 = arith.constant 0 : index
    %get3A_31 = vector.load %arg5[%get3A_29, %get3A_30] : memref<1x64xf32, #tpu.memory_space<vmem>>, vector<1x64xf32>
    %add3A_32 = vector.broadcast %get3A_31 : vector<1x64xf32> to vector<2000x64xf32>
    %add3A_33 = arith.addf %dot_general3A_28, %add3A_32 : vector<2000x64xf32>
    %neg3A = arith.constant 0.000000e+00 : f32
    %neg3A_34 = vector.broadcast %neg3A : f32 to vector<2000x64xf32>
    %neg3A_35 = arith.subf %neg3A_34, %add3A_33 : vector<2000x64xf32>
    %exp3A = math.exp %neg3A_35 : vector<2000x64xf32>
    %add3A_36 = arith.constant 1.000000e+00 : f32
    %add3A_37 = vector.broadcast %add3A_36 : f32 to vector<2000x64xf32>
    %add3A_38 = arith.addf %add3A_37, %exp3A : vector<2000x64xf32>
    %div3A_39 = arith.divf %add3A_33, %add3A_38 : vector<2000x64xf32>
    %get3A_40 = arith.constant 0 : index
    %get3A_41 = arith.constant 0 : index
    %get3A_42 = vector.load %arg6[%get3A_40, %get3A_41] : memref<64x64xf32, #tpu.memory_space<vmem>>, vector<64x64xf32>
    %convert_element_type3A_43 = arith.truncf %div3A_39 : vector<2000x64xf32> to vector<2000x64xbf16>
    %convert_element_type3A_44 = arith.truncf %get3A_42 : vector<64x64xf32> to vector<64x64xbf16>
    %dot_general3A_45 = arith.constant dense<0.000000e+00> : vector<2000x64xf32>
    %dot_general3A_46 = tpu.matmul %convert_element_type3A_43, %convert_element_type3A_44, %dot_general3A_45 {dimension_numbers = #tpu.dot_dimension_numbers<[1], [0], [0], [1], [0, 0, 1, 1], [], []>, transpose_lhs_hint = false} : vector<2000x64xbf16>, vector<64x64xbf16>, vector<2000x64xf32> -> vector<2000x64xf32>
    %get3A_47 = arith.constant 0 : index
    %get3A_48 = arith.constant 0 : index
    %get3A_49 = vector.load %arg7[%get3A_47, %get3A_48] : memref<1x64xf32, #tpu.memory_space<vmem>>, vector<1x64xf32>
    %add3A_50 = vector.broadcast %get3A_49 : vector<1x64xf32> to vector<2000x64xf32>
    %add3A_51 = arith.addf %dot_general3A_46, %add3A_50 : vector<2000x64xf32>
    %neg3A_52 = arith.constant 0.000000e+00 : f32
    %neg3A_53 = vector.broadcast %neg3A_52 : f32 to vector<2000x64xf32>
    %neg3A_54 = arith.subf %neg3A_53, %add3A_51 : vector<2000x64xf32>
    %exp3A_55 = math.exp %neg3A_54 : vector<2000x64xf32>
    %add3A_56 = arith.constant 1.000000e+00 : f32
    %add3A_57 = vector.broadcast %add3A_56 : f32 to vector<2000x64xf32>
    %add3A_58 = arith.addf %add3A_57, %exp3A_55 : vector<2000x64xf32>
    %div3A_59 = arith.divf %add3A_51, %add3A_58 : vector<2000x64xf32>
    %get3A_60 = arith.constant 0 : index
    %get3A_61 = arith.constant 0 : index
    %get3A_62 = vector.load %arg8[%get3A_60, %get3A_61] : memref<64x64xf32, #tpu.memory_space<vmem>>, vector<64x64xf32>
    %convert_element_type3A_63 = arith.truncf %div3A_59 : vector<2000x64xf32> to vector<2000x64xbf16>
    %convert_element_type3A_64 = arith.truncf %get3A_62 : vector<64x64xf32> to vector<64x64xbf16>
    %dot_general3A_65 = arith.constant dense<0.000000e+00> : vector<2000x64xf32>
    %dot_general3A_66 = tpu.matmul %convert_element_type3A_63, %convert_element_type3A_64, %dot_general3A_65 {dimension_numbers = #tpu.dot_dimension_numbers<[1], [0], [0], [1], [0, 0, 1, 1], [], []>, transpose_lhs_hint = false} : vector<2000x64xbf16>, vector<64x64xbf16>, vector<2000x64xf32> -> vector<2000x64xf32>
    %get3A_67 = arith.constant 0 : index
    %get3A_68 = arith.constant 0 : index
    %get3A_69 = vector.load %arg9[%get3A_67, %get3A_68] : memref<1x64xf32, #tpu.memory_space<vmem>>, vector<1x64xf32>
    %add3A_70 = vector.broadcast %get3A_69 : vector<1x64xf32> to vector<2000x64xf32>
    %add3A_71 = arith.addf %dot_general3A_66, %add3A_70 : vector<2000x64xf32>
    %neg3A_72 = arith.constant 0.000000e+00 : f32
    %neg3A_73 = vector.broadcast %neg3A_72 : f32 to vector<2000x64xf32>
    %neg3A_74 = arith.subf %neg3A_73, %add3A_71 : vector<2000x64xf32>
    %exp3A_75 = math.exp %neg3A_74 : vector<2000x64xf32>
    %add3A_76 = arith.constant 1.000000e+00 : f32
    %add3A_77 = vector.broadcast %add3A_76 : f32 to vector<2000x64xf32>
    %add3A_78 = arith.addf %add3A_77, %exp3A_75 : vector<2000x64xf32>
    %div3A_79 = arith.divf %add3A_71, %add3A_78 : vector<2000x64xf32>
    %get3A_80 = arith.constant 0 : index
    %get3A_81 = arith.constant 0 : index
    %get3A_82 = vector.load %arg10[%get3A_80, %get3A_81] : memref<64x1xf32, #tpu.memory_space<vmem>>, vector<64x1xf32>
    %convert_element_type3A_83 = arith.truncf %div3A_79 : vector<2000x64xf32> to vector<2000x64xbf16>
    %convert_element_type3A_84 = arith.truncf %get3A_82 : vector<64x1xf32> to vector<64x1xbf16>
    %dot_general3A_85 = arith.constant dense<0.000000e+00> : vector<2000x1xf32>
    %dot_general3A_86 = tpu.matmul %convert_element_type3A_83, %convert_element_type3A_84, %dot_general3A_85 {dimension_numbers = #tpu.dot_dimension_numbers<[1], [0], [0], [1], [0, 0, 1, 1], [], []>, transpose_lhs_hint = false} : vector<2000x64xbf16>, vector<64x1xbf16>, vector<2000x1xf32> -> vector<2000x1xf32>
    %mul3A_87 = vector.broadcast %dot_general3A_86 : vector<2000x1xf32> to vector<2000x16xf32>
    %mul3A_88 = arith.mulf %mul3A_87, %div3A_18 : vector<2000x16xf32>
    %iota3A = tpu.iota {dimensions = array<i32: 1>} : vector<2000x16xi32>
    %eq3A = arith.constant 3 : i32
    %eq3A_89 = vector.broadcast %eq3A : i32 to vector<2000x16xi32>
    %eq3A_90 = arith.cmpi eq, %iota3A, %eq3A_89 : vector<2000x16xi32>
    %lt3A = arith.constant 3 : i32
    %lt3A_91 = vector.broadcast %lt3A : i32 to vector<2000x16xi32>
    %lt3A_92 = arith.cmpi slt, %iota3A, %lt3A_91 : vector<2000x16xi32>
    %jit3A = arith.constant 0.000000e+00 : f32
    %broadcast_in_dim3A = vector.broadcast %jit3A : f32 to vector<2000x16xf32>
    %select_n3A = arith.select %lt3A_92, %mul3A_88, %broadcast_in_dim3A : vector<2000x16xi1>, vector<2000x16xf32>
    %jit3A_93 = arith.constant 1.000000e+00 : f32
    %broadcast_in_dim3A_94 = vector.broadcast %jit3A_93 : f32 to vector<2000x16xf32>
    %select_n3A_95 = arith.select %eq3A_90, %broadcast_in_dim3A_94, %select_n3A : vector<2000x16xi1>, vector<2000x16xf32>
    %concatenate3A_96 = tpu.concatenate %div3A_59, %select_n3A_95 in 1 : vector<2000x64xf32>, vector<2000x16xf32> -> vector<2000x80xf32>
    %swap3A = arith.constant 0 : index
    %swap3A_97 = arith.constant 0 : index
    %swap3A_98 = vector.load %arg11[%swap3A, %swap3A_97] : memref<2000x80xf32, #tpu.memory_space<vmem>>, vector<2000x80xf32>
    tpu.vector_store %arg11[%swap3A, %swap3A_97], %concatenate3A_96 {strides = array<i32>} : memref<2000x80xf32, #tpu.memory_space<vmem>>, vector<2000x80xf32>,
    return
  }
  func.func @transform_0(%arg0: i32) -> (i32, i32) {
    %c0_i32 = arith.constant 0 : i32
    %c0_i32_0 = arith.constant 0 : i32
    return %arg0, %c0_i32 : i32, i32
  }
  func.func @transform_1(%arg0: i32) -> (i32, i32) {
    %c0_i32 = arith.constant 0 : i32
    %c0_i32_0 = arith.constant 0 : i32
    return %arg0, %c0_i32 : i32, i32
  }
  func.func @transform_2(%arg0: i32) -> (i32, i32) {
    %c0_i32 = arith.constant 0 : i32
    %c0_i32_0 = arith.constant 0 : i32
    return %arg0, %c0_i32 : i32, i32
  }
  func.func @transform_3(%arg0: i32) -> (i32, i32) {
    %c0_i32 = arith.constant 0 : i32
    %c0_i32_0 = arith.constant 0 : i32
    %c0_i32_1 = arith.constant 0 : i32
    return %c0_i32, %c0_i32_0 : i32, i32
  }
  func.func @transform_4(%arg0: i32) -> (i32, i32) {
    %c0_i32 = arith.constant 0 : i32
    %c0_i32_0 = arith.constant 0 : i32
    %c0_i32_1 = arith.constant 0 : i32
    return %c0_i32, %c0_i32_0 : i32, i32
  }
  func.func @transform_5(%arg0: i32) -> (i32, i32) {
    %c0_i32 = arith.constant 0 : i32
    %c0_i32_0 = arith.constant 0 : i32
    %c0_i32_1 = arith.constant 0 : i32
    return %c0_i32, %c0_i32_0 : i32, i32
  }
  func.func @transform_6(%arg0: i32) -> (i32, i32) {
    %c0_i32 = arith.constant 0 : i32
    %c0_i32_0 = arith.constant 0 : i32
    %c0_i32_1 = arith.constant 0 : i32
    return %c0_i32, %c0_i32_0 : i32, i32
  }
  func.func @transform_7(%arg0: i32) -> (i32, i32) {
    %c0_i32 = arith.constant 0 : i32
    %c0_i32_0 = arith.constant 0 : i32
    %c0_i32_1 = arith.constant 0 : i32
    return %c0_i32, %c0_i32_0 : i32, i32
  }
  func.func @transform_8(%arg0: i32) -> (i32, i32) {
    %c0_i32 = arith.constant 0 : i32
    %c0_i32_0 = arith.constant 0 : i32
    %c0_i32_1 = arith.constant 0 : i32
    return %c0_i32, %c0_i32_0 : i32, i32
  }
  func.func @transform_9(%arg0: i32) -> (i32, i32) {
    %c0_i32 = arith.constant 0 : i32
    %c0_i32_0 = arith.constant 0 : i32
    %c0_i32_1 = arith.constant 0 : i32
    return %c0_i32, %c0_i32_0 : i32, i32
  }
  func.func @transform_10(%arg0: i32) -> (i32, i32) {
    %c0_i32 = arith.constant 0 : i32
    %c0_i32_0 = arith.constant 0 : i32
    return %arg0, %c0_i32 : i32, i32
  }
}

module attributes {stable_mosaic.version = 14 : i64} {
  func.func @_node_body(%arg0: i32, %arg1: memref<2000x80xf32, #tpu.memory_space<vmem>>, %arg2: memref<2x2000x80xf32, #tpu.memory_space<vmem>>, %arg3: memref<84x64xf32, #tpu.memory_space<vmem>>, %arg4: memref<1x64xf32, #tpu.memory_space<vmem>>, %arg5: memref<64x64xf32, #tpu.memory_space<vmem>>, %arg6: memref<1x64xf32, #tpu.memory_space<vmem>>, %arg7: memref<2000x80xf32, #tpu.memory_space<vmem>>) attributes {dimension_semantics = [#tpu.dimension_semantics<arbitrary>], iteration_bounds = array<i64: 5>, scalar_prefetch = 0 : i64, scratch_operands = 0 : i64, tpu.core_type = #tpu.core_type<tc>, window_params = [{transform_indices = @transform_0, window_bounds = array<i64: 2000, 80>}, {transform_indices = @transform_1, window_bounds = array<i64: 2, 2000, 80>}, {pipeline_mode = #tpu.pipeline_mode<synchronous>, transform_indices = @transform_2, window_bounds = array<i64: 84, 64>}, {pipeline_mode = #tpu.pipeline_mode<synchronous>, transform_indices = @transform_3, window_bounds = array<i64: 1, 64>}, {pipeline_mode = #tpu.pipeline_mode<synchronous>, transform_indices = @transform_4, window_bounds = array<i64: 64, 64>}, {pipeline_mode = #tpu.pipeline_mode<synchronous>, transform_indices = @transform_5, window_bounds = array<i64: 1, 64>}, {transform_indices = @transform_6, window_bounds = array<i64: 2000, 80>}]} {
    %get3A = arith.constant 0 : index
    %get3A_0 = arith.constant 0 : index
    %get3A_1 = vector.load %arg1[%get3A, %get3A_0] : memref<2000x80xf32, #tpu.memory_space<vmem>>, vector<2000x80xf32>
    %get3A_2 = arith.constant 0 : index
    %get3A_3 = arith.constant 0 : index
    %get3A_4 = arith.constant 0 : index
    %get3A_5 = vector.load %arg2[%get3A_2, %get3A_3, %get3A_4] : memref<2x2000x80xf32, #tpu.memory_space<vmem>>, vector<1x2000x80xf32>
    %get3A_6 = vector.shape_cast %get3A_5 : vector<1x2000x80xf32> to vector<2000x80xf32>
    %get3A_7 = arith.constant 1 : index
    %get3A_8 = arith.constant 0 : index
    %get3A_9 = arith.constant 0 : index
    %get3A_10 = vector.load %arg2[%get3A_7, %get3A_8, %get3A_9] : memref<2x2000x80xf32, #tpu.memory_space<vmem>>, vector<1x2000x80xf32>
    %get3A_11 = vector.shape_cast %get3A_10 : vector<1x2000x80xf32> to vector<2000x80xf32>
    %add3A = arith.addf %get3A_6, %get3A_11 : vector<2000x80xf32>
    %slice3A = vector.extract_strided_slice %get3A_1 {offsets = [0, 0], sizes = [2000, 20], strides = [1, 1]} : vector<2000x80xf32> to vector<2000x20xf32>
    %slice3A_12 = vector.extract_strided_slice %add3A {offsets = [0, 0], sizes = [2000, 64], strides = [1, 1]} : vector<2000x80xf32> to vector<2000x64xf32>
    %slice3A_13 = vector.extract_strided_slice %add3A {offsets = [0, 67], sizes = [2000, 1], strides = [1, 1]} : vector<2000x80xf32> to vector<2000x1xf32>
    %max3A = arith.constant 1.000000e+00 : f32
    %max3A_14 = vector.broadcast %max3A : f32 to vector<2000x1xf32>
    %max3A_15 = arith.maximumf %slice3A_13, %max3A_14 : vector<2000x1xf32>
    %slice3A_16 = vector.extract_strided_slice %add3A {offsets = [0, 64], sizes = [2000, 16], strides = [1, 1]} : vector<2000x80xf32> to vector<2000x16xf32>
    %div3A = vector.broadcast %max3A_15 : vector<2000x1xf32> to vector<2000x16xf32>
    %div3A_17 = arith.divf %slice3A_16, %div3A : vector<2000x16xf32>
    %iota3A = tpu.iota {dimensions = array<i32: 1>} : vector<2000x16xi32>
    %lt3A = arith.constant 3 : i32
    %lt3A_18 = vector.broadcast %lt3A : i32 to vector<2000x16xi32>
    %lt3A_19 = arith.cmpi slt, %iota3A, %lt3A_18 : vector<2000x16xi32>
    %jit3A = arith.constant 0.000000e+00 : f32
    %broadcast_in_dim3A = vector.broadcast %jit3A : f32 to vector<2000x16xf32>
    %select_n3A = arith.select %lt3A_19, %div3A_17, %broadcast_in_dim3A : vector<2000x16xi1>, vector<2000x16xf32>
    %slice3A_20 = vector.extract_strided_slice %get3A_1 {offsets = [0, 64], sizes = [2000, 16], strides = [1, 1]} : vector<2000x80xf32> to vector<2000x16xf32>
    %add3A_21 = arith.addf %slice3A_20, %select_n3A : vector<2000x16xf32>
    %concatenate3A = tpu.concatenate %slice3A, %slice3A_12 in 1 : vector<2000x20xf32>, vector<2000x64xf32> -> vector<2000x84xf32>
    %get3A_22 = arith.constant 0 : index
    %get3A_23 = arith.constant 0 : index
    %get3A_24 = vector.load %arg3[%get3A_22, %get3A_23] : memref<84x64xf32, #tpu.memory_space<vmem>>, vector<84x64xf32>
    %convert_element_type3A = arith.truncf %concatenate3A : vector<2000x84xf32> to vector<2000x84xbf16>
    %convert_element_type3A_25 = arith.truncf %get3A_24 : vector<84x64xf32> to vector<84x64xbf16>
    %dot_general3A = arith.constant dense<0.000000e+00> : vector<2000x64xf32>
    %dot_general3A_26 = tpu.matmul %convert_element_type3A, %convert_element_type3A_25, %dot_general3A {dimension_numbers = #tpu.dot_dimension_numbers<[1], [0], [0], [1], [0, 0, 1, 1], [], []>, transpose_lhs_hint = false} : vector<2000x84xbf16>, vector<84x64xbf16>, vector<2000x64xf32> -> vector<2000x64xf32>
    %get3A_27 = arith.constant 0 : index
    %get3A_28 = arith.constant 0 : index
    %get3A_29 = vector.load %arg4[%get3A_27, %get3A_28] : memref<1x64xf32, #tpu.memory_space<vmem>>, vector<1x64xf32>
    %add3A_30 = vector.broadcast %get3A_29 : vector<1x64xf32> to vector<2000x64xf32>
    %add3A_31 = arith.addf %dot_general3A_26, %add3A_30 : vector<2000x64xf32>
    %neg3A = arith.constant 0.000000e+00 : f32
    %neg3A_32 = vector.broadcast %neg3A : f32 to vector<2000x64xf32>
    %neg3A_33 = arith.subf %neg3A_32, %add3A_31 : vector<2000x64xf32>
    %exp3A = math.exp %neg3A_33 : vector<2000x64xf32>
    %add3A_34 = arith.constant 1.000000e+00 : f32
    %add3A_35 = vector.broadcast %add3A_34 : f32 to vector<2000x64xf32>
    %add3A_36 = arith.addf %add3A_35, %exp3A : vector<2000x64xf32>
    %div3A_37 = arith.divf %add3A_31, %add3A_36 : vector<2000x64xf32>
    %get3A_38 = arith.constant 0 : index
    %get3A_39 = arith.constant 0 : index
    %get3A_40 = vector.load %arg5[%get3A_38, %get3A_39] : memref<64x64xf32, #tpu.memory_space<vmem>>, vector<64x64xf32>
    %convert_element_type3A_41 = arith.truncf %div3A_37 : vector<2000x64xf32> to vector<2000x64xbf16>
    %convert_element_type3A_42 = arith.truncf %get3A_40 : vector<64x64xf32> to vector<64x64xbf16>
    %dot_general3A_43 = arith.constant dense<0.000000e+00> : vector<2000x64xf32>
    %dot_general3A_44 = tpu.matmul %convert_element_type3A_41, %convert_element_type3A_42, %dot_general3A_43 {dimension_numbers = #tpu.dot_dimension_numbers<[1], [0], [0], [1], [0, 0, 1, 1], [], []>, transpose_lhs_hint = false} : vector<2000x64xbf16>, vector<64x64xbf16>, vector<2000x64xf32> -> vector<2000x64xf32>
    %get3A_45 = arith.constant 0 : index
    %get3A_46 = arith.constant 0 : index
    %get3A_47 = vector.load %arg6[%get3A_45, %get3A_46] : memref<1x64xf32, #tpu.memory_space<vmem>>, vector<1x64xf32>
    %add3A_48 = vector.broadcast %get3A_47 : vector<1x64xf32> to vector<2000x64xf32>
    %add3A_49 = arith.addf %dot_general3A_44, %add3A_48 : vector<2000x64xf32>
    %concatenate3A_50 = tpu.concatenate %add3A_49, %add3A_21 in 1 : vector<2000x64xf32>, vector<2000x16xf32> -> vector<2000x80xf32>
    %swap3A = arith.constant 0 : index
    %swap3A_51 = arith.constant 0 : index
    %swap3A_52 = vector.load %arg7[%swap3A, %swap3A_51] : memref<2000x80xf32, #tpu.memory_space<vmem>>, vector<2000x80xf32>
    tpu.vector_store %arg7[%swap3A, %swap3A_51], %concatenate3A_50 {strides = array<i32>} : memref<2000x80xf32, #tpu.memory_space<vmem>>, vector<2000x80xf32>,
    return
  }
  func.func @transform_0(%arg0: i32) -> (i32, i32) {
    %c0_i32 = arith.constant 0 : i32
    %c0_i32_0 = arith.constant 0 : i32
    return %arg0, %c0_i32 : i32, i32
  }
  func.func @transform_1(%arg0: i32) -> (i32, i32, i32) {
    %c0_i32 = arith.constant 0 : i32
    %c0_i32_0 = arith.constant 0 : i32
    %c0_i32_1 = arith.constant 0 : i32
    return %c0_i32, %arg0, %c0_i32_0 : i32, i32, i32
  }
  func.func @transform_2(%arg0: i32) -> (i32, i32) {
    %c0_i32 = arith.constant 0 : i32
    %c0_i32_0 = arith.constant 0 : i32
    %c0_i32_1 = arith.constant 0 : i32
    return %c0_i32, %c0_i32_0 : i32, i32
  }
  func.func @transform_3(%arg0: i32) -> (i32, i32) {
    %c0_i32 = arith.constant 0 : i32
    %c0_i32_0 = arith.constant 0 : i32
    %c0_i32_1 = arith.constant 0 : i32
    return %c0_i32, %c0_i32_0 : i32, i32
  }
  func.func @transform_4(%arg0: i32) -> (i32, i32) {
    %c0_i32 = arith.constant 0 : i32
    %c0_i32_0 = arith.constant 0 : i32
    %c0_i32_1 = arith.constant 0 : i32
    return %c0_i32, %c0_i32_0 : i32, i32
  }
  func.func @transform_5(%arg0: i32) -> (i32, i32) {
    %c0_i32 = arith.constant 0 : i32
    %c0_i32_0 = arith.constant 0 : i32
    %c0_i32_1 = arith.constant 0 : i32
    return %c0_i32, %c0_i32_0 : i32, i32
  }
  func.func @transform_6(%arg0: i32) -> (i32, i32) {
    %c0_i32 = arith.constant 0 : i32
    %c0_i32_0 = arith.constant 0 : i32
    return %arg0, %c0_i32 : i32, i32
  }
}

module attributes {stable_mosaic.version = 14 : i64} {
  func.func @_edge_body(%arg0: i32, %arg1: memref<2000x80xf32, #tpu.memory_space<vmem>>, %arg2: memref<2000x80xf32, #tpu.memory_space<vmem>>, %arg3: memref<2000x1xf32, #tpu.memory_space<vmem>>, %arg4: memref<130x64xf32, #tpu.memory_space<vmem>>, %arg5: memref<1x64xf32, #tpu.memory_space<vmem>>, %arg6: memref<64x64xf32, #tpu.memory_space<vmem>>, %arg7: memref<1x64xf32, #tpu.memory_space<vmem>>, %arg8: memref<64x64xf32, #tpu.memory_space<vmem>>, %arg9: memref<1x64xf32, #tpu.memory_space<vmem>>, %arg10: memref<64x1xf32, #tpu.memory_space<vmem>>, %arg11: memref<2000x80xf32, #tpu.memory_space<vmem>>) attributes {dimension_semantics = [#tpu.dimension_semantics<arbitrary>], iteration_bounds = array<i64: 160>, scalar_prefetch = 0 : i64, scratch_operands = 0 : i64, tpu.core_type = #tpu.core_type<tc>, window_params = [{transform_indices = @transform_0, window_bounds = array<i64: 2000, 80>}, {transform_indices = @transform_1, window_bounds = array<i64: 2000, 80>}, {transform_indices = @transform_2, window_bounds = array<i64: 2000, 1>}, {pipeline_mode = #tpu.pipeline_mode<synchronous>, transform_indices = @transform_3, window_bounds = array<i64: 130, 64>}, {pipeline_mode = #tpu.pipeline_mode<synchronous>, transform_indices = @transform_4, window_bounds = array<i64: 1, 64>}, {pipeline_mode = #tpu.pipeline_mode<synchronous>, transform_indices = @transform_5, window_bounds = array<i64: 64, 64>}, {pipeline_mode = #tpu.pipeline_mode<synchronous>, transform_indices = @transform_6, window_bounds = array<i64: 1, 64>}, {pipeline_mode = #tpu.pipeline_mode<synchronous>, transform_indices = @transform_7, window_bounds = array<i64: 64, 64>}, {pipeline_mode = #tpu.pipeline_mode<synchronous>, transform_indices = @transform_8, window_bounds = array<i64: 1, 64>}, {pipeline_mode = #tpu.pipeline_mode<synchronous>, transform_indices = @transform_9, window_bounds = array<i64: 64, 1>}, {transform_indices = @transform_10, window_bounds = array<i64: 2000, 80>}]} {
    %get3A = arith.constant 0 : index
    %get3A_0 = arith.constant 0 : index
    %get3A_1 = vector.load %arg1[%get3A, %get3A_0] : memref<2000x80xf32, #tpu.memory_space<vmem>>, vector<2000x80xf32>
    %get3A_2 = arith.constant 0 : index
    %get3A_3 = arith.constant 0 : index
    %get3A_4 = vector.load %arg2[%get3A_2, %get3A_3] : memref<2000x80xf32, #tpu.memory_space<vmem>>, vector<2000x80xf32>
    %slice3A = vector.extract_strided_slice %get3A_1 {offsets = [0, 64], sizes = [2000, 16], strides = [1, 1]} : vector<2000x80xf32> to vector<2000x16xf32>
    %slice3A_5 = vector.extract_strided_slice %get3A_4 {offsets = [0, 64], sizes = [2000, 16], strides = [1, 1]} : vector<2000x80xf32> to vector<2000x16xf32>
    %sub3A = arith.subf %slice3A, %slice3A_5 : vector<2000x16xf32>
    %slice3A_6 = vector.extract_strided_slice %sub3A {offsets = [0, 0], sizes = [2000, 1], strides = [1, 1]} : vector<2000x16xf32> to vector<2000x1xf32>
    %slice3A_7 = vector.extract_strided_slice %sub3A {offsets = [0, 0], sizes = [2000, 1], strides = [1, 1]} : vector<2000x16xf32> to vector<2000x1xf32>
    %mul3A = arith.mulf %slice3A_6, %slice3A_7 : vector<2000x1xf32>
    %slice3A_8 = vector.extract_strided_slice %sub3A {offsets = [0, 1], sizes = [2000, 1], strides = [1, 1]} : vector<2000x16xf32> to vector<2000x1xf32>
    %slice3A_9 = vector.extract_strided_slice %sub3A {offsets = [0, 1], sizes = [2000, 1], strides = [1, 1]} : vector<2000x16xf32> to vector<2000x1xf32>
    %mul3A_10 = arith.mulf %slice3A_8, %slice3A_9 : vector<2000x1xf32>
    %add3A = arith.addf %mul3A, %mul3A_10 : vector<2000x1xf32>
    %slice3A_11 = vector.extract_strided_slice %sub3A {offsets = [0, 2], sizes = [2000, 1], strides = [1, 1]} : vector<2000x16xf32> to vector<2000x1xf32>
    %slice3A_12 = vector.extract_strided_slice %sub3A {offsets = [0, 2], sizes = [2000, 1], strides = [1, 1]} : vector<2000x16xf32> to vector<2000x1xf32>
    %mul3A_13 = arith.mulf %slice3A_11, %slice3A_12 : vector<2000x1xf32>
    %add3A_14 = arith.addf %add3A, %mul3A_13 : vector<2000x1xf32>
    %sqrt3A = math.sqrt %add3A_14 : vector<2000x1xf32>
    %add3A_15 = arith.constant 1.000000e-30 : f32
    %add3A_16 = vector.broadcast %add3A_15 : f32 to vector<2000x1xf32>
    %add3A_17 = arith.addf %sqrt3A, %add3A_16 : vector<2000x1xf32>
    %div3A = vector.broadcast %add3A_17 : vector<2000x1xf32> to vector<2000x16xf32>
    %div3A_18 = arith.divf %sub3A, %div3A : vector<2000x16xf32>
    %get3A_19 = arith.constant 0 : index
    %get3A_20 = arith.constant 0 : index
    %get3A_21 = vector.load %arg4[%get3A_19, %get3A_20] : memref<130x64xf32, #tpu.memory_space<vmem>>, vector<130x64xf32>
    %slice3A_22 = vector.extract_strided_slice %get3A_1 {offsets = [0, 0], sizes = [2000, 64], strides = [1, 1]} : vector<2000x80xf32> to vector<2000x64xf32>
    %slice3A_23 = vector.extract_strided_slice %get3A_4 {offsets = [0, 0], sizes = [2000, 64], strides = [1, 1]} : vector<2000x80xf32> to vector<2000x64xf32>
    %get3A_24 = arith.constant 0 : index
    %get3A_25 = arith.constant 0 : index
    %get3A_26 = vector.load %arg3[%get3A_24, %get3A_25] : memref<2000x1xf32, #tpu.memory_space<vmem>>, vector<2000x1xf32>
    %concatenate3A = tpu.concatenate %slice3A_22, %slice3A_23, %add3A_14, %get3A_26 in 1 : vector<2000x64xf32>, vector<2000x64xf32>, vector<2000x1xf32>, vector<2000x1xf32> -> vector<2000x130xf32>
    %convert_element_type3A = arith.truncf %concatenate3A : vector<2000x130xf32> to vector<2000x130xbf16>
    %convert_element_type3A_27 = arith.truncf %get3A_21 : vector<130x64xf32> to vector<130x64xbf16>
    %dot_general3A = arith.constant dense<0.000000e+00> : vector<2000x64xf32>
    %dot_general3A_28 = tpu.matmul %convert_element_type3A, %convert_element_type3A_27, %dot_general3A {dimension_numbers = #tpu.dot_dimension_numbers<[1], [0], [0], [1], [0, 0, 1, 1], [], []>, transpose_lhs_hint = false} : vector<2000x130xbf16>, vector<130x64xbf16>, vector<2000x64xf32> -> vector<2000x64xf32>
    %get3A_29 = arith.constant 0 : index
    %get3A_30 = arith.constant 0 : index
    %get3A_31 = vector.load %arg5[%get3A_29, %get3A_30] : memref<1x64xf32, #tpu.memory_space<vmem>>, vector<1x64xf32>
    %add3A_32 = vector.broadcast %get3A_31 : vector<1x64xf32> to vector<2000x64xf32>
    %add3A_33 = arith.addf %dot_general3A_28, %add3A_32 : vector<2000x64xf32>
    %neg3A = arith.constant 0.000000e+00 : f32
    %neg3A_34 = vector.broadcast %neg3A : f32 to vector<2000x64xf32>
    %neg3A_35 = arith.subf %neg3A_34, %add3A_33 : vector<2000x64xf32>
    %exp3A = math.exp %neg3A_35 : vector<2000x64xf32>
    %add3A_36 = arith.constant 1.000000e+00 : f32
    %add3A_37 = vector.broadcast %add3A_36 : f32 to vector<2000x64xf32>
    %add3A_38 = arith.addf %add3A_37, %exp3A : vector<2000x64xf32>
    %div3A_39 = arith.divf %add3A_33, %add3A_38 : vector<2000x64xf32>
    %get3A_40 = arith.constant 0 : index
    %get3A_41 = arith.constant 0 : index
    %get3A_42 = vector.load %arg6[%get3A_40, %get3A_41] : memref<64x64xf32, #tpu.memory_space<vmem>>, vector<64x64xf32>
    %convert_element_type3A_43 = arith.truncf %div3A_39 : vector<2000x64xf32> to vector<2000x64xbf16>
    %convert_element_type3A_44 = arith.truncf %get3A_42 : vector<64x64xf32> to vector<64x64xbf16>
    %dot_general3A_45 = arith.constant dense<0.000000e+00> : vector<2000x64xf32>
    %dot_general3A_46 = tpu.matmul %convert_element_type3A_43, %convert_element_type3A_44, %dot_general3A_45 {dimension_numbers = #tpu.dot_dimension_numbers<[1], [0], [0], [1], [0, 0, 1, 1], [], []>, transpose_lhs_hint = false} : vector<2000x64xbf16>, vector<64x64xbf16>, vector<2000x64xf32> -> vector<2000x64xf32>
    %get3A_47 = arith.constant 0 : index
    %get3A_48 = arith.constant 0 : index
    %get3A_49 = vector.load %arg7[%get3A_47, %get3A_48] : memref<1x64xf32, #tpu.memory_space<vmem>>, vector<1x64xf32>
    %add3A_50 = vector.broadcast %get3A_49 : vector<1x64xf32> to vector<2000x64xf32>
    %add3A_51 = arith.addf %dot_general3A_46, %add3A_50 : vector<2000x64xf32>
    %neg3A_52 = arith.constant 0.000000e+00 : f32
    %neg3A_53 = vector.broadcast %neg3A_52 : f32 to vector<2000x64xf32>
    %neg3A_54 = arith.subf %neg3A_53, %add3A_51 : vector<2000x64xf32>
    %exp3A_55 = math.exp %neg3A_54 : vector<2000x64xf32>
    %add3A_56 = arith.constant 1.000000e+00 : f32
    %add3A_57 = vector.broadcast %add3A_56 : f32 to vector<2000x64xf32>
    %add3A_58 = arith.addf %add3A_57, %exp3A_55 : vector<2000x64xf32>
    %div3A_59 = arith.divf %add3A_51, %add3A_58 : vector<2000x64xf32>
    %get3A_60 = arith.constant 0 : index
    %get3A_61 = arith.constant 0 : index
    %get3A_62 = vector.load %arg8[%get3A_60, %get3A_61] : memref<64x64xf32, #tpu.memory_space<vmem>>, vector<64x64xf32>
    %convert_element_type3A_63 = arith.truncf %div3A_59 : vector<2000x64xf32> to vector<2000x64xbf16>
    %convert_element_type3A_64 = arith.truncf %get3A_62 : vector<64x64xf32> to vector<64x64xbf16>
    %dot_general3A_65 = arith.constant dense<0.000000e+00> : vector<2000x64xf32>
    %dot_general3A_66 = tpu.matmul %convert_element_type3A_63, %convert_element_type3A_64, %dot_general3A_65 {dimension_numbers = #tpu.dot_dimension_numbers<[1], [0], [0], [1], [0, 0, 1, 1], [], []>, transpose_lhs_hint = false} : vector<2000x64xbf16>, vector<64x64xbf16>, vector<2000x64xf32> -> vector<2000x64xf32>
    %get3A_67 = arith.constant 0 : index
    %get3A_68 = arith.constant 0 : index
    %get3A_69 = vector.load %arg9[%get3A_67, %get3A_68] : memref<1x64xf32, #tpu.memory_space<vmem>>, vector<1x64xf32>
    %add3A_70 = vector.broadcast %get3A_69 : vector<1x64xf32> to vector<2000x64xf32>
    %add3A_71 = arith.addf %dot_general3A_66, %add3A_70 : vector<2000x64xf32>
    %neg3A_72 = arith.constant 0.000000e+00 : f32
    %neg3A_73 = vector.broadcast %neg3A_72 : f32 to vector<2000x64xf32>
    %neg3A_74 = arith.subf %neg3A_73, %add3A_71 : vector<2000x64xf32>
    %exp3A_75 = math.exp %neg3A_74 : vector<2000x64xf32>
    %add3A_76 = arith.constant 1.000000e+00 : f32
    %add3A_77 = vector.broadcast %add3A_76 : f32 to vector<2000x64xf32>
    %add3A_78 = arith.addf %add3A_77, %exp3A_75 : vector<2000x64xf32>
    %div3A_79 = arith.divf %add3A_71, %add3A_78 : vector<2000x64xf32>
    %get3A_80 = arith.constant 0 : index
    %get3A_81 = arith.constant 0 : index
    %get3A_82 = vector.load %arg10[%get3A_80, %get3A_81] : memref<64x1xf32, #tpu.memory_space<vmem>>, vector<64x1xf32>
    %convert_element_type3A_83 = arith.truncf %div3A_79 : vector<2000x64xf32> to vector<2000x64xbf16>
    %convert_element_type3A_84 = arith.truncf %get3A_82 : vector<64x1xf32> to vector<64x1xbf16>
    %dot_general3A_85 = arith.constant dense<0.000000e+00> : vector<2000x1xf32>
    %dot_general3A_86 = tpu.matmul %convert_element_type3A_83, %convert_element_type3A_84, %dot_general3A_85 {dimension_numbers = #tpu.dot_dimension_numbers<[1], [0], [0], [1], [0, 0, 1, 1], [], []>, transpose_lhs_hint = false} : vector<2000x64xbf16>, vector<64x1xbf16>, vector<2000x1xf32> -> vector<2000x1xf32>
    %mul3A_87 = vector.broadcast %dot_general3A_86 : vector<2000x1xf32> to vector<2000x16xf32>
    %mul3A_88 = arith.mulf %mul3A_87, %div3A_18 : vector<2000x16xf32>
    %iota3A = tpu.iota {dimensions = array<i32: 1>} : vector<2000x16xi32>
    %eq3A = arith.constant 3 : i32
    %eq3A_89 = vector.broadcast %eq3A : i32 to vector<2000x16xi32>
    %eq3A_90 = arith.cmpi eq, %iota3A, %eq3A_89 : vector<2000x16xi32>
    %lt3A = arith.constant 3 : i32
    %lt3A_91 = vector.broadcast %lt3A : i32 to vector<2000x16xi32>
    %lt3A_92 = arith.cmpi slt, %iota3A, %lt3A_91 : vector<2000x16xi32>
    %jit3A = arith.constant 0.000000e+00 : f32
    %broadcast_in_dim3A = vector.broadcast %jit3A : f32 to vector<2000x16xf32>
    %select_n3A = arith.select %lt3A_92, %mul3A_88, %broadcast_in_dim3A : vector<2000x16xi1>, vector<2000x16xf32>
    %jit3A_93 = arith.constant 1.000000e+00 : f32
    %broadcast_in_dim3A_94 = vector.broadcast %jit3A_93 : f32 to vector<2000x16xf32>
    %select_n3A_95 = arith.select %eq3A_90, %broadcast_in_dim3A_94, %select_n3A : vector<2000x16xi1>, vector<2000x16xf32>
    %concatenate3A_96 = tpu.concatenate %div3A_59, %select_n3A_95 in 1 : vector<2000x64xf32>, vector<2000x16xf32> -> vector<2000x80xf32>
    %swap3A = arith.constant 0 : index
    %swap3A_97 = arith.constant 0 : index
    %swap3A_98 = vector.load %arg11[%swap3A, %swap3A_97] : memref<2000x80xf32, #tpu.memory_space<vmem>>, vector<2000x80xf32>
    tpu.vector_store %arg11[%swap3A, %swap3A_97], %concatenate3A_96 {strides = array<i32>} : memref<2000x80xf32, #tpu.memory_space<vmem>>, vector<2000x80xf32>,
    return
  }
  func.func @transform_0(%arg0: i32) -> (i32, i32) {
    %c0_i32 = arith.constant 0 : i32
    %c0_i32_0 = arith.constant 0 : i32
    return %arg0, %c0_i32 : i32, i32
  }
  func.func @transform_1(%arg0: i32) -> (i32, i32) {
    %c0_i32 = arith.constant 0 : i32
    %c0_i32_0 = arith.constant 0 : i32
    return %arg0, %c0_i32 : i32, i32
  }
  func.func @transform_2(%arg0: i32) -> (i32, i32) {
    %c0_i32 = arith.constant 0 : i32
    %c0_i32_0 = arith.constant 0 : i32
    return %arg0, %c0_i32 : i32, i32
  }
  func.func @transform_3(%arg0: i32) -> (i32, i32) {
    %c0_i32 = arith.constant 0 : i32
    %c0_i32_0 = arith.constant 0 : i32
    %c0_i32_1 = arith.constant 0 : i32
    return %c0_i32, %c0_i32_0 : i32, i32
  }
  func.func @transform_4(%arg0: i32) -> (i32, i32) {
    %c0_i32 = arith.constant 0 : i32
    %c0_i32_0 = arith.constant 0 : i32
    %c0_i32_1 = arith.constant 0 : i32
    return %c0_i32, %c0_i32_0 : i32, i32
  }
  func.func @transform_5(%arg0: i32) -> (i32, i32) {
    %c0_i32 = arith.constant 0 : i32
    %c0_i32_0 = arith.constant 0 : i32
    %c0_i32_1 = arith.constant 0 : i32
    return %c0_i32, %c0_i32_0 : i32, i32
  }
  func.func @transform_6(%arg0: i32) -> (i32, i32) {
    %c0_i32 = arith.constant 0 : i32
    %c0_i32_0 = arith.constant 0 : i32
    %c0_i32_1 = arith.constant 0 : i32
    return %c0_i32, %c0_i32_0 : i32, i32
  }
  func.func @transform_7(%arg0: i32) -> (i32, i32) {
    %c0_i32 = arith.constant 0 : i32
    %c0_i32_0 = arith.constant 0 : i32
    %c0_i32_1 = arith.constant 0 : i32
    return %c0_i32, %c0_i32_0 : i32, i32
  }
  func.func @transform_8(%arg0: i32) -> (i32, i32) {
    %c0_i32 = arith.constant 0 : i32
    %c0_i32_0 = arith.constant 0 : i32
    %c0_i32_1 = arith.constant 0 : i32
    return %c0_i32, %c0_i32_0 : i32, i32
  }
  func.func @transform_9(%arg0: i32) -> (i32, i32) {
    %c0_i32 = arith.constant 0 : i32
    %c0_i32_0 = arith.constant 0 : i32
    %c0_i32_1 = arith.constant 0 : i32
    return %c0_i32, %c0_i32_0 : i32, i32
  }
  func.func @transform_10(%arg0: i32) -> (i32, i32) {
    %c0_i32 = arith.constant 0 : i32
    %c0_i32_0 = arith.constant 0 : i32
    return %arg0, %c0_i32 : i32, i32
  }
}

module attributes {stable_mosaic.version = 14 : i64} {
  func.func @_node_body(%arg0: i32, %arg1: memref<2000x80xf32, #tpu.memory_space<vmem>>, %arg2: memref<2x2000x80xf32, #tpu.memory_space<vmem>>, %arg3: memref<128x64xf32, #tpu.memory_space<vmem>>, %arg4: memref<1x64xf32, #tpu.memory_space<vmem>>, %arg5: memref<64x64xf32, #tpu.memory_space<vmem>>, %arg6: memref<1x64xf32, #tpu.memory_space<vmem>>, %arg7: memref<2000x80xf32, #tpu.memory_space<vmem>>) attributes {dimension_semantics = [#tpu.dimension_semantics<arbitrary>], iteration_bounds = array<i64: 5>, scalar_prefetch = 0 : i64, scratch_operands = 0 : i64, tpu.core_type = #tpu.core_type<tc>, window_params = [{transform_indices = @transform_0, window_bounds = array<i64: 2000, 80>}, {transform_indices = @transform_1, window_bounds = array<i64: 2, 2000, 80>}, {pipeline_mode = #tpu.pipeline_mode<synchronous>, transform_indices = @transform_2, window_bounds = array<i64: 128, 64>}, {pipeline_mode = #tpu.pipeline_mode<synchronous>, transform_indices = @transform_3, window_bounds = array<i64: 1, 64>}, {pipeline_mode = #tpu.pipeline_mode<synchronous>, transform_indices = @transform_4, window_bounds = array<i64: 64, 64>}, {pipeline_mode = #tpu.pipeline_mode<synchronous>, transform_indices = @transform_5, window_bounds = array<i64: 1, 64>}, {transform_indices = @transform_6, window_bounds = array<i64: 2000, 80>}]} {
    %get3A = arith.constant 0 : index
    %get3A_0 = arith.constant 0 : index
    %get3A_1 = vector.load %arg1[%get3A, %get3A_0] : memref<2000x80xf32, #tpu.memory_space<vmem>>, vector<2000x80xf32>
    %get3A_2 = arith.constant 0 : index
    %get3A_3 = arith.constant 0 : index
    %get3A_4 = arith.constant 0 : index
    %get3A_5 = vector.load %arg2[%get3A_2, %get3A_3, %get3A_4] : memref<2x2000x80xf32, #tpu.memory_space<vmem>>, vector<1x2000x80xf32>
    %get3A_6 = vector.shape_cast %get3A_5 : vector<1x2000x80xf32> to vector<2000x80xf32>
    %get3A_7 = arith.constant 1 : index
    %get3A_8 = arith.constant 0 : index
    %get3A_9 = arith.constant 0 : index
    %get3A_10 = vector.load %arg2[%get3A_7, %get3A_8, %get3A_9] : memref<2x2000x80xf32, #tpu.memory_space<vmem>>, vector<1x2000x80xf32>
    %get3A_11 = vector.shape_cast %get3A_10 : vector<1x2000x80xf32> to vector<2000x80xf32>
    %add3A = arith.addf %get3A_6, %get3A_11 : vector<2000x80xf32>
    %slice3A = vector.extract_strided_slice %get3A_1 {offsets = [0, 0], sizes = [2000, 64], strides = [1, 1]} : vector<2000x80xf32> to vector<2000x64xf32>
    %slice3A_12 = vector.extract_strided_slice %add3A {offsets = [0, 0], sizes = [2000, 64], strides = [1, 1]} : vector<2000x80xf32> to vector<2000x64xf32>
    %slice3A_13 = vector.extract_strided_slice %add3A {offsets = [0, 67], sizes = [2000, 1], strides = [1, 1]} : vector<2000x80xf32> to vector<2000x1xf32>
    %max3A = arith.constant 1.000000e+00 : f32
    %max3A_14 = vector.broadcast %max3A : f32 to vector<2000x1xf32>
    %max3A_15 = arith.maximumf %slice3A_13, %max3A_14 : vector<2000x1xf32>
    %slice3A_16 = vector.extract_strided_slice %add3A {offsets = [0, 64], sizes = [2000, 16], strides = [1, 1]} : vector<2000x80xf32> to vector<2000x16xf32>
    %div3A = vector.broadcast %max3A_15 : vector<2000x1xf32> to vector<2000x16xf32>
    %div3A_17 = arith.divf %slice3A_16, %div3A : vector<2000x16xf32>
    %iota3A = tpu.iota {dimensions = array<i32: 1>} : vector<2000x16xi32>
    %lt3A = arith.constant 3 : i32
    %lt3A_18 = vector.broadcast %lt3A : i32 to vector<2000x16xi32>
    %lt3A_19 = arith.cmpi slt, %iota3A, %lt3A_18 : vector<2000x16xi32>
    %jit3A = arith.constant 0.000000e+00 : f32
    %broadcast_in_dim3A = vector.broadcast %jit3A : f32 to vector<2000x16xf32>
    %select_n3A = arith.select %lt3A_19, %div3A_17, %broadcast_in_dim3A : vector<2000x16xi1>, vector<2000x16xf32>
    %slice3A_20 = vector.extract_strided_slice %get3A_1 {offsets = [0, 64], sizes = [2000, 16], strides = [1, 1]} : vector<2000x80xf32> to vector<2000x16xf32>
    %add3A_21 = arith.addf %slice3A_20, %select_n3A : vector<2000x16xf32>
    %concatenate3A = tpu.concatenate %slice3A, %slice3A_12 in 1 : vector<2000x64xf32>, vector<2000x64xf32> -> vector<2000x128xf32>
    %get3A_22 = arith.constant 0 : index
    %get3A_23 = arith.constant 0 : index
    %get3A_24 = vector.load %arg3[%get3A_22, %get3A_23] : memref<128x64xf32, #tpu.memory_space<vmem>>, vector<128x64xf32>
    %convert_element_type3A = arith.truncf %concatenate3A : vector<2000x128xf32> to vector<2000x128xbf16>
    %convert_element_type3A_25 = arith.truncf %get3A_24 : vector<128x64xf32> to vector<128x64xbf16>
    %dot_general3A = arith.constant dense<0.000000e+00> : vector<2000x64xf32>
    %dot_general3A_26 = tpu.matmul %convert_element_type3A, %convert_element_type3A_25, %dot_general3A {dimension_numbers = #tpu.dot_dimension_numbers<[1], [0], [0], [1], [0, 0, 1, 1], [], []>, transpose_lhs_hint = false} : vector<2000x128xbf16>, vector<128x64xbf16>, vector<2000x64xf32> -> vector<2000x64xf32>
    %get3A_27 = arith.constant 0 : index
    %get3A_28 = arith.constant 0 : index
    %get3A_29 = vector.load %arg4[%get3A_27, %get3A_28] : memref<1x64xf32, #tpu.memory_space<vmem>>, vector<1x64xf32>
    %add3A_30 = vector.broadcast %get3A_29 : vector<1x64xf32> to vector<2000x64xf32>
    %add3A_31 = arith.addf %dot_general3A_26, %add3A_30 : vector<2000x64xf32>
    %neg3A = arith.constant 0.000000e+00 : f32
    %neg3A_32 = vector.broadcast %neg3A : f32 to vector<2000x64xf32>
    %neg3A_33 = arith.subf %neg3A_32, %add3A_31 : vector<2000x64xf32>
    %exp3A = math.exp %neg3A_33 : vector<2000x64xf32>
    %add3A_34 = arith.constant 1.000000e+00 : f32
    %add3A_35 = vector.broadcast %add3A_34 : f32 to vector<2000x64xf32>
    %add3A_36 = arith.addf %add3A_35, %exp3A : vector<2000x64xf32>
    %div3A_37 = arith.divf %add3A_31, %add3A_36 : vector<2000x64xf32>
    %get3A_38 = arith.constant 0 : index
    %get3A_39 = arith.constant 0 : index
    %get3A_40 = vector.load %arg5[%get3A_38, %get3A_39] : memref<64x64xf32, #tpu.memory_space<vmem>>, vector<64x64xf32>
    %convert_element_type3A_41 = arith.truncf %div3A_37 : vector<2000x64xf32> to vector<2000x64xbf16>
    %convert_element_type3A_42 = arith.truncf %get3A_40 : vector<64x64xf32> to vector<64x64xbf16>
    %dot_general3A_43 = arith.constant dense<0.000000e+00> : vector<2000x64xf32>
    %dot_general3A_44 = tpu.matmul %convert_element_type3A_41, %convert_element_type3A_42, %dot_general3A_43 {dimension_numbers = #tpu.dot_dimension_numbers<[1], [0], [0], [1], [0, 0, 1, 1], [], []>, transpose_lhs_hint = false} : vector<2000x64xbf16>, vector<64x64xbf16>, vector<2000x64xf32> -> vector<2000x64xf32>
    %get3A_45 = arith.constant 0 : index
    %get3A_46 = arith.constant 0 : index
    %get3A_47 = vector.load %arg6[%get3A_45, %get3A_46] : memref<1x64xf32, #tpu.memory_space<vmem>>, vector<1x64xf32>
    %add3A_48 = vector.broadcast %get3A_47 : vector<1x64xf32> to vector<2000x64xf32>
    %add3A_49 = arith.addf %dot_general3A_44, %add3A_48 : vector<2000x64xf32>
    %concatenate3A_50 = tpu.concatenate %add3A_49, %add3A_21 in 1 : vector<2000x64xf32>, vector<2000x16xf32> -> vector<2000x80xf32>
    %swap3A = arith.constant 0 : index
    %swap3A_51 = arith.constant 0 : index
    %swap3A_52 = vector.load %arg7[%swap3A, %swap3A_51] : memref<2000x80xf32, #tpu.memory_space<vmem>>, vector<2000x80xf32>
    tpu.vector_store %arg7[%swap3A, %swap3A_51], %concatenate3A_50 {strides = array<i32>} : memref<2000x80xf32, #tpu.memory_space<vmem>>, vector<2000x80xf32>,
    return
  }
  func.func @transform_0(%arg0: i32) -> (i32, i32) {
    %c0_i32 = arith.constant 0 : i32
    %c0_i32_0 = arith.constant 0 : i32
    return %arg0, %c0_i32 : i32, i32
  }
  func.func @transform_1(%arg0: i32) -> (i32, i32, i32) {
    %c0_i32 = arith.constant 0 : i32
    %c0_i32_0 = arith.constant 0 : i32
    %c0_i32_1 = arith.constant 0 : i32
    return %c0_i32, %arg0, %c0_i32_0 : i32, i32, i32
  }
  func.func @transform_2(%arg0: i32) -> (i32, i32) {
    %c0_i32 = arith.constant 0 : i32
    %c0_i32_0 = arith.constant 0 : i32
    %c0_i32_1 = arith.constant 0 : i32
    return %c0_i32, %c0_i32_0 : i32, i32
  }
  func.func @transform_3(%arg0: i32) -> (i32, i32) {
    %c0_i32 = arith.constant 0 : i32
    %c0_i32_0 = arith.constant 0 : i32
    %c0_i32_1 = arith.constant 0 : i32
    return %c0_i32, %c0_i32_0 : i32, i32
  }
  func.func @transform_4(%arg0: i32) -> (i32, i32) {
    %c0_i32 = arith.constant 0 : i32
    %c0_i32_0 = arith.constant 0 : i32
    %c0_i32_1 = arith.constant 0 : i32
    return %c0_i32, %c0_i32_0 : i32, i32
  }
  func.func @transform_5(%arg0: i32) -> (i32, i32) {
    %c0_i32 = arith.constant 0 : i32
    %c0_i32_0 = arith.constant 0 : i32
    %c0_i32_1 = arith.constant 0 : i32
    return %c0_i32, %c0_i32_0 : i32, i32
  }
  func.func @transform_6(%arg0: i32) -> (i32, i32) {
    %c0_i32 = arith.constant 0 : i32
    %c0_i32_0 = arith.constant 0 : i32
    return %arg0, %c0_i32 : i32, i32
  }
}

module attributes {stable_mosaic.version = 14 : i64} {
  func.func @_attn_body(%arg0: i32, %arg1: memref<1x512x64xf32, #tpu.memory_space<vmem>>, %arg2: memref<64x64xf32, #tpu.memory_space<vmem>>, %arg3: memref<1x64xf32, #tpu.memory_space<vmem>>, %arg4: memref<64x64xf32, #tpu.memory_space<vmem>>, %arg5: memref<1x64xf32, #tpu.memory_space<vmem>>, %arg6: memref<64x64xf32, #tpu.memory_space<vmem>>, %arg7: memref<1x64xf32, #tpu.memory_space<vmem>>, %arg8: memref<64x64xf32, #tpu.memory_space<vmem>>, %arg9: memref<1x64xf32, #tpu.memory_space<vmem>>, %arg10: memref<64x32xf32, #tpu.memory_space<vmem>>, %arg11: memref<1x32xf32, #tpu.memory_space<vmem>>, %arg12: memref<32x1xf32, #tpu.memory_space<vmem>>, %arg13: memref<1x1xf32, #tpu.memory_space<vmem>>, %arg14: memref<32x20xf32, #tpu.memory_space<vmem>>, %arg15: memref<1x20xf32, #tpu.memory_space<vmem>>, %arg16: memref<20x1xf32, #tpu.memory_space<vmem>>, %arg17: memref<20x20xf32, #tpu.memory_space<vmem>>) attributes {dimension_semantics = [#tpu.dimension_semantics<arbitrary>], iteration_bounds = array<i64: 20>, scalar_prefetch = 0 : i64, scratch_operands = 0 : i64, tpu.core_type = #tpu.core_type<tc>, window_params = [{transform_indices = @transform_0, window_bounds = array<i64: 1, 512, 64>}, {pipeline_mode = #tpu.pipeline_mode<synchronous>, transform_indices = @transform_1, window_bounds = array<i64: 64, 64>}, {pipeline_mode = #tpu.pipeline_mode<synchronous>, transform_indices = @transform_2, window_bounds = array<i64: 1, 64>}, {pipeline_mode = #tpu.pipeline_mode<synchronous>, transform_indices = @transform_3, window_bounds = array<i64: 64, 64>}, {pipeline_mode = #tpu.pipeline_mode<synchronous>, transform_indices = @transform_4, window_bounds = array<i64: 1, 64>}, {pipeline_mode = #tpu.pipeline_mode<synchronous>, transform_indices = @transform_5, window_bounds = array<i64: 64, 64>}, {pipeline_mode = #tpu.pipeline_mode<synchronous>, transform_indices = @transform_6, window_bounds = array<i64: 1, 64>}, {pipeline_mode = #tpu.pipeline_mode<synchronous>, transform_indices = @transform_7, window_bounds = array<i64: 64, 64>}, {pipeline_mode = #tpu.pipeline_mode<synchronous>, transform_indices = @transform_8, window_bounds = array<i64: 1, 64>}, {pipeline_mode = #tpu.pipeline_mode<synchronous>, transform_indices = @transform_9, window_bounds = array<i64: 64, 32>}, {pipeline_mode = #tpu.pipeline_mode<synchronous>, transform_indices = @transform_10, window_bounds = array<i64: 1, 32>}, {pipeline_mode = #tpu.pipeline_mode<synchronous>, transform_indices = @transform_11, window_bounds = array<i64: 32, 1>}, {pipeline_mode = #tpu.pipeline_mode<synchronous>, transform_indices = @transform_12, window_bounds = array<i64: 1, 1>}, {pipeline_mode = #tpu.pipeline_mode<synchronous>, transform_indices = @transform_13, window_bounds = array<i64: 32, 20>}, {pipeline_mode = #tpu.pipeline_mode<synchronous>, transform_indices = @transform_14, window_bounds = array<i64: 1, 20>}, {pipeline_mode = #tpu.pipeline_mode<synchronous>, transform_indices = @transform_15, window_bounds = array<i64: 20, 1>}, {pipeline_mode = #tpu.pipeline_mode<synchronous>, transform_indices = @transform_16, window_bounds = array<i64: 20, 20>}]} {
    %get3A = arith.constant 0 : index
    %get3A_0 = arith.constant 0 : index
    %get3A_1 = arith.constant 0 : index
    %get3A_2 = vector.load %arg1[%get3A, %get3A_0, %get3A_1] : memref<1x512x64xf32, #tpu.memory_space<vmem>>, vector<1x512x64xf32>
    %get3A_3 = vector.shape_cast %get3A_2 : vector<1x512x64xf32> to vector<512x64xf32>
    %get3A_4 = arith.constant 0 : index
    %get3A_5 = arith.constant 0 : index
    %get3A_6 = vector.load %arg2[%get3A_4, %get3A_5] : memref<64x64xf32, #tpu.memory_space<vmem>>, vector<64x64xf32>
    %convert_element_type3A = arith.truncf %get3A_3 : vector<512x64xf32> to vector<512x64xbf16>
    %convert_element_type3A_7 = arith.truncf %get3A_6 : vector<64x64xf32> to vector<64x64xbf16>
    %dot_general3A = arith.constant dense<0.000000e+00> : vector<512x64xf32>
    %dot_general3A_8 = tpu.matmul %convert_element_type3A, %convert_element_type3A_7, %dot_general3A {dimension_numbers = #tpu.dot_dimension_numbers<[1], [0], [0], [1], [0, 0, 1, 1], [], []>, transpose_lhs_hint = false} : vector<512x64xbf16>, vector<64x64xbf16>, vector<512x64xf32> -> vector<512x64xf32>
    %get3A_9 = arith.constant 0 : index
    %get3A_10 = arith.constant 0 : index
    %get3A_11 = vector.load %arg3[%get3A_9, %get3A_10] : memref<1x64xf32, #tpu.memory_space<vmem>>, vector<1x64xf32>
    %add3A = vector.broadcast %get3A_11 : vector<1x64xf32> to vector<512x64xf32>
    %add3A_12 = arith.addf %dot_general3A_8, %add3A : vector<512x64xf32>
    %get3A_13 = arith.constant 0 : index
    %get3A_14 = arith.constant 0 : index
    %get3A_15 = vector.load %arg4[%get3A_13, %get3A_14] : memref<64x64xf32, #tpu.memory_space<vmem>>, vector<64x64xf32>
    %convert_element_type3A_16 = arith.truncf %get3A_3 : vector<512x64xf32> to vector<512x64xbf16>
    %convert_element_type3A_17 = arith.truncf %get3A_15 : vector<64x64xf32> to vector<64x64xbf16>
    %dot_general3A_18 = arith.constant dense<0.000000e+00> : vector<512x64xf32>
    %dot_general3A_19 = tpu.matmul %convert_element_type3A_16, %convert_element_type3A_17, %dot_general3A_18 {dimension_numbers = #tpu.dot_dimension_numbers<[1], [0], [0], [1], [0, 0, 1, 1], [], []>, transpose_lhs_hint = false} : vector<512x64xbf16>, vector<64x64xbf16>, vector<512x64xf32> -> vector<512x64xf32>
    %get3A_20 = arith.constant 0 : index
    %get3A_21 = arith.constant 0 : index
    %get3A_22 = vector.load %arg5[%get3A_20, %get3A_21] : memref<1x64xf32, #tpu.memory_space<vmem>>, vector<1x64xf32>
    %add3A_23 = vector.broadcast %get3A_22 : vector<1x64xf32> to vector<512x64xf32>
    %add3A_24 = arith.addf %dot_general3A_19, %add3A_23 : vector<512x64xf32>
    %get3A_25 = arith.constant 0 : index
    %get3A_26 = arith.constant 0 : index
    %get3A_27 = vector.load %arg6[%get3A_25, %get3A_26] : memref<64x64xf32, #tpu.memory_space<vmem>>, vector<64x64xf32>
    %convert_element_type3A_28 = arith.truncf %get3A_3 : vector<512x64xf32> to vector<512x64xbf16>
    %convert_element_type3A_29 = arith.truncf %get3A_27 : vector<64x64xf32> to vector<64x64xbf16>
    %dot_general3A_30 = arith.constant dense<0.000000e+00> : vector<512x64xf32>
    %dot_general3A_31 = tpu.matmul %convert_element_type3A_28, %convert_element_type3A_29, %dot_general3A_30 {dimension_numbers = #tpu.dot_dimension_numbers<[1], [0], [0], [1], [0, 0, 1, 1], [], []>, transpose_lhs_hint = false} : vector<512x64xbf16>, vector<64x64xbf16>, vector<512x64xf32> -> vector<512x64xf32>
    %get3A_32 = arith.constant 0 : index
    %get3A_33 = arith.constant 0 : index
    %get3A_34 = vector.load %arg7[%get3A_32, %get3A_33] : memref<1x64xf32, #tpu.memory_space<vmem>>, vector<1x64xf32>
    %add3A_35 = vector.broadcast %get3A_34 : vector<1x64xf32> to vector<512x64xf32>
    %add3A_36 = arith.addf %dot_general3A_31, %add3A_35 : vector<512x64xf32>
    %iota3A = tpu.iota {dimensions = array<i32: 1>} : vector<512x512xi32>
    %lt3A = arith.constant 500 : i32
    %lt3A_37 = vector.broadcast %lt3A : i32 to vector<512x512xi32>
    %lt3A_38 = arith.cmpi slt, %iota3A, %lt3A_37 : vector<512x512xi32>
    %slice3A = vector.extract_strided_slice %add3A_12 {offsets = [0, 0], sizes = [512, 8], strides = [1, 1]} : vector<512x64xf32> to vector<512x8xf32>
    %slice3A_39 = vector.extract_strided_slice %add3A_24 {offsets = [0, 0], sizes = [512, 8], strides = [1, 1]} : vector<512x64xf32> to vector<512x8xf32>
    %slice3A_40 = vector.extract_strided_slice %add3A_36 {offsets = [0, 0], sizes = [512, 8], strides = [1, 1]} : vector<512x64xf32> to vector<512x8xf32>
    %convert_element_type3A_41 = arith.truncf %slice3A : vector<512x8xf32> to vector<512x8xbf16>
    %convert_element_type3A_42 = arith.truncf %slice3A_39 : vector<512x8xf32> to vector<512x8xbf16>
    %dot_general3A_43 = arith.constant dense<0.000000e+00> : vector<512x512xf32>
    %dot_general3A_44 = tpu.matmul %convert_element_type3A_41, %convert_element_type3A_42, %dot_general3A_43 {dimension_numbers = #tpu.dot_dimension_numbers<[1], [1], [0], [0], [0, 0, 1, 0], [], []>, transpose_lhs_hint = false} : vector<512x8xbf16>, vector<512x8xbf16>, vector<512x512xf32> -> vector<512x512xf32>
    %mul3A = arith.constant 0.353553385 : f32
    %mul3A_45 = vector.broadcast %mul3A : f32 to vector<512x512xf32>
    %mul3A_46 = arith.mulf %dot_general3A_44, %mul3A_45 : vector<512x512xf32>
    %jit3A = arith.constant -1.000000e+30 : f32
    %broadcast_in_dim3A = vector.broadcast %jit3A : f32 to vector<512x512xf32>
    %select_n3A = arith.select %lt3A_38, %mul3A_46, %broadcast_in_dim3A : vector<512x512xi1>, vector<512x512xf32>
    %reduce_max3A = arith.constant dense<0xFF800000> : vector<512xf32>
    %reduce_max3A_47 = vector.multi_reduction <maximumf>, %select_n3A, %reduce_max3A [1] : vector<512x512xf32> to vector<512xf32>
    %broadcast_in_dim3A_48 = vector.shape_cast %reduce_max3A_47 : vector<512xf32> to vector<512x1xf32>
    %sub3A = vector.broadcast %broadcast_in_dim3A_48 : vector<512x1xf32> to vector<512x512xf32>
    %sub3A_49 = arith.subf %select_n3A, %sub3A : vector<512x512xf32>
    %exp3A = math.exp %sub3A_49 : vector<512x512xf32>
    %reduce_sum3A = arith.constant dense<0.000000e+00> : vector<512xf32>
    %reduce_sum3A_50 = vector.multi_reduction <add>, %exp3A, %reduce_sum3A [1] : vector<512x512xf32> to vector<512xf32>
    %broadcast_in_dim3A_51 = vector.shape_cast %reduce_sum3A_50 : vector<512xf32> to vector<512x1xf32>
    %div3A = vector.broadcast %broadcast_in_dim3A_51 : vector<512x1xf32> to vector<512x512xf32>
    %div3A_52 = arith.divf %exp3A, %div3A : vector<512x512xf32>
    %convert_element_type3A_53 = arith.truncf %div3A_52 : vector<512x512xf32> to vector<512x512xbf16>
    %convert_element_type3A_54 = arith.truncf %slice3A_40 : vector<512x8xf32> to vector<512x8xbf16>
    %dot_general3A_55 = arith.constant dense<0.000000e+00> : vector<512x8xf32>
    %dot_general3A_56 = tpu.matmul %convert_element_type3A_53, %convert_element_type3A_54, %dot_general3A_55 {dimension_numbers = #tpu.dot_dimension_numbers<[1], [0], [0], [1], [0, 0, 1, 1], [], []>, transpose_lhs_hint = false} : vector<512x512xbf16>, vector<512x8xbf16>, vector<512x8xf32> -> vector<512x8xf32>
    %slice3A_57 = vector.extract_strided_slice %add3A_12 {offsets = [0, 8], sizes = [512, 8], strides = [1, 1]} : vector<512x64xf32> to vector<512x8xf32>
    %slice3A_58 = vector.extract_strided_slice %add3A_24 {offsets = [0, 8], sizes = [512, 8], strides = [1, 1]} : vector<512x64xf32> to vector<512x8xf32>
    %slice3A_59 = vector.extract_strided_slice %add3A_36 {offsets = [0, 8], sizes = [512, 8], strides = [1, 1]} : vector<512x64xf32> to vector<512x8xf32>
    %convert_element_type3A_60 = arith.truncf %slice3A_57 : vector<512x8xf32> to vector<512x8xbf16>
    %convert_element_type3A_61 = arith.truncf %slice3A_58 : vector<512x8xf32> to vector<512x8xbf16>
    %dot_general3A_62 = arith.constant dense<0.000000e+00> : vector<512x512xf32>
    %dot_general3A_63 = tpu.matmul %convert_element_type3A_60, %convert_element_type3A_61, %dot_general3A_62 {dimension_numbers = #tpu.dot_dimension_numbers<[1], [1], [0], [0], [0, 0, 1, 0], [], []>, transpose_lhs_hint = false} : vector<512x8xbf16>, vector<512x8xbf16>, vector<512x512xf32> -> vector<512x512xf32>
    %mul3A_64 = arith.constant 0.353553385 : f32
    %mul3A_65 = vector.broadcast %mul3A_64 : f32 to vector<512x512xf32>
    %mul3A_66 = arith.mulf %dot_general3A_63, %mul3A_65 : vector<512x512xf32>
    %jit3A_67 = arith.constant -1.000000e+30 : f32
    %broadcast_in_dim3A_68 = vector.broadcast %jit3A_67 : f32 to vector<512x512xf32>
    %select_n3A_69 = arith.select %lt3A_38, %mul3A_66, %broadcast_in_dim3A_68 : vector<512x512xi1>, vector<512x512xf32>
    %reduce_max3A_70 = arith.constant dense<0xFF800000> : vector<512xf32>
    %reduce_max3A_71 = vector.multi_reduction <maximumf>, %select_n3A_69, %reduce_max3A_70 [1] : vector<512x512xf32> to vector<512xf32>
    %broadcast_in_dim3A_72 = vector.shape_cast %reduce_max3A_71 : vector<512xf32> to vector<512x1xf32>
    %sub3A_73 = vector.broadcast %broadcast_in_dim3A_72 : vector<512x1xf32> to vector<512x512xf32>
    %sub3A_74 = arith.subf %select_n3A_69, %sub3A_73 : vector<512x512xf32>
    %exp3A_75 = math.exp %sub3A_74 : vector<512x512xf32>
    %reduce_sum3A_76 = arith.constant dense<0.000000e+00> : vector<512xf32>
    %reduce_sum3A_77 = vector.multi_reduction <add>, %exp3A_75, %reduce_sum3A_76 [1] : vector<512x512xf32> to vector<512xf32>
    %broadcast_in_dim3A_78 = vector.shape_cast %reduce_sum3A_77 : vector<512xf32> to vector<512x1xf32>
    %div3A_79 = vector.broadcast %broadcast_in_dim3A_78 : vector<512x1xf32> to vector<512x512xf32>
    %div3A_80 = arith.divf %exp3A_75, %div3A_79 : vector<512x512xf32>
    %convert_element_type3A_81 = arith.truncf %div3A_80 : vector<512x512xf32> to vector<512x512xbf16>
    %convert_element_type3A_82 = arith.truncf %slice3A_59 : vector<512x8xf32> to vector<512x8xbf16>
    %dot_general3A_83 = arith.constant dense<0.000000e+00> : vector<512x8xf32>
    %dot_general3A_84 = tpu.matmul %convert_element_type3A_81, %convert_element_type3A_82, %dot_general3A_83 {dimension_numbers = #tpu.dot_dimension_numbers<[1], [0], [0], [1], [0, 0, 1, 1], [], []>, transpose_lhs_hint = false} : vector<512x512xbf16>, vector<512x8xbf16>, vector<512x8xf32> -> vector<512x8xf32>
    %slice3A_85 = vector.extract_strided_slice %add3A_12 {offsets = [0, 16], sizes = [512, 8], strides = [1, 1]} : vector<512x64xf32> to vector<512x8xf32>
    %slice3A_86 = vector.extract_strided_slice %add3A_24 {offsets = [0, 16], sizes = [512, 8], strides = [1, 1]} : vector<512x64xf32> to vector<512x8xf32>
    %slice3A_87 = vector.extract_strided_slice %add3A_36 {offsets = [0, 16], sizes = [512, 8], strides = [1, 1]} : vector<512x64xf32> to vector<512x8xf32>
    %convert_element_type3A_88 = arith.truncf %slice3A_85 : vector<512x8xf32> to vector<512x8xbf16>
    %convert_element_type3A_89 = arith.truncf %slice3A_86 : vector<512x8xf32> to vector<512x8xbf16>
    %dot_general3A_90 = arith.constant dense<0.000000e+00> : vector<512x512xf32>
    %dot_general3A_91 = tpu.matmul %convert_element_type3A_88, %convert_element_type3A_89, %dot_general3A_90 {dimension_numbers = #tpu.dot_dimension_numbers<[1], [1], [0], [0], [0, 0, 1, 0], [], []>, transpose_lhs_hint = false} : vector<512x8xbf16>, vector<512x8xbf16>, vector<512x512xf32> -> vector<512x512xf32>
    %mul3A_92 = arith.constant 0.353553385 : f32
    %mul3A_93 = vector.broadcast %mul3A_92 : f32 to vector<512x512xf32>
    %mul3A_94 = arith.mulf %dot_general3A_91, %mul3A_93 : vector<512x512xf32>
    %jit3A_95 = arith.constant -1.000000e+30 : f32
    %broadcast_in_dim3A_96 = vector.broadcast %jit3A_95 : f32 to vector<512x512xf32>
    %select_n3A_97 = arith.select %lt3A_38, %mul3A_94, %broadcast_in_dim3A_96 : vector<512x512xi1>, vector<512x512xf32>
    %reduce_max3A_98 = arith.constant dense<0xFF800000> : vector<512xf32>
    %reduce_max3A_99 = vector.multi_reduction <maximumf>, %select_n3A_97, %reduce_max3A_98 [1] : vector<512x512xf32> to vector<512xf32>
    %broadcast_in_dim3A_100 = vector.shape_cast %reduce_max3A_99 : vector<512xf32> to vector<512x1xf32>
    %sub3A_101 = vector.broadcast %broadcast_in_dim3A_100 : vector<512x1xf32> to vector<512x512xf32>
    %sub3A_102 = arith.subf %select_n3A_97, %sub3A_101 : vector<512x512xf32>
    %exp3A_103 = math.exp %sub3A_102 : vector<512x512xf32>
    %reduce_sum3A_104 = arith.constant dense<0.000000e+00> : vector<512xf32>
    %reduce_sum3A_105 = vector.multi_reduction <add>, %exp3A_103, %reduce_sum3A_104 [1] : vector<512x512xf32> to vector<512xf32>
    %broadcast_in_dim3A_106 = vector.shape_cast %reduce_sum3A_105 : vector<512xf32> to vector<512x1xf32>
    %div3A_107 = vector.broadcast %broadcast_in_dim3A_106 : vector<512x1xf32> to vector<512x512xf32>
    %div3A_108 = arith.divf %exp3A_103, %div3A_107 : vector<512x512xf32>
    %convert_element_type3A_109 = arith.truncf %div3A_108 : vector<512x512xf32> to vector<512x512xbf16>
    %convert_element_type3A_110 = arith.truncf %slice3A_87 : vector<512x8xf32> to vector<512x8xbf16>
    %dot_general3A_111 = arith.constant dense<0.000000e+00> : vector<512x8xf32>
    %dot_general3A_112 = tpu.matmul %convert_element_type3A_109, %convert_element_type3A_110, %dot_general3A_111 {dimension_numbers = #tpu.dot_dimension_numbers<[1], [0], [0], [1], [0, 0, 1, 1], [], []>, transpose_lhs_hint = false} : vector<512x512xbf16>, vector<512x8xbf16>, vector<512x8xf32> -> vector<512x8xf32>
    %slice3A_113 = vector.extract_strided_slice %add3A_12 {offsets = [0, 24], sizes = [512, 8], strides = [1, 1]} : vector<512x64xf32> to vector<512x8xf32>
    %slice3A_114 = vector.extract_strided_slice %add3A_24 {offsets = [0, 24], sizes = [512, 8], strides = [1, 1]} : vector<512x64xf32> to vector<512x8xf32>
    %slice3A_115 = vector.extract_strided_slice %add3A_36 {offsets = [0, 24], sizes = [512, 8], strides = [1, 1]} : vector<512x64xf32> to vector<512x8xf32>
    %convert_element_type3A_116 = arith.truncf %slice3A_113 : vector<512x8xf32> to vector<512x8xbf16>
    %convert_element_type3A_117 = arith.truncf %slice3A_114 : vector<512x8xf32> to vector<512x8xbf16>
    %dot_general3A_118 = arith.constant dense<0.000000e+00> : vector<512x512xf32>
    %dot_general3A_119 = tpu.matmul %convert_element_type3A_116, %convert_element_type3A_117, %dot_general3A_118 {dimension_numbers = #tpu.dot_dimension_numbers<[1], [1], [0], [0], [0, 0, 1, 0], [], []>, transpose_lhs_hint = false} : vector<512x8xbf16>, vector<512x8xbf16>, vector<512x512xf32> -> vector<512x512xf32>
    %mul3A_120 = arith.constant 0.353553385 : f32
    %mul3A_121 = vector.broadcast %mul3A_120 : f32 to vector<512x512xf32>
    %mul3A_122 = arith.mulf %dot_general3A_119, %mul3A_121 : vector<512x512xf32>
    %jit3A_123 = arith.constant -1.000000e+30 : f32
    %broadcast_in_dim3A_124 = vector.broadcast %jit3A_123 : f32 to vector<512x512xf32>
    %select_n3A_125 = arith.select %lt3A_38, %mul3A_122, %broadcast_in_dim3A_124 : vector<512x512xi1>, vector<512x512xf32>
    %reduce_max3A_126 = arith.constant dense<0xFF800000> : vector<512xf32>
    %reduce_max3A_127 = vector.multi_reduction <maximumf>, %select_n3A_125, %reduce_max3A_126 [1] : vector<512x512xf32> to vector<512xf32>
    %broadcast_in_dim3A_128 = vector.shape_cast %reduce_max3A_127 : vector<512xf32> to vector<512x1xf32>
    %sub3A_129 = vector.broadcast %broadcast_in_dim3A_128 : vector<512x1xf32> to vector<512x512xf32>
    %sub3A_130 = arith.subf %select_n3A_125, %sub3A_129 : vector<512x512xf32>
    %exp3A_131 = math.exp %sub3A_130 : vector<512x512xf32>
    %reduce_sum3A_132 = arith.constant dense<0.000000e+00> : vector<512xf32>
    %reduce_sum3A_133 = vector.multi_reduction <add>, %exp3A_131, %reduce_sum3A_132 [1] : vector<512x512xf32> to vector<512xf32>
    %broadcast_in_dim3A_134 = vector.shape_cast %reduce_sum3A_133 : vector<512xf32> to vector<512x1xf32>
    %div3A_135 = vector.broadcast %broadcast_in_dim3A_134 : vector<512x1xf32> to vector<512x512xf32>
    %div3A_136 = arith.divf %exp3A_131, %div3A_135 : vector<512x512xf32>
    %convert_element_type3A_137 = arith.truncf %div3A_136 : vector<512x512xf32> to vector<512x512xbf16>
    %convert_element_type3A_138 = arith.truncf %slice3A_115 : vector<512x8xf32> to vector<512x8xbf16>
    %dot_general3A_139 = arith.constant dense<0.000000e+00> : vector<512x8xf32>
    %dot_general3A_140 = tpu.matmul %convert_element_type3A_137, %convert_element_type3A_138, %dot_general3A_139 {dimension_numbers = #tpu.dot_dimension_numbers<[1], [0], [0], [1], [0, 0, 1, 1], [], []>, transpose_lhs_hint = false} : vector<512x512xbf16>, vector<512x8xbf16>, vector<512x8xf32> -> vector<512x8xf32>
    %slice3A_141 = vector.extract_strided_slice %add3A_12 {offsets = [0, 32], sizes = [512, 8], strides = [1, 1]} : vector<512x64xf32> to vector<512x8xf32>
    %slice3A_142 = vector.extract_strided_slice %add3A_24 {offsets = [0, 32], sizes = [512, 8], strides = [1, 1]} : vector<512x64xf32> to vector<512x8xf32>
    %slice3A_143 = vector.extract_strided_slice %add3A_36 {offsets = [0, 32], sizes = [512, 8], strides = [1, 1]} : vector<512x64xf32> to vector<512x8xf32>
    %convert_element_type3A_144 = arith.truncf %slice3A_141 : vector<512x8xf32> to vector<512x8xbf16>
    %convert_element_type3A_145 = arith.truncf %slice3A_142 : vector<512x8xf32> to vector<512x8xbf16>
    %dot_general3A_146 = arith.constant dense<0.000000e+00> : vector<512x512xf32>
    %dot_general3A_147 = tpu.matmul %convert_element_type3A_144, %convert_element_type3A_145, %dot_general3A_146 {dimension_numbers = #tpu.dot_dimension_numbers<[1], [1], [0], [0], [0, 0, 1, 0], [], []>, transpose_lhs_hint = false} : vector<512x8xbf16>, vector<512x8xbf16>, vector<512x512xf32> -> vector<512x512xf32>
    %mul3A_148 = arith.constant 0.353553385 : f32
    %mul3A_149 = vector.broadcast %mul3A_148 : f32 to vector<512x512xf32>
    %mul3A_150 = arith.mulf %dot_general3A_147, %mul3A_149 : vector<512x512xf32>
    %jit3A_151 = arith.constant -1.000000e+30 : f32
    %broadcast_in_dim3A_152 = vector.broadcast %jit3A_151 : f32 to vector<512x512xf32>
    %select_n3A_153 = arith.select %lt3A_38, %mul3A_150, %broadcast_in_dim3A_152 : vector<512x512xi1>, vector<512x512xf32>
    %reduce_max3A_154 = arith.constant dense<0xFF800000> : vector<512xf32>
    %reduce_max3A_155 = vector.multi_reduction <maximumf>, %select_n3A_153, %reduce_max3A_154 [1] : vector<512x512xf32> to vector<512xf32>
    %broadcast_in_dim3A_156 = vector.shape_cast %reduce_max3A_155 : vector<512xf32> to vector<512x1xf32>
    %sub3A_157 = vector.broadcast %broadcast_in_dim3A_156 : vector<512x1xf32> to vector<512x512xf32>
    %sub3A_158 = arith.subf %select_n3A_153, %sub3A_157 : vector<512x512xf32>
    %exp3A_159 = math.exp %sub3A_158 : vector<512x512xf32>
    %reduce_sum3A_160 = arith.constant dense<0.000000e+00> : vector<512xf32>
    %reduce_sum3A_161 = vector.multi_reduction <add>, %exp3A_159, %reduce_sum3A_160 [1] : vector<512x512xf32> to vector<512xf32>
    %broadcast_in_dim3A_162 = vector.shape_cast %reduce_sum3A_161 : vector<512xf32> to vector<512x1xf32>
    %div3A_163 = vector.broadcast %broadcast_in_dim3A_162 : vector<512x1xf32> to vector<512x512xf32>
    %div3A_164 = arith.divf %exp3A_159, %div3A_163 : vector<512x512xf32>
    %convert_element_type3A_165 = arith.truncf %div3A_164 : vector<512x512xf32> to vector<512x512xbf16>
    %convert_element_type3A_166 = arith.truncf %slice3A_143 : vector<512x8xf32> to vector<512x8xbf16>
    %dot_general3A_167 = arith.constant dense<0.000000e+00> : vector<512x8xf32>
    %dot_general3A_168 = tpu.matmul %convert_element_type3A_165, %convert_element_type3A_166, %dot_general3A_167 {dimension_numbers = #tpu.dot_dimension_numbers<[1], [0], [0], [1], [0, 0, 1, 1], [], []>, transpose_lhs_hint = false} : vector<512x512xbf16>, vector<512x8xbf16>, vector<512x8xf32> -> vector<512x8xf32>
    %slice3A_169 = vector.extract_strided_slice %add3A_12 {offsets = [0, 40], sizes = [512, 8], strides = [1, 1]} : vector<512x64xf32> to vector<512x8xf32>
    %slice3A_170 = vector.extract_strided_slice %add3A_24 {offsets = [0, 40], sizes = [512, 8], strides = [1, 1]} : vector<512x64xf32> to vector<512x8xf32>
    %slice3A_171 = vector.extract_strided_slice %add3A_36 {offsets = [0, 40], sizes = [512, 8], strides = [1, 1]} : vector<512x64xf32> to vector<512x8xf32>
    %convert_element_type3A_172 = arith.truncf %slice3A_169 : vector<512x8xf32> to vector<512x8xbf16>
    %convert_element_type3A_173 = arith.truncf %slice3A_170 : vector<512x8xf32> to vector<512x8xbf16>
    %dot_general3A_174 = arith.constant dense<0.000000e+00> : vector<512x512xf32>
    %dot_general3A_175 = tpu.matmul %convert_element_type3A_172, %convert_element_type3A_173, %dot_general3A_174 {dimension_numbers = #tpu.dot_dimension_numbers<[1], [1], [0], [0], [0, 0, 1, 0], [], []>, transpose_lhs_hint = false} : vector<512x8xbf16>, vector<512x8xbf16>, vector<512x512xf32> -> vector<512x512xf32>
    %mul3A_176 = arith.constant 0.353553385 : f32
    %mul3A_177 = vector.broadcast %mul3A_176 : f32 to vector<512x512xf32>
    %mul3A_178 = arith.mulf %dot_general3A_175, %mul3A_177 : vector<512x512xf32>
    %jit3A_179 = arith.constant -1.000000e+30 : f32
    %broadcast_in_dim3A_180 = vector.broadcast %jit3A_179 : f32 to vector<512x512xf32>
    %select_n3A_181 = arith.select %lt3A_38, %mul3A_178, %broadcast_in_dim3A_180 : vector<512x512xi1>, vector<512x512xf32>
    %reduce_max3A_182 = arith.constant dense<0xFF800000> : vector<512xf32>
    %reduce_max3A_183 = vector.multi_reduction <maximumf>, %select_n3A_181, %reduce_max3A_182 [1] : vector<512x512xf32> to vector<512xf32>
    %broadcast_in_dim3A_184 = vector.shape_cast %reduce_max3A_183 : vector<512xf32> to vector<512x1xf32>
    %sub3A_185 = vector.broadcast %broadcast_in_dim3A_184 : vector<512x1xf32> to vector<512x512xf32>
    %sub3A_186 = arith.subf %select_n3A_181, %sub3A_185 : vector<512x512xf32>
    %exp3A_187 = math.exp %sub3A_186 : vector<512x512xf32>
    %reduce_sum3A_188 = arith.constant dense<0.000000e+00> : vector<512xf32>
    %reduce_sum3A_189 = vector.multi_reduction <add>, %exp3A_187, %reduce_sum3A_188 [1] : vector<512x512xf32> to vector<512xf32>
    %broadcast_in_dim3A_190 = vector.shape_cast %reduce_sum3A_189 : vector<512xf32> to vector<512x1xf32>
    %div3A_191 = vector.broadcast %broadcast_in_dim3A_190 : vector<512x1xf32> to vector<512x512xf32>
    %div3A_192 = arith.divf %exp3A_187, %div3A_191 : vector<512x512xf32>
    %convert_element_type3A_193 = arith.truncf %div3A_192 : vector<512x512xf32> to vector<512x512xbf16>
    %convert_element_type3A_194 = arith.truncf %slice3A_171 : vector<512x8xf32> to vector<512x8xbf16>
    %dot_general3A_195 = arith.constant dense<0.000000e+00> : vector<512x8xf32>
    %dot_general3A_196 = tpu.matmul %convert_element_type3A_193, %convert_element_type3A_194, %dot_general3A_195 {dimension_numbers = #tpu.dot_dimension_numbers<[1], [0], [0], [1], [0, 0, 1, 1], [], []>, transpose_lhs_hint = false} : vector<512x512xbf16>, vector<512x8xbf16>, vector<512x8xf32> -> vector<512x8xf32>
    %slice3A_197 = vector.extract_strided_slice %add3A_12 {offsets = [0, 48], sizes = [512, 8], strides = [1, 1]} : vector<512x64xf32> to vector<512x8xf32>
    %slice3A_198 = vector.extract_strided_slice %add3A_24 {offsets = [0, 48], sizes = [512, 8], strides = [1, 1]} : vector<512x64xf32> to vector<512x8xf32>
    %slice3A_199 = vector.extract_strided_slice %add3A_36 {offsets = [0, 48], sizes = [512, 8], strides = [1, 1]} : vector<512x64xf32> to vector<512x8xf32>
    %convert_element_type3A_200 = arith.truncf %slice3A_197 : vector<512x8xf32> to vector<512x8xbf16>
    %convert_element_type3A_201 = arith.truncf %slice3A_198 : vector<512x8xf32> to vector<512x8xbf16>
    %dot_general3A_202 = arith.constant dense<0.000000e+00> : vector<512x512xf32>
    %dot_general3A_203 = tpu.matmul %convert_element_type3A_200, %convert_element_type3A_201, %dot_general3A_202 {dimension_numbers = #tpu.dot_dimension_numbers<[1], [1], [0], [0], [0, 0, 1, 0], [], []>, transpose_lhs_hint = false} : vector<512x8xbf16>, vector<512x8xbf16>, vector<512x512xf32> -> vector<512x512xf32>
    %mul3A_204 = arith.constant 0.353553385 : f32
    %mul3A_205 = vector.broadcast %mul3A_204 : f32 to vector<512x512xf32>
    %mul3A_206 = arith.mulf %dot_general3A_203, %mul3A_205 : vector<512x512xf32>
    %jit3A_207 = arith.constant -1.000000e+30 : f32
    %broadcast_in_dim3A_208 = vector.broadcast %jit3A_207 : f32 to vector<512x512xf32>
    %select_n3A_209 = arith.select %lt3A_38, %mul3A_206, %broadcast_in_dim3A_208 : vector<512x512xi1>, vector<512x512xf32>
    %reduce_max3A_210 = arith.constant dense<0xFF800000> : vector<512xf32>
    %reduce_max3A_211 = vector.multi_reduction <maximumf>, %select_n3A_209, %reduce_max3A_210 [1] : vector<512x512xf32> to vector<512xf32>
    %broadcast_in_dim3A_212 = vector.shape_cast %reduce_max3A_211 : vector<512xf32> to vector<512x1xf32>
    %sub3A_213 = vector.broadcast %broadcast_in_dim3A_212 : vector<512x1xf32> to vector<512x512xf32>
    %sub3A_214 = arith.subf %select_n3A_209, %sub3A_213 : vector<512x512xf32>
    %exp3A_215 = math.exp %sub3A_214 : vector<512x512xf32>
    %reduce_sum3A_216 = arith.constant dense<0.000000e+00> : vector<512xf32>
    %reduce_sum3A_217 = vector.multi_reduction <add>, %exp3A_215, %reduce_sum3A_216 [1] : vector<512x512xf32> to vector<512xf32>
    %broadcast_in_dim3A_218 = vector.shape_cast %reduce_sum3A_217 : vector<512xf32> to vector<512x1xf32>
    %div3A_219 = vector.broadcast %broadcast_in_dim3A_218 : vector<512x1xf32> to vector<512x512xf32>
    %div3A_220 = arith.divf %exp3A_215, %div3A_219 : vector<512x512xf32>
    %convert_element_type3A_221 = arith.truncf %div3A_220 : vector<512x512xf32> to vector<512x512xbf16>
    %convert_element_type3A_222 = arith.truncf %slice3A_199 : vector<512x8xf32> to vector<512x8xbf16>
    %dot_general3A_223 = arith.constant dense<0.000000e+00> : vector<512x8xf32>
    %dot_general3A_224 = tpu.matmul %convert_element_type3A_221, %convert_element_type3A_222, %dot_general3A_223 {dimension_numbers = #tpu.dot_dimension_numbers<[1], [0], [0], [1], [0, 0, 1, 1], [], []>, transpose_lhs_hint = false} : vector<512x512xbf16>, vector<512x8xbf16>, vector<512x8xf32> -> vector<512x8xf32>
    %slice3A_225 = vector.extract_strided_slice %add3A_12 {offsets = [0, 56], sizes = [512, 8], strides = [1, 1]} : vector<512x64xf32> to vector<512x8xf32>
    %slice3A_226 = vector.extract_strided_slice %add3A_24 {offsets = [0, 56], sizes = [512, 8], strides = [1, 1]} : vector<512x64xf32> to vector<512x8xf32>
    %slice3A_227 = vector.extract_strided_slice %add3A_36 {offsets = [0, 56], sizes = [512, 8], strides = [1, 1]} : vector<512x64xf32> to vector<512x8xf32>
    %convert_element_type3A_228 = arith.truncf %slice3A_225 : vector<512x8xf32> to vector<512x8xbf16>
    %convert_element_type3A_229 = arith.truncf %slice3A_226 : vector<512x8xf32> to vector<512x8xbf16>
    %dot_general3A_230 = arith.constant dense<0.000000e+00> : vector<512x512xf32>
    %dot_general3A_231 = tpu.matmul %convert_element_type3A_228, %convert_element_type3A_229, %dot_general3A_230 {dimension_numbers = #tpu.dot_dimension_numbers<[1], [1], [0], [0], [0, 0, 1, 0], [], []>, transpose_lhs_hint = false} : vector<512x8xbf16>, vector<512x8xbf16>, vector<512x512xf32> -> vector<512x512xf32>
    %mul3A_232 = arith.constant 0.353553385 : f32
    %mul3A_233 = vector.broadcast %mul3A_232 : f32 to vector<512x512xf32>
    %mul3A_234 = arith.mulf %dot_general3A_231, %mul3A_233 : vector<512x512xf32>
    %jit3A_235 = arith.constant -1.000000e+30 : f32
    %broadcast_in_dim3A_236 = vector.broadcast %jit3A_235 : f32 to vector<512x512xf32>
    %select_n3A_237 = arith.select %lt3A_38, %mul3A_234, %broadcast_in_dim3A_236 : vector<512x512xi1>, vector<512x512xf32>
    %reduce_max3A_238 = arith.constant dense<0xFF800000> : vector<512xf32>
    %reduce_max3A_239 = vector.multi_reduction <maximumf>, %select_n3A_237, %reduce_max3A_238 [1] : vector<512x512xf32> to vector<512xf32>
    %broadcast_in_dim3A_240 = vector.shape_cast %reduce_max3A_239 : vector<512xf32> to vector<512x1xf32>
    %sub3A_241 = vector.broadcast %broadcast_in_dim3A_240 : vector<512x1xf32> to vector<512x512xf32>
    %sub3A_242 = arith.subf %select_n3A_237, %sub3A_241 : vector<512x512xf32>
    %exp3A_243 = math.exp %sub3A_242 : vector<512x512xf32>
    %reduce_sum3A_244 = arith.constant dense<0.000000e+00> : vector<512xf32>
    %reduce_sum3A_245 = vector.multi_reduction <add>, %exp3A_243, %reduce_sum3A_244 [1] : vector<512x512xf32> to vector<512xf32>
    %broadcast_in_dim3A_246 = vector.shape_cast %reduce_sum3A_245 : vector<512xf32> to vector<512x1xf32>
    %div3A_247 = vector.broadcast %broadcast_in_dim3A_246 : vector<512x1xf32> to vector<512x512xf32>
    %div3A_248 = arith.divf %exp3A_243, %div3A_247 : vector<512x512xf32>
    %convert_element_type3A_249 = arith.truncf %div3A_248 : vector<512x512xf32> to vector<512x512xbf16>
    %convert_element_type3A_250 = arith.truncf %slice3A_227 : vector<512x8xf32> to vector<512x8xbf16>
    %dot_general3A_251 = arith.constant dense<0.000000e+00> : vector<512x8xf32>
    %dot_general3A_252 = tpu.matmul %convert_element_type3A_249, %convert_element_type3A_250, %dot_general3A_251 {dimension_numbers = #tpu.dot_dimension_numbers<[1], [0], [0], [1], [0, 0, 1, 1], [], []>, transpose_lhs_hint = false} : vector<512x512xbf16>, vector<512x8xbf16>, vector<512x8xf32> -> vector<512x8xf32>
    %concatenate3A = tpu.concatenate %dot_general3A_56, %dot_general3A_84, %dot_general3A_112, %dot_general3A_140, %dot_general3A_168, %dot_general3A_196, %dot_general3A_224, %dot_general3A_252 in 1 : vector<512x8xf32>, vector<512x8xf32>, vector<512x8xf32>, vector<512x8xf32>, vector<512x8xf32>, vector<512x8xf32>, vector<512x8xf32>, vector<512x8xf32> -> vector<512x64xf32>
    %get3A_253 = arith.constant 0 : index
    %get3A_254 = arith.constant 0 : index
    %get3A_255 = vector.load %arg8[%get3A_253, %get3A_254] : memref<64x64xf32, #tpu.memory_space<vmem>>, vector<64x64xf32>
    %convert_element_type3A_256 = arith.truncf %concatenate3A : vector<512x64xf32> to vector<512x64xbf16>
    %convert_element_type3A_257 = arith.truncf %get3A_255 : vector<64x64xf32> to vector<64x64xbf16>
    %dot_general3A_258 = arith.constant dense<0.000000e+00> : vector<512x64xf32>
    %dot_general3A_259 = tpu.matmul %convert_element_type3A_256, %convert_element_type3A_257, %dot_general3A_258 {dimension_numbers = #tpu.dot_dimension_numbers<[1], [0], [0], [1], [0, 0, 1, 1], [], []>, transpose_lhs_hint = false} : vector<512x64xbf16>, vector<64x64xbf16>, vector<512x64xf32> -> vector<512x64xf32>
    %get3A_260 = arith.constant 0 : index
    %get3A_261 = arith.constant 0 : index
    %get3A_262 = vector.load %arg9[%get3A_260, %get3A_261] : memref<1x64xf32, #tpu.memory_space<vmem>>, vector<1x64xf32>
    %add3A_263 = vector.broadcast %get3A_262 : vector<1x64xf32> to vector<512x64xf32>
    %add3A_264 = arith.addf %dot_general3A_259, %add3A_263 : vector<512x64xf32>
    %iota3A_265 = tpu.iota {dimensions = array<i32: 0>} : vector<512x64xi32>
    %lt3A_266 = arith.constant 500 : i32
    %lt3A_267 = vector.broadcast %lt3A_266 : i32 to vector<512x64xi32>
    %lt3A_268 = arith.cmpi slt, %iota3A_265, %lt3A_267 : vector<512x64xi32>
    %jit3A_269 = arith.constant 0.000000e+00 : f32
    %broadcast_in_dim3A_270 = vector.broadcast %jit3A_269 : f32 to vector<512x64xf32>
    %select_n3A_271 = arith.select %lt3A_268, %add3A_264, %broadcast_in_dim3A_270 : vector<512x64xi1>, vector<512x64xf32>
    %reduce_sum3A_272 = arith.constant dense<0.000000e+00> : vector<64xf32>
    %reduce_sum3A_273 = vector.multi_reduction <add>, %select_n3A_271, %reduce_sum3A_272 [0] : vector<512x64xf32> to vector<64xf32>
    %broadcast_in_dim3A_274 = vector.shape_cast %reduce_sum3A_273 : vector<64xf32> to vector<1x64xf32>
    %mul3A_275 = arith.constant 2.000000e-03 : f32
    %mul3A_276 = vector.broadcast %mul3A_275 : f32 to vector<1x64xf32>
    %mul3A_277 = arith.mulf %broadcast_in_dim3A_274, %mul3A_276 : vector<1x64xf32>
    %get3A_278 = arith.constant 0 : index
    %get3A_279 = arith.constant 0 : index
    %get3A_280 = vector.load %arg10[%get3A_278, %get3A_279] : memref<64x32xf32, #tpu.memory_space<vmem>>, vector<64x32xf32>
    %convert_element_type3A_281 = arith.truncf %mul3A_277 : vector<1x64xf32> to vector<1x64xbf16>
    %convert_element_type3A_282 = arith.truncf %get3A_280 : vector<64x32xf32> to vector<64x32xbf16>
    %dot_general3A_283 = arith.constant dense<0.000000e+00> : vector<1x32xf32>
    %dot_general3A_284 = tpu.matmul %convert_element_type3A_281, %convert_element_type3A_282, %dot_general3A_283 {dimension_numbers = #tpu.dot_dimension_numbers<[1], [0], [0], [1], [0, 0, 1, 1], [], []>, transpose_lhs_hint = false} : vector<1x64xbf16>, vector<64x32xbf16>, vector<1x32xf32> -> vector<1x32xf32>
    %get3A_285 = arith.constant 0 : index
    %get3A_286 = arith.constant 0 : index
    %get3A_287 = vector.load %arg11[%get3A_285, %get3A_286] : memref<1x32xf32, #tpu.memory_space<vmem>>, vector<1x32xf32>
    %add3A_288 = arith.addf %dot_general3A_284, %get3A_287 : vector<1x32xf32>
    %max3A = arith.constant 0.000000e+00 : f32
    %max3A_289 = vector.broadcast %max3A : f32 to vector<1x32xf32>
    %max3A_290 = arith.maximumf %add3A_288, %max3A_289 : vector<1x32xf32>
    %get3A_291 = arith.constant 0 : index
    %get3A_292 = arith.constant 0 : index
    %get3A_293 = vector.load %arg12[%get3A_291, %get3A_292] : memref<32x1xf32, #tpu.memory_space<vmem>>, vector<32x1xf32>
    %convert_element_type3A_294 = arith.truncf %max3A_290 : vector<1x32xf32> to vector<1x32xbf16>
    %convert_element_type3A_295 = arith.truncf %get3A_293 : vector<32x1xf32> to vector<32x1xbf16>
    %dot_general3A_296 = arith.constant dense<0.000000e+00> : vector<1x1xf32>
    %dot_general3A_297 = tpu.matmul %convert_element_type3A_294, %convert_element_type3A_295, %dot_general3A_296 {dimension_numbers = #tpu.dot_dimension_numbers<[1], [0], [0], [1], [0, 0, 1, 1], [], []>, transpose_lhs_hint = false} : vector<1x32xbf16>, vector<32x1xbf16>, vector<1x1xf32> -> vector<1x1xf32>
    %get3A_298 = arith.constant 0 : index
    %get3A_299 = arith.constant 0 : index
    %get3A_300 = vector.load %arg13[%get3A_298, %get3A_299] : memref<1x1xf32, #tpu.memory_space<vmem>>, vector<1x1xf32>
    %add3A_301 = arith.addf %dot_general3A_297, %get3A_300 : vector<1x1xf32>
    %swap3A = arith.index_cast %arg0 : i32 to index
    %swap3A_302 = arith.constant 0 : index
    %swap3A_303 = vector.load %arg16[%swap3A, %swap3A_302] : memref<20x1xf32, #tpu.memory_space<vmem>>, vector<1x1xf32>
    tpu.vector_store %arg16[%swap3A, %swap3A_302], %add3A_301 {strides = array<i32>} : memref<20x1xf32, #tpu.memory_space<vmem>>, vector<1x1xf32>,
    %get3A_304 = arith.constant 0 : index
    %get3A_305 = arith.constant 0 : index
    %get3A_306 = vector.load %arg14[%get3A_304, %get3A_305] : memref<32x20xf32, #tpu.memory_space<vmem>>, vector<32x20xf32>
    %convert_element_type3A_307 = arith.truncf %max3A_290 : vector<1x32xf32> to vector<1x32xbf16>
    %convert_element_type3A_308 = arith.truncf %get3A_306 : vector<32x20xf32> to vector<32x20xbf16>
    %dot_general3A_309 = arith.constant dense<0.000000e+00> : vector<1x20xf32>
    %dot_general3A_310 = tpu.matmul %convert_element_type3A_307, %convert_element_type3A_308, %dot_general3A_309 {dimension_numbers = #tpu.dot_dimension_numbers<[1], [0], [0], [1], [0, 0, 1, 1], [], []>, transpose_lhs_hint = false} : vector<1x32xbf16>, vector<32x20xbf16>, vector<1x20xf32> -> vector<1x20xf32>
    %get3A_311 = arith.constant 0 : index
    %get3A_312 = arith.constant 0 : index
    %get3A_313 = vector.load %arg15[%get3A_311, %get3A_312] : memref<1x20xf32, #tpu.memory_space<vmem>>, vector<1x20xf32>
    %add3A_314 = arith.addf %dot_general3A_310, %get3A_313 : vector<1x20xf32>
    %swap3A_315 = arith.index_cast %arg0 : i32 to index
    %swap3A_316 = arith.constant 0 : index
    %swap3A_317 = vector.load %arg17[%swap3A_315, %swap3A_316] : memref<20x20xf32, #tpu.memory_space<vmem>>, vector<1x20xf32>
    tpu.vector_store %arg17[%swap3A_315, %swap3A_316], %add3A_314 {strides = array<i32>} : memref<20x20xf32, #tpu.memory_space<vmem>>, vector<1x20xf32>,
    return
  }
  func.func @transform_0(%arg0: i32) -> (i32, i32, i32) {
    %c0_i32 = arith.constant 0 : i32
    %c0_i32_0 = arith.constant 0 : i32
    %c0_i32_1 = arith.constant 0 : i32
    return %arg0, %c0_i32, %c0_i32_0 : i32, i32, i32
  }
  func.func @transform_1(%arg0: i32) -> (i32, i32) {
    %c0_i32 = arith.constant 0 : i32
    %c0_i32_0 = arith.constant 0 : i32
    %c0_i32_1 = arith.constant 0 : i32
    return %c0_i32, %c0_i32_0 : i32, i32
  }
  func.func @transform_2(%arg0: i32) -> (i32, i32) {
    %c0_i32 = arith.constant 0 : i32
    %c0_i32_0 = arith.constant 0 : i32
    %c0_i32_1 = arith.constant 0 : i32
    return %c0_i32, %c0_i32_0 : i32, i32
  }
  func.func @transform_3(%arg0: i32) -> (i32, i32) {
    %c0_i32 = arith.constant 0 : i32
    %c0_i32_0 = arith.constant 0 : i32
    %c0_i32_1 = arith.constant 0 : i32
    return %c0_i32, %c0_i32_0 : i32, i32
  }
  func.func @transform_4(%arg0: i32) -> (i32, i32) {
    %c0_i32 = arith.constant 0 : i32
    %c0_i32_0 = arith.constant 0 : i32
    %c0_i32_1 = arith.constant 0 : i32
    return %c0_i32, %c0_i32_0 : i32, i32
  }
  func.func @transform_5(%arg0: i32) -> (i32, i32) {
    %c0_i32 = arith.constant 0 : i32
    %c0_i32_0 = arith.constant 0 : i32
    %c0_i32_1 = arith.constant 0 : i32
    return %c0_i32, %c0_i32_0 : i32, i32
  }
  func.func @transform_6(%arg0: i32) -> (i32, i32) {
    %c0_i32 = arith.constant 0 : i32
    %c0_i32_0 = arith.constant 0 : i32
    %c0_i32_1 = arith.constant 0 : i32
    return %c0_i32, %c0_i32_0 : i32, i32
  }
  func.func @transform_7(%arg0: i32) -> (i32, i32) {
    %c0_i32 = arith.constant 0 : i32
    %c0_i32_0 = arith.constant 0 : i32
    %c0_i32_1 = arith.constant 0 : i32
    return %c0_i32, %c0_i32_0 : i32, i32
  }
  func.func @transform_8(%arg0: i32) -> (i32, i32) {
    %c0_i32 = arith.constant 0 : i32
    %c0_i32_0 = arith.constant 0 : i32
    %c0_i32_1 = arith.constant 0 : i32
    return %c0_i32, %c0_i32_0 : i32, i32
  }
  func.func @transform_9(%arg0: i32) -> (i32, i32) {
    %c0_i32 = arith.constant 0 : i32
    %c0_i32_0 = arith.constant 0 : i32
    %c0_i32_1 = arith.constant 0 : i32
    return %c0_i32, %c0_i32_0 : i32, i32
  }
  func.func @transform_10(%arg0: i32) -> (i32, i32) {
    %c0_i32 = arith.constant 0 : i32
    %c0_i32_0 = arith.constant 0 : i32
    %c0_i32_1 = arith.constant 0 : i32
    return %c0_i32, %c0_i32_0 : i32, i32
  }
  func.func @transform_11(%arg0: i32) -> (i32, i32) {
    %c0_i32 = arith.constant 0 : i32
    %c0_i32_0 = arith.constant 0 : i32
    %c0_i32_1 = arith.constant 0 : i32
    return %c0_i32, %c0_i32_0 : i32, i32
  }
  func.func @transform_12(%arg0: i32) -> (i32, i32) {
    %c0_i32 = arith.constant 0 : i32
    %c0_i32_0 = arith.constant 0 : i32
    %c0_i32_1 = arith.constant 0 : i32
    return %c0_i32, %c0_i32_0 : i32, i32
  }
  func.func @transform_13(%arg0: i32) -> (i32, i32) {
    %c0_i32 = arith.constant 0 : i32
    %c0_i32_0 = arith.constant 0 : i32
    %c0_i32_1 = arith.constant 0 : i32
    return %c0_i32, %c0_i32_0 : i32, i32
  }
  func.func @transform_14(%arg0: i32) -> (i32, i32) {
    %c0_i32 = arith.constant 0 : i32
    %c0_i32_0 = arith.constant 0 : i32
    %c0_i32_1 = arith.constant 0 : i32
    return %c0_i32, %c0_i32_0 : i32, i32
  }
  func.func @transform_15(%arg0: i32) -> (i32, i32) {
    %c0_i32 = arith.constant 0 : i32
    %c0_i32_0 = arith.constant 0 : i32
    %c0_i32_1 = arith.constant 0 : i32
    return %c0_i32, %c0_i32_0 : i32, i32
  }
  func.func @transform_16(%arg0: i32) -> (i32, i32) {
    %c0_i32 = arith.constant 0 : i32
    %c0_i32_0 = arith.constant 0 : i32
    %c0_i32_1 = arith.constant 0 : i32
    return %c0_i32, %c0_i32_0 : i32, i32
  }
}

</mosaic_0001>

<sc_bundles>
// kernel: kernel.27.cloned.1.call-start
scs
__scs_entry_jumppad:
0x0: {  	(pc) =	sbr.rel $0x88, $3  }
0x1: {  	(tag) =	ssettag $0x0;
	lr =	simm.s32 $0x1  }
0x2: {  	[smem:$0x3F4E] =	sst lr;
	_ =	strace $0xD0000000  }
0x3: {  	_ = 	snop  }
0x4: {  	_ = 	snop  }
0x5: {  	_ = 	snop  }
0x6: {  	_ = 	snop  }
0x7: {  	_ = 	snop  }
__scs_overlays_trampoline_lowered:
0x8: {  	[smem:$0x3F5D] =	sst s0  }
0x9: {  	[smem:$0x3F5E] =	sst s1  }
0xa: {  	[smem:$0x3F5F] =	sst s2  }
0xb: {  	[smem:$0x3F60] =	sst s3  }
0xc: {  	[smem:$0x3F61] =	sst s4  }
0xd: {  	[smem:$0x3F62] =	sst s5  }
0xe: {  	[smem:$0x3F63] =	sst s6  }
0xf: {  	[smem:$0x3F64] =	sst s7  }
0x10: {  	[smem:$0x3F65] =	sst s8  }
0x11: {  	[smem:$0x3F66] =	sst s9;
	s0 =	simm.s32 @!p0 $0x0  }
0x12: {  	s1 =	sld [smem:$0x3F4C];
	s0 =	simm.s32 @p0 $0x1  }
0x13: {  	[smem:$0x3F67] =	sst s0;
	s0 =	simm.s32 @!p1 $0x0  }
0x14: {  	s2 =	sld [smem:$0x3F4B];
	s0 =	simm.s32 @p1 $0x1  }
0x15: {  	[smem:$0x3F68] =	sst s0;
	s0 =	simm.s32 @!p2 $0x0  }
0x16: {  	s3 =	sld [smem:$0x3FDB];
	s0 =	simm.s32 @p2 $0x1  }
0x17: {  	s4 =	simm.s32 $0x1BF5;
	[smem:$0x3F6A] =	sst s0  }
0x18: {  	s0 =	sld [smem:$0x3F4D];
	_ =	swait.ge [sflag:s4], $0x0  }
0x19: {  	s7 =	sld [smem:$0x3F4E]  }
0x1a: {  	s8 =	sadd.s32 $0xFFFFE003, lr  }
0x1b: {  	s9 =	sadd.s32 $0xFFFFFEF7, lr;
	s5 =	simm.s32 $0xFFFFFFFF;
	p2 =	slt.u32 s8, $0xFFFFF086  }
0x1c: {  	p1 =	slt.u32 s9, $0xF7A;
	s5 =	simm.s32 @!p2 $0x0  }
0x1d: {  	s5 =	simm.s32 @p1 $0x1;
	p0 =	seq.s32 s7, s2  }
0x1e: {  	s7 =	smul.u32 @!p0 $0xF7A, s2;
	p2 =	seq.s32 @!p0 s5, $0x0  }
0x1f: {  	s9 =	smul.u32 $0xF7A, s1;
	s8 =	simm.s32 @!p0 $0x1BF5;
	p2 =	por !p2, p0  }
0x20: {  	[sflag:s8] =	ssyncset.s32 @!p0 $0xFFFFF086;
	s6 =	sadd.s32 @!p0 s3, s7;
	s7 =	simm.s32 @!p0 $0x108  }
0x21: {  	s3 =	sadd.s32 s3, s9;
	s6 =	sadd.s32 @!p0 $0x88, s6;
	s7 =	simm.s32 @p2 $0x1082  }
0x22: {  	[simem:s7], [sflag:s8] =	dma.local @!p0 [hbm:s6], $0xF7A  }
0x23: {  	s9 =	sor.u32 $0xD0000000, s2;
	s6 =	simm.s32 $0x108;
	_ =	swait.ge @!p0 [sflag:s8], $0x0  }
0x24: {  	s3 =	sadd.s32 $0x88, s3;
	s6 =	simm.s32 @!p1 $0x1082;
	[sflag:s4] =	ssyncset.s32 $0xFFFFF086  }
0x25: {  	[simem:s6], [sflag:s4] =	dma.local [hbm:s3], $0xF7A  }
0x26: {  	[smem:$0x3F4E] =	sst s1;
	(tag) =	ssettag s2;
	_ =	strace s9  }
0x27: {  	s1 =	sld [smem:$0x3F5E]  }
0x28: {  	s2 =	sld [smem:$0x3F5F]  }
0x29: {  	s4 =	sld [smem:$0x3F61]  }
0x2a: {  	p0 =	seq.s32 s5, $0x0;
	s5 =	sld [smem:$0x3F62]  }
0x2b: {  	s6 =	sld [smem:$0x3F63]  }
0x2c: {  	s7 =	sld [smem:$0x3F64]  }
0x2d: {  	s3 =	simm.s32 $0x108;
	s8 =	sld [smem:$0x3F65]  }
0x2e: {  	s3 =	simm.s32 @!p0 $0x1082;
	s9 =	sld [smem:$0x3F66]  }
0x2f: {  	lr =	sadd.s32 s0, s3;
	s0 =	sld [smem:$0x3F5D]  }
0x30: {  	s3 =	sld [smem:$0x3F60]  }
0x31: {  	[smem:$0x3F69] =	sst s10  }
0x32: {  	s10 =	sld [smem:$0x3F67];
	_ =	sdelay $0x3  }
0x33: {  	p0 =	seq.s32 s10, $0x1;
	s10 =	sld [smem:$0x3F69];
	_ =	sdelay $0x3  }
0x34: {  	[smem:$0x3F69] =	sst s10  }
0x35: {  	s10 =	sld [smem:$0x3F68];
	_ =	sdelay $0x3  }
0x36: {  	p1 =	seq.s32 s10, $0x1;
	s10 =	sld [smem:$0x3F69];
	_ =	sdelay $0x3  }
0x37: {  	[smem:$0x3F69] =	sst s10  }
0x38: {  	s10 =	sld [smem:$0x3F6A]  }
0x39: {  	_ = 	snop;
	(pc) =	sbr.ind lr, $3  }
0x3a: {  	_ = 	snop  }
0x3b: {  	_ = 	snop  }
0x3c: {  	p2 =	seq.s32 s10, $0x1;
	s10 =	sld [smem:$0x3F69]  }
0x3d: {  	_ =	shalt  }
0x3e: {  	_ =	shalt  }
0x3f: {  	_ =	shalt  }
0x40: {  	_ =	shalt  }
0x41: {  	_ =	shalt  }
0x42: {  	_ =	shalt  }
0x43: {  	_ =	shalt  }
0x44: {  	_ =	shalt  }
0x45: {  	_ =	shalt  }
0x46: {  	_ =	shalt  }
0x47: {  	_ =	shalt  }
0x48: {  	_ =	shalt  }
0x49: {  	_ =	shalt  }
0x4a: {  	_ =	shalt  }
0x4b: {  	_ =	shalt  }
0x4c: {  	_ =	shalt  }
0x4d: {  	_ =	shalt  }
0x4e: {  	_ =	shalt  }
0x4f: {  	_ =	shalt  }
0x50: {  	_ =	shalt  }
0x51: {  	_ =	shalt  }
0x52: {  	_ =	shalt  }
0x53: {  	_ =	shalt  }
0x54: {  	_ =	shalt  }
0x55: {  	_ =	shalt  }
0x56: {  	_ =	shalt  }
0x57: {  	_ =	shalt  }
0x58: {  	_ =	shalt  }
0x59: {  	_ =	shalt  }
0x5a: {  	_ =	shalt  }
0x5b: {  	_ =	shalt  }
0x5c: {  	_ =	shalt  }
0x5d: {  	_ =	shalt  }
0x5e: {  	_ =	shalt  }
0x5f: {  	_ =	shalt  }
0x60: {  	_ =	shalt  }
0x61: {  	_ =	shalt  }
0x62: {  	_ =	shalt  }
0x63: {  	_ =	shalt  }
0x64: {  	_ =	shalt  }
0x65: {  	_ =	shalt  }
0x66: {  	_ =	shalt  }
0x67: {  	_ =	shalt  }
0x68: {  	_ =	shalt  }
0x69: {  	_ =	shalt  }
0x6a: {  	_ =	shalt  }
0x6b: {  	_ =	shalt  }
0x6c: {  	_ =	shalt  }
0x6d: {  	_ =	shalt  }
0x6e: {  	_ =	shalt  }
0x6f: {  	_ =	shalt  }
0x70: {  	_ =	shalt  }
0x71: {  	_ =	shalt  }
0x72: {  	_ =	shalt  }
0x73: {  	_ =	shalt  }
0x74: {  	_ =	shalt  }
0x75: {  	_ =	shalt  }
0x76: {  	_ =	shalt  }
0x77: {  	_ =	shalt  }
0x78: {  	_ =	shalt  }
0x79: {  	_ =	shalt  }
0x7a: {  	_ =	shalt  }
0x7b: {  	_ =	shalt  }
0x7c: {  	_ =	shalt  }
0x7d: {  	_ =	shalt  }
0x7e: {  	_ =	shalt  }
0x7f: {  	_ =	shalt  }
0x80: {  	_ =	shalt  }
0x81: {  	_ =	shalt  }
0x82: {  	_ =	shalt  }
0x83: {  	_ =	shalt  }
0x84: {  	_ =	shalt  }
0x85: {  	_ =	shalt  }
0x86: {  	_ =	shalt  }
0x87: {  	_ =	shalt  }
.Lfunc_end0:
.L_simem_size_0:
called_computation_lowered:
.L_overlay_start_0:
0x88: {  	s2 =	sld [smem:$0x3FD9]  }
0x89: {  	s3 =	sld [smem:$0x3FFE];
	_ =	sdelay $0x1  }
0x8a: {  	s1 =	srdreg.scid  }
0x8b: {  	s0 =	sand.u32 $0x1, s1  }
0x8c: {  	s16 =	sshll.u32 s0, $0xA;
	s2 =	sadd.s32 s3, s2  }
0x8d: {  	s2 =	sadd.s32 s2, s16  }
0x8e: {  	[smem:$0x3F75] =	sst s2  }
0x8f: {  	_ = 	snop  }
0x90: {  	(tm) =	ssettm $0x1  }
0x91: {  	s17 =	sld [smem:$0x3FFB];
	_ =	sdelay $0x3  }
0x92: {  	_ =	strace s17  }
0x93: {  	s2 =	sld [smem:$0x3FFC];
	_ =	sdelay $0x3  }
0x94: {  	_ =	strace s2  }
0x95: {  	s2 =	sld [smem:$0x3FFD];
	_ =	sdelay $0x3  }
0x96: {  	_ =	strace s2  }
0x97: {  	_ =	strace $0x8FFFFFFF  }
0x98: {  	s18 =	sld [smem:$0x3FDB];
	_ =	sdelay $0x1  }
0x99: {  	s19 =	simm.s32 $_scs_section_size  }
0x9a: {  	s4 =	simm.s32 $_size__tile_overlayer_lowered;
	s5 =	simm.s32 $_tile_overlayer_lowered  }
0x9b: {  	s22 =	simm.s32 $0x1BFF;
	s21 =	sshll.u32 s5, $0x1;
	s2 =	sadd.s32 s19, s18  }
0x9c: {  	s6 =	simm.s32 $0x0;
	s20 =	sshll.u32 s4, $0x1;
	s4 =	sadd.s32 s21, s2  }
0x9d: {  	[timem:s6], [sflag:s22] =	dma.local [hbm:s4], s20  }
0x9e: {  	_ =	swait.ge [sflag:s22], s20  }
0x9f: {  	s3 =	ssub.s32 $0x0, s20;
	[sflag:s22] =	ssyncset.done $0x0  }
0xa0: {  	[sflag:s22] =	ssyncadd.s32 s3;
	_ =	sdelay $0x1  }
0xa1: {  	s23 =	simm.s32 $0x1B8B  }
0xa2: {  	_ =	swait.ge [sflag:s23], $0x1  }
0xa3: {  	[sflag:s23] =	ssyncset.done $0x0  }
0xa4: {  	s25 =	simm.s32 $0x1B8E;
	s24 =	sld [smem:$0x3FFE];
	[sflag:s23] =	ssyncadd.s32 $0xFFFFFFFF  }
0xa5: {  	s26 =	simm.s32 $execute0_lowered;
	[smem:$0x3FD2] =	sst s25  }
0xa6: {  	s4 =	sshll.u32 s26, $0x1;
	_ =	strace $0x80000046;
	[dreg:$0x1] =	wrdreg $0xFFFFFFFF  }
0xa7: {  	s28 =	simm.s32 $_size_execute0_lowered;
	s2 =	sadd.s32 s2, s4;
	[dreg:$0x0] =	wrdreg $0x0  }
0xa8: {  	s4 =	sshll.u32 s28, $0x1;
	[dreg:$0x2] =	wrdreg s2  }
0xa9: {  	[dreg:$0x3] =	wrdreg s4  }
0xaa: {  	[dreg:$0x4] =	wrdreg $0xC0  }
0xab: {  	_ =	task [dreg:s6], $0x5FFFF  }
0xac: {  	[dreg:$0x1] =	wrdreg $0xFFFFFFFF  }
0xad: {  	[dreg:$0x0] =	wrdreg $0x60  }
0xae: {  	[dreg:$0x2] =	wrdreg s24  }
0xaf: {  	[dreg:$0x3] =	wrdreg $0x9  }
0xb0: {  	_ =	task.clear_ibuf [dreg:s6], $0x4FFFF;
	_ =	strace $0x90000046  }
0xb1: {  	s29 =	simm.s32 $0x9;
	_ =	strace $0x80000048  }
0xb2: {  	_ =	swait.ge [sflag:s29], $0x1  }
0xb3: {  	[sflag:s29] =	ssyncadd.s32 $0xFFFFFFFF  }
0xb4: {  	_ =	strace $0x90000048  }
0xb5: {  	_ =	sfence  }
0xb6: {  	s30 =	sld [smem:$0x0];
	_ =	sdelay $0x2  }
0xb7: {  	s31 =	sshll.u32 s1, $0xD;
	s1 =	sshrl.u32 s1, $0x2  }
0xb8: {  	s3 =	sand.u32 $0x4000, s31;
	s1 =	sadd.s32 s1, s30  }
0xb9: {  	s0 =	sor.u32 s3, s0;
	s1 =	sshll.u32 s1, $0x11  }
0xba: {  	s0 =	sor.u32 s1, s0  }
0xbb: {  	s0 =	sadd.s32 $0x8F2B, s0  }
0xbc: {  	[sflag:s0] =	ssyncadd.remote.s32 $0x1  }
0xbd: {  	_ =	sfence.sel $0xFFFF  }
0xbe: {  	[dreg:$0x0] =	wrdreg $0xFFFFFFFF;
	(pc) =	sbr.abs _section_cstart, $3  }
0xbf: {  	[dreg:$0x1] =	wrdreg $0xFFFFFFFF  }
0xc0: {  	_ =	task.clear_ibuf [dreg:s6], $0x2FFFF;
	_ =	strace $0x9FFFFFFF  }
0xc1: {  	(tm) =	ssettm $0x7FFFFFFF  }
tec
execute0_lowered:
.L_overlay_start_1:
0x0: {  	(tag) =	ssettag $0x1  }
0x1: {  	s1 =	srdreg.scid  }
0x2: {  	s0 =	stileid.u32;
	s4 =	rddreg [dreg:$0x0];
	s2 =	simm.s32 $0x0  }
0x3: {  	s11 =	simm.s32 $0x50;
	s12 =	simm.s32 $0x4E20;
	s13 =	simm.s32 $0x1  }
0x4: {  	s14 =	simm.s32 $0x0;
	s5 =	sand.u32 $0x1, s1;
	s1 =	rddreg [dreg:$0x1]  }
0x5: {  	s3 =	sshll.u32 s0, $0x1;
	[smem:$0x7FF] =	sst s2;
	s7 =	smul.u32 $0x30D40, s0  }
0x6: {  	s3 =	sor.u32 s5, s3;
	s8 =	ssub.s32 $0x2, s5;
	s10 =	smul.u32 $0x186A0, s5  }
0x7: {  	_ =	strace $0x80000047;
	s6 =	smul.u32 $0x4E2, s3;
	s9 =	sshrl.u32 s8, $0x1  }
0x8: {  	s3 =	sadd.s32 $0x4CE00, s4;
	s29 =	sadd.s32 s7, s4;
	s30 =	ssub.s32 s8, s9  }
0x9: {  	s31 =	sadd.s32 s10, s29;
	s9 =	simm.s32 $0x2;
	s10 =	simm.s32 $0x2710  }
0xa: {  	s28 =	sadd.s32 s6, s4;
	s6 =	smax.u32 s30, $0x1;
	s7 =	sadd.s32 $0x372A00, s31  }
0xb: {  	s8 =	sadd.s32 $0x65600, s31;
	s4 =	sadd.s32 $0x12000, s28;
	s5 =	sadd.s32 $0x1BE00, s28  }
.LBB2_1:
0xc: {  	[tilespmem:s2], [sflag:$0x2] =	stream.linear.gather [hbm4b:s4+s2], $0x2710, $0x38;
	[tilespmem:$0x6720] =	vst v63  }
0xd: {  	_ =	swait.ge [sflag:s9], $0x2710  }
0xe: {  	[sflag:s9] =	ssyncset.done $0x0  }
0xf: {  	[sflag:s9] =	ssyncadd.s32 $0xFFFFD8F0  }
0x10: {  	[tilespmem:s10], [sflag:$0x2] =	stream.linear.gather [hbm4b:s5+s2], $0x2710, $0x38;
	[tilespmem:$0x6720] =	vst v63  }
0x11: {  	_ =	swait.ge [sflag:s9], $0x2710  }
0x12: {  	[sflag:s9] =	ssyncset.done $0x0  }
0x13: {  	s15 =	simm.s32 $0x0;
	[sflag:s9] =	ssyncadd.s32 $0xFFFFD8F0  }
0x14: {  	[tilespmem:s12], [sflag:$0x1] =	stream.indirect.gather [hbm4b:s3+s11], $0x50, s15, s11, $0xb8;
	[tilespmem:$0x6720] =	vst v63  }
0x15: {  	_ =	swait.ge [sflag:s13], $0x1900  }
0x16: {  	[sflag:s13] =	ssyncset.done $0x0  }
0x17: {  	[sflag:s13] =	ssyncadd.s32 $0xFFFFE700  }
0x18: {  	[hbm4b:s7+s2] =	stream.linear.scatter [tilespmem:s12], [sflag:$0x2], $0x1900, $0x38;
	[tilespmem:$0x6720] =	vst v63  }
0x19: {  	_ =	swait.ge [sflag:s9], $0x1900  }
0x1a: {  	[sflag:s9] =	ssyncset.done $0x0  }
0x1b: {  	s31 =	simm.s32 $0x2710;
	[sflag:s9] =	ssyncadd.s32 $0xFFFFE700  }
0x1c: {  	[tilespmem:s12], [sflag:$0x1] =	stream.indirect.gather [hbm4b:s3+s11], $0x50, s31, s11, $0xb8;
	[tilespmem:$0x6720] =	vst v63  }
0x1d: {  	_ =	swait.ge [sflag:s13], $0x1900  }
0x1e: {  	[sflag:s13] =	ssyncset.done $0x0  }
0x1f: {  	[sflag:s13] =	ssyncadd.s32 $0xFFFFE700  }
0x20: {  	[hbm4b:s8+s2] =	stream.linear.scatter [tilespmem:s12], [sflag:$0x2], $0x1900, $0x38;
	[tilespmem:$0x6720] =	vst v63  }
0x21: {  	s17 =	simm.s32 $0x140;
	s18 =	simm.s32 $0x280;
	_ =	swait.ge [sflag:s9], $0x1900  }
0x22: {  	s16 =	sadd.s32 $0x320, s7;
	s15 =	sadd.s32 $0x320, s8;
	[sflag:s9] =	ssyncset.done $0x0  }
.LBB2_2:
0x23: {  	s19 =	sshra.s32 s17, $0x2  }
0x24: {  	[sflag:s9] =	ssyncadd.s32 $0xFFFFE700;
	s17 =	smov.u32 s18;
	s20 =	sadd.s32 $0x140, s18  }
0x25: {  	[tilespmem:s12], [sflag:$0x1] =	stream.indirect.gather [hbm4b:s3+s11], $0x50, s19, s11, $0xb8;
	[tilespmem:$0x6720] =	vst v63  }
0x26: {  	p0 =	sne.s32 s18, $0x9B00;
	_ =	swait.ge [sflag:s13], $0x1900  }
0x27: {  	[sflag:s13] =	ssyncset.done $0x0  }
0x28: {  	[sflag:s13] =	ssyncadd.s32 $0xFFFFE700  }
0x29: {  	[hbm4b:s16+s2] =	stream.linear.scatter [tilespmem:s12], [sflag:$0x2], $0x1900, $0x38;
	[tilespmem:$0x6720] =	vst v63  }
0x2a: {  	_ =	swait.ge [sflag:s9], $0x1900  }
0x2b: {  	[sflag:s9] =	ssyncset.done $0x0  }
0x2c: {  	s18 =	sadd.s32 $0x2710, s19;
	[sflag:s9] =	ssyncadd.s32 $0xFFFFE700  }
0x2d: {  	[tilespmem:s12], [sflag:$0x1] =	stream.indirect.gather [hbm4b:s3+s11], $0x50, s18, s11, $0xb8;
	[tilespmem:$0x6720] =	vst v63  }
0x2e: {  	_ =	swait.ge [sflag:s13], $0x1900  }
.Ltmp0:
0x2f: {  	[sflag:s13] =	ssyncset.done $0x0;
	(pc) =	sbr.rel @p0 .LBB2_2-.Ltmp0, $4  }
0x30: {  	[sflag:s13] =	ssyncadd.s32 $0xFFFFE700  }
0x31: {  	[hbm4b:s15+s2] =	stream.linear.scatter [tilespmem:s12], [sflag:$0x2], $0x1900, $0x38;
	[tilespmem:$0x6720] =	vst v63  }
0x32: {  	s16 =	sadd.s32 $0x320, s16;
	_ =	swait.ge [sflag:s9], $0x1900  }
0x33: {  	s18 =	smov.u32 s20;
	s15 =	sadd.s32 $0x320, s15;
	[sflag:s9] =	ssyncset.done $0x0  }
0x34: {  	s17 =	sshra.s32 s17, $0x2;
	[sflag:s9] =	ssyncadd.s32 $0xFFFFE700  }
0x35: {  	[tilespmem:s12], [sflag:$0x1] =	stream.indirect.gather [hbm4b:s3+s11], $0x50, s17, s11, $0xb8;
	[tilespmem:$0x6720] =	vst v63  }
0x36: {  	_ =	swait.ge [sflag:s13], $0x1900  }
0x37: {  	[sflag:s13] =	ssyncset.done $0x0  }
0x38: {  	[sflag:s13] =	ssyncadd.s32 $0xFFFFE700  }
0x39: {  	[hbm4b:s16+s2] =	stream.linear.scatter [tilespmem:s12], [sflag:$0x2], $0x1900, $0x38;
	[tilespmem:$0x6720] =	vst v63  }
0x3a: {  	_ =	swait.ge [sflag:s9], $0x1900  }
0x3b: {  	[sflag:s9] =	ssyncset.done $0x0  }
0x3c: {  	s31 =	sadd.s32 $0x2710, s17;
	[sflag:s9] =	ssyncadd.s32 $0xFFFFE700  }
0x3d: {  	[tilespmem:s12], [sflag:$0x1] =	stream.indirect.gather [hbm4b:s3+s11], $0x50, s31, s11, $0xb8;
	[tilespmem:$0x6720] =	vst v63  }
0x3e: {  	s14 =	sadd.s32 $0x1, s14;
	_ =	swait.ge [sflag:s13], $0x1900  }
0x3f: {  	p0 =	sne.s32 s14, s6;
	[sflag:s13] =	ssyncset.done $0x0  }
.Ltmp1:
0x40: {  	[sflag:s13] =	ssyncadd.s32 $0xFFFFE700;
	(pc) =	sbr.rel @p0 .LBB2_1-.Ltmp1, $4  }
0x41: {  	[hbm4b:s15+s2] =	stream.linear.scatter [tilespmem:s12], [sflag:$0x2], $0x1900, $0x38;
	[tilespmem:$0x6720] =	vst v63  }
0x42: {  	_ =	swait.ge [sflag:s9], $0x1900  }
0x43: {  	[sflag:s9] =	ssyncset.done $0x0  }
0x44: {  	[sflag:s9] =	ssyncadd.s32 $0xFFFFE700  }
0x45: {  	_ =	sfence.sel $0x180000  }
0x46: {  	[bflag:$0x0] =	sbarrier.arrive $0xFFFF  }
0x47: {  	p0 =	sne.s32 s0, $0x0;
	_ =	strace $0x90000047  }
0x48: {  	s0 =	sadd.s32 @!p0 $0x100000, s1;
	[bflag:$0x2] =	sbarrier.arrive $0xFFFF  }
0x49: {  	[sflag:s0] =	ssyncadd.tile.s32 @!p0 $0x1;
	_ =	shalt  }
.Lfunc_end2:
_tile_overlayer_lowered:
.L_overlay_start_2:
0x4a: {  	(tag) =	ssettag $0x2  }
0x4b: {  	s0 =	rddreg [dreg:$0x0];
	s2 =	stileid.u32  }
0x4c: {  	s1 =	rddreg [dreg:$0x1];
	p0 =	sne.s32 s2, $0x0  }
0x4d: {  	s3 =	rddreg [dreg:$0x2];
	[bflag:$0x3] =	sbarrier.arrive $0xFFFF;
	s2 =	simm.s32 @!p0 $0x1C02  }
0x4e: {  	[timem:s3], [sflag:s2] =	dma.local @!p0 [hbm:s0], s1  }
0x4f: {  	s0 =	simm.s32 @!p0 $0x2  }
0x50: {  	_ =	swait.ge @!p0 [sflag:s0], s1  }
0x51: {  	s1 =	ssub.s32 @!p0 $0x0, s1;
	[sflag:s0] =	ssyncset.done @!p0 $0x0  }
0x52: {  	[sflag:s0] =	ssyncadd.s32 @!p0 s1  }
0x53: {  	[bflag:$0x3] =	sbarrier.arrive $0xFFFF  }
0x54: {  	_ =	shalt  }

// kernel: kernel.30.cloned.1.call-start
scs
__scs_entry_jumppad:
0x0: {  	(pc) =	sbr.rel $0x88, $3  }
0x1: {  	(tag) =	ssettag $0x0;
	lr =	simm.s32 $0x1  }
0x2: {  	[smem:$0x3F4E] =	sst lr;
	_ =	strace $0xD0000000  }
0x3: {  	_ = 	snop  }
0x4: {  	_ = 	snop  }
0x5: {  	_ = 	snop  }
0x6: {  	_ = 	snop  }
0x7: {  	_ = 	snop  }
__scs_overlays_trampoline_lowered:
0x8: {  	[smem:$0x3F5D] =	sst s0  }
0x9: {  	[smem:$0x3F5E] =	sst s1  }
0xa: {  	[smem:$0x3F5F] =	sst s2  }
0xb: {  	[smem:$0x3F60] =	sst s3  }
0xc: {  	[smem:$0x3F61] =	sst s4  }
0xd: {  	[smem:$0x3F62] =	sst s5  }
0xe: {  	[smem:$0x3F63] =	sst s6  }
0xf: {  	[smem:$0x3F64] =	sst s7  }
0x10: {  	[smem:$0x3F65] =	sst s8  }
0x11: {  	[smem:$0x3F66] =	sst s9;
	s0 =	simm.s32 @!p0 $0x0  }
0x12: {  	s1 =	sld [smem:$0x3F4C];
	s0 =	simm.s32 @p0 $0x1  }
0x13: {  	[smem:$0x3F67] =	sst s0;
	s0 =	simm.s32 @!p1 $0x0  }
0x14: {  	s2 =	sld [smem:$0x3F4B];
	s0 =	simm.s32 @p1 $0x1  }
0x15: {  	[smem:$0x3F68] =	sst s0;
	s0 =	simm.s32 @!p2 $0x0  }
0x16: {  	s3 =	sld [smem:$0x3FDB];
	s0 =	simm.s32 @p2 $0x1  }
0x17: {  	s4 =	simm.s32 $0x1BF5;
	[smem:$0x3F6A] =	sst s0  }
0x18: {  	s0 =	sld [smem:$0x3F4D];
	_ =	swait.ge [sflag:s4], $0x0  }
0x19: {  	s7 =	sld [smem:$0x3F4E]  }
0x1a: {  	s8 =	sadd.s32 $0xFFFFE003, lr  }
0x1b: {  	s9 =	sadd.s32 $0xFFFFFEF7, lr;
	s5 =	simm.s32 $0xFFFFFFFF;
	p2 =	slt.u32 s8, $0xFFFFF086  }
0x1c: {  	p1 =	slt.u32 s9, $0xF7A;
	s5 =	simm.s32 @!p2 $0x0  }
0x1d: {  	s5 =	simm.s32 @p1 $0x1;
	p0 =	seq.s32 s7, s2  }
0x1e: {  	s7 =	smul.u32 @!p0 $0xF7A, s2;
	p2 =	seq.s32 @!p0 s5, $0x0  }
0x1f: {  	s9 =	smul.u32 $0xF7A, s1;
	s8 =	simm.s32 @!p0 $0x1BF5;
	p2 =	por !p2, p0  }
0x20: {  	[sflag:s8] =	ssyncset.s32 @!p0 $0xFFFFF086;
	s6 =	sadd.s32 @!p0 s3, s7;
	s7 =	simm.s32 @!p0 $0x108  }
0x21: {  	s3 =	sadd.s32 s3, s9;
	s6 =	sadd.s32 @!p0 $0x88, s6;
	s7 =	simm.s32 @p2 $0x1082  }
0x22: {  	[simem:s7], [sflag:s8] =	dma.local @!p0 [hbm:s6], $0xF7A  }
0x23: {  	s9 =	sor.u32 $0xD0000000, s2;
	s6 =	simm.s32 $0x108;
	_ =	swait.ge @!p0 [sflag:s8], $0x0  }
0x24: {  	s3 =	sadd.s32 $0x88, s3;
	s6 =	simm.s32 @!p1 $0x1082;
	[sflag:s4] =	ssyncset.s32 $0xFFFFF086  }
0x25: {  	[simem:s6], [sflag:s4] =	dma.local [hbm:s3], $0xF7A  }
0x26: {  	[smem:$0x3F4E] =	sst s1;
	(tag) =	ssettag s2;
	_ =	strace s9  }
0x27: {  	s1 =	sld [smem:$0x3F5E]  }
0x28: {  	s2 =	sld [smem:$0x3F5F]  }
0x29: {  	s4 =	sld [smem:$0x3F61]  }
0x2a: {  	p0 =	seq.s32 s5, $0x0;
	s5 =	sld [smem:$0x3F62]  }
0x2b: {  	s6 =	sld [smem:$0x3F63]  }
0x2c: {  	s7 =	sld [smem:$0x3F64]  }
0x2d: {  	s3 =	simm.s32 $0x108;
	s8 =	sld [smem:$0x3F65]  }
0x2e: {  	s3 =	simm.s32 @!p0 $0x1082;
	s9 =	sld [smem:$0x3F66]  }
0x2f: {  	lr =	sadd.s32 s0, s3;
	s0 =	sld [smem:$0x3F5D]  }
0x30: {  	s3 =	sld [smem:$0x3F60]  }
0x31: {  	[smem:$0x3F69] =	sst s10  }
0x32: {  	s10 =	sld [smem:$0x3F67];
	_ =	sdelay $0x3  }
0x33: {  	p0 =	seq.s32 s10, $0x1;
	s10 =	sld [smem:$0x3F69];
	_ =	sdelay $0x3  }
0x34: {  	[smem:$0x3F69] =	sst s10  }
0x35: {  	s10 =	sld [smem:$0x3F68];
	_ =	sdelay $0x3  }
0x36: {  	p1 =	seq.s32 s10, $0x1;
	s10 =	sld [smem:$0x3F69];
	_ =	sdelay $0x3  }
0x37: {  	[smem:$0x3F69] =	sst s10  }
0x38: {  	s10 =	sld [smem:$0x3F6A]  }
0x39: {  	_ = 	snop;
	(pc) =	sbr.ind lr, $3  }
0x3a: {  	_ = 	snop  }
0x3b: {  	_ = 	snop  }
0x3c: {  	p2 =	seq.s32 s10, $0x1;
	s10 =	sld [smem:$0x3F69]  }
0x3d: {  	_ =	shalt  }
0x3e: {  	_ =	shalt  }
0x3f: {  	_ =	shalt  }
0x40: {  	_ =	shalt  }
0x41: {  	_ =	shalt  }
0x42: {  	_ =	shalt  }
0x43: {  	_ =	shalt  }
0x44: {  	_ =	shalt  }
0x45: {  	_ =	shalt  }
0x46: {  	_ =	shalt  }
0x47: {  	_ =	shalt  }
0x48: {  	_ =	shalt  }
0x49: {  	_ =	shalt  }
0x4a: {  	_ =	shalt  }
0x4b: {  	_ =	shalt  }
0x4c: {  	_ =	shalt  }
0x4d: {  	_ =	shalt  }
0x4e: {  	_ =	shalt  }
0x4f: {  	_ =	shalt  }
0x50: {  	_ =	shalt  }
0x51: {  	_ =	shalt  }
0x52: {  	_ =	shalt  }
0x53: {  	_ =	shalt  }
0x54: {  	_ =	shalt  }
0x55: {  	_ =	shalt  }
0x56: {  	_ =	shalt  }
0x57: {  	_ =	shalt  }
0x58: {  	_ =	shalt  }
0x59: {  	_ =	shalt  }
0x5a: {  	_ =	shalt  }
0x5b: {  	_ =	shalt  }
0x5c: {  	_ =	shalt  }
0x5d: {  	_ =	shalt  }
0x5e: {  	_ =	shalt  }
0x5f: {  	_ =	shalt  }
0x60: {  	_ =	shalt  }
0x61: {  	_ =	shalt  }
0x62: {  	_ =	shalt  }
0x63: {  	_ =	shalt  }
0x64: {  	_ =	shalt  }
0x65: {  	_ =	shalt  }
0x66: {  	_ =	shalt  }
0x67: {  	_ =	shalt  }
0x68: {  	_ =	shalt  }
0x69: {  	_ =	shalt  }
0x6a: {  	_ =	shalt  }
0x6b: {  	_ =	shalt  }
0x6c: {  	_ =	shalt  }
0x6d: {  	_ =	shalt  }
0x6e: {  	_ =	shalt  }
0x6f: {  	_ =	shalt  }
0x70: {  	_ =	shalt  }
0x71: {  	_ =	shalt  }
0x72: {  	_ =	shalt  }
0x73: {  	_ =	shalt  }
0x74: {  	_ =	shalt  }
0x75: {  	_ =	shalt  }
0x76: {  	_ =	shalt  }
0x77: {  	_ =	shalt  }
0x78: {  	_ =	shalt  }
0x79: {  	_ =	shalt  }
0x7a: {  	_ =	shalt  }
0x7b: {  	_ =	shalt  }
0x7c: {  	_ =	shalt  }
0x7d: {  	_ =	shalt  }
0x7e: {  	_ =	shalt  }
0x7f: {  	_ =	shalt  }
0x80: {  	_ =	shalt  }
0x81: {  	_ =	shalt  }
0x82: {  	_ =	shalt  }
0x83: {  	_ =	shalt  }
0x84: {  	_ =	shalt  }
0x85: {  	_ =	shalt  }
0x86: {  	_ =	shalt  }
0x87: {  	_ =	shalt  }
.Lfunc_end0:
.L_simem_size_0:
called_computation.1_lowered:
.L_overlay_start_0:
0x88: {  	s2 =	sld [smem:$0x3FD9]  }
0x89: {  	s3 =	sld [smem:$0x3FFE];
	_ =	sdelay $0x1  }
0x8a: {  	s1 =	srdreg.scid  }
0x8b: {  	s0 =	sand.u32 $0x1, s1  }
0x8c: {  	s16 =	sshll.u32 s0, $0xA;
	s2 =	sadd.s32 s3, s2  }
0x8d: {  	s2 =	sadd.s32 s2, s16  }
0x8e: {  	[smem:$0x3F75] =	sst s2  }
0x8f: {  	_ = 	snop  }
0x90: {  	(tm) =	ssettm $0x1  }
0x91: {  	s17 =	sld [smem:$0x3FFB];
	_ =	sdelay $0x3  }
0x92: {  	_ =	strace s17  }
0x93: {  	s2 =	sld [smem:$0x3FFC];
	_ =	sdelay $0x3  }
0x94: {  	_ =	strace s2  }
0x95: {  	s2 =	sld [smem:$0x3FFD];
	_ =	sdelay $0x3  }
0x96: {  	_ =	strace s2  }
0x97: {  	_ =	strace $0x8FFFFFFF  }
0x98: {  	s18 =	sld [smem:$0x3FDB];
	_ =	sdelay $0x1  }
0x99: {  	s19 =	simm.s32 $_scs_section_size  }
0x9a: {  	s4 =	simm.s32 $_size__tile_overlayer_lowered;
	s5 =	simm.s32 $_tile_overlayer_lowered  }
0x9b: {  	s22 =	simm.s32 $0x1BFF;
	s21 =	sshll.u32 s5, $0x1;
	s2 =	sadd.s32 s19, s18  }
0x9c: {  	s6 =	simm.s32 $0x0;
	s20 =	sshll.u32 s4, $0x1;
	s4 =	sadd.s32 s21, s2  }
0x9d: {  	[timem:s6], [sflag:s22] =	dma.local [hbm:s4], s20  }
0x9e: {  	_ =	swait.ge [sflag:s22], s20  }
0x9f: {  	s3 =	ssub.s32 $0x0, s20;
	[sflag:s22] =	ssyncset.done $0x0  }
0xa0: {  	[sflag:s22] =	ssyncadd.s32 s3;
	_ =	sdelay $0x1  }
0xa1: {  	s23 =	simm.s32 $0x1B8B  }
0xa2: {  	_ =	swait.ge [sflag:s23], $0x1  }
0xa3: {  	[sflag:s23] =	ssyncset.done $0x0  }
0xa4: {  	s25 =	simm.s32 $0x1B8E;
	s24 =	sld [smem:$0x3FFE];
	[sflag:s23] =	ssyncadd.s32 $0xFFFFFFFF  }
0xa5: {  	s26 =	simm.s32 $execute0_lowered;
	[smem:$0x3FD2] =	sst s25  }
0xa6: {  	s4 =	sshll.u32 s26, $0x1;
	_ =	strace $0x80000049;
	[dreg:$0x1] =	wrdreg $0xFFFFFFFF  }
0xa7: {  	s28 =	simm.s32 $_size_execute0_lowered;
	s2 =	sadd.s32 s2, s4;
	[dreg:$0x0] =	wrdreg $0x0  }
0xa8: {  	s4 =	sshll.u32 s28, $0x1;
	[dreg:$0x2] =	wrdreg s2  }
0xa9: {  	[dreg:$0x3] =	wrdreg s4  }
0xaa: {  	[dreg:$0x4] =	wrdreg $0xC0  }
0xab: {  	_ =	task [dreg:s6], $0x5FFFF  }
0xac: {  	[dreg:$0x1] =	wrdreg $0xFFFFFFFF  }
0xad: {  	[dreg:$0x0] =	wrdreg $0x60  }
0xae: {  	[dreg:$0x2] =	wrdreg s24  }
0xaf: {  	[dreg:$0x3] =	wrdreg $0x40100  }
0xb0: {  	[dreg:$0x4] =	wrdreg $0x9  }
0xb1: {  	_ =	task.clear_ibuf [dreg:s6], $0x5FFFF;
	_ =	strace $0x90000049  }
0xb2: {  	s29 =	simm.s32 $0x9;
	_ =	strace $0x8000004B  }
0xb3: {  	_ =	swait.ge [sflag:s29], $0x1  }
0xb4: {  	[sflag:s29] =	ssyncadd.s32 $0xFFFFFFFF  }
0xb5: {  	_ =	strace $0x9000004B  }
0xb6: {  	_ =	sfence  }
0xb7: {  	s30 =	sld [smem:$0x0];
	_ =	sdelay $0x2  }
0xb8: {  	s31 =	sshll.u32 s1, $0xD;
	s1 =	sshrl.u32 s1, $0x2  }
0xb9: {  	s3 =	sand.u32 $0x4000, s31;
	s1 =	sadd.s32 s1, s30  }
0xba: {  	s0 =	sor.u32 s3, s0;
	s1 =	sshll.u32 s1, $0x11  }
0xbb: {  	s0 =	sor.u32 s1, s0  }
0xbc: {  	s0 =	sadd.s32 $0x8F2B, s0  }
0xbd: {  	[sflag:s0] =	ssyncadd.remote.s32 $0x1  }
0xbe: {  	_ =	sfence.sel $0xFFFF  }
0xbf: {  	[dreg:$0x0] =	wrdreg $0xFFFFFFFF;
	(pc) =	sbr.abs _section_cstart, $3  }
0xc0: {  	[dreg:$0x1] =	wrdreg $0xFFFFFFFF  }
0xc1: {  	_ =	task.clear_ibuf [dreg:s6], $0x2FFFF;
	_ =	strace $0x9FFFFFFF  }
0xc2: {  	(tm) =	ssettm $0x7FFFFFFF  }
0xc3: {  	_ =	shalt  }
tec
execute0_lowered:
.L_overlay_start_1:
0x0: {  	(tag) =	ssettag $0x1  }
0x1: {  	s6 =	rddreg [dreg:$0x0]  }
0x2: {  	s2 =	rddreg [dreg:$0x1]  }
0x3: {  	s0 =	rddreg [dreg:$0x2];
	s3 =	simm.s32 $0x0;
	s1 =	stileid.u32  }
0x4: {  	s4 =	srdreg.scid;
	s17 =	simm.s32 $0x0;
	s5 =	smul.u32 $0x30D40, s1  }
0x5: {  	s7 =	sand.u32 $0x1, s4;
	s24 =	sshll.u32 s1, $0x1;
	[smem:$0x7FF] =	sst s3  }
0x6: {  	s8 =	smul.u32 $0xC300, s1;
	s12 =	sadd.s32 $0x65600, s6;
	s29 =	sshll.u32 s1, $0x6  }
0x7: {  	s15 =	sadd.s32 $0xC3000, s2;
	p0 =	sne.s32 s1, $0xF;
	s30 =	smul.u32 $0xC3500, s7  }
0x8: {  	s4 =	sor.u32 s7, s24;
	_ =	strace $0x8000004A;
	s16 =	smul.u32 $0x186A0, s7  }
0x9: {  	s9 =	ssub.s32 $0x2, s7;
	s4 =	smul.u32 $0x4E2, s4;
	s10 =	sadd.s32 s5, s6  }
0xa: {  	s25 =	sshrl.u32 s8, $0x3;
	s28 =	sshrl.u32 s9, $0x1;
	s14 =	sadd.s32 s8, s2  }
0xb: {  	s5 =	sor.u32 $0x1C01, s29;
	s26 =	sadd.s32 s25, s6;
	s13 =	ssub.s32 s9, s28  }
0xc: {  	s8 =	sadd.s32 s8, s30;
	s9 =	sshrl.u32 s30, $0x3;
	s31 =	sadd.s32 s16, s10  }
0xd: {  	s16 =	simm.s32 $0x50;
	s11 =	sadd.s32 s4, s6;
	s4 =	sadd.s32 $0x4CE00, s26  }
0xe: {  	s6 =	sadd.s32 $0x65400, s6;
	s8 =	sshrl.u32 s8, $0x3;
	s9 =	sadd.s32 s12, s9  }
0xf: {  	s10 =	smax.u32 s13, $0x1;
	s13 =	simm.s32 $0x1;
	s7 =	sadd.s32 $0x1BE00, s11  }
0x10: {  	s8 =	sadd.s32 s12, s8;
	s9 =	sadd.s32 $0x18600, s9;
	s11 =	sadd.s32 $0xB61E00, s31  }
0x11: {  	s12 =	sshrl.u32 s14, $0x3;
	s14 =	sshrl.u32 @!p0 s15, $0x3;
	s15 =	simm.s32 $0x2710  }
.LBB2_1:
0x12: {  	[spmem:s12], [sflag:s5] =	dma.local [hbm:s4], $0x1860  }
0x13: {  	_ =	swait.ge [sflag:s13], $0x1860  }
0x14: {  	[sflag:s13] =	ssyncset.done $0x0  }
0x15: {  	s18 =	simm.s32 @!p0 $0x1;
	[sflag:s13] =	ssyncadd.s32 $0xFFFFE7A0  }
0x16: {  	[spmem:s14], [sflag:s5] =	dma.local @!p0 [hbm:s6], $0xA0  }
0x17: {  	_ =	swait.ge @!p0 [sflag:s18], $0xA0  }
0x18: {  	[sflag:s18] =	ssyncset.done @!p0 $0x0  }
0x19: {  	[sflag:s18] =	ssyncadd.s32 @!p0 $0xFFFFFF60  }
0x1a: {  	[tilespmem:s3], [sflag:$0x1] =	stream.linear.gather [hbm4b:s7+s3], $0x2710, $0x38;
	[tilespmem:$0x10360] =	vst v63  }
0x1b: {  	_ =	swait.ge [sflag:s13], $0x2710  }
0x1c: {  	[sflag:s13] =	ssyncset.done $0x0  }
0x1d: {  	[sflag:s13] =	ssyncadd.s32 $0xFFFFD8F0  }
0x1e: {  	[bflag:$0x0] =	sbarrier.arrive $0xFFFF  }
0x1f: {  	[tilespmem:s15], [sflag:$0x1] =	stream.linear.gather [hbm4b:s11+s3], $0x1900, $0x38;
	[tilespmem:$0x10360] =	vst v63  }
0x20: {  	_ =	swait.ge [sflag:s13], $0x1900  }
0x21: {  	[sflag:s13] =	ssyncset.done $0x0  }
0x22: {  	s31 =	simm.s32 $0x0;
	[sflag:s13] =	ssyncadd.s32 $0xFFFFE700  }
0x23: {  	[spmem:s2] =	stream.indirect.scatter.add.f32 [tilespmem:s15], [sflag:$0x1], $0x50, s31, s16, $0xb8;
	[tilespmem:$0x10360] =	vst v63  }
0x24: {  	_ =	swait.ge [sflag:s13], $0x1900  }
0x25: {  	s19 =	smov.u32 s11;
	s18 =	simm.s32 $0x140;
	[sflag:s13] =	ssyncset.done $0x0  }
.LBB2_2:
0x26: {  	p1 =	sne.s32 s18, $0x9B00;
	[sflag:s13] =	ssyncadd.s32 $0xFFFFE700;
	s19 =	sadd.s32 $0x320, s19  }
0x27: {  	[tilespmem:s15], [sflag:$0x1] =	stream.linear.gather [hbm4b:s19+s3], $0x1900, $0x38;
	[tilespmem:$0x10360] =	vst v63  }
0x28: {  	s20 =	smov.u32 s18;
	s18 =	sadd.s32 $0x140, s18;
	_ =	swait.ge [sflag:s13], $0x1900  }
.Ltmp0:
0x29: {  	[sflag:s13] =	ssyncset.done $0x0;
	(pc) =	sbr.rel @p1 .LBB2_2-.Ltmp0, $4  }
0x2a: {  	s20 =	sshra.s32 s20, $0x2;
	[sflag:s13] =	ssyncadd.s32 $0xFFFFE700  }
0x2b: {  	[spmem:s2] =	stream.indirect.scatter.add.f32 [tilespmem:s15], [sflag:$0x1], $0x50, s20, s16, $0xb8;
	[tilespmem:$0x10360] =	vst v63  }
0x2c: {  	_ =	swait.ge [sflag:s13], $0x1900  }
0x2d: {  	[sflag:s13] =	ssyncset.done $0x0  }
0x2e: {  	[sflag:s13] =	ssyncadd.s32 $0xFFFFE700  }
0x2f: {  	[bflag:$0x0] =	sbarrier.arrive $0xFFFF  }
0x30: {  	[hbm:s8], [sflag:s5] =	dma.local [spmem:s12], $0x1860  }
0x31: {  	s17 =	sadd.s32 $0x1, s17;
	_ =	swait.ge [sflag:s13], $0x1860  }
0x32: {  	p1 =	sne.s32 s17, s10;
	[sflag:s13] =	ssyncset.done $0x0  }
.Ltmp1:
0x33: {  	s18 =	simm.s32 @!p0 $0x1;
	[sflag:s13] =	ssyncadd.s32 $0xFFFFE7A0;
	(pc) =	sbr.rel @p1 .LBB2_1-.Ltmp1, $4  }
0x34: {  	[hbm:s9], [sflag:s5] =	dma.local @!p0 [spmem:s14], $0xA0  }
0x35: {  	_ =	swait.ge @!p0 [sflag:s18], $0xA0  }
0x36: {  	[sflag:s18] =	ssyncset.done @!p0 $0x0  }
0x37: {  	[sflag:s18] =	ssyncadd.s32 @!p0 $0xFFFFFF60  }
0x38: {  	_ =	sfence.sel $0x180000  }
0x39: {  	[bflag:$0x0] =	sbarrier.arrive $0xFFFF  }
0x3a: {  	p0 =	sne.s32 s1, $0x0;
	_ =	strace $0x9000004A  }
0x3b: {  	s0 =	sadd.s32 @!p0 $0x100000, s0;
	[bflag:$0x2] =	sbarrier.arrive $0xFFFF  }
0x3c: {  	[sflag:s0] =	ssyncadd.tile.s32 @!p0 $0x1;
	_ =	shalt  }
.Lfunc_end2:
_tile_overlayer_lowered:
.L_overlay_start_2:
0x3d: {  	(tag) =	ssettag $0x2  }
0x3e: {  	s0 =	rddreg [dreg:$0x0];
	s2 =	stileid.u32  }
0x3f: {  	s1 =	rddreg [dreg:$0x1];
	p0 =	sne.s32 s2, $0x0  }
0x40: {  	s3 =	rddreg [dreg:$0x2];
	[bflag:$0x3] =	sbarrier.arrive $0xFFFF;
	s2 =	simm.s32 @!p0 $0x1C01  }
0x41: {  	[timem:s3], [sflag:s2] =	dma.local @!p0 [hbm:s0], s1  }
0x42: {  	s0 =	simm.s32 @!p0 $0x1  }
0x43: {  	_ =	swait.ge @!p0 [sflag:s0], s1  }
0x44: {  	s1 =	ssub.s32 @!p0 $0x0, s1;
	[sflag:s0] =	ssyncset.done @!p0 $0x0  }
0x45: {  	[sflag:s0] =	ssyncadd.s32 @!p0 s1  }
0x46: {  	[bflag:$0x3] =	sbarrier.arrive $0xFFFF  }
0x47: {  	_ =	shalt  }

// kernel: kernel.33.cloned.1.call-start
scs
__scs_entry_jumppad:
0x0: {  	(pc) =	sbr.rel $0x88, $3  }
0x1: {  	(tag) =	ssettag $0x0;
	lr =	simm.s32 $0x1  }
0x2: {  	[smem:$0x3F4E] =	sst lr;
	_ =	strace $0xD0000000  }
0x3: {  	_ = 	snop  }
0x4: {  	_ = 	snop  }
0x5: {  	_ = 	snop  }
0x6: {  	_ = 	snop  }
0x7: {  	_ = 	snop  }
__scs_overlays_trampoline_lowered:
0x8: {  	[smem:$0x3F5D] =	sst s0  }
0x9: {  	[smem:$0x3F5E] =	sst s1  }
0xa: {  	[smem:$0x3F5F] =	sst s2  }
0xb: {  	[smem:$0x3F60] =	sst s3  }
0xc: {  	[smem:$0x3F61] =	sst s4  }
0xd: {  	[smem:$0x3F62] =	sst s5  }
0xe: {  	[smem:$0x3F63] =	sst s6  }
0xf: {  	[smem:$0x3F64] =	sst s7  }
0x10: {  	[smem:$0x3F65] =	sst s8  }
0x11: {  	[smem:$0x3F66] =	sst s9;
	s0 =	simm.s32 @!p0 $0x0  }
0x12: {  	s1 =	sld [smem:$0x3F4C];
	s0 =	simm.s32 @p0 $0x1  }
0x13: {  	[smem:$0x3F67] =	sst s0;
	s0 =	simm.s32 @!p1 $0x0  }
0x14: {  	s2 =	sld [smem:$0x3F4B];
	s0 =	simm.s32 @p1 $0x1  }
0x15: {  	[smem:$0x3F68] =	sst s0;
	s0 =	simm.s32 @!p2 $0x0  }
0x16: {  	s3 =	sld [smem:$0x3FDB];
	s0 =	simm.s32 @p2 $0x1  }
0x17: {  	s4 =	simm.s32 $0x1BF5;
	[smem:$0x3F6A] =	sst s0  }
0x18: {  	s0 =	sld [smem:$0x3F4D];
	_ =	swait.ge [sflag:s4], $0x0  }
0x19: {  	s7 =	sld [smem:$0x3F4E]  }
0x1a: {  	s8 =	sadd.s32 $0xFFFFE003, lr  }
0x1b: {  	s9 =	sadd.s32 $0xFFFFFEF7, lr;
	s5 =	simm.s32 $0xFFFFFFFF;
	p2 =	slt.u32 s8, $0xFFFFF086  }
0x1c: {  	p1 =	slt.u32 s9, $0xF7A;
	s5 =	simm.s32 @!p2 $0x0  }
0x1d: {  	s5 =	simm.s32 @p1 $0x1;
	p0 =	seq.s32 s7, s2  }
0x1e: {  	s7 =	smul.u32 @!p0 $0xF7A, s2;
	p2 =	seq.s32 @!p0 s5, $0x0  }
0x1f: {  	s9 =	smul.u32 $0xF7A, s1;
	s8 =	simm.s32 @!p0 $0x1BF5;
	p2 =	por !p2, p0  }
0x20: {  	[sflag:s8] =	ssyncset.s32 @!p0 $0xFFFFF086;
	s6 =	sadd.s32 @!p0 s3, s7;
	s7 =	simm.s32 @!p0 $0x108  }
0x21: {  	s3 =	sadd.s32 s3, s9;
	s6 =	sadd.s32 @!p0 $0x88, s6;
	s7 =	simm.s32 @p2 $0x1082  }
0x22: {  	[simem:s7], [sflag:s8] =	dma.local @!p0 [hbm:s6], $0xF7A  }
0x23: {  	s9 =	sor.u32 $0xD0000000, s2;
	s6 =	simm.s32 $0x108;
	_ =	swait.ge @!p0 [sflag:s8], $0x0  }
0x24: {  	s3 =	sadd.s32 $0x88, s3;
	s6 =	simm.s32 @!p1 $0x1082;
	[sflag:s4] =	ssyncset.s32 $0xFFFFF086  }
0x25: {  	[simem:s6], [sflag:s4] =	dma.local [hbm:s3], $0xF7A  }
0x26: {  	[smem:$0x3F4E] =	sst s1;
	(tag) =	ssettag s2;
	_ =	strace s9  }
0x27: {  	s1 =	sld [smem:$0x3F5E]  }
0x28: {  	s2 =	sld [smem:$0x3F5F]  }
0x29: {  	s4 =	sld [smem:$0x3F61]  }
0x2a: {  	p0 =	seq.s32 s5, $0x0;
	s5 =	sld [smem:$0x3F62]  }
0x2b: {  	s6 =	sld [smem:$0x3F63]  }
0x2c: {  	s7 =	sld [smem:$0x3F64]  }
0x2d: {  	s3 =	simm.s32 $0x108;
	s8 =	sld [smem:$0x3F65]  }
0x2e: {  	s3 =	simm.s32 @!p0 $0x1082;
	s9 =	sld [smem:$0x3F66]  }
0x2f: {  	lr =	sadd.s32 s0, s3;
	s0 =	sld [smem:$0x3F5D]  }
0x30: {  	s3 =	sld [smem:$0x3F60]  }
0x31: {  	[smem:$0x3F69] =	sst s10  }
0x32: {  	s10 =	sld [smem:$0x3F67];
	_ =	sdelay $0x3  }
0x33: {  	p0 =	seq.s32 s10, $0x1;
	s10 =	sld [smem:$0x3F69];
	_ =	sdelay $0x3  }
0x34: {  	[smem:$0x3F69] =	sst s10  }
0x35: {  	s10 =	sld [smem:$0x3F68];
	_ =	sdelay $0x3  }
0x36: {  	p1 =	seq.s32 s10, $0x1;
	s10 =	sld [smem:$0x3F69];
	_ =	sdelay $0x3  }
0x37: {  	[smem:$0x3F69] =	sst s10  }
0x38: {  	s10 =	sld [smem:$0x3F6A]  }
0x39: {  	_ = 	snop;
	(pc) =	sbr.ind lr, $3  }
0x3a: {  	_ = 	snop  }
0x3b: {  	_ = 	snop  }
0x3c: {  	p2 =	seq.s32 s10, $0x1;
	s10 =	sld [smem:$0x3F69]  }
0x3d: {  	_ =	shalt  }
0x3e: {  	_ =	shalt  }
0x3f: {  	_ =	shalt  }
0x40: {  	_ =	shalt  }
0x41: {  	_ =	shalt  }
0x42: {  	_ =	shalt  }
0x43: {  	_ =	shalt  }
0x44: {  	_ =	shalt  }
0x45: {  	_ =	shalt  }
0x46: {  	_ =	shalt  }
0x47: {  	_ =	shalt  }
0x48: {  	_ =	shalt  }
0x49: {  	_ =	shalt  }
0x4a: {  	_ =	shalt  }
0x4b: {  	_ =	shalt  }
0x4c: {  	_ =	shalt  }
0x4d: {  	_ =	shalt  }
0x4e: {  	_ =	shalt  }
0x4f: {  	_ =	shalt  }
0x50: {  	_ =	shalt  }
0x51: {  	_ =	shalt  }
0x52: {  	_ =	shalt  }
0x53: {  	_ =	shalt  }
0x54: {  	_ =	shalt  }
0x55: {  	_ =	shalt  }
0x56: {  	_ =	shalt  }
0x57: {  	_ =	shalt  }
0x58: {  	_ =	shalt  }
0x59: {  	_ =	shalt  }
0x5a: {  	_ =	shalt  }
0x5b: {  	_ =	shalt  }
0x5c: {  	_ =	shalt  }
0x5d: {  	_ =	shalt  }
0x5e: {  	_ =	shalt  }
0x5f: {  	_ =	shalt  }
0x60: {  	_ =	shalt  }
0x61: {  	_ =	shalt  }
0x62: {  	_ =	shalt  }
0x63: {  	_ =	shalt  }
0x64: {  	_ =	shalt  }
0x65: {  	_ =	shalt  }
0x66: {  	_ =	shalt  }
0x67: {  	_ =	shalt  }
0x68: {  	_ =	shalt  }
0x69: {  	_ =	shalt  }
0x6a: {  	_ =	shalt  }
0x6b: {  	_ =	shalt  }
0x6c: {  	_ =	shalt  }
0x6d: {  	_ =	shalt  }
0x6e: {  	_ =	shalt  }
0x6f: {  	_ =	shalt  }
0x70: {  	_ =	shalt  }
0x71: {  	_ =	shalt  }
0x72: {  	_ =	shalt  }
0x73: {  	_ =	shalt  }
0x74: {  	_ =	shalt  }
0x75: {  	_ =	shalt  }
0x76: {  	_ =	shalt  }
0x77: {  	_ =	shalt  }
0x78: {  	_ =	shalt  }
0x79: {  	_ =	shalt  }
0x7a: {  	_ =	shalt  }
0x7b: {  	_ =	shalt  }
0x7c: {  	_ =	shalt  }
0x7d: {  	_ =	shalt  }
0x7e: {  	_ =	shalt  }
0x7f: {  	_ =	shalt  }
0x80: {  	_ =	shalt  }
0x81: {  	_ =	shalt  }
0x82: {  	_ =	shalt  }
0x83: {  	_ =	shalt  }
0x84: {  	_ =	shalt  }
0x85: {  	_ =	shalt  }
0x86: {  	_ =	shalt  }
0x87: {  	_ =	shalt  }
.Lfunc_end0:
.L_simem_size_0:
called_computation.2_lowered:
.L_overlay_start_0:
0x88: {  	s2 =	sld [smem:$0x3FD9]  }
0x89: {  	s3 =	sld [smem:$0x3FFE];
	_ =	sdelay $0x1  }
0x8a: {  	s1 =	srdreg.scid  }
0x8b: {  	s0 =	sand.u32 $0x1, s1  }
0x8c: {  	s16 =	sshll.u32 s0, $0xA;
	s2 =	sadd.s32 s3, s2  }
0x8d: {  	s2 =	sadd.s32 s2, s16  }
0x8e: {  	[smem:$0x3F75] =	sst s2  }
0x8f: {  	_ = 	snop  }
0x90: {  	(tm) =	ssettm $0x1  }
0x91: {  	s17 =	sld [smem:$0x3FFB];
	_ =	sdelay $0x3  }
0x92: {  	_ =	strace s17  }
0x93: {  	s2 =	sld [smem:$0x3FFC];
	_ =	sdelay $0x3  }
0x94: {  	_ =	strace s2  }
0x95: {  	s2 =	sld [smem:$0x3FFD];
	_ =	sdelay $0x3  }
0x96: {  	_ =	strace s2  }
0x97: {  	_ =	strace $0x8FFFFFFF  }
0x98: {  	s18 =	sld [smem:$0x3FDB];
	_ =	sdelay $0x1  }
0x99: {  	s19 =	simm.s32 $_scs_section_size  }
0x9a: {  	s4 =	simm.s32 $_size__tile_overlayer_lowered;
	s5 =	simm.s32 $_tile_overlayer_lowered  }
0x9b: {  	s22 =	simm.s32 $0x1BFF;
	s21 =	sshll.u32 s5, $0x1;
	s2 =	sadd.s32 s19, s18  }
0x9c: {  	s6 =	simm.s32 $0x0;
	s20 =	sshll.u32 s4, $0x1;
	s4 =	sadd.s32 s21, s2  }
0x9d: {  	[timem:s6], [sflag:s22] =	dma.local [hbm:s4], s20  }
0x9e: {  	_ =	swait.ge [sflag:s22], s20  }
0x9f: {  	s3 =	ssub.s32 $0x0, s20;
	[sflag:s22] =	ssyncset.done $0x0  }
0xa0: {  	[sflag:s22] =	ssyncadd.s32 s3;
	_ =	sdelay $0x1  }
0xa1: {  	s23 =	simm.s32 $0x1B8B  }
0xa2: {  	_ =	swait.ge [sflag:s23], $0x1  }
0xa3: {  	[sflag:s23] =	ssyncset.done $0x0  }
0xa4: {  	s25 =	simm.s32 $0x1B8E;
	s24 =	sld [smem:$0x3FFE];
	[sflag:s23] =	ssyncadd.s32 $0xFFFFFFFF  }
0xa5: {  	s26 =	simm.s32 $execute0_lowered;
	[smem:$0x3FD2] =	sst s25  }
0xa6: {  	s4 =	sshll.u32 s26, $0x1;
	_ =	strace $0x8000004C;
	[dreg:$0x1] =	wrdreg $0xFFFFFFFF  }
0xa7: {  	s28 =	simm.s32 $_size_execute0_lowered;
	s2 =	sadd.s32 s2, s4;
	[dreg:$0x0] =	wrdreg $0x0  }
0xa8: {  	s4 =	sshll.u32 s28, $0x1;
	[dreg:$0x2] =	wrdreg s2  }
0xa9: {  	[dreg:$0x3] =	wrdreg s4  }
0xaa: {  	[dreg:$0x4] =	wrdreg $0xC0  }
0xab: {  	_ =	task [dreg:s6], $0x5FFFF  }
0xac: {  	[dreg:$0x1] =	wrdreg $0xFFFFFFFF  }
0xad: {  	[dreg:$0x0] =	wrdreg $0x60  }
0xae: {  	[dreg:$0x2] =	wrdreg s24  }
0xaf: {  	[dreg:$0x3] =	wrdreg $0x9  }
0xb0: {  	_ =	task.clear_ibuf [dreg:s6], $0x4FFFF;
	_ =	strace $0x9000004C  }
0xb1: {  	s29 =	simm.s32 $0x9;
	_ =	strace $0x8000004E  }
0xb2: {  	_ =	swait.ge [sflag:s29], $0x1  }
0xb3: {  	[sflag:s29] =	ssyncadd.s32 $0xFFFFFFFF  }
0xb4: {  	_ =	strace $0x9000004E  }
0xb5: {  	_ =	sfence  }
0xb6: {  	s30 =	sld [smem:$0x0];
	_ =	sdelay $0x2  }
0xb7: {  	s31 =	sshll.u32 s1, $0xD;
	s1 =	sshrl.u32 s1, $0x2  }
0xb8: {  	s3 =	sand.u32 $0x4000, s31;
	s1 =	sadd.s32 s1, s30  }
0xb9: {  	s0 =	sor.u32 s3, s0;
	s1 =	sshll.u32 s1, $0x11  }
0xba: {  	s0 =	sor.u32 s1, s0  }
0xbb: {  	s0 =	sadd.s32 $0x8F2B, s0  }
0xbc: {  	[sflag:s0] =	ssyncadd.remote.s32 $0x1  }
0xbd: {  	_ =	sfence.sel $0xFFFF  }
0xbe: {  	[dreg:$0x0] =	wrdreg $0xFFFFFFFF;
	(pc) =	sbr.abs _section_cstart, $3  }
0xbf: {  	[dreg:$0x1] =	wrdreg $0xFFFFFFFF  }
0xc0: {  	_ =	task.clear_ibuf [dreg:s6], $0x2FFFF;
	_ =	strace $0x9FFFFFFF  }
0xc1: {  	(tm) =	ssettm $0x7FFFFFFF  }
tec
execute0_lowered:
.L_overlay_start_1:
0x0: {  	(tag) =	ssettag $0x1  }
0x1: {  	s1 =	srdreg.scid  }
0x2: {  	s0 =	stileid.u32;
	s4 =	rddreg [dreg:$0x0];
	s2 =	simm.s32 $0x0  }
0x3: {  	s11 =	simm.s32 $0x50;
	s12 =	simm.s32 $0x4E20;
	s13 =	simm.s32 $0x1  }
0x4: {  	s14 =	simm.s32 $0x0;
	s5 =	sand.u32 $0x1, s1;
	s1 =	rddreg [dreg:$0x1]  }
0x5: {  	s3 =	sshll.u32 s0, $0x1;
	[smem:$0x7FF] =	sst s2;
	s7 =	smul.u32 $0x30D40, s0  }
0x6: {  	s3 =	sor.u32 s5, s3;
	s8 =	ssub.s32 $0x2, s5;
	s10 =	smul.u32 $0x186A0, s5  }
0x7: {  	_ =	strace $0x8000004D;
	s6 =	smul.u32 $0x4E2, s3;
	s9 =	sshrl.u32 s8, $0x1  }
0x8: {  	s3 =	sadd.s32 $0x65600, s4;
	s29 =	sadd.s32 s7, s4;
	s30 =	ssub.s32 s8, s9  }
0x9: {  	s31 =	sadd.s32 s10, s29;
	s9 =	simm.s32 $0x2;
	s10 =	simm.s32 $0x2710  }
0xa: {  	s28 =	sadd.s32 s6, s4;
	s6 =	smax.u32 s30, $0x1;
	s7 =	sadd.s32 $0xB61E00, s31  }
0xb: {  	s8 =	sadd.s32 $0x7DE00, s31;
	s4 =	sadd.s32 $0x12000, s28;
	s5 =	sadd.s32 $0x1BE00, s28  }
.LBB2_1:
0xc: {  	[tilespmem:s2], [sflag:$0x2] =	stream.linear.gather [hbm4b:s4+s2], $0x2710, $0x38;
	[tilespmem:$0x6720] =	vst v63  }
0xd: {  	_ =	swait.ge [sflag:s9], $0x2710  }
0xe: {  	[sflag:s9] =	ssyncset.done $0x0  }
0xf: {  	[sflag:s9] =	ssyncadd.s32 $0xFFFFD8F0  }
0x10: {  	[tilespmem:s10], [sflag:$0x2] =	stream.linear.gather [hbm4b:s5+s2], $0x2710, $0x38;
	[tilespmem:$0x6720] =	vst v63  }
0x11: {  	_ =	swait.ge [sflag:s9], $0x2710  }
0x12: {  	[sflag:s9] =	ssyncset.done $0x0  }
0x13: {  	s15 =	simm.s32 $0x0;
	[sflag:s9] =	ssyncadd.s32 $0xFFFFD8F0  }
0x14: {  	[tilespmem:s12], [sflag:$0x1] =	stream.indirect.gather [hbm4b:s3+s11], $0x50, s15, s11, $0xb8;
	[tilespmem:$0x6720] =	vst v63  }
0x15: {  	_ =	swait.ge [sflag:s13], $0x1900  }
0x16: {  	[sflag:s13] =	ssyncset.done $0x0  }
0x17: {  	[sflag:s13] =	ssyncadd.s32 $0xFFFFE700  }
0x18: {  	[hbm4b:s7+s2] =	stream.linear.scatter [tilespmem:s12], [sflag:$0x2], $0x1900, $0x38;
	[tilespmem:$0x6720] =	vst v63  }
0x19: {  	_ =	swait.ge [sflag:s9], $0x1900  }
0x1a: {  	[sflag:s9] =	ssyncset.done $0x0  }
0x1b: {  	s31 =	simm.s32 $0x2710;
	[sflag:s9] =	ssyncadd.s32 $0xFFFFE700  }
0x1c: {  	[tilespmem:s12], [sflag:$0x1] =	stream.indirect.gather [hbm4b:s3+s11], $0x50, s31, s11, $0xb8;
	[tilespmem:$0x6720] =	vst v63  }
0x1d: {  	_ =	swait.ge [sflag:s13], $0x1900  }
0x1e: {  	[sflag:s13] =	ssyncset.done $0x0  }
0x1f: {  	[sflag:s13] =	ssyncadd.s32 $0xFFFFE700  }
0x20: {  	[hbm4b:s8+s2] =	stream.linear.scatter [tilespmem:s12], [sflag:$0x2], $0x1900, $0x38;
	[tilespmem:$0x6720] =	vst v63  }
0x21: {  	s17 =	simm.s32 $0x140;
	s18 =	simm.s32 $0x280;
	_ =	swait.ge [sflag:s9], $0x1900  }
0x22: {  	s16 =	sadd.s32 $0x320, s7;
	s15 =	sadd.s32 $0x320, s8;
	[sflag:s9] =	ssyncset.done $0x0  }
.LBB2_2:
0x23: {  	s19 =	sshra.s32 s17, $0x2  }
0x24: {  	[sflag:s9] =	ssyncadd.s32 $0xFFFFE700;
	s17 =	smov.u32 s18;
	s20 =	sadd.s32 $0x140, s18  }
0x25: {  	[tilespmem:s12], [sflag:$0x1] =	stream.indirect.gather [hbm4b:s3+s11], $0x50, s19, s11, $0xb8;
	[tilespmem:$0x6720] =	vst v63  }
0x26: {  	p0 =	sne.s32 s18, $0x9B00;
	_ =	swait.ge [sflag:s13], $0x1900  }
0x27: {  	[sflag:s13] =	ssyncset.done $0x0  }
0x28: {  	[sflag:s13] =	ssyncadd.s32 $0xFFFFE700  }
0x29: {  	[hbm4b:s16+s2] =	stream.linear.scatter [tilespmem:s12], [sflag:$0x2], $0x1900, $0x38;
	[tilespmem:$0x6720] =	vst v63  }
0x2a: {  	_ =	swait.ge [sflag:s9], $0x1900  }
0x2b: {  	[sflag:s9] =	ssyncset.done $0x0  }
0x2c: {  	s18 =	sadd.s32 $0x2710, s19;
	[sflag:s9] =	ssyncadd.s32 $0xFFFFE700  }
0x2d: {  	[tilespmem:s12], [sflag:$0x1] =	stream.indirect.gather [hbm4b:s3+s11], $0x50, s18, s11, $0xb8;
	[tilespmem:$0x6720] =	vst v63  }
0x2e: {  	_ =	swait.ge [sflag:s13], $0x1900  }
.Ltmp0:
0x2f: {  	[sflag:s13] =	ssyncset.done $0x0;
	(pc) =	sbr.rel @p0 .LBB2_2-.Ltmp0, $4  }
0x30: {  	[sflag:s13] =	ssyncadd.s32 $0xFFFFE700  }
0x31: {  	[hbm4b:s15+s2] =	stream.linear.scatter [tilespmem:s12], [sflag:$0x2], $0x1900, $0x38;
	[tilespmem:$0x6720] =	vst v63  }
0x32: {  	s16 =	sadd.s32 $0x320, s16;
	_ =	swait.ge [sflag:s9], $0x1900  }
0x33: {  	s18 =	smov.u32 s20;
	s15 =	sadd.s32 $0x320, s15;
	[sflag:s9] =	ssyncset.done $0x0  }
0x34: {  	s17 =	sshra.s32 s17, $0x2;
	[sflag:s9] =	ssyncadd.s32 $0xFFFFE700  }
0x35: {  	[tilespmem:s12], [sflag:$0x1] =	stream.indirect.gather [hbm4b:s3+s11], $0x50, s17, s11, $0xb8;
	[tilespmem:$0x6720] =	vst v63  }
0x36: {  	_ =	swait.ge [sflag:s13], $0x1900  }
0x37: {  	[sflag:s13] =	ssyncset.done $0x0  }
0x38: {  	[sflag:s13] =	ssyncadd.s32 $0xFFFFE700  }
0x39: {  	[hbm4b:s16+s2] =	stream.linear.scatter [tilespmem:s12], [sflag:$0x2], $0x1900, $0x38;
	[tilespmem:$0x6720] =	vst v63  }
0x3a: {  	_ =	swait.ge [sflag:s9], $0x1900  }
0x3b: {  	[sflag:s9] =	ssyncset.done $0x0  }
0x3c: {  	s31 =	sadd.s32 $0x2710, s17;
	[sflag:s9] =	ssyncadd.s32 $0xFFFFE700  }
0x3d: {  	[tilespmem:s12], [sflag:$0x1] =	stream.indirect.gather [hbm4b:s3+s11], $0x50, s31, s11, $0xb8;
	[tilespmem:$0x6720] =	vst v63  }
0x3e: {  	s14 =	sadd.s32 $0x1, s14;
	_ =	swait.ge [sflag:s13], $0x1900  }
0x3f: {  	p0 =	sne.s32 s14, s6;
	[sflag:s13] =	ssyncset.done $0x0  }
.Ltmp1:
0x40: {  	[sflag:s13] =	ssyncadd.s32 $0xFFFFE700;
	(pc) =	sbr.rel @p0 .LBB2_1-.Ltmp1, $4  }
0x41: {  	[hbm4b:s15+s2] =	stream.linear.scatter [tilespmem:s12], [sflag:$0x2], $0x1900, $0x38;
	[tilespmem:$0x6720] =	vst v63  }
0x42: {  	_ =	swait.ge [sflag:s9], $0x1900  }
0x43: {  	[sflag:s9] =	ssyncset.done $0x0  }
0x44: {  	[sflag:s9] =	ssyncadd.s32 $0xFFFFE700  }
0x45: {  	_ =	sfence.sel $0x180000  }
0x46: {  	[bflag:$0x0] =	sbarrier.arrive $0xFFFF  }
0x47: {  	p0 =	sne.s32 s0, $0x0;
	_ =	strace $0x9000004D  }
0x48: {  	s0 =	sadd.s32 @!p0 $0x100000, s1;
	[bflag:$0x2] =	sbarrier.arrive $0xFFFF  }
0x49: {  	[sflag:s0] =	ssyncadd.tile.s32 @!p0 $0x1;
	_ =	shalt  }
.Lfunc_end2:
_tile_overlayer_lowered:
.L_overlay_start_2:
0x4a: {  	(tag) =	ssettag $0x2  }
0x4b: {  	s0 =	rddreg [dreg:$0x0];
	s2 =	stileid.u32  }
0x4c: {  	s1 =	rddreg [dreg:$0x1];
	p0 =	sne.s32 s2, $0x0  }
0x4d: {  	s3 =	rddreg [dreg:$0x2];
	[bflag:$0x3] =	sbarrier.arrive $0xFFFF;
	s2 =	simm.s32 @!p0 $0x1C02  }
0x4e: {  	[timem:s3], [sflag:s2] =	dma.local @!p0 [hbm:s0], s1  }
0x4f: {  	s0 =	simm.s32 @!p0 $0x2  }
0x50: {  	_ =	swait.ge @!p0 [sflag:s0], s1  }
0x51: {  	s1 =	ssub.s32 @!p0 $0x0, s1;
	[sflag:s0] =	ssyncset.done @!p0 $0x0  }
0x52: {  	[sflag:s0] =	ssyncadd.s32 @!p0 s1  }
0x53: {  	[bflag:$0x3] =	sbarrier.arrive $0xFFFF  }
0x54: {  	_ =	shalt  }

// kernel: kernel.36.cloned.1.call-start
scs
__scs_entry_jumppad:
0x0: {  	(pc) =	sbr.rel $0x88, $3  }
0x1: {  	(tag) =	ssettag $0x0;
	lr =	simm.s32 $0x1  }
0x2: {  	[smem:$0x3F4E] =	sst lr;
	_ =	strace $0xD0000000  }
0x3: {  	_ = 	snop  }
0x4: {  	_ = 	snop  }
0x5: {  	_ = 	snop  }
0x6: {  	_ = 	snop  }
0x7: {  	_ = 	snop  }
__scs_overlays_trampoline_lowered:
0x8: {  	[smem:$0x3F5D] =	sst s0  }
0x9: {  	[smem:$0x3F5E] =	sst s1  }
0xa: {  	[smem:$0x3F5F] =	sst s2  }
0xb: {  	[smem:$0x3F60] =	sst s3  }
0xc: {  	[smem:$0x3F61] =	sst s4  }
0xd: {  	[smem:$0x3F62] =	sst s5  }
0xe: {  	[smem:$0x3F63] =	sst s6  }
0xf: {  	[smem:$0x3F64] =	sst s7  }
0x10: {  	[smem:$0x3F65] =	sst s8  }
0x11: {  	[smem:$0x3F66] =	sst s9;
	s0 =	simm.s32 @!p0 $0x0  }
0x12: {  	s1 =	sld [smem:$0x3F4C];
	s0 =	simm.s32 @p0 $0x1  }
0x13: {  	[smem:$0x3F67] =	sst s0;
	s0 =	simm.s32 @!p1 $0x0  }
0x14: {  	s2 =	sld [smem:$0x3F4B];
	s0 =	simm.s32 @p1 $0x1  }
0x15: {  	[smem:$0x3F68] =	sst s0;
	s0 =	simm.s32 @!p2 $0x0  }
0x16: {  	s3 =	sld [smem:$0x3FDB];
	s0 =	simm.s32 @p2 $0x1  }
0x17: {  	s4 =	simm.s32 $0x1BF5;
	[smem:$0x3F6A] =	sst s0  }
0x18: {  	s0 =	sld [smem:$0x3F4D];
	_ =	swait.ge [sflag:s4], $0x0  }
0x19: {  	s7 =	sld [smem:$0x3F4E]  }
0x1a: {  	s8 =	sadd.s32 $0xFFFFE003, lr  }
0x1b: {  	s9 =	sadd.s32 $0xFFFFFEF7, lr;
	s5 =	simm.s32 $0xFFFFFFFF;
	p2 =	slt.u32 s8, $0xFFFFF086  }
0x1c: {  	p1 =	slt.u32 s9, $0xF7A;
	s5 =	simm.s32 @!p2 $0x0  }
0x1d: {  	s5 =	simm.s32 @p1 $0x1;
	p0 =	seq.s32 s7, s2  }
0x1e: {  	s7 =	smul.u32 @!p0 $0xF7A, s2;
	p2 =	seq.s32 @!p0 s5, $0x0  }
0x1f: {  	s9 =	smul.u32 $0xF7A, s1;
	s8 =	simm.s32 @!p0 $0x1BF5;
	p2 =	por !p2, p0  }
0x20: {  	[sflag:s8] =	ssyncset.s32 @!p0 $0xFFFFF086;
	s6 =	sadd.s32 @!p0 s3, s7;
	s7 =	simm.s32 @!p0 $0x108  }
0x21: {  	s3 =	sadd.s32 s3, s9;
	s6 =	sadd.s32 @!p0 $0x88, s6;
	s7 =	simm.s32 @p2 $0x1082  }
0x22: {  	[simem:s7], [sflag:s8] =	dma.local @!p0 [hbm:s6], $0xF7A  }
0x23: {  	s9 =	sor.u32 $0xD0000000, s2;
	s6 =	simm.s32 $0x108;
	_ =	swait.ge @!p0 [sflag:s8], $0x0  }
0x24: {  	s3 =	sadd.s32 $0x88, s3;
	s6 =	simm.s32 @!p1 $0x1082;
	[sflag:s4] =	ssyncset.s32 $0xFFFFF086  }
0x25: {  	[simem:s6], [sflag:s4] =	dma.local [hbm:s3], $0xF7A  }
0x26: {  	[smem:$0x3F4E] =	sst s1;
	(tag) =	ssettag s2;
	_ =	strace s9  }
0x27: {  	s1 =	sld [smem:$0x3F5E]  }
0x28: {  	s2 =	sld [smem:$0x3F5F]  }
0x29: {  	s4 =	sld [smem:$0x3F61]  }
0x2a: {  	p0 =	seq.s32 s5, $0x0;
	s5 =	sld [smem:$0x3F62]  }
0x2b: {  	s6 =	sld [smem:$0x3F63]  }
0x2c: {  	s7 =	sld [smem:$0x3F64]  }
0x2d: {  	s3 =	simm.s32 $0x108;
	s8 =	sld [smem:$0x3F65]  }
0x2e: {  	s3 =	simm.s32 @!p0 $0x1082;
	s9 =	sld [smem:$0x3F66]  }
0x2f: {  	lr =	sadd.s32 s0, s3;
	s0 =	sld [smem:$0x3F5D]  }
0x30: {  	s3 =	sld [smem:$0x3F60]  }
0x31: {  	[smem:$0x3F69] =	sst s10  }
0x32: {  	s10 =	sld [smem:$0x3F67];
	_ =	sdelay $0x3  }
0x33: {  	p0 =	seq.s32 s10, $0x1;
	s10 =	sld [smem:$0x3F69];
	_ =	sdelay $0x3  }
0x34: {  	[smem:$0x3F69] =	sst s10  }
0x35: {  	s10 =	sld [smem:$0x3F68];
	_ =	sdelay $0x3  }
0x36: {  	p1 =	seq.s32 s10, $0x1;
	s10 =	sld [smem:$0x3F69];
	_ =	sdelay $0x3  }
0x37: {  	[smem:$0x3F69] =	sst s10  }
0x38: {  	s10 =	sld [smem:$0x3F6A]  }
0x39: {  	_ = 	snop;
	(pc) =	sbr.ind lr, $3  }
0x3a: {  	_ = 	snop  }
0x3b: {  	_ = 	snop  }
0x3c: {  	p2 =	seq.s32 s10, $0x1;
	s10 =	sld [smem:$0x3F69]  }
0x3d: {  	_ =	shalt  }
0x3e: {  	_ =	shalt  }
0x3f: {  	_ =	shalt  }
0x40: {  	_ =	shalt  }
0x41: {  	_ =	shalt  }
0x42: {  	_ =	shalt  }
0x43: {  	_ =	shalt  }
0x44: {  	_ =	shalt  }
0x45: {  	_ =	shalt  }
0x46: {  	_ =	shalt  }
0x47: {  	_ =	shalt  }
0x48: {  	_ =	shalt  }
0x49: {  	_ =	shalt  }
0x4a: {  	_ =	shalt  }
0x4b: {  	_ =	shalt  }
0x4c: {  	_ =	shalt  }
0x4d: {  	_ =	shalt  }
0x4e: {  	_ =	shalt  }
0x4f: {  	_ =	shalt  }
0x50: {  	_ =	shalt  }
0x51: {  	_ =	shalt  }
0x52: {  	_ =	shalt  }
0x53: {  	_ =	shalt  }
0x54: {  	_ =	shalt  }
0x55: {  	_ =	shalt  }
0x56: {  	_ =	shalt  }
0x57: {  	_ =	shalt  }
0x58: {  	_ =	shalt  }
0x59: {  	_ =	shalt  }
0x5a: {  	_ =	shalt  }
0x5b: {  	_ =	shalt  }
0x5c: {  	_ =	shalt  }
0x5d: {  	_ =	shalt  }
0x5e: {  	_ =	shalt  }
0x5f: {  	_ =	shalt  }
0x60: {  	_ =	shalt  }
0x61: {  	_ =	shalt  }
0x62: {  	_ =	shalt  }
0x63: {  	_ =	shalt  }
0x64: {  	_ =	shalt  }
0x65: {  	_ =	shalt  }
0x66: {  	_ =	shalt  }
0x67: {  	_ =	shalt  }
0x68: {  	_ =	shalt  }
0x69: {  	_ =	shalt  }
0x6a: {  	_ =	shalt  }
0x6b: {  	_ =	shalt  }
0x6c: {  	_ =	shalt  }
0x6d: {  	_ =	shalt  }
0x6e: {  	_ =	shalt  }
0x6f: {  	_ =	shalt  }
0x70: {  	_ =	shalt  }
0x71: {  	_ =	shalt  }
0x72: {  	_ =	shalt  }
0x73: {  	_ =	shalt  }
0x74: {  	_ =	shalt  }
0x75: {  	_ =	shalt  }
0x76: {  	_ =	shalt  }
0x77: {  	_ =	shalt  }
0x78: {  	_ =	shalt  }
0x79: {  	_ =	shalt  }
0x7a: {  	_ =	shalt  }
0x7b: {  	_ =	shalt  }
0x7c: {  	_ =	shalt  }
0x7d: {  	_ =	shalt  }
0x7e: {  	_ =	shalt  }
0x7f: {  	_ =	shalt  }
0x80: {  	_ =	shalt  }
0x81: {  	_ =	shalt  }
0x82: {  	_ =	shalt  }
0x83: {  	_ =	shalt  }
0x84: {  	_ =	shalt  }
0x85: {  	_ =	shalt  }
0x86: {  	_ =	shalt  }
0x87: {  	_ =	shalt  }
.Lfunc_end0:
.L_simem_size_0:
called_computation.3_lowered:
.L_overlay_start_0:
0x88: {  	s2 =	sld [smem:$0x3FD9]  }
0x89: {  	s3 =	sld [smem:$0x3FFE];
	_ =	sdelay $0x1  }
0x8a: {  	s1 =	srdreg.scid  }
0x8b: {  	s0 =	sand.u32 $0x1, s1  }
0x8c: {  	s16 =	sshll.u32 s0, $0xA;
	s2 =	sadd.s32 s3, s2  }
0x8d: {  	s2 =	sadd.s32 s2, s16  }
0x8e: {  	[smem:$0x3F75] =	sst s2  }
0x8f: {  	_ = 	snop  }
0x90: {  	(tm) =	ssettm $0x1  }
0x91: {  	s17 =	sld [smem:$0x3FFB];
	_ =	sdelay $0x3  }
0x92: {  	_ =	strace s17  }
0x93: {  	s2 =	sld [smem:$0x3FFC];
	_ =	sdelay $0x3  }
0x94: {  	_ =	strace s2  }
0x95: {  	s2 =	sld [smem:$0x3FFD];
	_ =	sdelay $0x3  }
0x96: {  	_ =	strace s2  }
0x97: {  	_ =	strace $0x8FFFFFFF  }
0x98: {  	s18 =	sld [smem:$0x3FDB];
	_ =	sdelay $0x1  }
0x99: {  	s19 =	simm.s32 $_scs_section_size  }
0x9a: {  	s4 =	simm.s32 $_size__tile_overlayer_lowered;
	s5 =	simm.s32 $_tile_overlayer_lowered  }
0x9b: {  	s22 =	simm.s32 $0x1BFF;
	s21 =	sshll.u32 s5, $0x1;
	s2 =	sadd.s32 s19, s18  }
0x9c: {  	s6 =	simm.s32 $0x0;
	s20 =	sshll.u32 s4, $0x1;
	s4 =	sadd.s32 s21, s2  }
0x9d: {  	[timem:s6], [sflag:s22] =	dma.local [hbm:s4], s20  }
0x9e: {  	_ =	swait.ge [sflag:s22], s20  }
0x9f: {  	s3 =	ssub.s32 $0x0, s20;
	[sflag:s22] =	ssyncset.done $0x0  }
0xa0: {  	[sflag:s22] =	ssyncadd.s32 s3;
	_ =	sdelay $0x1  }
0xa1: {  	s23 =	simm.s32 $0x1B8B  }
0xa2: {  	_ =	swait.ge [sflag:s23], $0x1  }
0xa3: {  	[sflag:s23] =	ssyncset.done $0x0  }
0xa4: {  	s25 =	simm.s32 $0x1B8E;
	s24 =	sld [smem:$0x3FFE];
	[sflag:s23] =	ssyncadd.s32 $0xFFFFFFFF  }
0xa5: {  	s26 =	simm.s32 $execute0_lowered;
	[smem:$0x3FD2] =	sst s25  }
0xa6: {  	s4 =	sshll.u32 s26, $0x1;
	_ =	strace $0x8000004F;
	[dreg:$0x1] =	wrdreg $0xFFFFFFFF  }
0xa7: {  	s28 =	simm.s32 $_size_execute0_lowered;
	s2 =	sadd.s32 s2, s4;
	[dreg:$0x0] =	wrdreg $0x0  }
0xa8: {  	s4 =	sshll.u32 s28, $0x1;
	[dreg:$0x2] =	wrdreg s2  }
0xa9: {  	[dreg:$0x3] =	wrdreg s4  }
0xaa: {  	[dreg:$0x4] =	wrdreg $0xC0  }
0xab: {  	_ =	task [dreg:s6], $0x5FFFF  }
0xac: {  	[dreg:$0x1] =	wrdreg $0xFFFFFFFF  }
0xad: {  	[dreg:$0x0] =	wrdreg $0x60  }
0xae: {  	[dreg:$0x2] =	wrdreg s24  }
0xaf: {  	[dreg:$0x3] =	wrdreg $0x40100  }
0xb0: {  	[dreg:$0x4] =	wrdreg $0x9  }
0xb1: {  	_ =	task.clear_ibuf [dreg:s6], $0x5FFFF;
	_ =	strace $0x9000004F  }
0xb2: {  	s29 =	simm.s32 $0x9;
	_ =	strace $0x80000051  }
0xb3: {  	_ =	swait.ge [sflag:s29], $0x1  }
0xb4: {  	[sflag:s29] =	ssyncadd.s32 $0xFFFFFFFF  }
0xb5: {  	_ =	strace $0x90000051  }
0xb6: {  	_ =	sfence  }
0xb7: {  	s30 =	sld [smem:$0x0];
	_ =	sdelay $0x2  }
0xb8: {  	s31 =	sshll.u32 s1, $0xD;
	s1 =	sshrl.u32 s1, $0x2  }
0xb9: {  	s3 =	sand.u32 $0x4000, s31;
	s1 =	sadd.s32 s1, s30  }
0xba: {  	s0 =	sor.u32 s3, s0;
	s1 =	sshll.u32 s1, $0x11  }
0xbb: {  	s0 =	sor.u32 s1, s0  }
0xbc: {  	s0 =	sadd.s32 $0x8F2B, s0  }
0xbd: {  	[sflag:s0] =	ssyncadd.remote.s32 $0x1  }
0xbe: {  	_ =	sfence.sel $0xFFFF  }
0xbf: {  	[dreg:$0x0] =	wrdreg $0xFFFFFFFF;
	(pc) =	sbr.abs _section_cstart, $3  }
0xc0: {  	[dreg:$0x1] =	wrdreg $0xFFFFFFFF  }
0xc1: {  	_ =	task.clear_ibuf [dreg:s6], $0x2FFFF;
	_ =	strace $0x9FFFFFFF  }
0xc2: {  	(tm) =	ssettm $0x7FFFFFFF  }
0xc3: {  	_ =	shalt  }
tec
execute0_lowered:
.L_overlay_start_1:
0x0: {  	(tag) =	ssettag $0x1  }
0x1: {  	s6 =	rddreg [dreg:$0x0]  }
0x2: {  	s2 =	rddreg [dreg:$0x1]  }
0x3: {  	s0 =	rddreg [dreg:$0x2];
	s3 =	simm.s32 $0x0;
	s1 =	stileid.u32  }
0x4: {  	s4 =	srdreg.scid;
	s17 =	simm.s32 $0x0;
	s5 =	smul.u32 $0x30D40, s1  }
0x5: {  	s7 =	sand.u32 $0x1, s4;
	s24 =	sshll.u32 s1, $0x1;
	[smem:$0x7FF] =	sst s3  }
0x6: {  	s8 =	smul.u32 $0xC300, s1;
	s12 =	sadd.s32 $0x372A00, s6;
	s29 =	sshll.u32 s1, $0x6  }
0x7: {  	s15 =	sadd.s32 $0xC3000, s2;
	p0 =	sne.s32 s1, $0xF;
	s30 =	smul.u32 $0xC3500, s7  }
0x8: {  	s4 =	sor.u32 s7, s24;
	_ =	strace $0x80000050;
	s16 =	smul.u32 $0x186A0, s7  }
0x9: {  	s9 =	ssub.s32 $0x2, s7;
	s4 =	smul.u32 $0x4E2, s4;
	s10 =	sadd.s32 s5, s6  }
0xa: {  	s25 =	sshrl.u32 s8, $0x3;
	s28 =	sshrl.u32 s9, $0x1;
	s14 =	sadd.s32 s8, s2  }
0xb: {  	s5 =	sor.u32 $0x1C01, s29;
	s26 =	sadd.s32 s25, s6;
	s13 =	ssub.s32 s9, s28  }
0xc: {  	s8 =	sadd.s32 s8, s30;
	s9 =	sshrl.u32 s30, $0x3;
	s31 =	sadd.s32 s16, s10  }
0xd: {  	s16 =	simm.s32 $0x50;
	s11 =	sadd.s32 s4, s6;
	s4 =	sadd.s32 $0x4CE00, s26  }
0xe: {  	s6 =	sadd.s32 $0x65400, s6;
	s8 =	sshrl.u32 s8, $0x3;
	s9 =	sadd.s32 s12, s9  }
0xf: {  	s10 =	smax.u32 s13, $0x1;
	s13 =	simm.s32 $0x1;
	s7 =	sadd.s32 $0x1BE00, s11  }
0x10: {  	s8 =	sadd.s32 s12, s8;
	s9 =	sadd.s32 $0x18600, s9;
	s11 =	sadd.s32 $0x65600, s31  }
0x11: {  	s12 =	sshrl.u32 s14, $0x3;
	s14 =	sshrl.u32 @!p0 s15, $0x3;
	s15 =	simm.s32 $0x2710  }
.LBB2_1:
0x12: {  	[spmem:s12], [sflag:s5] =	dma.local [hbm:s4], $0x1860  }
0x13: {  	_ =	swait.ge [sflag:s13], $0x1860  }
0x14: {  	[sflag:s13] =	ssyncset.done $0x0  }
0x15: {  	s18 =	simm.s32 @!p0 $0x1;
	[sflag:s13] =	ssyncadd.s32 $0xFFFFE7A0  }
0x16: {  	[spmem:s14], [sflag:s5] =	dma.local @!p0 [hbm:s6], $0xA0  }
0x17: {  	_ =	swait.ge @!p0 [sflag:s18], $0xA0  }
0x18: {  	[sflag:s18] =	ssyncset.done @!p0 $0x0  }
0x19: {  	[sflag:s18] =	ssyncadd.s32 @!p0 $0xFFFFFF60  }
0x1a: {  	[tilespmem:s3], [sflag:$0x1] =	stream.linear.gather [hbm4b:s7+s3], $0x2710, $0x38;
	[tilespmem:$0x10360] =	vst v63  }
0x1b: {  	_ =	swait.ge [sflag:s13], $0x2710  }
0x1c: {  	[sflag:s13] =	ssyncset.done $0x0  }
0x1d: {  	[sflag:s13] =	ssyncadd.s32 $0xFFFFD8F0  }
0x1e: {  	[bflag:$0x0] =	sbarrier.arrive $0xFFFF  }
0x1f: {  	[tilespmem:s15], [sflag:$0x1] =	stream.linear.gather [hbm4b:s11+s3], $0x1900, $0x38;
	[tilespmem:$0x10360] =	vst v63  }
0x20: {  	_ =	swait.ge [sflag:s13], $0x1900  }
0x21: {  	[sflag:s13] =	ssyncset.done $0x0  }
0x22: {  	s31 =	simm.s32 $0x0;
	[sflag:s13] =	ssyncadd.s32 $0xFFFFE700  }
0x23: {  	[spmem:s2] =	stream.indirect.scatter.add.f32 [tilespmem:s15], [sflag:$0x1], $0x50, s31, s16, $0xb8;
	[tilespmem:$0x10360] =	vst v63  }
0x24: {  	_ =	swait.ge [sflag:s13], $0x1900  }
0x25: {  	s19 =	smov.u32 s11;
	s18 =	simm.s32 $0x140;
	[sflag:s13] =	ssyncset.done $0x0  }
.LBB2_2:
0x26: {  	p1 =	sne.s32 s18, $0x9B00;
	[sflag:s13] =	ssyncadd.s32 $0xFFFFE700;
	s19 =	sadd.s32 $0x320, s19  }
0x27: {  	[tilespmem:s15], [sflag:$0x1] =	stream.linear.gather [hbm4b:s19+s3], $0x1900, $0x38;
	[tilespmem:$0x10360] =	vst v63  }
0x28: {  	s20 =	smov.u32 s18;
	s18 =	sadd.s32 $0x140, s18;
	_ =	swait.ge [sflag:s13], $0x1900  }
.Ltmp0:
0x29: {  	[sflag:s13] =	ssyncset.done $0x0;
	(pc) =	sbr.rel @p1 .LBB2_2-.Ltmp0, $4  }
0x2a: {  	s20 =	sshra.s32 s20, $0x2;
	[sflag:s13] =	ssyncadd.s32 $0xFFFFE700  }
0x2b: {  	[spmem:s2] =	stream.indirect.scatter.add.f32 [tilespmem:s15], [sflag:$0x1], $0x50, s20, s16, $0xb8;
	[tilespmem:$0x10360] =	vst v63  }
0x2c: {  	_ =	swait.ge [sflag:s13], $0x1900  }
0x2d: {  	[sflag:s13] =	ssyncset.done $0x0  }
0x2e: {  	[sflag:s13] =	ssyncadd.s32 $0xFFFFE700  }
0x2f: {  	[bflag:$0x0] =	sbarrier.arrive $0xFFFF  }
0x30: {  	[hbm:s8], [sflag:s5] =	dma.local [spmem:s12], $0x1860  }
0x31: {  	s17 =	sadd.s32 $0x1, s17;
	_ =	swait.ge [sflag:s13], $0x1860  }
0x32: {  	p1 =	sne.s32 s17, s10;
	[sflag:s13] =	ssyncset.done $0x0  }
.Ltmp1:
0x33: {  	s18 =	simm.s32 @!p0 $0x1;
	[sflag:s13] =	ssyncadd.s32 $0xFFFFE7A0;
	(pc) =	sbr.rel @p1 .LBB2_1-.Ltmp1, $4  }
0x34: {  	[hbm:s9], [sflag:s5] =	dma.local @!p0 [spmem:s14], $0xA0  }
0x35: {  	_ =	swait.ge @!p0 [sflag:s18], $0xA0  }
0x36: {  	[sflag:s18] =	ssyncset.done @!p0 $0x0  }
0x37: {  	[sflag:s18] =	ssyncadd.s32 @!p0 $0xFFFFFF60  }
0x38: {  	_ =	sfence.sel $0x180000  }
0x39: {  	[bflag:$0x0] =	sbarrier.arrive $0xFFFF  }
0x3a: {  	p0 =	sne.s32 s1, $0x0;
	_ =	strace $0x90000050  }
0x3b: {  	s0 =	sadd.s32 @!p0 $0x100000, s0;
	[bflag:$0x2] =	sbarrier.arrive $0xFFFF  }
0x3c: {  	[sflag:s0] =	ssyncadd.tile.s32 @!p0 $0x1;
	_ =	shalt  }
.Lfunc_end2:
_tile_overlayer_lowered:
.L_overlay_start_2:
0x3d: {  	(tag) =	ssettag $0x2  }
0x3e: {  	s0 =	rddreg [dreg:$0x0];
	s2 =	stileid.u32  }
0x3f: {  	s1 =	rddreg [dreg:$0x1];
	p0 =	sne.s32 s2, $0x0  }
0x40: {  	s3 =	rddreg [dreg:$0x2];
	[bflag:$0x3] =	sbarrier.arrive $0xFFFF;
	s2 =	simm.s32 @!p0 $0x1C01  }
0x41: {  	[timem:s3], [sflag:s2] =	dma.local @!p0 [hbm:s0], s1  }
0x42: {  	s0 =	simm.s32 @!p0 $0x1  }
0x43: {  	_ =	swait.ge @!p0 [sflag:s0], s1  }
0x44: {  	s1 =	ssub.s32 @!p0 $0x0, s1;
	[sflag:s0] =	ssyncset.done @!p0 $0x0  }
0x45: {  	[sflag:s0] =	ssyncadd.s32 @!p0 s1  }
0x46: {  	[bflag:$0x3] =	sbarrier.arrive $0xFFFF  }
0x47: {  	_ =	shalt  }

// kernel: kernel.39.cloned.1.call-start
scs
__scs_entry_jumppad:
0x0: {  	(pc) =	sbr.rel $0x88, $3  }
0x1: {  	(tag) =	ssettag $0x0;
	lr =	simm.s32 $0x1  }
0x2: {  	[smem:$0x3F4E] =	sst lr;
	_ =	strace $0xD0000000  }
0x3: {  	_ = 	snop  }
0x4: {  	_ = 	snop  }
0x5: {  	_ = 	snop  }
0x6: {  	_ = 	snop  }
0x7: {  	_ = 	snop  }
__scs_overlays_trampoline_lowered:
0x8: {  	[smem:$0x3F5D] =	sst s0  }
0x9: {  	[smem:$0x3F5E] =	sst s1  }
0xa: {  	[smem:$0x3F5F] =	sst s2  }
0xb: {  	[smem:$0x3F60] =	sst s3  }
0xc: {  	[smem:$0x3F61] =	sst s4  }
0xd: {  	[smem:$0x3F62] =	sst s5  }
0xe: {  	[smem:$0x3F63] =	sst s6  }
0xf: {  	[smem:$0x3F64] =	sst s7  }
0x10: {  	[smem:$0x3F65] =	sst s8  }
0x11: {  	[smem:$0x3F66] =	sst s9;
	s0 =	simm.s32 @!p0 $0x0  }
0x12: {  	s1 =	sld [smem:$0x3F4C];
	s0 =	simm.s32 @p0 $0x1  }
0x13: {  	[smem:$0x3F67] =	sst s0;
	s0 =	simm.s32 @!p1 $0x0  }
0x14: {  	s2 =	sld [smem:$0x3F4B];
	s0 =	simm.s32 @p1 $0x1  }
0x15: {  	[smem:$0x3F68] =	sst s0;
	s0 =	simm.s32 @!p2 $0x0  }
0x16: {  	s3 =	sld [smem:$0x3FDB];
	s0 =	simm.s32 @p2 $0x1  }
0x17: {  	s4 =	simm.s32 $0x1BF5;
	[smem:$0x3F6A] =	sst s0  }
0x18: {  	s0 =	sld [smem:$0x3F4D];
	_ =	swait.ge [sflag:s4], $0x0  }
0x19: {  	s7 =	sld [smem:$0x3F4E]  }
0x1a: {  	s8 =	sadd.s32 $0xFFFFE003, lr  }
0x1b: {  	s9 =	sadd.s32 $0xFFFFFEF7, lr;
	s5 =	simm.s32 $0xFFFFFFFF;
	p2 =	slt.u32 s8, $0xFFFFF086  }
0x1c: {  	p1 =	slt.u32 s9, $0xF7A;
	s5 =	simm.s32 @!p2 $0x0  }
0x1d: {  	s5 =	simm.s32 @p1 $0x1;
	p0 =	seq.s32 s7, s2  }
0x1e: {  	s7 =	smul.u32 @!p0 $0xF7A, s2;
	p2 =	seq.s32 @!p0 s5, $0x0  }
0x1f: {  	s9 =	smul.u32 $0xF7A, s1;
	s8 =	simm.s32 @!p0 $0x1BF5;
	p2 =	por !p2, p0  }
0x20: {  	[sflag:s8] =	ssyncset.s32 @!p0 $0xFFFFF086;
	s6 =	sadd.s32 @!p0 s3, s7;
	s7 =	simm.s32 @!p0 $0x108  }
0x21: {  	s3 =	sadd.s32 s3, s9;
	s6 =	sadd.s32 @!p0 $0x88, s6;
	s7 =	simm.s32 @p2 $0x1082  }
0x22: {  	[simem:s7], [sflag:s8] =	dma.local @!p0 [hbm:s6], $0xF7A  }
0x23: {  	s9 =	sor.u32 $0xD0000000, s2;
	s6 =	simm.s32 $0x108;
	_ =	swait.ge @!p0 [sflag:s8], $0x0  }
0x24: {  	s3 =	sadd.s32 $0x88, s3;
	s6 =	simm.s32 @!p1 $0x1082;
	[sflag:s4] =	ssyncset.s32 $0xFFFFF086  }
0x25: {  	[simem:s6], [sflag:s4] =	dma.local [hbm:s3], $0xF7A  }
0x26: {  	[smem:$0x3F4E] =	sst s1;
	(tag) =	ssettag s2;
	_ =	strace s9  }
0x27: {  	s1 =	sld [smem:$0x3F5E]  }
0x28: {  	s2 =	sld [smem:$0x3F5F]  }
0x29: {  	s4 =	sld [smem:$0x3F61]  }
0x2a: {  	p0 =	seq.s32 s5, $0x0;
	s5 =	sld [smem:$0x3F62]  }
0x2b: {  	s6 =	sld [smem:$0x3F63]  }
0x2c: {  	s7 =	sld [smem:$0x3F64]  }
0x2d: {  	s3 =	simm.s32 $0x108;
	s8 =	sld [smem:$0x3F65]  }
0x2e: {  	s3 =	simm.s32 @!p0 $0x1082;
	s9 =	sld [smem:$0x3F66]  }
0x2f: {  	lr =	sadd.s32 s0, s3;
	s0 =	sld [smem:$0x3F5D]  }
0x30: {  	s3 =	sld [smem:$0x3F60]  }
0x31: {  	[smem:$0x3F69] =	sst s10  }
0x32: {  	s10 =	sld [smem:$0x3F67];
	_ =	sdelay $0x3  }
0x33: {  	p0 =	seq.s32 s10, $0x1;
	s10 =	sld [smem:$0x3F69];
	_ =	sdelay $0x3  }
0x34: {  	[smem:$0x3F69] =	sst s10  }
0x35: {  	s10 =	sld [smem:$0x3F68];
	_ =	sdelay $0x3  }
0x36: {  	p1 =	seq.s32 s10, $0x1;
	s10 =	sld [smem:$0x3F69];
	_ =	sdelay $0x3  }
0x37: {  	[smem:$0x3F69] =	sst s10  }
0x38: {  	s10 =	sld [smem:$0x3F6A]  }
0x39: {  	_ = 	snop;
	(pc) =	sbr.ind lr, $3  }
0x3a: {  	_ = 	snop  }
0x3b: {  	_ = 	snop  }
0x3c: {  	p2 =	seq.s32 s10, $0x1;
	s10 =	sld [smem:$0x3F69]  }
0x3d: {  	_ =	shalt  }
0x3e: {  	_ =	shalt  }
0x3f: {  	_ =	shalt  }
0x40: {  	_ =	shalt  }
0x41: {  	_ =	shalt  }
0x42: {  	_ =	shalt  }
0x43: {  	_ =	shalt  }
0x44: {  	_ =	shalt  }
0x45: {  	_ =	shalt  }
0x46: {  	_ =	shalt  }
0x47: {  	_ =	shalt  }
0x48: {  	_ =	shalt  }
0x49: {  	_ =	shalt  }
0x4a: {  	_ =	shalt  }
0x4b: {  	_ =	shalt  }
0x4c: {  	_ =	shalt  }
0x4d: {  	_ =	shalt  }
0x4e: {  	_ =	shalt  }
0x4f: {  	_ =	shalt  }
0x50: {  	_ =	shalt  }
0x51: {  	_ =	shalt  }
0x52: {  	_ =	shalt  }
0x53: {  	_ =	shalt  }
0x54: {  	_ =	shalt  }
0x55: {  	_ =	shalt  }
0x56: {  	_ =	shalt  }
0x57: {  	_ =	shalt  }
0x58: {  	_ =	shalt  }
0x59: {  	_ =	shalt  }
0x5a: {  	_ =	shalt  }
0x5b: {  	_ =	shalt  }
0x5c: {  	_ =	shalt  }
0x5d: {  	_ =	shalt  }
0x5e: {  	_ =	shalt  }
0x5f: {  	_ =	shalt  }
0x60: {  	_ =	shalt  }
0x61: {  	_ =	shalt  }
0x62: {  	_ =	shalt  }
0x63: {  	_ =	shalt  }
0x64: {  	_ =	shalt  }
0x65: {  	_ =	shalt  }
0x66: {  	_ =	shalt  }
0x67: {  	_ =	shalt  }
0x68: {  	_ =	shalt  }
0x69: {  	_ =	shalt  }
0x6a: {  	_ =	shalt  }
0x6b: {  	_ =	shalt  }
0x6c: {  	_ =	shalt  }
0x6d: {  	_ =	shalt  }
0x6e: {  	_ =	shalt  }
0x6f: {  	_ =	shalt  }
0x70: {  	_ =	shalt  }
0x71: {  	_ =	shalt  }
0x72: {  	_ =	shalt  }
0x73: {  	_ =	shalt  }
0x74: {  	_ =	shalt  }
0x75: {  	_ =	shalt  }
0x76: {  	_ =	shalt  }
0x77: {  	_ =	shalt  }
0x78: {  	_ =	shalt  }
0x79: {  	_ =	shalt  }
0x7a: {  	_ =	shalt  }
0x7b: {  	_ =	shalt  }
0x7c: {  	_ =	shalt  }
0x7d: {  	_ =	shalt  }
0x7e: {  	_ =	shalt  }
0x7f: {  	_ =	shalt  }
0x80: {  	_ =	shalt  }
0x81: {  	_ =	shalt  }
0x82: {  	_ =	shalt  }
0x83: {  	_ =	shalt  }
0x84: {  	_ =	shalt  }
0x85: {  	_ =	shalt  }
0x86: {  	_ =	shalt  }
0x87: {  	_ =	shalt  }
.Lfunc_end0:
.L_simem_size_0:
called_computation.4_lowered:
.L_overlay_start_0:
0x88: {  	s2 =	sld [smem:$0x3FD9]  }
0x89: {  	s3 =	sld [smem:$0x3FFE];
	_ =	sdelay $0x1  }
0x8a: {  	s1 =	srdreg.scid  }
0x8b: {  	s0 =	sand.u32 $0x1, s1  }
0x8c: {  	s16 =	sshll.u32 s0, $0xA;
	s2 =	sadd.s32 s3, s2  }
0x8d: {  	s2 =	sadd.s32 s2, s16  }
0x8e: {  	[smem:$0x3F75] =	sst s2  }
0x8f: {  	_ = 	snop  }
0x90: {  	(tm) =	ssettm $0x1  }
0x91: {  	s17 =	sld [smem:$0x3FFB];
	_ =	sdelay $0x3  }
0x92: {  	_ =	strace s17  }
0x93: {  	s2 =	sld [smem:$0x3FFC];
	_ =	sdelay $0x3  }
0x94: {  	_ =	strace s2  }
0x95: {  	s2 =	sld [smem:$0x3FFD];
	_ =	sdelay $0x3  }
0x96: {  	_ =	strace s2  }
0x97: {  	_ =	strace $0x8FFFFFFF  }
0x98: {  	s18 =	sld [smem:$0x3FDB];
	_ =	sdelay $0x1  }
0x99: {  	s19 =	simm.s32 $_scs_section_size  }
0x9a: {  	s4 =	simm.s32 $_size__tile_overlayer_lowered;
	s5 =	simm.s32 $_tile_overlayer_lowered  }
0x9b: {  	s22 =	simm.s32 $0x1BFF;
	s21 =	sshll.u32 s5, $0x1;
	s2 =	sadd.s32 s19, s18  }
0x9c: {  	s6 =	simm.s32 $0x0;
	s20 =	sshll.u32 s4, $0x1;
	s4 =	sadd.s32 s21, s2  }
0x9d: {  	[timem:s6], [sflag:s22] =	dma.local [hbm:s4], s20  }
0x9e: {  	_ =	swait.ge [sflag:s22], s20  }
0x9f: {  	s3 =	ssub.s32 $0x0, s20;
	[sflag:s22] =	ssyncset.done $0x0  }
0xa0: {  	[sflag:s22] =	ssyncadd.s32 s3;
	_ =	sdelay $0x1  }
0xa1: {  	s23 =	simm.s32 $0x1B8B  }
0xa2: {  	_ =	swait.ge [sflag:s23], $0x1  }
0xa3: {  	[sflag:s23] =	ssyncset.done $0x0  }
0xa4: {  	s25 =	simm.s32 $0x1B8E;
	s24 =	sld [smem:$0x3FFE];
	[sflag:s23] =	ssyncadd.s32 $0xFFFFFFFF  }
0xa5: {  	s26 =	simm.s32 $execute0_lowered;
	[smem:$0x3FD2] =	sst s25  }
0xa6: {  	s4 =	sshll.u32 s26, $0x1;
	_ =	strace $0x80000052;
	[dreg:$0x1] =	wrdreg $0xFFFFFFFF  }
0xa7: {  	s28 =	simm.s32 $_size_execute0_lowered;
	s2 =	sadd.s32 s2, s4;
	[dreg:$0x0] =	wrdreg $0x0  }
0xa8: {  	s4 =	sshll.u32 s28, $0x1;
	[dreg:$0x2] =	wrdreg s2  }
0xa9: {  	[dreg:$0x3] =	wrdreg s4  }
0xaa: {  	[dreg:$0x4] =	wrdreg $0xC0  }
0xab: {  	_ =	task [dreg:s6], $0x5FFFF  }
0xac: {  	[dreg:$0x1] =	wrdreg $0xFFFFFFFF  }
0xad: {  	[dreg:$0x0] =	wrdreg $0x60  }
0xae: {  	[dreg:$0x2] =	wrdreg s24  }
0xaf: {  	[dreg:$0x3] =	wrdreg $0x9  }
0xb0: {  	_ =	task.clear_ibuf [dreg:s6], $0x4FFFF;
	_ =	strace $0x90000052  }
0xb1: {  	s29 =	simm.s32 $0x9;
	_ =	strace $0x80000054  }
0xb2: {  	_ =	swait.ge [sflag:s29], $0x1  }
0xb3: {  	[sflag:s29] =	ssyncadd.s32 $0xFFFFFFFF  }
0xb4: {  	_ =	strace $0x90000054  }
0xb5: {  	_ =	sfence  }
0xb6: {  	s30 =	sld [smem:$0x0];
	_ =	sdelay $0x2  }
0xb7: {  	s31 =	sshll.u32 s1, $0xD;
	s1 =	sshrl.u32 s1, $0x2  }
0xb8: {  	s3 =	sand.u32 $0x4000, s31;
	s1 =	sadd.s32 s1, s30  }
0xb9: {  	s0 =	sor.u32 s3, s0;
	s1 =	sshll.u32 s1, $0x11  }
0xba: {  	s0 =	sor.u32 s1, s0  }
0xbb: {  	s0 =	sadd.s32 $0x8F2B, s0  }
0xbc: {  	[sflag:s0] =	ssyncadd.remote.s32 $0x1  }
0xbd: {  	_ =	sfence.sel $0xFFFF  }
0xbe: {  	[dreg:$0x0] =	wrdreg $0xFFFFFFFF;
	(pc) =	sbr.abs _section_cstart, $3  }
0xbf: {  	[dreg:$0x1] =	wrdreg $0xFFFFFFFF  }
0xc0: {  	_ =	task.clear_ibuf [dreg:s6], $0x2FFFF;
	_ =	strace $0x9FFFFFFF  }
0xc1: {  	(tm) =	ssettm $0x7FFFFFFF  }
tec
execute0_lowered:
.L_overlay_start_1:
0x0: {  	(tag) =	ssettag $0x1  }
0x1: {  	s1 =	srdreg.scid  }
0x2: {  	s0 =	stileid.u32;
	s4 =	rddreg [dreg:$0x0];
	s2 =	simm.s32 $0x0  }
0x3: {  	s11 =	simm.s32 $0x50;
	s12 =	simm.s32 $0x4E20;
	s13 =	simm.s32 $0x1  }
0x4: {  	s14 =	simm.s32 $0x0;
	s5 =	sand.u32 $0x1, s1;
	s1 =	rddreg [dreg:$0x1]  }
0x5: {  	s3 =	sshll.u32 s0, $0x1;
	[smem:$0x7FF] =	sst s2;
	s7 =	smul.u32 $0x30D40, s0  }
0x6: {  	s3 =	sor.u32 s5, s3;
	s8 =	ssub.s32 $0x2, s5;
	s10 =	smul.u32 $0x186A0, s5  }
0x7: {  	_ =	strace $0x80000053;
	s6 =	smul.u32 $0x4E2, s3;
	s9 =	sshrl.u32 s8, $0x1  }
0x8: {  	s3 =	sadd.s32 $0x65600, s4;
	s29 =	sadd.s32 s7, s4;
	s30 =	ssub.s32 s8, s9  }
0x9: {  	s31 =	sadd.s32 s10, s29;
	s9 =	simm.s32 $0x2;
	s10 =	simm.s32 $0x2710  }
0xa: {  	s28 =	sadd.s32 s6, s4;
	s6 =	smax.u32 s30, $0x1;
	s7 =	sadd.s32 $0xB61E00, s31  }
0xb: {  	s8 =	sadd.s32 $0x7DE00, s31;
	s4 =	sadd.s32 $0x12000, s28;
	s5 =	sadd.s32 $0x1BE00, s28  }
.LBB2_1:
0xc: {  	[tilespmem:s2], [sflag:$0x2] =	stream.linear.gather [hbm4b:s4+s2], $0x2710, $0x38;
	[tilespmem:$0x6720] =	vst v63  }
0xd: {  	_ =	swait.ge [sflag:s9], $0x2710  }
0xe: {  	[sflag:s9] =	ssyncset.done $0x0  }
0xf: {  	[sflag:s9] =	ssyncadd.s32 $0xFFFFD8F0  }
0x10: {  	[tilespmem:s10], [sflag:$0x2] =	stream.linear.gather [hbm4b:s5+s2], $0x2710, $0x38;
	[tilespmem:$0x6720] =	vst v63  }
0x11: {  	_ =	swait.ge [sflag:s9], $0x2710  }
0x12: {  	[sflag:s9] =	ssyncset.done $0x0  }
0x13: {  	s15 =	simm.s32 $0x0;
	[sflag:s9] =	ssyncadd.s32 $0xFFFFD8F0  }
0x14: {  	[tilespmem:s12], [sflag:$0x1] =	stream.indirect.gather [hbm4b:s3+s11], $0x50, s15, s11, $0xb8;
	[tilespmem:$0x6720] =	vst v63  }
0x15: {  	_ =	swait.ge [sflag:s13], $0x1900  }
0x16: {  	[sflag:s13] =	ssyncset.done $0x0  }
0x17: {  	[sflag:s13] =	ssyncadd.s32 $0xFFFFE700  }
0x18: {  	[hbm4b:s7+s2] =	stream.linear.scatter [tilespmem:s12], [sflag:$0x2], $0x1900, $0x38;
	[tilespmem:$0x6720] =	vst v63  }
0x19: {  	_ =	swait.ge [sflag:s9], $0x1900  }
0x1a: {  	[sflag:s9] =	ssyncset.done $0x0  }
0x1b: {  	s31 =	simm.s32 $0x2710;
	[sflag:s9] =	ssyncadd.s32 $0xFFFFE700  }
0x1c: {  	[tilespmem:s12], [sflag:$0x1] =	stream.indirect.gather [hbm4b:s3+s11], $0x50, s31, s11, $0xb8;
	[tilespmem:$0x6720] =	vst v63  }
0x1d: {  	_ =	swait.ge [sflag:s13], $0x1900  }
0x1e: {  	[sflag:s13] =	ssyncset.done $0x0  }
0x1f: {  	[sflag:s13] =	ssyncadd.s32 $0xFFFFE700  }
0x20: {  	[hbm4b:s8+s2] =	stream.linear.scatter [tilespmem:s12], [sflag:$0x2], $0x1900, $0x38;
	[tilespmem:$0x6720] =	vst v63  }
0x21: {  	s17 =	simm.s32 $0x140;
	s18 =	simm.s32 $0x280;
	_ =	swait.ge [sflag:s9], $0x1900  }
0x22: {  	s16 =	sadd.s32 $0x320, s7;
	s15 =	sadd.s32 $0x320, s8;
	[sflag:s9] =	ssyncset.done $0x0  }
.LBB2_2:
0x23: {  	s19 =	sshra.s32 s17, $0x2  }
0x24: {  	[sflag:s9] =	ssyncadd.s32 $0xFFFFE700;
	s17 =	smov.u32 s18;
	s20 =	sadd.s32 $0x140, s18  }
0x25: {  	[tilespmem:s12], [sflag:$0x1] =	stream.indirect.gather [hbm4b:s3+s11], $0x50, s19, s11, $0xb8;
	[tilespmem:$0x6720] =	vst v63  }
0x26: {  	p0 =	sne.s32 s18, $0x9B00;
	_ =	swait.ge [sflag:s13], $0x1900  }
0x27: {  	[sflag:s13] =	ssyncset.done $0x0  }
0x28: {  	[sflag:s13] =	ssyncadd.s32 $0xFFFFE700  }
0x29: {  	[hbm4b:s16+s2] =	stream.linear.scatter [tilespmem:s12], [sflag:$0x2], $0x1900, $0x38;
	[tilespmem:$0x6720] =	vst v63  }
0x2a: {  	_ =	swait.ge [sflag:s9], $0x1900  }
0x2b: {  	[sflag:s9] =	ssyncset.done $0x0  }
0x2c: {  	s18 =	sadd.s32 $0x2710, s19;
	[sflag:s9] =	ssyncadd.s32 $0xFFFFE700  }
0x2d: {  	[tilespmem:s12], [sflag:$0x1] =	stream.indirect.gather [hbm4b:s3+s11], $0x50, s18, s11, $0xb8;
	[tilespmem:$0x6720] =	vst v63  }
0x2e: {  	_ =	swait.ge [sflag:s13], $0x1900  }
.Ltmp0:
0x2f: {  	[sflag:s13] =	ssyncset.done $0x0;
	(pc) =	sbr.rel @p0 .LBB2_2-.Ltmp0, $4  }
0x30: {  	[sflag:s13] =	ssyncadd.s32 $0xFFFFE700  }
0x31: {  	[hbm4b:s15+s2] =	stream.linear.scatter [tilespmem:s12], [sflag:$0x2], $0x1900, $0x38;
	[tilespmem:$0x6720] =	vst v63  }
0x32: {  	s16 =	sadd.s32 $0x320, s16;
	_ =	swait.ge [sflag:s9], $0x1900  }
0x33: {  	s18 =	smov.u32 s20;
	s15 =	sadd.s32 $0x320, s15;
	[sflag:s9] =	ssyncset.done $0x0  }
0x34: {  	s17 =	sshra.s32 s17, $0x2;
	[sflag:s9] =	ssyncadd.s32 $0xFFFFE700  }
0x35: {  	[tilespmem:s12], [sflag:$0x1] =	stream.indirect.gather [hbm4b:s3+s11], $0x50, s17, s11, $0xb8;
	[tilespmem:$0x6720] =	vst v63  }
0x36: {  	_ =	swait.ge [sflag:s13], $0x1900  }
0x37: {  	[sflag:s13] =	ssyncset.done $0x0  }
0x38: {  	[sflag:s13] =	ssyncadd.s32 $0xFFFFE700  }
0x39: {  	[hbm4b:s16+s2] =	stream.linear.scatter [tilespmem:s12], [sflag:$0x2], $0x1900, $0x38;
	[tilespmem:$0x6720] =	vst v63  }
0x3a: {  	_ =	swait.ge [sflag:s9], $0x1900  }
0x3b: {  	[sflag:s9] =	ssyncset.done $0x0  }
0x3c: {  	s31 =	sadd.s32 $0x2710, s17;
	[sflag:s9] =	ssyncadd.s32 $0xFFFFE700  }
0x3d: {  	[tilespmem:s12], [sflag:$0x1] =	stream.indirect.gather [hbm4b:s3+s11], $0x50, s31, s11, $0xb8;
	[tilespmem:$0x6720] =	vst v63  }
0x3e: {  	s14 =	sadd.s32 $0x1, s14;
	_ =	swait.ge [sflag:s13], $0x1900  }
0x3f: {  	p0 =	sne.s32 s14, s6;
	[sflag:s13] =	ssyncset.done $0x0  }
.Ltmp1:
0x40: {  	[sflag:s13] =	ssyncadd.s32 $0xFFFFE700;
	(pc) =	sbr.rel @p0 .LBB2_1-.Ltmp1, $4  }
0x41: {  	[hbm4b:s15+s2] =	stream.linear.scatter [tilespmem:s12], [sflag:$0x2], $0x1900, $0x38;
	[tilespmem:$0x6720] =	vst v63  }
0x42: {  	_ =	swait.ge [sflag:s9], $0x1900  }
0x43: {  	[sflag:s9] =	ssyncset.done $0x0  }
0x44: {  	[sflag:s9] =	ssyncadd.s32 $0xFFFFE700  }
0x45: {  	_ =	sfence.sel $0x180000  }
0x46: {  	[bflag:$0x0] =	sbarrier.arrive $0xFFFF  }
0x47: {  	p0 =	sne.s32 s0, $0x0;
	_ =	strace $0x90000053  }
0x48: {  	s0 =	sadd.s32 @!p0 $0x100000, s1;
	[bflag:$0x2] =	sbarrier.arrive $0xFFFF  }
0x49: {  	[sflag:s0] =	ssyncadd.tile.s32 @!p0 $0x1;
	_ =	shalt  }
.Lfunc_end2:
_tile_overlayer_lowered:
.L_overlay_start_2:
0x4a: {  	(tag) =	ssettag $0x2  }
0x4b: {  	s0 =	rddreg [dreg:$0x0];
	s2 =	stileid.u32  }
0x4c: {  	s1 =	rddreg [dreg:$0x1];
	p0 =	sne.s32 s2, $0x0  }
0x4d: {  	s3 =	rddreg [dreg:$0x2];
	[bflag:$0x3] =	sbarrier.arrive $0xFFFF;
	s2 =	simm.s32 @!p0 $0x1C02  }
0x4e: {  	[timem:s3], [sflag:s2] =	dma.local @!p0 [hbm:s0], s1  }
0x4f: {  	s0 =	simm.s32 @!p0 $0x2  }
0x50: {  	_ =	swait.ge @!p0 [sflag:s0], s1  }
0x51: {  	s1 =	ssub.s32 @!p0 $0x0, s1;
	[sflag:s0] =	ssyncset.done @!p0 $0x0  }
0x52: {  	[sflag:s0] =	ssyncadd.s32 @!p0 s1  }
0x53: {  	[bflag:$0x3] =	sbarrier.arrive $0xFFFF  }
0x54: {  	_ =	shalt  }

// kernel: kernel.42.cloned.1.call-start
scs
__scs_entry_jumppad:
0x0: {  	(pc) =	sbr.rel $0x88, $3  }
0x1: {  	(tag) =	ssettag $0x0;
	lr =	simm.s32 $0x1  }
0x2: {  	[smem:$0x3F4E] =	sst lr;
	_ =	strace $0xD0000000  }
0x3: {  	_ = 	snop  }
0x4: {  	_ = 	snop  }
0x5: {  	_ = 	snop  }
0x6: {  	_ = 	snop  }
0x7: {  	_ = 	snop  }
__scs_overlays_trampoline_lowered:
0x8: {  	[smem:$0x3F5D] =	sst s0  }
0x9: {  	[smem:$0x3F5E] =	sst s1  }
0xa: {  	[smem:$0x3F5F] =	sst s2  }
0xb: {  	[smem:$0x3F60] =	sst s3  }
0xc: {  	[smem:$0x3F61] =	sst s4  }
0xd: {  	[smem:$0x3F62] =	sst s5  }
0xe: {  	[smem:$0x3F63] =	sst s6  }
0xf: {  	[smem:$0x3F64] =	sst s7  }
0x10: {  	[smem:$0x3F65] =	sst s8  }
0x11: {  	[smem:$0x3F66] =	sst s9;
	s0 =	simm.s32 @!p0 $0x0  }
0x12: {  	s1 =	sld [smem:$0x3F4C];
	s0 =	simm.s32 @p0 $0x1  }
0x13: {  	[smem:$0x3F67] =	sst s0;
	s0 =	simm.s32 @!p1 $0x0  }
0x14: {  	s2 =	sld [smem:$0x3F4B];
	s0 =	simm.s32 @p1 $0x1  }
0x15: {  	[smem:$0x3F68] =	sst s0;
	s0 =	simm.s32 @!p2 $0x0  }
0x16: {  	s3 =	sld [smem:$0x3FDB];
	s0 =	simm.s32 @p2 $0x1  }
0x17: {  	s4 =	simm.s32 $0x1BF5;
	[smem:$0x3F6A] =	sst s0  }
0x18: {  	s0 =	sld [smem:$0x3F4D];
	_ =	swait.ge [sflag:s4], $0x0  }
0x19: {  	s7 =	sld [smem:$0x3F4E]  }
0x1a: {  	s8 =	sadd.s32 $0xFFFFE003, lr  }
0x1b: {  	s9 =	sadd.s32 $0xFFFFFEF7, lr;
	s5 =	simm.s32 $0xFFFFFFFF;
	p2 =	slt.u32 s8, $0xFFFFF086  }
0x1c: {  	p1 =	slt.u32 s9, $0xF7A;
	s5 =	simm.s32 @!p2 $0x0  }
0x1d: {  	s5 =	simm.s32 @p1 $0x1;
	p0 =	seq.s32 s7, s2  }
0x1e: {  	s7 =	smul.u32 @!p0 $0xF7A, s2;
	p2 =	seq.s32 @!p0 s5, $0x0  }
0x1f: {  	s9 =	smul.u32 $0xF7A, s1;
	s8 =	simm.s32 @!p0 $0x1BF5;
	p2 =	por !p2, p0  }
0x20: {  	[sflag:s8] =	ssyncset.s32 @!p0 $0xFFFFF086;
	s6 =	sadd.s32 @!p0 s3, s7;
	s7 =	simm.s32 @!p0 $0x108  }
0x21: {  	s3 =	sadd.s32 s3, s9;
	s6 =	sadd.s32 @!p0 $0x88, s6;
	s7 =	simm.s32 @p2 $0x1082  }
0x22: {  	[simem:s7], [sflag:s8] =	dma.local @!p0 [hbm:s6], $0xF7A  }
0x23: {  	s9 =	sor.u32 $0xD0000000, s2;
	s6 =	simm.s32 $0x108;
	_ =	swait.ge @!p0 [sflag:s8], $0x0  }
0x24: {  	s3 =	sadd.s32 $0x88, s3;
	s6 =	simm.s32 @!p1 $0x1082;
	[sflag:s4] =	ssyncset.s32 $0xFFFFF086  }
0x25: {  	[simem:s6], [sflag:s4] =	dma.local [hbm:s3], $0xF7A  }
0x26: {  	[smem:$0x3F4E] =	sst s1;
	(tag) =	ssettag s2;
	_ =	strace s9  }
0x27: {  	s1 =	sld [smem:$0x3F5E]  }
0x28: {  	s2 =	sld [smem:$0x3F5F]  }
0x29: {  	s4 =	sld [smem:$0x3F61]  }
0x2a: {  	p0 =	seq.s32 s5, $0x0;
	s5 =	sld [smem:$0x3F62]  }
0x2b: {  	s6 =	sld [smem:$0x3F63]  }
0x2c: {  	s7 =	sld [smem:$0x3F64]  }
0x2d: {  	s3 =	simm.s32 $0x108;
	s8 =	sld [smem:$0x3F65]  }
0x2e: {  	s3 =	simm.s32 @!p0 $0x1082;
	s9 =	sld [smem:$0x3F66]  }
0x2f: {  	lr =	sadd.s32 s0, s3;
	s0 =	sld [smem:$0x3F5D]  }
0x30: {  	s3 =	sld [smem:$0x3F60]  }
0x31: {  	[smem:$0x3F69] =	sst s10  }
0x32: {  	s10 =	sld [smem:$0x3F67];
	_ =	sdelay $0x3  }
0x33: {  	p0 =	seq.s32 s10, $0x1;
	s10 =	sld [smem:$0x3F69];
	_ =	sdelay $0x3  }
0x34: {  	[smem:$0x3F69] =	sst s10  }
0x35: {  	s10 =	sld [smem:$0x3F68];
	_ =	sdelay $0x3  }
0x36: {  	p1 =	seq.s32 s10, $0x1;
	s10 =	sld [smem:$0x3F69];
	_ =	sdelay $0x3  }
0x37: {  	[smem:$0x3F69] =	sst s10  }
0x38: {  	s10 =	sld [smem:$0x3F6A]  }
0x39: {  	_ = 	snop;
	(pc) =	sbr.ind lr, $3  }
0x3a: {  	_ = 	snop  }
0x3b: {  	_ = 	snop  }
0x3c: {  	p2 =	seq.s32 s10, $0x1;
	s10 =	sld [smem:$0x3F69]  }
0x3d: {  	_ =	shalt  }
0x3e: {  	_ =	shalt  }
0x3f: {  	_ =	shalt  }
0x40: {  	_ =	shalt  }
0x41: {  	_ =	shalt  }
0x42: {  	_ =	shalt  }
0x43: {  	_ =	shalt  }
0x44: {  	_ =	shalt  }
0x45: {  	_ =	shalt  }
0x46: {  	_ =	shalt  }
0x47: {  	_ =	shalt  }
0x48: {  	_ =	shalt  }
0x49: {  	_ =	shalt  }
0x4a: {  	_ =	shalt  }
0x4b: {  	_ =	shalt  }
0x4c: {  	_ =	shalt  }
0x4d: {  	_ =	shalt  }
0x4e: {  	_ =	shalt  }
0x4f: {  	_ =	shalt  }
0x50: {  	_ =	shalt  }
0x51: {  	_ =	shalt  }
0x52: {  	_ =	shalt  }
0x53: {  	_ =	shalt  }
0x54: {  	_ =	shalt  }
0x55: {  	_ =	shalt  }
0x56: {  	_ =	shalt  }
0x57: {  	_ =	shalt  }
0x58: {  	_ =	shalt  }
0x59: {  	_ =	shalt  }
0x5a: {  	_ =	shalt  }
0x5b: {  	_ =	shalt  }
0x5c: {  	_ =	shalt  }
0x5d: {  	_ =	shalt  }
0x5e: {  	_ =	shalt  }
0x5f: {  	_ =	shalt  }
0x60: {  	_ =	shalt  }
0x61: {  	_ =	shalt  }
0x62: {  	_ =	shalt  }
0x63: {  	_ =	shalt  }
0x64: {  	_ =	shalt  }
0x65: {  	_ =	shalt  }
0x66: {  	_ =	shalt  }
0x67: {  	_ =	shalt  }
0x68: {  	_ =	shalt  }
0x69: {  	_ =	shalt  }
0x6a: {  	_ =	shalt  }
0x6b: {  	_ =	shalt  }
0x6c: {  	_ =	shalt  }
0x6d: {  	_ =	shalt  }
0x6e: {  	_ =	shalt  }
0x6f: {  	_ =	shalt  }
0x70: {  	_ =	shalt  }
0x71: {  	_ =	shalt  }
0x72: {  	_ =	shalt  }
0x73: {  	_ =	shalt  }
0x74: {  	_ =	shalt  }
0x75: {  	_ =	shalt  }
0x76: {  	_ =	shalt  }
0x77: {  	_ =	shalt  }
0x78: {  	_ =	shalt  }
0x79: {  	_ =	shalt  }
0x7a: {  	_ =	shalt  }
0x7b: {  	_ =	shalt  }
0x7c: {  	_ =	shalt  }
0x7d: {  	_ =	shalt  }
0x7e: {  	_ =	shalt  }
0x7f: {  	_ =	shalt  }
0x80: {  	_ =	shalt  }
0x81: {  	_ =	shalt  }
0x82: {  	_ =	shalt  }
0x83: {  	_ =	shalt  }
0x84: {  	_ =	shalt  }
0x85: {  	_ =	shalt  }
0x86: {  	_ =	shalt  }
0x87: {  	_ =	shalt  }
.Lfunc_end0:
.L_simem_size_0:
called_computation.5_lowered:
.L_overlay_start_0:
0x88: {  	s2 =	sld [smem:$0x3FD9]  }
0x89: {  	s3 =	sld [smem:$0x3FFE];
	_ =	sdelay $0x1  }
0x8a: {  	s1 =	srdreg.scid  }
0x8b: {  	s0 =	sand.u32 $0x1, s1  }
0x8c: {  	s16 =	sshll.u32 s0, $0xA;
	s2 =	sadd.s32 s3, s2  }
0x8d: {  	s2 =	sadd.s32 s2, s16  }
0x8e: {  	[smem:$0x3F75] =	sst s2  }
0x8f: {  	_ = 	snop  }
0x90: {  	(tm) =	ssettm $0x1  }
0x91: {  	s17 =	sld [smem:$0x3FFB];
	_ =	sdelay $0x3  }
0x92: {  	_ =	strace s17  }
0x93: {  	s2 =	sld [smem:$0x3FFC];
	_ =	sdelay $0x3  }
0x94: {  	_ =	strace s2  }
0x95: {  	s2 =	sld [smem:$0x3FFD];
	_ =	sdelay $0x3  }
0x96: {  	_ =	strace s2  }
0x97: {  	_ =	strace $0x8FFFFFFF  }
0x98: {  	s18 =	sld [smem:$0x3FDB];
	_ =	sdelay $0x1  }
0x99: {  	s19 =	simm.s32 $_scs_section_size  }
0x9a: {  	s4 =	simm.s32 $_size__tile_overlayer_lowered;
	s5 =	simm.s32 $_tile_overlayer_lowered  }
0x9b: {  	s22 =	simm.s32 $0x1BFF;
	s21 =	sshll.u32 s5, $0x1;
	s2 =	sadd.s32 s19, s18  }
0x9c: {  	s6 =	simm.s32 $0x0;
	s20 =	sshll.u32 s4, $0x1;
	s4 =	sadd.s32 s21, s2  }
0x9d: {  	[timem:s6], [sflag:s22] =	dma.local [hbm:s4], s20  }
0x9e: {  	_ =	swait.ge [sflag:s22], s20  }
0x9f: {  	s3 =	ssub.s32 $0x0, s20;
	[sflag:s22] =	ssyncset.done $0x0  }
0xa0: {  	[sflag:s22] =	ssyncadd.s32 s3;
	_ =	sdelay $0x1  }
0xa1: {  	s23 =	simm.s32 $0x1B8B  }
0xa2: {  	_ =	swait.ge [sflag:s23], $0x1  }
0xa3: {  	[sflag:s23] =	ssyncset.done $0x0  }
0xa4: {  	s25 =	simm.s32 $0x1B8E;
	s24 =	sld [smem:$0x3FFE];
	[sflag:s23] =	ssyncadd.s32 $0xFFFFFFFF  }
0xa5: {  	s26 =	simm.s32 $execute0_lowered;
	[smem:$0x3FD2] =	sst s25  }
0xa6: {  	s4 =	sshll.u32 s26, $0x1;
	_ =	strace $0x80000055;
	[dreg:$0x1] =	wrdreg $0xFFFFFFFF  }
0xa7: {  	s28 =	simm.s32 $_size_execute0_lowered;
	s2 =	sadd.s32 s2, s4;
	[dreg:$0x0] =	wrdreg $0x0  }
0xa8: {  	s4 =	sshll.u32 s28, $0x1;
	[dreg:$0x2] =	wrdreg s2  }
0xa9: {  	[dreg:$0x3] =	wrdreg s4  }
0xaa: {  	[dreg:$0x4] =	wrdreg $0xC0  }
0xab: {  	_ =	task [dreg:s6], $0x5FFFF  }
0xac: {  	[dreg:$0x1] =	wrdreg $0xFFFFFFFF  }
0xad: {  	[dreg:$0x0] =	wrdreg $0x60  }
0xae: {  	[dreg:$0x2] =	wrdreg s24  }
0xaf: {  	[dreg:$0x3] =	wrdreg $0x40100  }
0xb0: {  	[dreg:$0x4] =	wrdreg $0x9  }
0xb1: {  	_ =	task.clear_ibuf [dreg:s6], $0x5FFFF;
	_ =	strace $0x90000055  }
0xb2: {  	s29 =	simm.s32 $0x9;
	_ =	strace $0x80000057  }
0xb3: {  	_ =	swait.ge [sflag:s29], $0x1  }
0xb4: {  	[sflag:s29] =	ssyncadd.s32 $0xFFFFFFFF  }
0xb5: {  	_ =	strace $0x90000057  }
0xb6: {  	_ =	sfence  }
0xb7: {  	s30 =	sld [smem:$0x0];
	_ =	sdelay $0x2  }
0xb8: {  	s31 =	sshll.u32 s1, $0xD;
	s1 =	sshrl.u32 s1, $0x2  }
0xb9: {  	s3 =	sand.u32 $0x4000, s31;
	s1 =	sadd.s32 s1, s30  }
0xba: {  	s0 =	sor.u32 s3, s0;
	s1 =	sshll.u32 s1, $0x11  }
0xbb: {  	s0 =	sor.u32 s1, s0  }
0xbc: {  	s0 =	sadd.s32 $0x8F2B, s0  }
0xbd: {  	[sflag:s0] =	ssyncadd.remote.s32 $0x1  }
0xbe: {  	_ =	sfence.sel $0xFFFF  }
0xbf: {  	[dreg:$0x0] =	wrdreg $0xFFFFFFFF;
	(pc) =	sbr.abs _section_cstart, $3  }
0xc0: {  	[dreg:$0x1] =	wrdreg $0xFFFFFFFF  }
0xc1: {  	_ =	task.clear_ibuf [dreg:s6], $0x2FFFF;
	_ =	strace $0x9FFFFFFF  }
0xc2: {  	(tm) =	ssettm $0x7FFFFFFF  }
0xc3: {  	_ =	shalt  }
tec
execute0_lowered:
.L_overlay_start_1:
0x0: {  	(tag) =	ssettag $0x1  }
0x1: {  	s6 =	rddreg [dreg:$0x0]  }
0x2: {  	s2 =	rddreg [dreg:$0x1]  }
0x3: {  	s0 =	rddreg [dreg:$0x2];
	s3 =	simm.s32 $0x0;
	s1 =	stileid.u32  }
0x4: {  	s4 =	srdreg.scid;
	s17 =	simm.s32 $0x0;
	s5 =	smul.u32 $0x30D40, s1  }
0x5: {  	s7 =	sand.u32 $0x1, s4;
	s24 =	sshll.u32 s1, $0x1;
	[smem:$0x7FF] =	sst s3  }
0x6: {  	s8 =	smul.u32 $0xC300, s1;
	s12 =	sadd.s32 $0x372A00, s6;
	s29 =	sshll.u32 s1, $0x6  }
0x7: {  	s15 =	sadd.s32 $0xC3000, s2;
	p0 =	sne.s32 s1, $0xF;
	s30 =	smul.u32 $0xC3500, s7  }
0x8: {  	s4 =	sor.u32 s7, s24;
	_ =	strace $0x80000056;
	s16 =	smul.u32 $0x186A0, s7  }
0x9: {  	s9 =	ssub.s32 $0x2, s7;
	s4 =	smul.u32 $0x4E2, s4;
	s10 =	sadd.s32 s5, s6  }
0xa: {  	s25 =	sshrl.u32 s8, $0x3;
	s28 =	sshrl.u32 s9, $0x1;
	s14 =	sadd.s32 s8, s2  }
0xb: {  	s5 =	sor.u32 $0x1C01, s29;
	s26 =	sadd.s32 s25, s6;
	s13 =	ssub.s32 s9, s28  }
0xc: {  	s8 =	sadd.s32 s8, s30;
	s9 =	sshrl.u32 s30, $0x3;
	s31 =	sadd.s32 s16, s10  }
0xd: {  	s16 =	simm.s32 $0x50;
	s11 =	sadd.s32 s4, s6;
	s4 =	sadd.s32 $0x4CE00, s26  }
0xe: {  	s6 =	sadd.s32 $0x65400, s6;
	s8 =	sshrl.u32 s8, $0x3;
	s9 =	sadd.s32 s12, s9  }
0xf: {  	s10 =	smax.u32 s13, $0x1;
	s13 =	simm.s32 $0x1;
	s7 =	sadd.s32 $0x1BE00, s11  }
0x10: {  	s8 =	sadd.s32 s12, s8;
	s9 =	sadd.s32 $0x18600, s9;
	s11 =	sadd.s32 $0x65600, s31  }
0x11: {  	s12 =	sshrl.u32 s14, $0x3;
	s14 =	sshrl.u32 @!p0 s15, $0x3;
	s15 =	simm.s32 $0x2710  }
.LBB2_1:
0x12: {  	[spmem:s12], [sflag:s5] =	dma.local [hbm:s4], $0x1860  }
0x13: {  	_ =	swait.ge [sflag:s13], $0x1860  }
0x14: {  	[sflag:s13] =	ssyncset.done $0x0  }
0x15: {  	s18 =	simm.s32 @!p0 $0x1;
	[sflag:s13] =	ssyncadd.s32 $0xFFFFE7A0  }
0x16: {  	[spmem:s14], [sflag:s5] =	dma.local @!p0 [hbm:s6], $0xA0  }
0x17: {  	_ =	swait.ge @!p0 [sflag:s18], $0xA0  }
0x18: {  	[sflag:s18] =	ssyncset.done @!p0 $0x0  }
0x19: {  	[sflag:s18] =	ssyncadd.s32 @!p0 $0xFFFFFF60  }
0x1a: {  	[tilespmem:s3], [sflag:$0x1] =	stream.linear.gather [hbm4b:s7+s3], $0x2710, $0x38;
	[tilespmem:$0x10360] =	vst v63  }
0x1b: {  	_ =	swait.ge [sflag:s13], $0x2710  }
0x1c: {  	[sflag:s13] =	ssyncset.done $0x0  }
0x1d: {  	[sflag:s13] =	ssyncadd.s32 $0xFFFFD8F0  }
0x1e: {  	[bflag:$0x0] =	sbarrier.arrive $0xFFFF  }
0x1f: {  	[tilespmem:s15], [sflag:$0x1] =	stream.linear.gather [hbm4b:s11+s3], $0x1900, $0x38;
	[tilespmem:$0x10360] =	vst v63  }
0x20: {  	_ =	swait.ge [sflag:s13], $0x1900  }
0x21: {  	[sflag:s13] =	ssyncset.done $0x0  }
0x22: {  	s31 =	simm.s32 $0x0;
	[sflag:s13] =	ssyncadd.s32 $0xFFFFE700  }
0x23: {  	[spmem:s2] =	stream.indirect.scatter.add.f32 [tilespmem:s15], [sflag:$0x1], $0x50, s31, s16, $0xb8;
	[tilespmem:$0x10360] =	vst v63  }
0x24: {  	_ =	swait.ge [sflag:s13], $0x1900  }
0x25: {  	s19 =	smov.u32 s11;
	s18 =	simm.s32 $0x140;
	[sflag:s13] =	ssyncset.done $0x0  }
.LBB2_2:
0x26: {  	p1 =	sne.s32 s18, $0x9B00;
	[sflag:s13] =	ssyncadd.s32 $0xFFFFE700;
	s19 =	sadd.s32 $0x320, s19  }
0x27: {  	[tilespmem:s15], [sflag:$0x1] =	stream.linear.gather [hbm4b:s19+s3], $0x1900, $0x38;
	[tilespmem:$0x10360] =	vst v63  }
0x28: {  	s20 =	smov.u32 s18;
	s18 =	sadd.s32 $0x140, s18;
	_ =	swait.ge [sflag:s13], $0x1900  }
.Ltmp0:
0x29: {  	[sflag:s13] =	ssyncset.done $0x0;
	(pc) =	sbr.rel @p1 .LBB2_2-.Ltmp0, $4  }
0x2a: {  	s20 =	sshra.s32 s20, $0x2;
	[sflag:s13] =	ssyncadd.s32 $0xFFFFE700  }
0x2b: {  	[spmem:s2] =	stream.indirect.scatter.add.f32 [tilespmem:s15], [sflag:$0x1], $0x50, s20, s16, $0xb8;
	[tilespmem:$0x10360] =	vst v63  }
0x2c: {  	_ =	swait.ge [sflag:s13], $0x1900  }
0x2d: {  	[sflag:s13] =	ssyncset.done $0x0  }
0x2e: {  	[sflag:s13] =	ssyncadd.s32 $0xFFFFE700  }
0x2f: {  	[bflag:$0x0] =	sbarrier.arrive $0xFFFF  }
0x30: {  	[hbm:s8], [sflag:s5] =	dma.local [spmem:s12], $0x1860  }
0x31: {  	s17 =	sadd.s32 $0x1, s17;
	_ =	swait.ge [sflag:s13], $0x1860  }
0x32: {  	p1 =	sne.s32 s17, s10;
	[sflag:s13] =	ssyncset.done $0x0  }
.Ltmp1:
0x33: {  	s18 =	simm.s32 @!p0 $0x1;
	[sflag:s13] =	ssyncadd.s32 $0xFFFFE7A0;
	(pc) =	sbr.rel @p1 .LBB2_1-.Ltmp1, $4  }
0x34: {  	[hbm:s9], [sflag:s5] =	dma.local @!p0 [spmem:s14], $0xA0  }
0x35: {  	_ =	swait.ge @!p0 [sflag:s18], $0xA0  }
0x36: {  	[sflag:s18] =	ssyncset.done @!p0 $0x0  }
0x37: {  	[sflag:s18] =	ssyncadd.s32 @!p0 $0xFFFFFF60  }
0x38: {  	_ =	sfence.sel $0x180000  }
0x39: {  	[bflag:$0x0] =	sbarrier.arrive $0xFFFF  }
0x3a: {  	p0 =	sne.s32 s1, $0x0;
	_ =	strace $0x90000056  }
0x3b: {  	s0 =	sadd.s32 @!p0 $0x100000, s0;
	[bflag:$0x2] =	sbarrier.arrive $0xFFFF  }
0x3c: {  	[sflag:s0] =	ssyncadd.tile.s32 @!p0 $0x1;
	_ =	shalt  }
.Lfunc_end2:
_tile_overlayer_lowered:
.L_overlay_start_2:
0x3d: {  	(tag) =	ssettag $0x2  }
0x3e: {  	s0 =	rddreg [dreg:$0x0];
	s2 =	stileid.u32  }
0x3f: {  	s1 =	rddreg [dreg:$0x1];
	p0 =	sne.s32 s2, $0x0  }
0x40: {  	s3 =	rddreg [dreg:$0x2];
	[bflag:$0x3] =	sbarrier.arrive $0xFFFF;
	s2 =	simm.s32 @!p0 $0x1C01  }
0x41: {  	[timem:s3], [sflag:s2] =	dma.local @!p0 [hbm:s0], s1  }
0x42: {  	s0 =	simm.s32 @!p0 $0x1  }
0x43: {  	_ =	swait.ge @!p0 [sflag:s0], s1  }
0x44: {  	s1 =	ssub.s32 @!p0 $0x0, s1;
	[sflag:s0] =	ssyncset.done @!p0 $0x0  }
0x45: {  	[sflag:s0] =	ssyncadd.s32 @!p0 s1  }
0x46: {  	[bflag:$0x3] =	sbarrier.arrive $0xFFFF  }
0x47: {  	_ =	shalt  }

// kernel: kernel.45.cloned.1.call-start
scs
__scs_entry_jumppad:
0x0: {  	(pc) =	sbr.rel $0x88, $3  }
0x1: {  	(tag) =	ssettag $0x0;
	lr =	simm.s32 $0x1  }
0x2: {  	[smem:$0x3F4E] =	sst lr;
	_ =	strace $0xD0000000  }
0x3: {  	_ = 	snop  }
0x4: {  	_ = 	snop  }
0x5: {  	_ = 	snop  }
0x6: {  	_ = 	snop  }
0x7: {  	_ = 	snop  }
__scs_overlays_trampoline_lowered:
0x8: {  	[smem:$0x3F5D] =	sst s0  }
0x9: {  	[smem:$0x3F5E] =	sst s1  }
0xa: {  	[smem:$0x3F5F] =	sst s2  }
0xb: {  	[smem:$0x3F60] =	sst s3  }
0xc: {  	[smem:$0x3F61] =	sst s4  }
0xd: {  	[smem:$0x3F62] =	sst s5  }
0xe: {  	[smem:$0x3F63] =	sst s6  }
0xf: {  	[smem:$0x3F64] =	sst s7  }
0x10: {  	[smem:$0x3F65] =	sst s8  }
0x11: {  	[smem:$0x3F66] =	sst s9;
	s0 =	simm.s32 @!p0 $0x0  }
0x12: {  	s1 =	sld [smem:$0x3F4C];
	s0 =	simm.s32 @p0 $0x1  }
0x13: {  	[smem:$0x3F67] =	sst s0;
	s0 =	simm.s32 @!p1 $0x0  }
0x14: {  	s2 =	sld [smem:$0x3F4B];
	s0 =	simm.s32 @p1 $0x1  }
0x15: {  	[smem:$0x3F68] =	sst s0;
	s0 =	simm.s32 @!p2 $0x0  }
0x16: {  	s3 =	sld [smem:$0x3FDB];
	s0 =	simm.s32 @p2 $0x1  }
0x17: {  	s4 =	simm.s32 $0x1BF5;
	[smem:$0x3F6A] =	sst s0  }
0x18: {  	s0 =	sld [smem:$0x3F4D];
	_ =	swait.ge [sflag:s4], $0x0  }
0x19: {  	s7 =	sld [smem:$0x3F4E]  }
0x1a: {  	s8 =	sadd.s32 $0xFFFFE003, lr  }
0x1b: {  	s9 =	sadd.s32 $0xFFFFFEF7, lr;
	s5 =	simm.s32 $0xFFFFFFFF;
	p2 =	slt.u32 s8, $0xFFFFF086  }
0x1c: {  	p1 =	slt.u32 s9, $0xF7A;
	s5 =	simm.s32 @!p2 $0x0  }
0x1d: {  	s5 =	simm.s32 @p1 $0x1;
	p0 =	seq.s32 s7, s2  }
0x1e: {  	s7 =	smul.u32 @!p0 $0xF7A, s2;
	p2 =	seq.s32 @!p0 s5, $0x0  }
0x1f: {  	s9 =	smul.u32 $0xF7A, s1;
	s8 =	simm.s32 @!p0 $0x1BF5;
	p2 =	por !p2, p0  }
0x20: {  	[sflag:s8] =	ssyncset.s32 @!p0 $0xFFFFF086;
	s6 =	sadd.s32 @!p0 s3, s7;
	s7 =	simm.s32 @!p0 $0x108  }
0x21: {  	s3 =	sadd.s32 s3, s9;
	s6 =	sadd.s32 @!p0 $0x88, s6;
	s7 =	simm.s32 @p2 $0x1082  }
0x22: {  	[simem:s7], [sflag:s8] =	dma.local @!p0 [hbm:s6], $0xF7A  }
0x23: {  	s9 =	sor.u32 $0xD0000000, s2;
	s6 =	simm.s32 $0x108;
	_ =	swait.ge @!p0 [sflag:s8], $0x0  }
0x24: {  	s3 =	sadd.s32 $0x88, s3;
	s6 =	simm.s32 @!p1 $0x1082;
	[sflag:s4] =	ssyncset.s32 $0xFFFFF086  }
0x25: {  	[simem:s6], [sflag:s4] =	dma.local [hbm:s3], $0xF7A  }
0x26: {  	[smem:$0x3F4E] =	sst s1;
	(tag) =	ssettag s2;
	_ =	strace s9  }
0x27: {  	s1 =	sld [smem:$0x3F5E]  }
0x28: {  	s2 =	sld [smem:$0x3F5F]  }
0x29: {  	s4 =	sld [smem:$0x3F61]  }
0x2a: {  	p0 =	seq.s32 s5, $0x0;
	s5 =	sld [smem:$0x3F62]  }
0x2b: {  	s6 =	sld [smem:$0x3F63]  }
0x2c: {  	s7 =	sld [smem:$0x3F64]  }
0x2d: {  	s3 =	simm.s32 $0x108;
	s8 =	sld [smem:$0x3F65]  }
0x2e: {  	s3 =	simm.s32 @!p0 $0x1082;
	s9 =	sld [smem:$0x3F66]  }
0x2f: {  	lr =	sadd.s32 s0, s3;
	s0 =	sld [smem:$0x3F5D]  }
0x30: {  	s3 =	sld [smem:$0x3F60]  }
0x31: {  	[smem:$0x3F69] =	sst s10  }
0x32: {  	s10 =	sld [smem:$0x3F67];
	_ =	sdelay $0x3  }
0x33: {  	p0 =	seq.s32 s10, $0x1;
	s10 =	sld [smem:$0x3F69];
	_ =	sdelay $0x3  }
0x34: {  	[smem:$0x3F69] =	sst s10  }
0x35: {  	s10 =	sld [smem:$0x3F68];
	_ =	sdelay $0x3  }
0x36: {  	p1 =	seq.s32 s10, $0x1;
	s10 =	sld [smem:$0x3F69];
	_ =	sdelay $0x3  }
0x37: {  	[smem:$0x3F69] =	sst s10  }
0x38: {  	s10 =	sld [smem:$0x3F6A]  }
0x39: {  	_ = 	snop;
	(pc) =	sbr.ind lr, $3  }
0x3a: {  	_ = 	snop  }
0x3b: {  	_ = 	snop  }
0x3c: {  	p2 =	seq.s32 s10, $0x1;
	s10 =	sld [smem:$0x3F69]  }
0x3d: {  	_ =	shalt  }
0x3e: {  	_ =	shalt  }
0x3f: {  	_ =	shalt  }
0x40: {  	_ =	shalt  }
0x41: {  	_ =	shalt  }
0x42: {  	_ =	shalt  }
0x43: {  	_ =	shalt  }
0x44: {  	_ =	shalt  }
0x45: {  	_ =	shalt  }
0x46: {  	_ =	shalt  }
0x47: {  	_ =	shalt  }
0x48: {  	_ =	shalt  }
0x49: {  	_ =	shalt  }
0x4a: {  	_ =	shalt  }
0x4b: {  	_ =	shalt  }
0x4c: {  	_ =	shalt  }
0x4d: {  	_ =	shalt  }
0x4e: {  	_ =	shalt  }
0x4f: {  	_ =	shalt  }
0x50: {  	_ =	shalt  }
0x51: {  	_ =	shalt  }
0x52: {  	_ =	shalt  }
0x53: {  	_ =	shalt  }
0x54: {  	_ =	shalt  }
0x55: {  	_ =	shalt  }
0x56: {  	_ =	shalt  }
0x57: {  	_ =	shalt  }
0x58: {  	_ =	shalt  }
0x59: {  	_ =	shalt  }
0x5a: {  	_ =	shalt  }
0x5b: {  	_ =	shalt  }
0x5c: {  	_ =	shalt  }
0x5d: {  	_ =	shalt  }
0x5e: {  	_ =	shalt  }
0x5f: {  	_ =	shalt  }
0x60: {  	_ =	shalt  }
0x61: {  	_ =	shalt  }
0x62: {  	_ =	shalt  }
0x63: {  	_ =	shalt  }
0x64: {  	_ =	shalt  }
0x65: {  	_ =	shalt  }
0x66: {  	_ =	shalt  }
0x67: {  	_ =	shalt  }
0x68: {  	_ =	shalt  }
0x69: {  	_ =	shalt  }
0x6a: {  	_ =	shalt  }
0x6b: {  	_ =	shalt  }
0x6c: {  	_ =	shalt  }
0x6d: {  	_ =	shalt  }
0x6e: {  	_ =	shalt  }
0x6f: {  	_ =	shalt  }
0x70: {  	_ =	shalt  }
0x71: {  	_ =	shalt  }
0x72: {  	_ =	shalt  }
0x73: {  	_ =	shalt  }
0x74: {  	_ =	shalt  }
0x75: {  	_ =	shalt  }
0x76: {  	_ =	shalt  }
0x77: {  	_ =	shalt  }
0x78: {  	_ =	shalt  }
0x79: {  	_ =	shalt  }
0x7a: {  	_ =	shalt  }
0x7b: {  	_ =	shalt  }
0x7c: {  	_ =	shalt  }
0x7d: {  	_ =	shalt  }
0x7e: {  	_ =	shalt  }
0x7f: {  	_ =	shalt  }
0x80: {  	_ =	shalt  }
0x81: {  	_ =	shalt  }
0x82: {  	_ =	shalt  }
0x83: {  	_ =	shalt  }
0x84: {  	_ =	shalt  }
0x85: {  	_ =	shalt  }
0x86: {  	_ =	shalt  }
0x87: {  	_ =	shalt  }
.Lfunc_end0:
.L_simem_size_0:
called_computation.6_lowered:
.L_overlay_start_0:
0x88: {  	s2 =	sld [smem:$0x3FD9]  }
0x89: {  	s3 =	sld [smem:$0x3FFE];
	_ =	sdelay $0x1  }
0x8a: {  	s1 =	srdreg.scid  }
0x8b: {  	s0 =	sand.u32 $0x1, s1  }
0x8c: {  	s16 =	sshll.u32 s0, $0xA;
	s2 =	sadd.s32 s3, s2  }
0x8d: {  	s2 =	sadd.s32 s2, s16  }
0x8e: {  	[smem:$0x3F75] =	sst s2  }
0x8f: {  	_ = 	snop  }
0x90: {  	(tm) =	ssettm $0x1  }
0x91: {  	s17 =	sld [smem:$0x3FFB];
	_ =	sdelay $0x3  }
0x92: {  	_ =	strace s17  }
0x93: {  	s2 =	sld [smem:$0x3FFC];
	_ =	sdelay $0x3  }
0x94: {  	_ =	strace s2  }
0x95: {  	s2 =	sld [smem:$0x3FFD];
	_ =	sdelay $0x3  }
0x96: {  	_ =	strace s2  }
0x97: {  	_ =	strace $0x8FFFFFFF  }
0x98: {  	s18 =	sld [smem:$0x3FDB];
	_ =	sdelay $0x1  }
0x99: {  	s19 =	simm.s32 $_scs_section_size  }
0x9a: {  	s4 =	simm.s32 $_size__tile_overlayer_lowered;
	s5 =	simm.s32 $_tile_overlayer_lowered  }
0x9b: {  	s22 =	simm.s32 $0x1BFF;
	s21 =	sshll.u32 s5, $0x1;
	s2 =	sadd.s32 s19, s18  }
0x9c: {  	s6 =	simm.s32 $0x0;
	s20 =	sshll.u32 s4, $0x1;
	s4 =	sadd.s32 s21, s2  }
0x9d: {  	[timem:s6], [sflag:s22] =	dma.local [hbm:s4], s20  }
0x9e: {  	_ =	swait.ge [sflag:s22], s20  }
0x9f: {  	s3 =	ssub.s32 $0x0, s20;
	[sflag:s22] =	ssyncset.done $0x0  }
0xa0: {  	[sflag:s22] =	ssyncadd.s32 s3;
	_ =	sdelay $0x1  }
0xa1: {  	s23 =	simm.s32 $0x1B8B  }
0xa2: {  	_ =	swait.ge [sflag:s23], $0x1  }
0xa3: {  	[sflag:s23] =	ssyncset.done $0x0  }
0xa4: {  	s25 =	simm.s32 $0x1B8E;
	s24 =	sld [smem:$0x3FFE];
	[sflag:s23] =	ssyncadd.s32 $0xFFFFFFFF  }
0xa5: {  	s26 =	simm.s32 $execute0_lowered;
	[smem:$0x3FD2] =	sst s25  }
0xa6: {  	s4 =	sshll.u32 s26, $0x1;
	_ =	strace $0x80000058;
	[dreg:$0x1] =	wrdreg $0xFFFFFFFF  }
0xa7: {  	s28 =	simm.s32 $_size_execute0_lowered;
	s2 =	sadd.s32 s2, s4;
	[dreg:$0x0] =	wrdreg $0x0  }
0xa8: {  	s4 =	sshll.u32 s28, $0x1;
	[dreg:$0x2] =	wrdreg s2  }
0xa9: {  	[dreg:$0x3] =	wrdreg s4  }
0xaa: {  	[dreg:$0x4] =	wrdreg $0xC0  }
0xab: {  	_ =	task [dreg:s6], $0x5FFFF  }
0xac: {  	[dreg:$0x1] =	wrdreg $0xFFFFFFFF  }
0xad: {  	[dreg:$0x0] =	wrdreg $0x60  }
0xae: {  	[dreg:$0x2] =	wrdreg s24  }
0xaf: {  	[dreg:$0x3] =	wrdreg $0x9  }
0xb0: {  	_ =	task.clear_ibuf [dreg:s6], $0x4FFFF;
	_ =	strace $0x90000058  }
0xb1: {  	s29 =	simm.s32 $0x9;
	_ =	strace $0x8000005A  }
0xb2: {  	_ =	swait.ge [sflag:s29], $0x1  }
0xb3: {  	[sflag:s29] =	ssyncadd.s32 $0xFFFFFFFF  }
0xb4: {  	_ =	strace $0x9000005A  }
0xb5: {  	_ =	sfence  }
0xb6: {  	s30 =	sld [smem:$0x0];
	_ =	sdelay $0x2  }
0xb7: {  	s31 =	sshll.u32 s1, $0xD;
	s1 =	sshrl.u32 s1, $0x2  }
0xb8: {  	s3 =	sand.u32 $0x4000, s31;
	s1 =	sadd.s32 s1, s30  }
0xb9: {  	s0 =	sor.u32 s3, s0;
	s1 =	sshll.u32 s1, $0x11  }
0xba: {  	s0 =	sor.u32 s1, s0  }
0xbb: {  	s0 =	sadd.s32 $0x8F2B, s0  }
0xbc: {  	[sflag:s0] =	ssyncadd.remote.s32 $0x1  }
0xbd: {  	_ =	sfence.sel $0xFFFF  }
0xbe: {  	[dreg:$0x0] =	wrdreg $0xFFFFFFFF;
	(pc) =	sbr.abs _section_cstart, $3  }
0xbf: {  	[dreg:$0x1] =	wrdreg $0xFFFFFFFF  }
0xc0: {  	_ =	task.clear_ibuf [dreg:s6], $0x2FFFF;
	_ =	strace $0x9FFFFFFF  }
0xc1: {  	(tm) =	ssettm $0x7FFFFFFF  }
tec
execute0_lowered:
.L_overlay_start_1:
0x0: {  	(tag) =	ssettag $0x1  }
0x1: {  	s1 =	srdreg.scid  }
0x2: {  	s0 =	stileid.u32;
	s4 =	rddreg [dreg:$0x0];
	s2 =	simm.s32 $0x0  }
0x3: {  	s11 =	simm.s32 $0x50;
	s12 =	simm.s32 $0x4E20;
	s13 =	simm.s32 $0x1  }
0x4: {  	s14 =	simm.s32 $0x0;
	s5 =	sand.u32 $0x1, s1;
	s1 =	rddreg [dreg:$0x1]  }
0x5: {  	s3 =	sshll.u32 s0, $0x1;
	[smem:$0x7FF] =	sst s2;
	s7 =	smul.u32 $0x30D40, s0  }
0x6: {  	s3 =	sor.u32 s5, s3;
	s8 =	ssub.s32 $0x2, s5;
	s10 =	smul.u32 $0x186A0, s5  }
0x7: {  	_ =	strace $0x80000059;
	s6 =	smul.u32 $0x4E2, s3;
	s9 =	sshrl.u32 s8, $0x1  }
0x8: {  	s3 =	sadd.s32 $0x65600, s4;
	s29 =	sadd.s32 s7, s4;
	s30 =	ssub.s32 s8, s9  }
0x9: {  	s31 =	sadd.s32 s10, s29;
	s9 =	simm.s32 $0x2;
	s10 =	simm.s32 $0x2710  }
0xa: {  	s28 =	sadd.s32 s6, s4;
	s6 =	smax.u32 s30, $0x1;
	s7 =	sadd.s32 $0xB61E00, s31  }
0xb: {  	s8 =	sadd.s32 $0x7DE00, s31;
	s4 =	sadd.s32 $0x12000, s28;
	s5 =	sadd.s32 $0x1BE00, s28  }
.LBB2_1:
0xc: {  	[tilespmem:s2], [sflag:$0x2] =	stream.linear.gather [hbm4b:s4+s2], $0x2710, $0x38;
	[tilespmem:$0x6720] =	vst v63  }
0xd: {  	_ =	swait.ge [sflag:s9], $0x2710  }
0xe: {  	[sflag:s9] =	ssyncset.done $0x0  }
0xf: {  	[sflag:s9] =	ssyncadd.s32 $0xFFFFD8F0  }
0x10: {  	[tilespmem:s10], [sflag:$0x2] =	stream.linear.gather [hbm4b:s5+s2], $0x2710, $0x38;
	[tilespmem:$0x6720] =	vst v63  }
0x11: {  	_ =	swait.ge [sflag:s9], $0x2710  }
0x12: {  	[sflag:s9] =	ssyncset.done $0x0  }
0x13: {  	s15 =	simm.s32 $0x0;
	[sflag:s9] =	ssyncadd.s32 $0xFFFFD8F0  }
0x14: {  	[tilespmem:s12], [sflag:$0x1] =	stream.indirect.gather [hbm4b:s3+s11], $0x50, s15, s11, $0xb8;
	[tilespmem:$0x6720] =	vst v63  }
0x15: {  	_ =	swait.ge [sflag:s13], $0x1900  }
0x16: {  	[sflag:s13] =	ssyncset.done $0x0  }
0x17: {  	[sflag:s13] =	ssyncadd.s32 $0xFFFFE700  }
0x18: {  	[hbm4b:s7+s2] =	stream.linear.scatter [tilespmem:s12], [sflag:$0x2], $0x1900, $0x38;
	[tilespmem:$0x6720] =	vst v63  }
0x19: {  	_ =	swait.ge [sflag:s9], $0x1900  }
0x1a: {  	[sflag:s9] =	ssyncset.done $0x0  }
0x1b: {  	s31 =	simm.s32 $0x2710;
	[sflag:s9] =	ssyncadd.s32 $0xFFFFE700  }
0x1c: {  	[tilespmem:s12], [sflag:$0x1] =	stream.indirect.gather [hbm4b:s3+s11], $0x50, s31, s11, $0xb8;
	[tilespmem:$0x6720] =	vst v63  }
0x1d: {  	_ =	swait.ge [sflag:s13], $0x1900  }
0x1e: {  	[sflag:s13] =	ssyncset.done $0x0  }
0x1f: {  	[sflag:s13] =	ssyncadd.s32 $0xFFFFE700  }
0x20: {  	[hbm4b:s8+s2] =	stream.linear.scatter [tilespmem:s12], [sflag:$0x2], $0x1900, $0x38;
	[tilespmem:$0x6720] =	vst v63  }
0x21: {  	s17 =	simm.s32 $0x140;
	s18 =	simm.s32 $0x280;
	_ =	swait.ge [sflag:s9], $0x1900  }
0x22: {  	s16 =	sadd.s32 $0x320, s7;
	s15 =	sadd.s32 $0x320, s8;
	[sflag:s9] =	ssyncset.done $0x0  }
.LBB2_2:
0x23: {  	s19 =	sshra.s32 s17, $0x2  }
0x24: {  	[sflag:s9] =	ssyncadd.s32 $0xFFFFE700;
	s17 =	smov.u32 s18;
	s20 =	sadd.s32 $0x140, s18  }
0x25: {  	[tilespmem:s12], [sflag:$0x1] =	stream.indirect.gather [hbm4b:s3+s11], $0x50, s19, s11, $0xb8;
	[tilespmem:$0x6720] =	vst v63  }
0x26: {  	p0 =	sne.s32 s18, $0x9B00;
	_ =	swait.ge [sflag:s13], $0x1900  }
0x27: {  	[sflag:s13] =	ssyncset.done $0x0  }
0x28: {  	[sflag:s13] =	ssyncadd.s32 $0xFFFFE700  }
0x29: {  	[hbm4b:s16+s2] =	stream.linear.scatter [tilespmem:s12], [sflag:$0x2], $0x1900, $0x38;
	[tilespmem:$0x6720] =	vst v63  }
0x2a: {  	_ =	swait.ge [sflag:s9], $0x1900  }
0x2b: {  	[sflag:s9] =	ssyncset.done $0x0  }
0x2c: {  	s18 =	sadd.s32 $0x2710, s19;
	[sflag:s9] =	ssyncadd.s32 $0xFFFFE700  }
0x2d: {  	[tilespmem:s12], [sflag:$0x1] =	stream.indirect.gather [hbm4b:s3+s11], $0x50, s18, s11, $0xb8;
	[tilespmem:$0x6720] =	vst v63  }
0x2e: {  	_ =	swait.ge [sflag:s13], $0x1900  }
.Ltmp0:
0x2f: {  	[sflag:s13] =	ssyncset.done $0x0;
	(pc) =	sbr.rel @p0 .LBB2_2-.Ltmp0, $4  }
0x30: {  	[sflag:s13] =	ssyncadd.s32 $0xFFFFE700  }
0x31: {  	[hbm4b:s15+s2] =	stream.linear.scatter [tilespmem:s12], [sflag:$0x2], $0x1900, $0x38;
	[tilespmem:$0x6720] =	vst v63  }
0x32: {  	s16 =	sadd.s32 $0x320, s16;
	_ =	swait.ge [sflag:s9], $0x1900  }
0x33: {  	s18 =	smov.u32 s20;
	s15 =	sadd.s32 $0x320, s15;
	[sflag:s9] =	ssyncset.done $0x0  }
0x34: {  	s17 =	sshra.s32 s17, $0x2;
	[sflag:s9] =	ssyncadd.s32 $0xFFFFE700  }
0x35: {  	[tilespmem:s12], [sflag:$0x1] =	stream.indirect.gather [hbm4b:s3+s11], $0x50, s17, s11, $0xb8;
	[tilespmem:$0x6720] =	vst v63  }
0x36: {  	_ =	swait.ge [sflag:s13], $0x1900  }
0x37: {  	[sflag:s13] =	ssyncset.done $0x0  }
0x38: {  	[sflag:s13] =	ssyncadd.s32 $0xFFFFE700  }
0x39: {  	[hbm4b:s16+s2] =	stream.linear.scatter [tilespmem:s12], [sflag:$0x2], $0x1900, $0x38;
	[tilespmem:$0x6720] =	vst v63  }
0x3a: {  	_ =	swait.ge [sflag:s9], $0x1900  }
0x3b: {  	[sflag:s9] =	ssyncset.done $0x0  }
0x3c: {  	s31 =	sadd.s32 $0x2710, s17;
	[sflag:s9] =	ssyncadd.s32 $0xFFFFE700  }
0x3d: {  	[tilespmem:s12], [sflag:$0x1] =	stream.indirect.gather [hbm4b:s3+s11], $0x50, s31, s11, $0xb8;
	[tilespmem:$0x6720] =	vst v63  }
0x3e: {  	s14 =	sadd.s32 $0x1, s14;
	_ =	swait.ge [sflag:s13], $0x1900  }
0x3f: {  	p0 =	sne.s32 s14, s6;
	[sflag:s13] =	ssyncset.done $0x0  }
.Ltmp1:
0x40: {  	[sflag:s13] =	ssyncadd.s32 $0xFFFFE700;
	(pc) =	sbr.rel @p0 .LBB2_1-.Ltmp1, $4  }
0x41: {  	[hbm4b:s15+s2] =	stream.linear.scatter [tilespmem:s12], [sflag:$0x2], $0x1900, $0x38;
	[tilespmem:$0x6720] =	vst v63  }
0x42: {  	_ =	swait.ge [sflag:s9], $0x1900  }
0x43: {  	[sflag:s9] =	ssyncset.done $0x0  }
0x44: {  	[sflag:s9] =	ssyncadd.s32 $0xFFFFE700  }
0x45: {  	_ =	sfence.sel $0x180000  }
0x46: {  	[bflag:$0x0] =	sbarrier.arrive $0xFFFF  }
0x47: {  	p0 =	sne.s32 s0, $0x0;
	_ =	strace $0x90000059  }
0x48: {  	s0 =	sadd.s32 @!p0 $0x100000, s1;
	[bflag:$0x2] =	sbarrier.arrive $0xFFFF  }
0x49: {  	[sflag:s0] =	ssyncadd.tile.s32 @!p0 $0x1;
	_ =	shalt  }
.Lfunc_end2:
_tile_overlayer_lowered:
.L_overlay_start_2:
0x4a: {  	(tag) =	ssettag $0x2  }
0x4b: {  	s0 =	rddreg [dreg:$0x0];
	s2 =	stileid.u32  }
0x4c: {  	s1 =	rddreg [dreg:$0x1];
	p0 =	sne.s32 s2, $0x0  }
0x4d: {  	s3 =	rddreg [dreg:$0x2];
	[bflag:$0x3] =	sbarrier.arrive $0xFFFF;
	s2 =	simm.s32 @!p0 $0x1C02  }
0x4e: {  	[timem:s3], [sflag:s2] =	dma.local @!p0 [hbm:s0], s1  }
0x4f: {  	s0 =	simm.s32 @!p0 $0x2  }
0x50: {  	_ =	swait.ge @!p0 [sflag:s0], s1  }
0x51: {  	s1 =	ssub.s32 @!p0 $0x0, s1;
	[sflag:s0] =	ssyncset.done @!p0 $0x0  }
0x52: {  	[sflag:s0] =	ssyncadd.s32 @!p0 s1  }
0x53: {  	[bflag:$0x3] =	sbarrier.arrive $0xFFFF  }
0x54: {  	_ =	shalt  }

// kernel: kernel.48.cloned.1.call-start
scs
__scs_entry_jumppad:
0x0: {  	(pc) =	sbr.rel $0x88, $3  }
0x1: {  	(tag) =	ssettag $0x0;
	lr =	simm.s32 $0x1  }
0x2: {  	[smem:$0x3F4E] =	sst lr;
	_ =	strace $0xD0000000  }
0x3: {  	_ = 	snop  }
0x4: {  	_ = 	snop  }
0x5: {  	_ = 	snop  }
0x6: {  	_ = 	snop  }
0x7: {  	_ = 	snop  }
__scs_overlays_trampoline_lowered:
0x8: {  	[smem:$0x3F5D] =	sst s0  }
0x9: {  	[smem:$0x3F5E] =	sst s1  }
0xa: {  	[smem:$0x3F5F] =	sst s2  }
0xb: {  	[smem:$0x3F60] =	sst s3  }
0xc: {  	[smem:$0x3F61] =	sst s4  }
0xd: {  	[smem:$0x3F62] =	sst s5  }
0xe: {  	[smem:$0x3F63] =	sst s6  }
0xf: {  	[smem:$0x3F64] =	sst s7  }
0x10: {  	[smem:$0x3F65] =	sst s8  }
0x11: {  	[smem:$0x3F66] =	sst s9;
	s0 =	simm.s32 @!p0 $0x0  }
0x12: {  	s1 =	sld [smem:$0x3F4C];
	s0 =	simm.s32 @p0 $0x1  }
0x13: {  	[smem:$0x3F67] =	sst s0;
	s0 =	simm.s32 @!p1 $0x0  }
0x14: {  	s2 =	sld [smem:$0x3F4B];
	s0 =	simm.s32 @p1 $0x1  }
0x15: {  	[smem:$0x3F68] =	sst s0;
	s0 =	simm.s32 @!p2 $0x0  }
0x16: {  	s3 =	sld [smem:$0x3FDB];
	s0 =	simm.s32 @p2 $0x1  }
0x17: {  	s4 =	simm.s32 $0x1BF5;
	[smem:$0x3F6A] =	sst s0  }
0x18: {  	s0 =	sld [smem:$0x3F4D];
	_ =	swait.ge [sflag:s4], $0x0  }
0x19: {  	s7 =	sld [smem:$0x3F4E]  }
0x1a: {  	s8 =	sadd.s32 $0xFFFFE003, lr  }
0x1b: {  	s9 =	sadd.s32 $0xFFFFFEF7, lr;
	s5 =	simm.s32 $0xFFFFFFFF;
	p2 =	slt.u32 s8, $0xFFFFF086  }
0x1c: {  	p1 =	slt.u32 s9, $0xF7A;
	s5 =	simm.s32 @!p2 $0x0  }
0x1d: {  	s5 =	simm.s32 @p1 $0x1;
	p0 =	seq.s32 s7, s2  }
0x1e: {  	s7 =	smul.u32 @!p0 $0xF7A, s2;
	p2 =	seq.s32 @!p0 s5, $0x0  }
0x1f: {  	s9 =	smul.u32 $0xF7A, s1;
	s8 =	simm.s32 @!p0 $0x1BF5;
	p2 =	por !p2, p0  }
0x20: {  	[sflag:s8] =	ssyncset.s32 @!p0 $0xFFFFF086;
	s6 =	sadd.s32 @!p0 s3, s7;
	s7 =	simm.s32 @!p0 $0x108  }
0x21: {  	s3 =	sadd.s32 s3, s9;
	s6 =	sadd.s32 @!p0 $0x88, s6;
	s7 =	simm.s32 @p2 $0x1082  }
0x22: {  	[simem:s7], [sflag:s8] =	dma.local @!p0 [hbm:s6], $0xF7A  }
0x23: {  	s9 =	sor.u32 $0xD0000000, s2;
	s6 =	simm.s32 $0x108;
	_ =	swait.ge @!p0 [sflag:s8], $0x0  }
0x24: {  	s3 =	sadd.s32 $0x88, s3;
	s6 =	simm.s32 @!p1 $0x1082;
	[sflag:s4] =	ssyncset.s32 $0xFFFFF086  }
0x25: {  	[simem:s6], [sflag:s4] =	dma.local [hbm:s3], $0xF7A  }
0x26: {  	[smem:$0x3F4E] =	sst s1;
	(tag) =	ssettag s2;
	_ =	strace s9  }
0x27: {  	s1 =	sld [smem:$0x3F5E]  }
0x28: {  	s2 =	sld [smem:$0x3F5F]  }
0x29: {  	s4 =	sld [smem:$0x3F61]  }
0x2a: {  	p0 =	seq.s32 s5, $0x0;
	s5 =	sld [smem:$0x3F62]  }
0x2b: {  	s6 =	sld [smem:$0x3F63]  }
0x2c: {  	s7 =	sld [smem:$0x3F64]  }
0x2d: {  	s3 =	simm.s32 $0x108;
	s8 =	sld [smem:$0x3F65]  }
0x2e: {  	s3 =	simm.s32 @!p0 $0x1082;
	s9 =	sld [smem:$0x3F66]  }
0x2f: {  	lr =	sadd.s32 s0, s3;
	s0 =	sld [smem:$0x3F5D]  }
0x30: {  	s3 =	sld [smem:$0x3F60]  }
0x31: {  	[smem:$0x3F69] =	sst s10  }
0x32: {  	s10 =	sld [smem:$0x3F67];
	_ =	sdelay $0x3  }
0x33: {  	p0 =	seq.s32 s10, $0x1;
	s10 =	sld [smem:$0x3F69];
	_ =	sdelay $0x3  }
0x34: {  	[smem:$0x3F69] =	sst s10  }
0x35: {  	s10 =	sld [smem:$0x3F68];
	_ =	sdelay $0x3  }
0x36: {  	p1 =	seq.s32 s10, $0x1;
	s10 =	sld [smem:$0x3F69];
	_ =	sdelay $0x3  }
0x37: {  	[smem:$0x3F69] =	sst s10  }
0x38: {  	s10 =	sld [smem:$0x3F6A]  }
0x39: {  	_ = 	snop;
	(pc) =	sbr.ind lr, $3  }
0x3a: {  	_ = 	snop  }
0x3b: {  	_ = 	snop  }
0x3c: {  	p2 =	seq.s32 s10, $0x1;
	s10 =	sld [smem:$0x3F69]  }
0x3d: {  	_ =	shalt  }
0x3e: {  	_ =	shalt  }
0x3f: {  	_ =	shalt  }
0x40: {  	_ =	shalt  }
0x41: {  	_ =	shalt  }
0x42: {  	_ =	shalt  }
0x43: {  	_ =	shalt  }
0x44: {  	_ =	shalt  }
0x45: {  	_ =	shalt  }
0x46: {  	_ =	shalt  }
0x47: {  	_ =	shalt  }
0x48: {  	_ =	shalt  }
0x49: {  	_ =	shalt  }
0x4a: {  	_ =	shalt  }
0x4b: {  	_ =	shalt  }
0x4c: {  	_ =	shalt  }
0x4d: {  	_ =	shalt  }
0x4e: {  	_ =	shalt  }
0x4f: {  	_ =	shalt  }
0x50: {  	_ =	shalt  }
0x51: {  	_ =	shalt  }
0x52: {  	_ =	shalt  }
0x53: {  	_ =	shalt  }
0x54: {  	_ =	shalt  }
0x55: {  	_ =	shalt  }
0x56: {  	_ =	shalt  }
0x57: {  	_ =	shalt  }
0x58: {  	_ =	shalt  }
0x59: {  	_ =	shalt  }
0x5a: {  	_ =	shalt  }
0x5b: {  	_ =	shalt  }
0x5c: {  	_ =	shalt  }
0x5d: {  	_ =	shalt  }
0x5e: {  	_ =	shalt  }
0x5f: {  	_ =	shalt  }
0x60: {  	_ =	shalt  }
0x61: {  	_ =	shalt  }
0x62: {  	_ =	shalt  }
0x63: {  	_ =	shalt  }
0x64: {  	_ =	shalt  }
0x65: {  	_ =	shalt  }
0x66: {  	_ =	shalt  }
0x67: {  	_ =	shalt  }
0x68: {  	_ =	shalt  }
0x69: {  	_ =	shalt  }
0x6a: {  	_ =	shalt  }
0x6b: {  	_ =	shalt  }
0x6c: {  	_ =	shalt  }
0x6d: {  	_ =	shalt  }
0x6e: {  	_ =	shalt  }
0x6f: {  	_ =	shalt  }
0x70: {  	_ =	shalt  }
0x71: {  	_ =	shalt  }
0x72: {  	_ =	shalt  }
0x73: {  	_ =	shalt  }
0x74: {  	_ =	shalt  }
0x75: {  	_ =	shalt  }
0x76: {  	_ =	shalt  }
0x77: {  	_ =	shalt  }
0x78: {  	_ =	shalt  }
0x79: {  	_ =	shalt  }
0x7a: {  	_ =	shalt  }
0x7b: {  	_ =	shalt  }
0x7c: {  	_ =	shalt  }
0x7d: {  	_ =	shalt  }
0x7e: {  	_ =	shalt  }
0x7f: {  	_ =	shalt  }
0x80: {  	_ =	shalt  }
0x81: {  	_ =	shalt  }
0x82: {  	_ =	shalt  }
0x83: {  	_ =	shalt  }
0x84: {  	_ =	shalt  }
0x85: {  	_ =	shalt  }
0x86: {  	_ =	shalt  }
0x87: {  	_ =	shalt  }
.Lfunc_end0:
.L_simem_size_0:
called_computation.7_lowered:
.L_overlay_start_0:
0x88: {  	s2 =	sld [smem:$0x3FD9]  }
0x89: {  	s3 =	sld [smem:$0x3FFE];
	_ =	sdelay $0x1  }
0x8a: {  	s1 =	srdreg.scid  }
0x8b: {  	s0 =	sand.u32 $0x1, s1  }
0x8c: {  	s16 =	sshll.u32 s0, $0xA;
	s2 =	sadd.s32 s3, s2  }
0x8d: {  	s2 =	sadd.s32 s2, s16  }
0x8e: {  	[smem:$0x3F75] =	sst s2  }
0x8f: {  	_ = 	snop  }
0x90: {  	(tm) =	ssettm $0x1  }
0x91: {  	s17 =	sld [smem:$0x3FFB];
	_ =	sdelay $0x3  }
0x92: {  	_ =	strace s17  }
0x93: {  	s2 =	sld [smem:$0x3FFC];
	_ =	sdelay $0x3  }
0x94: {  	_ =	strace s2  }
0x95: {  	s2 =	sld [smem:$0x3FFD];
	_ =	sdelay $0x3  }
0x96: {  	_ =	strace s2  }
0x97: {  	_ =	strace $0x8FFFFFFF  }
0x98: {  	s18 =	sld [smem:$0x3FDB];
	_ =	sdelay $0x1  }
0x99: {  	s19 =	simm.s32 $_scs_section_size  }
0x9a: {  	s4 =	simm.s32 $_size__tile_overlayer_lowered;
	s5 =	simm.s32 $_tile_overlayer_lowered  }
0x9b: {  	s22 =	simm.s32 $0x1BFF;
	s21 =	sshll.u32 s5, $0x1;
	s2 =	sadd.s32 s19, s18  }
0x9c: {  	s6 =	simm.s32 $0x0;
	s20 =	sshll.u32 s4, $0x1;
	s4 =	sadd.s32 s21, s2  }
0x9d: {  	[timem:s6], [sflag:s22] =	dma.local [hbm:s4], s20  }
0x9e: {  	_ =	swait.ge [sflag:s22], s20  }
0x9f: {  	s3 =	ssub.s32 $0x0, s20;
	[sflag:s22] =	ssyncset.done $0x0  }
0xa0: {  	[sflag:s22] =	ssyncadd.s32 s3;
	_ =	sdelay $0x1  }
0xa1: {  	s23 =	simm.s32 $0x1B8B  }
0xa2: {  	_ =	swait.ge [sflag:s23], $0x1  }
0xa3: {  	[sflag:s23] =	ssyncset.done $0x0  }
0xa4: {  	s25 =	simm.s32 $0x1B8E;
	s24 =	sld [smem:$0x3FFE];
	[sflag:s23] =	ssyncadd.s32 $0xFFFFFFFF  }
0xa5: {  	s26 =	simm.s32 $execute0_lowered;
	[smem:$0x3FD2] =	sst s25  }
0xa6: {  	s4 =	sshll.u32 s26, $0x1;
	_ =	strace $0x8000005B;
	[dreg:$0x1] =	wrdreg $0xFFFFFFFF  }
0xa7: {  	s28 =	simm.s32 $_size_execute0_lowered;
	s2 =	sadd.s32 s2, s4;
	[dreg:$0x0] =	wrdreg $0x0  }
0xa8: {  	s4 =	sshll.u32 s28, $0x1;
	[dreg:$0x2] =	wrdreg s2  }
0xa9: {  	[dreg:$0x3] =	wrdreg s4  }
0xaa: {  	[dreg:$0x4] =	wrdreg $0xC0  }
0xab: {  	_ =	task [dreg:s6], $0x5FFFF  }
0xac: {  	[dreg:$0x1] =	wrdreg $0xFFFFFFFF  }
0xad: {  	[dreg:$0x0] =	wrdreg $0x60  }
0xae: {  	[dreg:$0x2] =	wrdreg s24  }
0xaf: {  	[dreg:$0x3] =	wrdreg $0x40100  }
0xb0: {  	[dreg:$0x4] =	wrdreg $0x9  }
0xb1: {  	_ =	task.clear_ibuf [dreg:s6], $0x5FFFF;
	_ =	strace $0x9000005B  }
0xb2: {  	s29 =	simm.s32 $0x9;
	_ =	strace $0x8000005D  }
0xb3: {  	_ =	swait.ge [sflag:s29], $0x1  }
0xb4: {  	[sflag:s29] =	ssyncadd.s32 $0xFFFFFFFF  }
0xb5: {  	_ =	strace $0x9000005D  }
0xb6: {  	_ =	sfence  }
0xb7: {  	s30 =	sld [smem:$0x0];
	_ =	sdelay $0x2  }
0xb8: {  	s31 =	sshll.u32 s1, $0xD;
	s1 =	sshrl.u32 s1, $0x2  }
0xb9: {  	s3 =	sand.u32 $0x4000, s31;
	s1 =	sadd.s32 s1, s30  }
0xba: {  	s0 =	sor.u32 s3, s0;
	s1 =	sshll.u32 s1, $0x11  }
0xbb: {  	s0 =	sor.u32 s1, s0  }
0xbc: {  	s0 =	sadd.s32 $0x8F2B, s0  }
0xbd: {  	[sflag:s0] =	ssyncadd.remote.s32 $0x1  }
0xbe: {  	_ =	sfence.sel $0xFFFF  }
0xbf: {  	[dreg:$0x0] =	wrdreg $0xFFFFFFFF;
	(pc) =	sbr.abs _section_cstart, $3  }
0xc0: {  	[dreg:$0x1] =	wrdreg $0xFFFFFFFF  }
0xc1: {  	_ =	task.clear_ibuf [dreg:s6], $0x2FFFF;
	_ =	strace $0x9FFFFFFF  }
0xc2: {  	(tm) =	ssettm $0x7FFFFFFF  }
0xc3: {  	_ =	shalt  }
tec
execute0_lowered:
.L_overlay_start_1:
0x0: {  	(tag) =	ssettag $0x1  }
0x1: {  	s6 =	rddreg [dreg:$0x0]  }
0x2: {  	s2 =	rddreg [dreg:$0x1]  }
0x3: {  	s0 =	rddreg [dreg:$0x2];
	s3 =	simm.s32 $0x0;
	s1 =	stileid.u32  }
0x4: {  	s4 =	srdreg.scid;
	s17 =	simm.s32 $0x0;
	s5 =	smul.u32 $0x30D40, s1  }
0x5: {  	s7 =	sand.u32 $0x1, s4;
	s24 =	sshll.u32 s1, $0x1;
	[smem:$0x7FF] =	sst s3  }
0x6: {  	s8 =	smul.u32 $0xC300, s1;
	s12 =	sadd.s32 $0x372A00, s6;
	s29 =	sshll.u32 s1, $0x6  }
0x7: {  	s15 =	sadd.s32 $0xC3000, s2;
	p0 =	sne.s32 s1, $0xF;
	s30 =	smul.u32 $0xC3500, s7  }
0x8: {  	s4 =	sor.u32 s7, s24;
	_ =	strace $0x8000005C;
	s16 =	smul.u32 $0x186A0, s7  }
0x9: {  	s9 =	ssub.s32 $0x2, s7;
	s4 =	smul.u32 $0x4E2, s4;
	s10 =	sadd.s32 s5, s6  }
0xa: {  	s25 =	sshrl.u32 s8, $0x3;
	s28 =	sshrl.u32 s9, $0x1;
	s14 =	sadd.s32 s8, s2  }
0xb: {  	s5 =	sor.u32 $0x1C01, s29;
	s26 =	sadd.s32 s25, s6;
	s13 =	ssub.s32 s9, s28  }
0xc: {  	s8 =	sadd.s32 s8, s30;
	s9 =	sshrl.u32 s30, $0x3;
	s31 =	sadd.s32 s16, s10  }
0xd: {  	s16 =	simm.s32 $0x50;
	s11 =	sadd.s32 s4, s6;
	s4 =	sadd.s32 $0x4CE00, s26  }
0xe: {  	s6 =	sadd.s32 $0x65400, s6;
	s8 =	sshrl.u32 s8, $0x3;
	s9 =	sadd.s32 s12, s9  }
0xf: {  	s10 =	smax.u32 s13, $0x1;
	s13 =	simm.s32 $0x1;
	s7 =	sadd.s32 $0x1BE00, s11  }
0x10: {  	s8 =	sadd.s32 s12, s8;
	s9 =	sadd.s32 $0x18600, s9;
	s11 =	sadd.s32 $0x65600, s31  }
0x11: {  	s12 =	sshrl.u32 s14, $0x3;
	s14 =	sshrl.u32 @!p0 s15, $0x3;
	s15 =	simm.s32 $0x2710  }
.LBB2_1:
0x12: {  	[spmem:s12], [sflag:s5] =	dma.local [hbm:s4], $0x1860  }
0x13: {  	_ =	swait.ge [sflag:s13], $0x1860  }
0x14: {  	[sflag:s13] =	ssyncset.done $0x0  }
0x15: {  	s18 =	simm.s32 @!p0 $0x1;
	[sflag:s13] =	ssyncadd.s32 $0xFFFFE7A0  }
0x16: {  	[spmem:s14], [sflag:s5] =	dma.local @!p0 [hbm:s6], $0xA0  }
0x17: {  	_ =	swait.ge @!p0 [sflag:s18], $0xA0  }
0x18: {  	[sflag:s18] =	ssyncset.done @!p0 $0x0  }
0x19: {  	[sflag:s18] =	ssyncadd.s32 @!p0 $0xFFFFFF60  }
0x1a: {  	[tilespmem:s3], [sflag:$0x1] =	stream.linear.gather [hbm4b:s7+s3], $0x2710, $0x38;
	[tilespmem:$0x10360] =	vst v63  }
0x1b: {  	_ =	swait.ge [sflag:s13], $0x2710  }
0x1c: {  	[sflag:s13] =	ssyncset.done $0x0  }
0x1d: {  	[sflag:s13] =	ssyncadd.s32 $0xFFFFD8F0  }
0x1e: {  	[bflag:$0x0] =	sbarrier.arrive $0xFFFF  }
0x1f: {  	[tilespmem:s15], [sflag:$0x1] =	stream.linear.gather [hbm4b:s11+s3], $0x1900, $0x38;
	[tilespmem:$0x10360] =	vst v63  }
0x20: {  	_ =	swait.ge [sflag:s13], $0x1900  }
0x21: {  	[sflag:s13] =	ssyncset.done $0x0  }
0x22: {  	s31 =	simm.s32 $0x0;
	[sflag:s13] =	ssyncadd.s32 $0xFFFFE700  }
0x23: {  	[spmem:s2] =	stream.indirect.scatter.add.f32 [tilespmem:s15], [sflag:$0x1], $0x50, s31, s16, $0xb8;
	[tilespmem:$0x10360] =	vst v63  }
0x24: {  	_ =	swait.ge [sflag:s13], $0x1900  }
0x25: {  	s19 =	smov.u32 s11;
	s18 =	simm.s32 $0x140;
	[sflag:s13] =	ssyncset.done $0x0  }
.LBB2_2:
0x26: {  	p1 =	sne.s32 s18, $0x9B00;
	[sflag:s13] =	ssyncadd.s32 $0xFFFFE700;
	s19 =	sadd.s32 $0x320, s19  }
0x27: {  	[tilespmem:s15], [sflag:$0x1] =	stream.linear.gather [hbm4b:s19+s3], $0x1900, $0x38;
	[tilespmem:$0x10360] =	vst v63  }
0x28: {  	s20 =	smov.u32 s18;
	s18 =	sadd.s32 $0x140, s18;
	_ =	swait.ge [sflag:s13], $0x1900  }
.Ltmp0:
0x29: {  	[sflag:s13] =	ssyncset.done $0x0;
	(pc) =	sbr.rel @p1 .LBB2_2-.Ltmp0, $4  }
0x2a: {  	s20 =	sshra.s32 s20, $0x2;
	[sflag:s13] =	ssyncadd.s32 $0xFFFFE700  }
0x2b: {  	[spmem:s2] =	stream.indirect.scatter.add.f32 [tilespmem:s15], [sflag:$0x1], $0x50, s20, s16, $0xb8;
	[tilespmem:$0x10360] =	vst v63  }
0x2c: {  	_ =	swait.ge [sflag:s13], $0x1900  }
0x2d: {  	[sflag:s13] =	ssyncset.done $0x0  }
0x2e: {  	[sflag:s13] =	ssyncadd.s32 $0xFFFFE700  }
0x2f: {  	[bflag:$0x0] =	sbarrier.arrive $0xFFFF  }
0x30: {  	[hbm:s8], [sflag:s5] =	dma.local [spmem:s12], $0x1860  }
0x31: {  	s17 =	sadd.s32 $0x1, s17;
	_ =	swait.ge [sflag:s13], $0x1860  }
0x32: {  	p1 =	sne.s32 s17, s10;
	[sflag:s13] =	ssyncset.done $0x0  }
.Ltmp1:
0x33: {  	s18 =	simm.s32 @!p0 $0x1;
	[sflag:s13] =	ssyncadd.s32 $0xFFFFE7A0;
	(pc) =	sbr.rel @p1 .LBB2_1-.Ltmp1, $4  }
0x34: {  	[hbm:s9], [sflag:s5] =	dma.local @!p0 [spmem:s14], $0xA0  }
0x35: {  	_ =	swait.ge @!p0 [sflag:s18], $0xA0  }
0x36: {  	[sflag:s18] =	ssyncset.done @!p0 $0x0  }
0x37: {  	[sflag:s18] =	ssyncadd.s32 @!p0 $0xFFFFFF60  }
0x38: {  	_ =	sfence.sel $0x180000  }
0x39: {  	[bflag:$0x0] =	sbarrier.arrive $0xFFFF  }
0x3a: {  	p0 =	sne.s32 s1, $0x0;
	_ =	strace $0x9000005C  }
0x3b: {  	s0 =	sadd.s32 @!p0 $0x100000, s0;
	[bflag:$0x2] =	sbarrier.arrive $0xFFFF  }
0x3c: {  	[sflag:s0] =	ssyncadd.tile.s32 @!p0 $0x1;
	_ =	shalt  }
.Lfunc_end2:
_tile_overlayer_lowered:
.L_overlay_start_2:
0x3d: {  	(tag) =	ssettag $0x2  }
0x3e: {  	s0 =	rddreg [dreg:$0x0];
	s2 =	stileid.u32  }
0x3f: {  	s1 =	rddreg [dreg:$0x1];
	p0 =	sne.s32 s2, $0x0  }
0x40: {  	s3 =	rddreg [dreg:$0x2];
	[bflag:$0x3] =	sbarrier.arrive $0xFFFF;
	s2 =	simm.s32 @!p0 $0x1C01  }
0x41: {  	[timem:s3], [sflag:s2] =	dma.local @!p0 [hbm:s0], s1  }
0x42: {  	s0 =	simm.s32 @!p0 $0x1  }
0x43: {  	_ =	swait.ge @!p0 [sflag:s0], s1  }
0x44: {  	s1 =	ssub.s32 @!p0 $0x0, s1;
	[sflag:s0] =	ssyncset.done @!p0 $0x0  }
0x45: {  	[sflag:s0] =	ssyncadd.s32 @!p0 s1  }
0x46: {  	[bflag:$0x3] =	sbarrier.arrive $0xFFFF  }
0x47: {  	_ =	shalt  }

// kernel: kernel.51.cloned.1.call-start
scs
__scs_entry_jumppad:
0x0: {  	(pc) =	sbr.rel $0x88, $3  }
0x1: {  	(tag) =	ssettag $0x0;
	lr =	simm.s32 $0x1  }
0x2: {  	[smem:$0x3F4E] =	sst lr;
	_ =	strace $0xD0000000  }
0x3: {  	_ = 	snop  }
0x4: {  	_ = 	snop  }
0x5: {  	_ = 	snop  }
0x6: {  	_ = 	snop  }
0x7: {  	_ = 	snop  }
__scs_overlays_trampoline_lowered:
0x8: {  	[smem:$0x3F5D] =	sst s0  }
0x9: {  	[smem:$0x3F5E] =	sst s1  }
0xa: {  	[smem:$0x3F5F] =	sst s2  }
0xb: {  	[smem:$0x3F60] =	sst s3  }
0xc: {  	[smem:$0x3F61] =	sst s4  }
0xd: {  	[smem:$0x3F62] =	sst s5  }
0xe: {  	[smem:$0x3F63] =	sst s6  }
0xf: {  	[smem:$0x3F64] =	sst s7  }
0x10: {  	[smem:$0x3F65] =	sst s8  }
0x11: {  	[smem:$0x3F66] =	sst s9;
	s0 =	simm.s32 @!p0 $0x0  }
0x12: {  	s1 =	sld [smem:$0x3F4C];
	s0 =	simm.s32 @p0 $0x1  }
0x13: {  	[smem:$0x3F67] =	sst s0;
	s0 =	simm.s32 @!p1 $0x0  }
0x14: {  	s2 =	sld [smem:$0x3F4B];
	s0 =	simm.s32 @p1 $0x1  }
0x15: {  	[smem:$0x3F68] =	sst s0;
	s0 =	simm.s32 @!p2 $0x0  }
0x16: {  	s3 =	sld [smem:$0x3FDB];
	s0 =	simm.s32 @p2 $0x1  }
0x17: {  	s4 =	simm.s32 $0x1BF5;
	[smem:$0x3F6A] =	sst s0  }
0x18: {  	s0 =	sld [smem:$0x3F4D];
	_ =	swait.ge [sflag:s4], $0x0  }
0x19: {  	s7 =	sld [smem:$0x3F4E]  }
0x1a: {  	s8 =	sadd.s32 $0xFFFFE003, lr  }
0x1b: {  	s9 =	sadd.s32 $0xFFFFFEF7, lr;
	s5 =	simm.s32 $0xFFFFFFFF;
	p2 =	slt.u32 s8, $0xFFFFF086  }
0x1c: {  	p1 =	slt.u32 s9, $0xF7A;
	s5 =	simm.s32 @!p2 $0x0  }
0x1d: {  	s5 =	simm.s32 @p1 $0x1;
	p0 =	seq.s32 s7, s2  }
0x1e: {  	s7 =	smul.u32 @!p0 $0xF7A, s2;
	p2 =	seq.s32 @!p0 s5, $0x0  }
0x1f: {  	s9 =	smul.u32 $0xF7A, s1;
	s8 =	simm.s32 @!p0 $0x1BF5;
	p2 =	por !p2, p0  }
0x20: {  	[sflag:s8] =	ssyncset.s32 @!p0 $0xFFFFF086;
	s6 =	sadd.s32 @!p0 s3, s7;
	s7 =	simm.s32 @!p0 $0x108  }
0x21: {  	s3 =	sadd.s32 s3, s9;
	s6 =	sadd.s32 @!p0 $0x88, s6;
	s7 =	simm.s32 @p2 $0x1082  }
0x22: {  	[simem:s7], [sflag:s8] =	dma.local @!p0 [hbm:s6], $0xF7A  }
0x23: {  	s9 =	sor.u32 $0xD0000000, s2;
	s6 =	simm.s32 $0x108;
	_ =	swait.ge @!p0 [sflag:s8], $0x0  }
0x24: {  	s3 =	sadd.s32 $0x88, s3;
	s6 =	simm.s32 @!p1 $0x1082;
	[sflag:s4] =	ssyncset.s32 $0xFFFFF086  }
0x25: {  	[simem:s6], [sflag:s4] =	dma.local [hbm:s3], $0xF7A  }
0x26: {  	[smem:$0x3F4E] =	sst s1;
	(tag) =	ssettag s2;
	_ =	strace s9  }
0x27: {  	s1 =	sld [smem:$0x3F5E]  }
0x28: {  	s2 =	sld [smem:$0x3F5F]  }
0x29: {  	s4 =	sld [smem:$0x3F61]  }
0x2a: {  	p0 =	seq.s32 s5, $0x0;
	s5 =	sld [smem:$0x3F62]  }
0x2b: {  	s6 =	sld [smem:$0x3F63]  }
0x2c: {  	s7 =	sld [smem:$0x3F64]  }
0x2d: {  	s3 =	simm.s32 $0x108;
	s8 =	sld [smem:$0x3F65]  }
0x2e: {  	s3 =	simm.s32 @!p0 $0x1082;
	s9 =	sld [smem:$0x3F66]  }
0x2f: {  	lr =	sadd.s32 s0, s3;
	s0 =	sld [smem:$0x3F5D]  }
0x30: {  	s3 =	sld [smem:$0x3F60]  }
0x31: {  	[smem:$0x3F69] =	sst s10  }
0x32: {  	s10 =	sld [smem:$0x3F67];
	_ =	sdelay $0x3  }
0x33: {  	p0 =	seq.s32 s10, $0x1;
	s10 =	sld [smem:$0x3F69];
	_ =	sdelay $0x3  }
0x34: {  	[smem:$0x3F69] =	sst s10  }
0x35: {  	s10 =	sld [smem:$0x3F68];
	_ =	sdelay $0x3  }
0x36: {  	p1 =	seq.s32 s10, $0x1;
	s10 =	sld [smem:$0x3F69];
	_ =	sdelay $0x3  }
0x37: {  	[smem:$0x3F69] =	sst s10  }
0x38: {  	s10 =	sld [smem:$0x3F6A]  }
0x39: {  	_ = 	snop;
	(pc) =	sbr.ind lr, $3  }
0x3a: {  	_ = 	snop  }
0x3b: {  	_ = 	snop  }
0x3c: {  	p2 =	seq.s32 s10, $0x1;
	s10 =	sld [smem:$0x3F69]  }
0x3d: {  	_ =	shalt  }
0x3e: {  	_ =	shalt  }
0x3f: {  	_ =	shalt  }
0x40: {  	_ =	shalt  }
0x41: {  	_ =	shalt  }
0x42: {  	_ =	shalt  }
0x43: {  	_ =	shalt  }
0x44: {  	_ =	shalt  }
0x45: {  	_ =	shalt  }
0x46: {  	_ =	shalt  }
0x47: {  	_ =	shalt  }
0x48: {  	_ =	shalt  }
0x49: {  	_ =	shalt  }
0x4a: {  	_ =	shalt  }
0x4b: {  	_ =	shalt  }
0x4c: {  	_ =	shalt  }
0x4d: {  	_ =	shalt  }
0x4e: {  	_ =	shalt  }
0x4f: {  	_ =	shalt  }
0x50: {  	_ =	shalt  }
0x51: {  	_ =	shalt  }
0x52: {  	_ =	shalt  }
0x53: {  	_ =	shalt  }
0x54: {  	_ =	shalt  }
0x55: {  	_ =	shalt  }
0x56: {  	_ =	shalt  }
0x57: {  	_ =	shalt  }
0x58: {  	_ =	shalt  }
0x59: {  	_ =	shalt  }
0x5a: {  	_ =	shalt  }
0x5b: {  	_ =	shalt  }
0x5c: {  	_ =	shalt  }
0x5d: {  	_ =	shalt  }
0x5e: {  	_ =	shalt  }
0x5f: {  	_ =	shalt  }
0x60: {  	_ =	shalt  }
0x61: {  	_ =	shalt  }
0x62: {  	_ =	shalt  }
0x63: {  	_ =	shalt  }
0x64: {  	_ =	shalt  }
0x65: {  	_ =	shalt  }
0x66: {  	_ =	shalt  }
0x67: {  	_ =	shalt  }
0x68: {  	_ =	shalt  }
0x69: {  	_ =	shalt  }
0x6a: {  	_ =	shalt  }
0x6b: {  	_ =	shalt  }
0x6c: {  	_ =	shalt  }
0x6d: {  	_ =	shalt  }
0x6e: {  	_ =	shalt  }
0x6f: {  	_ =	shalt  }
0x70: {  	_ =	shalt  }
0x71: {  	_ =	shalt  }
0x72: {  	_ =	shalt  }
0x73: {  	_ =	shalt  }
0x74: {  	_ =	shalt  }
0x75: {  	_ =	shalt  }
0x76: {  	_ =	shalt  }
0x77: {  	_ =	shalt  }
0x78: {  	_ =	shalt  }
0x79: {  	_ =	shalt  }
0x7a: {  	_ =	shalt  }
0x7b: {  	_ =	shalt  }
0x7c: {  	_ =	shalt  }
0x7d: {  	_ =	shalt  }
0x7e: {  	_ =	shalt  }
0x7f: {  	_ =	shalt  }
0x80: {  	_ =	shalt  }
0x81: {  	_ =	shalt  }
0x82: {  	_ =	shalt  }
0x83: {  	_ =	shalt  }
0x84: {  	_ =	shalt  }
0x85: {  	_ =	shalt  }
0x86: {  	_ =	shalt  }
0x87: {  	_ =	shalt  }
.Lfunc_end0:
.L_simem_size_0:
called_computation.8_lowered:
.L_overlay_start_0:
0x88: {  	s2 =	sld [smem:$0x3FD9]  }
0x89: {  	s3 =	sld [smem:$0x3FFE];
	_ =	sdelay $0x1  }
0x8a: {  	s1 =	srdreg.scid  }
0x8b: {  	s0 =	sand.u32 $0x1, s1  }
0x8c: {  	s16 =	sshll.u32 s0, $0xA;
	s2 =	sadd.s32 s3, s2  }
0x8d: {  	s2 =	sadd.s32 s2, s16  }
0x8e: {  	[smem:$0x3F75] =	sst s2  }
0x8f: {  	_ = 	snop  }
0x90: {  	(tm) =	ssettm $0x1  }
0x91: {  	s17 =	sld [smem:$0x3FFB];
	_ =	sdelay $0x3  }
0x92: {  	_ =	strace s17  }
0x93: {  	s2 =	sld [smem:$0x3FFC];
	_ =	sdelay $0x3  }
0x94: {  	_ =	strace s2  }
0x95: {  	s2 =	sld [smem:$0x3FFD];
	_ =	sdelay $0x3  }
0x96: {  	_ =	strace s2  }
0x97: {  	_ =	strace $0x8FFFFFFF  }
0x98: {  	s18 =	sld [smem:$0x3FDB];
	_ =	sdelay $0x1  }
0x99: {  	s19 =	simm.s32 $_scs_section_size  }
0x9a: {  	s4 =	simm.s32 $_size__tile_overlayer_lowered;
	s5 =	simm.s32 $_tile_overlayer_lowered  }
0x9b: {  	s22 =	simm.s32 $0x1BFF;
	s21 =	sshll.u32 s5, $0x1;
	s2 =	sadd.s32 s19, s18  }
0x9c: {  	s6 =	simm.s32 $0x0;
	s20 =	sshll.u32 s4, $0x1;
	s4 =	sadd.s32 s21, s2  }
0x9d: {  	[timem:s6], [sflag:s22] =	dma.local [hbm:s4], s20  }
0x9e: {  	_ =	swait.ge [sflag:s22], s20  }
0x9f: {  	s3 =	ssub.s32 $0x0, s20;
	[sflag:s22] =	ssyncset.done $0x0  }
0xa0: {  	[sflag:s22] =	ssyncadd.s32 s3;
	_ =	sdelay $0x1  }
0xa1: {  	s23 =	simm.s32 $0x1B8B  }
0xa2: {  	_ =	swait.ge [sflag:s23], $0x1  }
0xa3: {  	[sflag:s23] =	ssyncset.done $0x0  }
0xa4: {  	s25 =	simm.s32 $0x1B8E;
	s24 =	sld [smem:$0x3FFE];
	[sflag:s23] =	ssyncadd.s32 $0xFFFFFFFF  }
0xa5: {  	s26 =	simm.s32 $execute0_lowered;
	[smem:$0x3FD2] =	sst s25  }
0xa6: {  	s4 =	sshll.u32 s26, $0x1;
	_ =	strace $0x8000005E;
	[dreg:$0x1] =	wrdreg $0xFFFFFFFF  }
0xa7: {  	s28 =	simm.s32 $_size_execute0_lowered;
	s2 =	sadd.s32 s2, s4;
	[dreg:$0x0] =	wrdreg $0x0  }
0xa8: {  	s4 =	sshll.u32 s28, $0x1;
	[dreg:$0x2] =	wrdreg s2  }
0xa9: {  	[dreg:$0x3] =	wrdreg s4  }
0xaa: {  	[dreg:$0x4] =	wrdreg $0xC0  }
0xab: {  	_ =	task [dreg:s6], $0x5FFFF  }
0xac: {  	[dreg:$0x1] =	wrdreg $0xFFFFFFFF  }
0xad: {  	[dreg:$0x0] =	wrdreg $0x60  }
0xae: {  	[dreg:$0x2] =	wrdreg s24  }
0xaf: {  	[dreg:$0x3] =	wrdreg $0x9  }
0xb0: {  	_ =	task.clear_ibuf [dreg:s6], $0x4FFFF;
	_ =	strace $0x9000005E  }
0xb1: {  	s29 =	simm.s32 $0x9;
	_ =	strace $0x80000060  }
0xb2: {  	_ =	swait.ge [sflag:s29], $0x1  }
0xb3: {  	[sflag:s29] =	ssyncadd.s32 $0xFFFFFFFF  }
0xb4: {  	_ =	strace $0x90000060  }
0xb5: {  	_ =	sfence  }
0xb6: {  	s30 =	sld [smem:$0x0];
	_ =	sdelay $0x2  }
0xb7: {  	s31 =	sshll.u32 s1, $0xD;
	s1 =	sshrl.u32 s1, $0x2  }
0xb8: {  	s3 =	sand.u32 $0x4000, s31;
	s1 =	sadd.s32 s1, s30  }
0xb9: {  	s0 =	sor.u32 s3, s0;
	s1 =	sshll.u32 s1, $0x11  }
0xba: {  	s0 =	sor.u32 s1, s0  }
0xbb: {  	s0 =	sadd.s32 $0x8F2B, s0  }
0xbc: {  	[sflag:s0] =	ssyncadd.remote.s32 $0x1  }
0xbd: {  	_ =	sfence.sel $0xFFFF  }
0xbe: {  	[dreg:$0x0] =	wrdreg $0xFFFFFFFF;
	(pc) =	sbr.abs _section_cstart, $3  }
0xbf: {  	[dreg:$0x1] =	wrdreg $0xFFFFFFFF  }
0xc0: {  	_ =	task.clear_ibuf [dreg:s6], $0x2FFFF;
	_ =	strace $0x9FFFFFFF  }
0xc1: {  	(tm) =	ssettm $0x7FFFFFFF  }
tec
execute0_lowered:
.L_overlay_start_1:
0x0: {  	(tag) =	ssettag $0x1  }
0x1: {  	s1 =	srdreg.scid  }
0x2: {  	s0 =	stileid.u32;
	s4 =	rddreg [dreg:$0x0];
	s2 =	simm.s32 $0x0  }
0x3: {  	s11 =	simm.s32 $0x50;
	s12 =	simm.s32 $0x4E20;
	s13 =	simm.s32 $0x1  }
0x4: {  	s14 =	simm.s32 $0x0;
	s5 =	sand.u32 $0x1, s1;
	s1 =	rddreg [dreg:$0x1]  }
0x5: {  	s3 =	sshll.u32 s0, $0x1;
	[smem:$0x7FF] =	sst s2;
	s7 =	smul.u32 $0x30D40, s0  }
0x6: {  	s3 =	sor.u32 s5, s3;
	s8 =	ssub.s32 $0x2, s5;
	s10 =	smul.u32 $0x186A0, s5  }
0x7: {  	_ =	strace $0x8000005F;
	s6 =	smul.u32 $0x4E2, s3;
	s9 =	sshrl.u32 s8, $0x1  }
0x8: {  	s3 =	sadd.s32 $0x65600, s4;
	s29 =	sadd.s32 s7, s4;
	s30 =	ssub.s32 s8, s9  }
0x9: {  	s31 =	sadd.s32 s10, s29;
	s9 =	simm.s32 $0x2;
	s10 =	simm.s32 $0x2710  }
0xa: {  	s28 =	sadd.s32 s6, s4;
	s6 =	smax.u32 s30, $0x1;
	s7 =	sadd.s32 $0xB61E00, s31  }
0xb: {  	s8 =	sadd.s32 $0x7DE00, s31;
	s4 =	sadd.s32 $0x12000, s28;
	s5 =	sadd.s32 $0x1BE00, s28  }
.LBB2_1:
0xc: {  	[tilespmem:s2], [sflag:$0x2] =	stream.linear.gather [hbm4b:s4+s2], $0x2710, $0x38;
	[tilespmem:$0x6720] =	vst v63  }
0xd: {  	_ =	swait.ge [sflag:s9], $0x2710  }
0xe: {  	[sflag:s9] =	ssyncset.done $0x0  }
0xf: {  	[sflag:s9] =	ssyncadd.s32 $0xFFFFD8F0  }
0x10: {  	[tilespmem:s10], [sflag:$0x2] =	stream.linear.gather [hbm4b:s5+s2], $0x2710, $0x38;
	[tilespmem:$0x6720] =	vst v63  }
0x11: {  	_ =	swait.ge [sflag:s9], $0x2710  }
0x12: {  	[sflag:s9] =	ssyncset.done $0x0  }
0x13: {  	s15 =	simm.s32 $0x0;
	[sflag:s9] =	ssyncadd.s32 $0xFFFFD8F0  }
0x14: {  	[tilespmem:s12], [sflag:$0x1] =	stream.indirect.gather [hbm4b:s3+s11], $0x50, s15, s11, $0xb8;
	[tilespmem:$0x6720] =	vst v63  }
0x15: {  	_ =	swait.ge [sflag:s13], $0x1900  }
0x16: {  	[sflag:s13] =	ssyncset.done $0x0  }
0x17: {  	[sflag:s13] =	ssyncadd.s32 $0xFFFFE700  }
0x18: {  	[hbm4b:s7+s2] =	stream.linear.scatter [tilespmem:s12], [sflag:$0x2], $0x1900, $0x38;
	[tilespmem:$0x6720] =	vst v63  }
0x19: {  	_ =	swait.ge [sflag:s9], $0x1900  }
0x1a: {  	[sflag:s9] =	ssyncset.done $0x0  }
0x1b: {  	s31 =	simm.s32 $0x2710;
	[sflag:s9] =	ssyncadd.s32 $0xFFFFE700  }
0x1c: {  	[tilespmem:s12], [sflag:$0x1] =	stream.indirect.gather [hbm4b:s3+s11], $0x50, s31, s11, $0xb8;
	[tilespmem:$0x6720] =	vst v63  }
0x1d: {  	_ =	swait.ge [sflag:s13], $0x1900  }
0x1e: {  	[sflag:s13] =	ssyncset.done $0x0  }
0x1f: {  	[sflag:s13] =	ssyncadd.s32 $0xFFFFE700  }
0x20: {  	[hbm4b:s8+s2] =	stream.linear.scatter [tilespmem:s12], [sflag:$0x2], $0x1900, $0x38;
	[tilespmem:$0x6720] =	vst v63  }
0x21: {  	s17 =	simm.s32 $0x140;
	s18 =	simm.s32 $0x280;
	_ =	swait.ge [sflag:s9], $0x1900  }
0x22: {  	s16 =	sadd.s32 $0x320, s7;
	s15 =	sadd.s32 $0x320, s8;
	[sflag:s9] =	ssyncset.done $0x0  }
.LBB2_2:
0x23: {  	s19 =	sshra.s32 s17, $0x2  }
0x24: {  	[sflag:s9] =	ssyncadd.s32 $0xFFFFE700;
	s17 =	smov.u32 s18;
	s20 =	sadd.s32 $0x140, s18  }
0x25: {  	[tilespmem:s12], [sflag:$0x1] =	stream.indirect.gather [hbm4b:s3+s11], $0x50, s19, s11, $0xb8;
	[tilespmem:$0x6720] =	vst v63  }
0x26: {  	p0 =	sne.s32 s18, $0x9B00;
	_ =	swait.ge [sflag:s13], $0x1900  }
0x27: {  	[sflag:s13] =	ssyncset.done $0x0  }
0x28: {  	[sflag:s13] =	ssyncadd.s32 $0xFFFFE700  }
0x29: {  	[hbm4b:s16+s2] =	stream.linear.scatter [tilespmem:s12], [sflag:$0x2], $0x1900, $0x38;
	[tilespmem:$0x6720] =	vst v63  }
0x2a: {  	_ =	swait.ge [sflag:s9], $0x1900  }
0x2b: {  	[sflag:s9] =	ssyncset.done $0x0  }
0x2c: {  	s18 =	sadd.s32 $0x2710, s19;
	[sflag:s9] =	ssyncadd.s32 $0xFFFFE700  }
0x2d: {  	[tilespmem:s12], [sflag:$0x1] =	stream.indirect.gather [hbm4b:s3+s11], $0x50, s18, s11, $0xb8;
	[tilespmem:$0x6720] =	vst v63  }
0x2e: {  	_ =	swait.ge [sflag:s13], $0x1900  }
.Ltmp0:
0x2f: {  	[sflag:s13] =	ssyncset.done $0x0;
	(pc) =	sbr.rel @p0 .LBB2_2-.Ltmp0, $4  }
0x30: {  	[sflag:s13] =	ssyncadd.s32 $0xFFFFE700  }
0x31: {  	[hbm4b:s15+s2] =	stream.linear.scatter [tilespmem:s12], [sflag:$0x2], $0x1900, $0x38;
	[tilespmem:$0x6720] =	vst v63  }
0x32: {  	s16 =	sadd.s32 $0x320, s16;
	_ =	swait.ge [sflag:s9], $0x1900  }
0x33: {  	s18 =	smov.u32 s20;
	s15 =	sadd.s32 $0x320, s15;
	[sflag:s9] =	ssyncset.done $0x0  }
0x34: {  	s17 =	sshra.s32 s17, $0x2;
	[sflag:s9] =	ssyncadd.s32 $0xFFFFE700  }
0x35: {  	[tilespmem:s12], [sflag:$0x1] =	stream.indirect.gather [hbm4b:s3+s11], $0x50, s17, s11, $0xb8;
	[tilespmem:$0x6720] =	vst v63  }
0x36: {  	_ =	swait.ge [sflag:s13], $0x1900  }
0x37: {  	[sflag:s13] =	ssyncset.done $0x0  }
0x38: {  	[sflag:s13] =	ssyncadd.s32 $0xFFFFE700  }
0x39: {  	[hbm4b:s16+s2] =	stream.linear.scatter [tilespmem:s12], [sflag:$0x2], $0x1900, $0x38;
	[tilespmem:$0x6720] =	vst v63  }
0x3a: {  	_ =	swait.ge [sflag:s9], $0x1900  }
0x3b: {  	[sflag:s9] =	ssyncset.done $0x0  }
0x3c: {  	s31 =	sadd.s32 $0x2710, s17;
	[sflag:s9] =	ssyncadd.s32 $0xFFFFE700  }
0x3d: {  	[tilespmem:s12], [sflag:$0x1] =	stream.indirect.gather [hbm4b:s3+s11], $0x50, s31, s11, $0xb8;
	[tilespmem:$0x6720] =	vst v63  }
0x3e: {  	s14 =	sadd.s32 $0x1, s14;
	_ =	swait.ge [sflag:s13], $0x1900  }
0x3f: {  	p0 =	sne.s32 s14, s6;
	[sflag:s13] =	ssyncset.done $0x0  }
.Ltmp1:
0x40: {  	[sflag:s13] =	ssyncadd.s32 $0xFFFFE700;
	(pc) =	sbr.rel @p0 .LBB2_1-.Ltmp1, $4  }
0x41: {  	[hbm4b:s15+s2] =	stream.linear.scatter [tilespmem:s12], [sflag:$0x2], $0x1900, $0x38;
	[tilespmem:$0x6720] =	vst v63  }
0x42: {  	_ =	swait.ge [sflag:s9], $0x1900  }
0x43: {  	[sflag:s9] =	ssyncset.done $0x0  }
0x44: {  	[sflag:s9] =	ssyncadd.s32 $0xFFFFE700  }
0x45: {  	_ =	sfence.sel $0x180000  }
0x46: {  	[bflag:$0x0] =	sbarrier.arrive $0xFFFF  }
0x47: {  	p0 =	sne.s32 s0, $0x0;
	_ =	strace $0x9000005F  }
0x48: {  	s0 =	sadd.s32 @!p0 $0x100000, s1;
	[bflag:$0x2] =	sbarrier.arrive $0xFFFF  }
0x49: {  	[sflag:s0] =	ssyncadd.tile.s32 @!p0 $0x1;
	_ =	shalt  }
.Lfunc_end2:
_tile_overlayer_lowered:
.L_overlay_start_2:
0x4a: {  	(tag) =	ssettag $0x2  }
0x4b: {  	s0 =	rddreg [dreg:$0x0];
	s2 =	stileid.u32  }
0x4c: {  	s1 =	rddreg [dreg:$0x1];
	p0 =	sne.s32 s2, $0x0  }
0x4d: {  	s3 =	rddreg [dreg:$0x2];
	[bflag:$0x3] =	sbarrier.arrive $0xFFFF;
	s2 =	simm.s32 @!p0 $0x1C02  }
0x4e: {  	[timem:s3], [sflag:s2] =	dma.local @!p0 [hbm:s0], s1  }
0x4f: {  	s0 =	simm.s32 @!p0 $0x2  }
0x50: {  	_ =	swait.ge @!p0 [sflag:s0], s1  }
0x51: {  	s1 =	ssub.s32 @!p0 $0x0, s1;
	[sflag:s0] =	ssyncset.done @!p0 $0x0  }
0x52: {  	[sflag:s0] =	ssyncadd.s32 @!p0 s1  }
0x53: {  	[bflag:$0x3] =	sbarrier.arrive $0xFFFF  }
0x54: {  	_ =	shalt  }

// kernel: kernel.54.cloned.1.call-start
scs
__scs_entry_jumppad:
0x0: {  	(pc) =	sbr.rel $0x88, $3  }
0x1: {  	(tag) =	ssettag $0x0;
	lr =	simm.s32 $0x1  }
0x2: {  	[smem:$0x3F4E] =	sst lr;
	_ =	strace $0xD0000000  }
0x3: {  	_ = 	snop  }
0x4: {  	_ = 	snop  }
0x5: {  	_ = 	snop  }
0x6: {  	_ = 	snop  }
0x7: {  	_ = 	snop  }
__scs_overlays_trampoline_lowered:
0x8: {  	[smem:$0x3F5D] =	sst s0  }
0x9: {  	[smem:$0x3F5E] =	sst s1  }
0xa: {  	[smem:$0x3F5F] =	sst s2  }
0xb: {  	[smem:$0x3F60] =	sst s3  }
0xc: {  	[smem:$0x3F61] =	sst s4  }
0xd: {  	[smem:$0x3F62] =	sst s5  }
0xe: {  	[smem:$0x3F63] =	sst s6  }
0xf: {  	[smem:$0x3F64] =	sst s7  }
0x10: {  	[smem:$0x3F65] =	sst s8  }
0x11: {  	[smem:$0x3F66] =	sst s9;
	s0 =	simm.s32 @!p0 $0x0  }
0x12: {  	s1 =	sld [smem:$0x3F4C];
	s0 =	simm.s32 @p0 $0x1  }
0x13: {  	[smem:$0x3F67] =	sst s0;
	s0 =	simm.s32 @!p1 $0x0  }
0x14: {  	s2 =	sld [smem:$0x3F4B];
	s0 =	simm.s32 @p1 $0x1  }
0x15: {  	[smem:$0x3F68] =	sst s0;
	s0 =	simm.s32 @!p2 $0x0  }
0x16: {  	s3 =	sld [smem:$0x3FDB];
	s0 =	simm.s32 @p2 $0x1  }
0x17: {  	s4 =	simm.s32 $0x1BF5;
	[smem:$0x3F6A] =	sst s0  }
0x18: {  	s0 =	sld [smem:$0x3F4D];
	_ =	swait.ge [sflag:s4], $0x0  }
0x19: {  	s7 =	sld [smem:$0x3F4E]  }
0x1a: {  	s8 =	sadd.s32 $0xFFFFE003, lr  }
0x1b: {  	s9 =	sadd.s32 $0xFFFFFEF7, lr;
	s5 =	simm.s32 $0xFFFFFFFF;
	p2 =	slt.u32 s8, $0xFFFFF086  }
0x1c: {  	p1 =	slt.u32 s9, $0xF7A;
	s5 =	simm.s32 @!p2 $0x0  }
0x1d: {  	s5 =	simm.s32 @p1 $0x1;
	p0 =	seq.s32 s7, s2  }
0x1e: {  	s7 =	smul.u32 @!p0 $0xF7A, s2;
	p2 =	seq.s32 @!p0 s5, $0x0  }
0x1f: {  	s9 =	smul.u32 $0xF7A, s1;
	s8 =	simm.s32 @!p0 $0x1BF5;
	p2 =	por !p2, p0  }
0x20: {  	[sflag:s8] =	ssyncset.s32 @!p0 $0xFFFFF086;
	s6 =	sadd.s32 @!p0 s3, s7;
	s7 =	simm.s32 @!p0 $0x108  }
0x21: {  	s3 =	sadd.s32 s3, s9;
	s6 =	sadd.s32 @!p0 $0x88, s6;
	s7 =	simm.s32 @p2 $0x1082  }
0x22: {  	[simem:s7], [sflag:s8] =	dma.local @!p0 [hbm:s6], $0xF7A  }
0x23: {  	s9 =	sor.u32 $0xD0000000, s2;
	s6 =	simm.s32 $0x108;
	_ =	swait.ge @!p0 [sflag:s8], $0x0  }
0x24: {  	s3 =	sadd.s32 $0x88, s3;
	s6 =	simm.s32 @!p1 $0x1082;
	[sflag:s4] =	ssyncset.s32 $0xFFFFF086  }
0x25: {  	[simem:s6], [sflag:s4] =	dma.local [hbm:s3], $0xF7A  }
0x26: {  	[smem:$0x3F4E] =	sst s1;
	(tag) =	ssettag s2;
	_ =	strace s9  }
0x27: {  	s1 =	sld [smem:$0x3F5E]  }
0x28: {  	s2 =	sld [smem:$0x3F5F]  }
0x29: {  	s4 =	sld [smem:$0x3F61]  }
0x2a: {  	p0 =	seq.s32 s5, $0x0;
	s5 =	sld [smem:$0x3F62]  }
0x2b: {  	s6 =	sld [smem:$0x3F63]  }
0x2c: {  	s7 =	sld [smem:$0x3F64]  }
0x2d: {  	s3 =	simm.s32 $0x108;
	s8 =	sld [smem:$0x3F65]  }
0x2e: {  	s3 =	simm.s32 @!p0 $0x1082;
	s9 =	sld [smem:$0x3F66]  }
0x2f: {  	lr =	sadd.s32 s0, s3;
	s0 =	sld [smem:$0x3F5D]  }
0x30: {  	s3 =	sld [smem:$0x3F60]  }
0x31: {  	[smem:$0x3F69] =	sst s10  }
0x32: {  	s10 =	sld [smem:$0x3F67];
	_ =	sdelay $0x3  }
0x33: {  	p0 =	seq.s32 s10, $0x1;
	s10 =	sld [smem:$0x3F69];
	_ =	sdelay $0x3  }
0x34: {  	[smem:$0x3F69] =	sst s10  }
0x35: {  	s10 =	sld [smem:$0x3F68];
	_ =	sdelay $0x3  }
0x36: {  	p1 =	seq.s32 s10, $0x1;
	s10 =	sld [smem:$0x3F69];
	_ =	sdelay $0x3  }
0x37: {  	[smem:$0x3F69] =	sst s10  }
0x38: {  	s10 =	sld [smem:$0x3F6A]  }
0x39: {  	_ = 	snop;
	(pc) =	sbr.ind lr, $3  }
0x3a: {  	_ = 	snop  }
0x3b: {  	_ = 	snop  }
0x3c: {  	p2 =	seq.s32 s10, $0x1;
	s10 =	sld [smem:$0x3F69]  }
0x3d: {  	_ =	shalt  }
0x3e: {  	_ =	shalt  }
0x3f: {  	_ =	shalt  }
0x40: {  	_ =	shalt  }
0x41: {  	_ =	shalt  }
0x42: {  	_ =	shalt  }
0x43: {  	_ =	shalt  }
0x44: {  	_ =	shalt  }
0x45: {  	_ =	shalt  }
0x46: {  	_ =	shalt  }
0x47: {  	_ =	shalt  }
0x48: {  	_ =	shalt  }
0x49: {  	_ =	shalt  }
0x4a: {  	_ =	shalt  }
0x4b: {  	_ =	shalt  }
0x4c: {  	_ =	shalt  }
0x4d: {  	_ =	shalt  }
0x4e: {  	_ =	shalt  }
0x4f: {  	_ =	shalt  }
0x50: {  	_ =	shalt  }
0x51: {  	_ =	shalt  }
0x52: {  	_ =	shalt  }
0x53: {  	_ =	shalt  }
0x54: {  	_ =	shalt  }
0x55: {  	_ =	shalt  }
0x56: {  	_ =	shalt  }
0x57: {  	_ =	shalt  }
0x58: {  	_ =	shalt  }
0x59: {  	_ =	shalt  }
0x5a: {  	_ =	shalt  }
0x5b: {  	_ =	shalt  }
0x5c: {  	_ =	shalt  }
0x5d: {  	_ =	shalt  }
0x5e: {  	_ =	shalt  }
0x5f: {  	_ =	shalt  }
0x60: {  	_ =	shalt  }
0x61: {  	_ =	shalt  }
0x62: {  	_ =	shalt  }
0x63: {  	_ =	shalt  }
0x64: {  	_ =	shalt  }
0x65: {  	_ =	shalt  }
0x66: {  	_ =	shalt  }
0x67: {  	_ =	shalt  }
0x68: {  	_ =	shalt  }
0x69: {  	_ =	shalt  }
0x6a: {  	_ =	shalt  }
0x6b: {  	_ =	shalt  }
0x6c: {  	_ =	shalt  }
0x6d: {  	_ =	shalt  }
0x6e: {  	_ =	shalt  }
0x6f: {  	_ =	shalt  }
0x70: {  	_ =	shalt  }
0x71: {  	_ =	shalt  }
0x72: {  	_ =	shalt  }
0x73: {  	_ =	shalt  }
0x74: {  	_ =	shalt  }
0x75: {  	_ =	shalt  }
0x76: {  	_ =	shalt  }
0x77: {  	_ =	shalt  }
0x78: {  	_ =	shalt  }
0x79: {  	_ =	shalt  }
0x7a: {  	_ =	shalt  }
0x7b: {  	_ =	shalt  }
0x7c: {  	_ =	shalt  }
0x7d: {  	_ =	shalt  }
0x7e: {  	_ =	shalt  }
0x7f: {  	_ =	shalt  }
0x80: {  	_ =	shalt  }
0x81: {  	_ =	shalt  }
0x82: {  	_ =	shalt  }
0x83: {  	_ =	shalt  }
0x84: {  	_ =	shalt  }
0x85: {  	_ =	shalt  }
0x86: {  	_ =	shalt  }
0x87: {  	_ =	shalt  }
.Lfunc_end0:
.L_simem_size_0:
called_computation.9_lowered:
.L_overlay_start_0:
0x88: {  	s2 =	sld [smem:$0x3FD9]  }
0x89: {  	s3 =	sld [smem:$0x3FFE];
	_ =	sdelay $0x1  }
0x8a: {  	s1 =	srdreg.scid  }
0x8b: {  	s0 =	sand.u32 $0x1, s1  }
0x8c: {  	s16 =	sshll.u32 s0, $0xA;
	s2 =	sadd.s32 s3, s2  }
0x8d: {  	s2 =	sadd.s32 s2, s16  }
0x8e: {  	[smem:$0x3F75] =	sst s2  }
0x8f: {  	_ = 	snop  }
0x90: {  	(tm) =	ssettm $0x1  }
0x91: {  	s17 =	sld [smem:$0x3FFB];
	_ =	sdelay $0x3  }
0x92: {  	_ =	strace s17  }
0x93: {  	s2 =	sld [smem:$0x3FFC];
	_ =	sdelay $0x3  }
0x94: {  	_ =	strace s2  }
0x95: {  	s2 =	sld [smem:$0x3FFD];
	_ =	sdelay $0x3  }
0x96: {  	_ =	strace s2  }
0x97: {  	_ =	strace $0x8FFFFFFF  }
0x98: {  	s18 =	sld [smem:$0x3FDB];
	_ =	sdelay $0x1  }
0x99: {  	s19 =	simm.s32 $_scs_section_size  }
0x9a: {  	s4 =	simm.s32 $_size__tile_overlayer_lowered;
	s5 =	simm.s32 $_tile_overlayer_lowered  }
0x9b: {  	s22 =	simm.s32 $0x1BFF;
	s21 =	sshll.u32 s5, $0x1;
	s2 =	sadd.s32 s19, s18  }
0x9c: {  	s6 =	simm.s32 $0x0;
	s20 =	sshll.u32 s4, $0x1;
	s4 =	sadd.s32 s21, s2  }
0x9d: {  	[timem:s6], [sflag:s22] =	dma.local [hbm:s4], s20  }
0x9e: {  	_ =	swait.ge [sflag:s22], s20  }
0x9f: {  	s3 =	ssub.s32 $0x0, s20;
	[sflag:s22] =	ssyncset.done $0x0  }
0xa0: {  	[sflag:s22] =	ssyncadd.s32 s3;
	_ =	sdelay $0x1  }
0xa1: {  	s23 =	simm.s32 $0x1B8B  }
0xa2: {  	_ =	swait.ge [sflag:s23], $0x1  }
0xa3: {  	[sflag:s23] =	ssyncset.done $0x0  }
0xa4: {  	s25 =	simm.s32 $0x1B8E;
	s24 =	sld [smem:$0x3FFE];
	[sflag:s23] =	ssyncadd.s32 $0xFFFFFFFF  }
0xa5: {  	s26 =	simm.s32 $execute0_lowered;
	[smem:$0x3FD2] =	sst s25  }
0xa6: {  	s4 =	sshll.u32 s26, $0x1;
	_ =	strace $0x80000061;
	[dreg:$0x1] =	wrdreg $0xFFFFFFFF  }
0xa7: {  	s28 =	simm.s32 $_size_execute0_lowered;
	s2 =	sadd.s32 s2, s4;
	[dreg:$0x0] =	wrdreg $0x0  }
0xa8: {  	s4 =	sshll.u32 s28, $0x1;
	[dreg:$0x2] =	wrdreg s2  }
0xa9: {  	[dreg:$0x3] =	wrdreg s4  }
0xaa: {  	[dreg:$0x4] =	wrdreg $0xC0  }
0xab: {  	_ =	task [dreg:s6], $0x5FFFF  }
0xac: {  	[dreg:$0x1] =	wrdreg $0xFFFFFFFF  }
0xad: {  	[dreg:$0x0] =	wrdreg $0x60  }
0xae: {  	[dreg:$0x2] =	wrdreg s24  }
0xaf: {  	[dreg:$0x3] =	wrdreg $0x40100  }
0xb0: {  	[dreg:$0x4] =	wrdreg $0x9  }
0xb1: {  	_ =	task.clear_ibuf [dreg:s6], $0x5FFFF;
	_ =	strace $0x90000061  }
0xb2: {  	s29 =	simm.s32 $0x9;
	_ =	strace $0x80000063  }
0xb3: {  	_ =	swait.ge [sflag:s29], $0x1  }
0xb4: {  	[sflag:s29] =	ssyncadd.s32 $0xFFFFFFFF  }
0xb5: {  	_ =	strace $0x90000063  }
0xb6: {  	_ =	sfence  }
0xb7: {  	s30 =	sld [smem:$0x0];
	_ =	sdelay $0x2  }
0xb8: {  	s31 =	sshll.u32 s1, $0xD;
	s1 =	sshrl.u32 s1, $0x2  }
0xb9: {  	s3 =	sand.u32 $0x4000, s31;
	s1 =	sadd.s32 s1, s30  }
0xba: {  	s0 =	sor.u32 s3, s0;
	s1 =	sshll.u32 s1, $0x11  }
0xbb: {  	s0 =	sor.u32 s1, s0  }
0xbc: {  	s0 =	sadd.s32 $0x8F2B, s0  }
0xbd: {  	[sflag:s0] =	ssyncadd.remote.s32 $0x1  }
0xbe: {  	_ =	sfence.sel $0xFFFF  }
0xbf: {  	[dreg:$0x0] =	wrdreg $0xFFFFFFFF;
	(pc) =	sbr.abs _section_cstart, $3  }
0xc0: {  	[dreg:$0x1] =	wrdreg $0xFFFFFFFF  }
0xc1: {  	_ =	task.clear_ibuf [dreg:s6], $0x2FFFF;
	_ =	strace $0x9FFFFFFF  }
0xc2: {  	(tm) =	ssettm $0x7FFFFFFF  }
0xc3: {  	_ =	shalt  }
tec
execute0_lowered:
.L_overlay_start_1:
0x0: {  	(tag) =	ssettag $0x1  }
0x1: {  	s6 =	rddreg [dreg:$0x0]  }
0x2: {  	s2 =	rddreg [dreg:$0x1]  }
0x3: {  	s0 =	rddreg [dreg:$0x2];
	s3 =	simm.s32 $0x0;
	s1 =	stileid.u32  }
0x4: {  	s4 =	srdreg.scid;
	s17 =	simm.s32 $0x0;
	s5 =	smul.u32 $0x30D40, s1  }
0x5: {  	s7 =	sand.u32 $0x1, s4;
	s24 =	sshll.u32 s1, $0x1;
	[smem:$0x7FF] =	sst s3  }
0x6: {  	s8 =	smul.u32 $0xC300, s1;
	s12 =	sadd.s32 $0x372A00, s6;
	s29 =	sshll.u32 s1, $0x6  }
0x7: {  	s15 =	sadd.s32 $0xC3000, s2;
	p0 =	sne.s32 s1, $0xF;
	s30 =	smul.u32 $0xC3500, s7  }
0x8: {  	s4 =	sor.u32 s7, s24;
	_ =	strace $0x80000062;
	s16 =	smul.u32 $0x186A0, s7  }
0x9: {  	s9 =	ssub.s32 $0x2, s7;
	s4 =	smul.u32 $0x4E2, s4;
	s10 =	sadd.s32 s5, s6  }
0xa: {  	s25 =	sshrl.u32 s8, $0x3;
	s28 =	sshrl.u32 s9, $0x1;
	s14 =	sadd.s32 s8, s2  }
0xb: {  	s5 =	sor.u32 $0x1C01, s29;
	s26 =	sadd.s32 s25, s6;
	s13 =	ssub.s32 s9, s28  }
0xc: {  	s8 =	sadd.s32 s8, s30;
	s9 =	sshrl.u32 s30, $0x3;
	s31 =	sadd.s32 s16, s10  }
0xd: {  	s16 =	simm.s32 $0x50;
	s11 =	sadd.s32 s4, s6;
	s4 =	sadd.s32 $0x4CE00, s26  }
0xe: {  	s6 =	sadd.s32 $0x65400, s6;
	s8 =	sshrl.u32 s8, $0x3;
	s9 =	sadd.s32 s12, s9  }
0xf: {  	s10 =	smax.u32 s13, $0x1;
	s13 =	simm.s32 $0x1;
	s7 =	sadd.s32 $0x1BE00, s11  }
0x10: {  	s8 =	sadd.s32 s12, s8;
	s9 =	sadd.s32 $0x18600, s9;
	s11 =	sadd.s32 $0x65600, s31  }
0x11: {  	s12 =	sshrl.u32 s14, $0x3;
	s14 =	sshrl.u32 @!p0 s15, $0x3;
	s15 =	simm.s32 $0x2710  }
.LBB2_1:
0x12: {  	[spmem:s12], [sflag:s5] =	dma.local [hbm:s4], $0x1860  }
0x13: {  	_ =	swait.ge [sflag:s13], $0x1860  }
0x14: {  	[sflag:s13] =	ssyncset.done $0x0  }
0x15: {  	s18 =	simm.s32 @!p0 $0x1;
	[sflag:s13] =	ssyncadd.s32 $0xFFFFE7A0  }
0x16: {  	[spmem:s14], [sflag:s5] =	dma.local @!p0 [hbm:s6], $0xA0  }
0x17: {  	_ =	swait.ge @!p0 [sflag:s18], $0xA0  }
0x18: {  	[sflag:s18] =	ssyncset.done @!p0 $0x0  }
0x19: {  	[sflag:s18] =	ssyncadd.s32 @!p0 $0xFFFFFF60  }
0x1a: {  	[tilespmem:s3], [sflag:$0x1] =	stream.linear.gather [hbm4b:s7+s3], $0x2710, $0x38;
	[tilespmem:$0x10360] =	vst v63  }
0x1b: {  	_ =	swait.ge [sflag:s13], $0x2710  }
0x1c: {  	[sflag:s13] =	ssyncset.done $0x0  }
0x1d: {  	[sflag:s13] =	ssyncadd.s32 $0xFFFFD8F0  }
0x1e: {  	[bflag:$0x0] =	sbarrier.arrive $0xFFFF  }
0x1f: {  	[tilespmem:s15], [sflag:$0x1] =	stream.linear.gather [hbm4b:s11+s3], $0x1900, $0x38;
	[tilespmem:$0x10360] =	vst v63  }
0x20: {  	_ =	swait.ge [sflag:s13], $0x1900  }
0x21: {  	[sflag:s13] =	ssyncset.done $0x0  }
0x22: {  	s31 =	simm.s32 $0x0;
	[sflag:s13] =	ssyncadd.s32 $0xFFFFE700  }
0x23: {  	[spmem:s2] =	stream.indirect.scatter.add.f32 [tilespmem:s15], [sflag:$0x1], $0x50, s31, s16, $0xb8;
	[tilespmem:$0x10360] =	vst v63  }
0x24: {  	_ =	swait.ge [sflag:s13], $0x1900  }
0x25: {  	s19 =	smov.u32 s11;
	s18 =	simm.s32 $0x140;
	[sflag:s13] =	ssyncset.done $0x0  }
.LBB2_2:
0x26: {  	p1 =	sne.s32 s18, $0x9B00;
	[sflag:s13] =	ssyncadd.s32 $0xFFFFE700;
	s19 =	sadd.s32 $0x320, s19  }
0x27: {  	[tilespmem:s15], [sflag:$0x1] =	stream.linear.gather [hbm4b:s19+s3], $0x1900, $0x38;
	[tilespmem:$0x10360] =	vst v63  }
0x28: {  	s20 =	smov.u32 s18;
	s18 =	sadd.s32 $0x140, s18;
	_ =	swait.ge [sflag:s13], $0x1900  }
.Ltmp0:
0x29: {  	[sflag:s13] =	ssyncset.done $0x0;
	(pc) =	sbr.rel @p1 .LBB2_2-.Ltmp0, $4  }
0x2a: {  	s20 =	sshra.s32 s20, $0x2;
	[sflag:s13] =	ssyncadd.s32 $0xFFFFE700  }
0x2b: {  	[spmem:s2] =	stream.indirect.scatter.add.f32 [tilespmem:s15], [sflag:$0x1], $0x50, s20, s16, $0xb8;
	[tilespmem:$0x10360] =	vst v63  }
0x2c: {  	_ =	swait.ge [sflag:s13], $0x1900  }
0x2d: {  	[sflag:s13] =	ssyncset.done $0x0  }
0x2e: {  	[sflag:s13] =	ssyncadd.s32 $0xFFFFE700  }
0x2f: {  	[bflag:$0x0] =	sbarrier.arrive $0xFFFF  }
0x30: {  	[hbm:s8], [sflag:s5] =	dma.local [spmem:s12], $0x1860  }
0x31: {  	s17 =	sadd.s32 $0x1, s17;
	_ =	swait.ge [sflag:s13], $0x1860  }
0x32: {  	p1 =	sne.s32 s17, s10;
	[sflag:s13] =	ssyncset.done $0x0  }
.Ltmp1:
0x33: {  	s18 =	simm.s32 @!p0 $0x1;
	[sflag:s13] =	ssyncadd.s32 $0xFFFFE7A0;
	(pc) =	sbr.rel @p1 .LBB2_1-.Ltmp1, $4  }
0x34: {  	[hbm:s9], [sflag:s5] =	dma.local @!p0 [spmem:s14], $0xA0  }
0x35: {  	_ =	swait.ge @!p0 [sflag:s18], $0xA0  }
0x36: {  	[sflag:s18] =	ssyncset.done @!p0 $0x0  }
0x37: {  	[sflag:s18] =	ssyncadd.s32 @!p0 $0xFFFFFF60  }
0x38: {  	_ =	sfence.sel $0x180000  }
0x39: {  	[bflag:$0x0] =	sbarrier.arrive $0xFFFF  }
0x3a: {  	p0 =	sne.s32 s1, $0x0;
	_ =	strace $0x90000062  }
0x3b: {  	s0 =	sadd.s32 @!p0 $0x100000, s0;
	[bflag:$0x2] =	sbarrier.arrive $0xFFFF  }
0x3c: {  	[sflag:s0] =	ssyncadd.tile.s32 @!p0 $0x1;
	_ =	shalt  }
.Lfunc_end2:
_tile_overlayer_lowered:
.L_overlay_start_2:
0x3d: {  	(tag) =	ssettag $0x2  }
0x3e: {  	s0 =	rddreg [dreg:$0x0];
	s2 =	stileid.u32  }
0x3f: {  	s1 =	rddreg [dreg:$0x1];
	p0 =	sne.s32 s2, $0x0  }
0x40: {  	s3 =	rddreg [dreg:$0x2];
	[bflag:$0x3] =	sbarrier.arrive $0xFFFF;
	s2 =	simm.s32 @!p0 $0x1C01  }
0x41: {  	[timem:s3], [sflag:s2] =	dma.local @!p0 [hbm:s0], s1  }
0x42: {  	s0 =	simm.s32 @!p0 $0x1  }
0x43: {  	_ =	swait.ge @!p0 [sflag:s0], s1  }
0x44: {  	s1 =	ssub.s32 @!p0 $0x0, s1;
	[sflag:s0] =	ssyncset.done @!p0 $0x0  }
0x45: {  	[sflag:s0] =	ssyncadd.s32 @!p0 s1  }
0x46: {  	[bflag:$0x3] =	sbarrier.arrive $0xFFFF  }
0x47: {  	_ =	shalt  }

// kernel: kernel.57.cloned.1.call-start
scs
__scs_entry_jumppad:
0x0: {  	(pc) =	sbr.rel $0x88, $3  }
0x1: {  	(tag) =	ssettag $0x0;
	lr =	simm.s32 $0x1  }
0x2: {  	[smem:$0x3F4E] =	sst lr;
	_ =	strace $0xD0000000  }
0x3: {  	_ = 	snop  }
0x4: {  	_ = 	snop  }
0x5: {  	_ = 	snop  }
0x6: {  	_ = 	snop  }
0x7: {  	_ = 	snop  }
__scs_overlays_trampoline_lowered:
0x8: {  	[smem:$0x3F5D] =	sst s0  }
0x9: {  	[smem:$0x3F5E] =	sst s1  }
0xa: {  	[smem:$0x3F5F] =	sst s2  }
0xb: {  	[smem:$0x3F60] =	sst s3  }
0xc: {  	[smem:$0x3F61] =	sst s4  }
0xd: {  	[smem:$0x3F62] =	sst s5  }
0xe: {  	[smem:$0x3F63] =	sst s6  }
0xf: {  	[smem:$0x3F64] =	sst s7  }
0x10: {  	[smem:$0x3F65] =	sst s8  }
0x11: {  	[smem:$0x3F66] =	sst s9;
	s0 =	simm.s32 @!p0 $0x0  }
0x12: {  	s1 =	sld [smem:$0x3F4C];
	s0 =	simm.s32 @p0 $0x1  }
0x13: {  	[smem:$0x3F67] =	sst s0;
	s0 =	simm.s32 @!p1 $0x0  }
0x14: {  	s2 =	sld [smem:$0x3F4B];
	s0 =	simm.s32 @p1 $0x1  }
0x15: {  	[smem:$0x3F68] =	sst s0;
	s0 =	simm.s32 @!p2 $0x0  }
0x16: {  	s3 =	sld [smem:$0x3FDB];
	s0 =	simm.s32 @p2 $0x1  }
0x17: {  	s4 =	simm.s32 $0x1BF5;
	[smem:$0x3F6A] =	sst s0  }
0x18: {  	s0 =	sld [smem:$0x3F4D];
	_ =	swait.ge [sflag:s4], $0x0  }
0x19: {  	s7 =	sld [smem:$0x3F4E]  }
0x1a: {  	s8 =	sadd.s32 $0xFFFFE003, lr  }
0x1b: {  	s9 =	sadd.s32 $0xFFFFFEF7, lr;
	s5 =	simm.s32 $0xFFFFFFFF;
	p2 =	slt.u32 s8, $0xFFFFF086  }
0x1c: {  	p1 =	slt.u32 s9, $0xF7A;
	s5 =	simm.s32 @!p2 $0x0  }
0x1d: {  	s5 =	simm.s32 @p1 $0x1;
	p0 =	seq.s32 s7, s2  }
0x1e: {  	s7 =	smul.u32 @!p0 $0xF7A, s2;
	p2 =	seq.s32 @!p0 s5, $0x0  }
0x1f: {  	s9 =	smul.u32 $0xF7A, s1;
	s8 =	simm.s32 @!p0 $0x1BF5;
	p2 =	por !p2, p0  }
0x20: {  	[sflag:s8] =	ssyncset.s32 @!p0 $0xFFFFF086;
	s6 =	sadd.s32 @!p0 s3, s7;
	s7 =	simm.s32 @!p0 $0x108  }
0x21: {  	s3 =	sadd.s32 s3, s9;
	s6 =	sadd.s32 @!p0 $0x88, s6;
	s7 =	simm.s32 @p2 $0x1082  }
0x22: {  	[simem:s7], [sflag:s8] =	dma.local @!p0 [hbm:s6], $0xF7A  }
0x23: {  	s9 =	sor.u32 $0xD0000000, s2;
	s6 =	simm.s32 $0x108;
	_ =	swait.ge @!p0 [sflag:s8], $0x0  }
0x24: {  	s3 =	sadd.s32 $0x88, s3;
	s6 =	simm.s32 @!p1 $0x1082;
	[sflag:s4] =	ssyncset.s32 $0xFFFFF086  }
0x25: {  	[simem:s6], [sflag:s4] =	dma.local [hbm:s3], $0xF7A  }
0x26: {  	[smem:$0x3F4E] =	sst s1;
	(tag) =	ssettag s2;
	_ =	strace s9  }
0x27: {  	s1 =	sld [smem:$0x3F5E]  }
0x28: {  	s2 =	sld [smem:$0x3F5F]  }
0x29: {  	s4 =	sld [smem:$0x3F61]  }
0x2a: {  	p0 =	seq.s32 s5, $0x0;
	s5 =	sld [smem:$0x3F62]  }
0x2b: {  	s6 =	sld [smem:$0x3F63]  }
0x2c: {  	s7 =	sld [smem:$0x3F64]  }
0x2d: {  	s3 =	simm.s32 $0x108;
	s8 =	sld [smem:$0x3F65]  }
0x2e: {  	s3 =	simm.s32 @!p0 $0x1082;
	s9 =	sld [smem:$0x3F66]  }
0x2f: {  	lr =	sadd.s32 s0, s3;
	s0 =	sld [smem:$0x3F5D]  }
0x30: {  	s3 =	sld [smem:$0x3F60]  }
0x31: {  	[smem:$0x3F69] =	sst s10  }
0x32: {  	s10 =	sld [smem:$0x3F67];
	_ =	sdelay $0x3  }
0x33: {  	p0 =	seq.s32 s10, $0x1;
	s10 =	sld [smem:$0x3F69];
	_ =	sdelay $0x3  }
0x34: {  	[smem:$0x3F69] =	sst s10  }
0x35: {  	s10 =	sld [smem:$0x3F68];
	_ =	sdelay $0x3  }
0x36: {  	p1 =	seq.s32 s10, $0x1;
	s10 =	sld [smem:$0x3F69];
	_ =	sdelay $0x3  }
0x37: {  	[smem:$0x3F69] =	sst s10  }
0x38: {  	s10 =	sld [smem:$0x3F6A]  }
0x39: {  	_ = 	snop;
	(pc) =	sbr.ind lr, $3  }
0x3a: {  	_ = 	snop  }
0x3b: {  	_ = 	snop  }
0x3c: {  	p2 =	seq.s32 s10, $0x1;
	s10 =	sld [smem:$0x3F69]  }
0x3d: {  	_ =	shalt  }
0x3e: {  	_ =	shalt  }
0x3f: {  	_ =	shalt  }
0x40: {  	_ =	shalt  }
0x41: {  	_ =	shalt  }
0x42: {  	_ =	shalt  }
0x43: {  	_ =	shalt  }
0x44: {  	_ =	shalt  }
0x45: {  	_ =	shalt  }
0x46: {  	_ =	shalt  }
0x47: {  	_ =	shalt  }
0x48: {  	_ =	shalt  }
0x49: {  	_ =	shalt  }
0x4a: {  	_ =	shalt  }
0x4b: {  	_ =	shalt  }
0x4c: {  	_ =	shalt  }
0x4d: {  	_ =	shalt  }
0x4e: {  	_ =	shalt  }
0x4f: {  	_ =	shalt  }
0x50: {  	_ =	shalt  }
0x51: {  	_ =	shalt  }
0x52: {  	_ =	shalt  }
0x53: {  	_ =	shalt  }
0x54: {  	_ =	shalt  }
0x55: {  	_ =	shalt  }
0x56: {  	_ =	shalt  }
0x57: {  	_ =	shalt  }
0x58: {  	_ =	shalt  }
0x59: {  	_ =	shalt  }
0x5a: {  	_ =	shalt  }
0x5b: {  	_ =	shalt  }
0x5c: {  	_ =	shalt  }
0x5d: {  	_ =	shalt  }
0x5e: {  	_ =	shalt  }
0x5f: {  	_ =	shalt  }
0x60: {  	_ =	shalt  }
0x61: {  	_ =	shalt  }
0x62: {  	_ =	shalt  }
0x63: {  	_ =	shalt  }
0x64: {  	_ =	shalt  }
0x65: {  	_ =	shalt  }
0x66: {  	_ =	shalt  }
0x67: {  	_ =	shalt  }
0x68: {  	_ =	shalt  }
0x69: {  	_ =	shalt  }
0x6a: {  	_ =	shalt  }
0x6b: {  	_ =	shalt  }
0x6c: {  	_ =	shalt  }
0x6d: {  	_ =	shalt  }
0x6e: {  	_ =	shalt  }
0x6f: {  	_ =	shalt  }
0x70: {  	_ =	shalt  }
0x71: {  	_ =	shalt  }
0x72: {  	_ =	shalt  }
0x73: {  	_ =	shalt  }
0x74: {  	_ =	shalt  }
0x75: {  	_ =	shalt  }
0x76: {  	_ =	shalt  }
0x77: {  	_ =	shalt  }
0x78: {  	_ =	shalt  }
0x79: {  	_ =	shalt  }
0x7a: {  	_ =	shalt  }
0x7b: {  	_ =	shalt  }
0x7c: {  	_ =	shalt  }
0x7d: {  	_ =	shalt  }
0x7e: {  	_ =	shalt  }
0x7f: {  	_ =	shalt  }
0x80: {  	_ =	shalt  }
0x81: {  	_ =	shalt  }
0x82: {  	_ =	shalt  }
0x83: {  	_ =	shalt  }
0x84: {  	_ =	shalt  }
0x85: {  	_ =	shalt  }
0x86: {  	_ =	shalt  }
0x87: {  	_ =	shalt  }
.Lfunc_end0:
.L_simem_size_0:
called_computation.10_lowered:
.L_overlay_start_0:
0x88: {  	s2 =	sld [smem:$0x3FD9]  }
0x89: {  	s3 =	sld [smem:$0x3FFE];
	_ =	sdelay $0x1  }
0x8a: {  	s1 =	srdreg.scid  }
0x8b: {  	s0 =	sand.u32 $0x1, s1  }
0x8c: {  	s16 =	sshll.u32 s0, $0xA;
	s2 =	sadd.s32 s3, s2  }
0x8d: {  	s2 =	sadd.s32 s2, s16  }
0x8e: {  	[smem:$0x3F75] =	sst s2  }
0x8f: {  	_ = 	snop  }
0x90: {  	(tm) =	ssettm $0x1  }
0x91: {  	s17 =	sld [smem:$0x3FFB];
	_ =	sdelay $0x3  }
0x92: {  	_ =	strace s17  }
0x93: {  	s2 =	sld [smem:$0x3FFC];
	_ =	sdelay $0x3  }
0x94: {  	_ =	strace s2  }
0x95: {  	s2 =	sld [smem:$0x3FFD];
	_ =	sdelay $0x3  }
0x96: {  	_ =	strace s2  }
0x97: {  	_ =	strace $0x8FFFFFFF  }
0x98: {  	s18 =	sld [smem:$0x3FDB];
	_ =	sdelay $0x1  }
0x99: {  	s19 =	simm.s32 $_scs_section_size  }
0x9a: {  	s4 =	simm.s32 $_size__tile_overlayer_lowered;
	s5 =	simm.s32 $_tile_overlayer_lowered  }
0x9b: {  	s22 =	simm.s32 $0x1BFF;
	s21 =	sshll.u32 s5, $0x1;
	s2 =	sadd.s32 s19, s18  }
0x9c: {  	s6 =	simm.s32 $0x0;
	s20 =	sshll.u32 s4, $0x1;
	s4 =	sadd.s32 s21, s2  }
0x9d: {  	[timem:s6], [sflag:s22] =	dma.local [hbm:s4], s20  }
0x9e: {  	_ =	swait.ge [sflag:s22], s20  }
0x9f: {  	s3 =	ssub.s32 $0x0, s20;
	[sflag:s22] =	ssyncset.done $0x0  }
0xa0: {  	[sflag:s22] =	ssyncadd.s32 s3;
	_ =	sdelay $0x1  }
0xa1: {  	s23 =	simm.s32 $0x1B8B  }
0xa2: {  	_ =	swait.ge [sflag:s23], $0x1  }
0xa3: {  	[sflag:s23] =	ssyncset.done $0x0  }
0xa4: {  	s25 =	simm.s32 $0x1B8E;
	s24 =	sld [smem:$0x3FFE];
	[sflag:s23] =	ssyncadd.s32 $0xFFFFFFFF  }
0xa5: {  	s26 =	simm.s32 $execute0_lowered;
	[smem:$0x3FD2] =	sst s25  }
0xa6: {  	s4 =	sshll.u32 s26, $0x1;
	_ =	strace $0x80000064;
	[dreg:$0x1] =	wrdreg $0xFFFFFFFF  }
0xa7: {  	s28 =	simm.s32 $_size_execute0_lowered;
	s2 =	sadd.s32 s2, s4;
	[dreg:$0x0] =	wrdreg $0x0  }
0xa8: {  	s4 =	sshll.u32 s28, $0x1;
	[dreg:$0x2] =	wrdreg s2  }
0xa9: {  	[dreg:$0x3] =	wrdreg s4  }
0xaa: {  	[dreg:$0x4] =	wrdreg $0xC0  }
0xab: {  	_ =	task [dreg:s6], $0x5FFFF  }
0xac: {  	[dreg:$0x1] =	wrdreg $0xFFFFFFFF  }
0xad: {  	[dreg:$0x0] =	wrdreg $0x60  }
0xae: {  	[dreg:$0x2] =	wrdreg s24  }
0xaf: {  	[dreg:$0x3] =	wrdreg $0x9  }
0xb0: {  	_ =	task.clear_ibuf [dreg:s6], $0x4FFFF;
	_ =	strace $0x90000064  }
0xb1: {  	s29 =	simm.s32 $0x9;
	_ =	strace $0x80000066  }
0xb2: {  	_ =	swait.ge [sflag:s29], $0x1  }
0xb3: {  	[sflag:s29] =	ssyncadd.s32 $0xFFFFFFFF  }
0xb4: {  	_ =	strace $0x90000066  }
0xb5: {  	_ =	sfence  }
0xb6: {  	s30 =	sld [smem:$0x0];
	_ =	sdelay $0x2  }
0xb7: {  	s31 =	sshll.u32 s1, $0xD;
	s1 =	sshrl.u32 s1, $0x2  }
0xb8: {  	s3 =	sand.u32 $0x4000, s31;
	s1 =	sadd.s32 s1, s30  }
0xb9: {  	s0 =	sor.u32 s3, s0;
	s1 =	sshll.u32 s1, $0x11  }
0xba: {  	s0 =	sor.u32 s1, s0  }
0xbb: {  	s0 =	sadd.s32 $0x8F2B, s0  }
0xbc: {  	[sflag:s0] =	ssyncadd.remote.s32 $0x1  }
0xbd: {  	_ =	sfence.sel $0xFFFF  }
0xbe: {  	[dreg:$0x0] =	wrdreg $0xFFFFFFFF;
	(pc) =	sbr.abs _section_cstart, $3  }
0xbf: {  	[dreg:$0x1] =	wrdreg $0xFFFFFFFF  }
0xc0: {  	_ =	task.clear_ibuf [dreg:s6], $0x2FFFF;
	_ =	strace $0x9FFFFFFF  }
0xc1: {  	(tm) =	ssettm $0x7FFFFFFF  }
tec
execute0_lowered:
.L_overlay_start_1:
0x0: {  	(tag) =	ssettag $0x1  }
0x1: {  	s1 =	srdreg.scid  }
0x2: {  	s0 =	stileid.u32;
	s4 =	rddreg [dreg:$0x0];
	s2 =	simm.s32 $0x0  }
0x3: {  	s11 =	simm.s32 $0x50;
	s12 =	simm.s32 $0x4E20;
	s13 =	simm.s32 $0x1  }
0x4: {  	s14 =	simm.s32 $0x0;
	s5 =	sand.u32 $0x1, s1;
	s1 =	rddreg [dreg:$0x1]  }
0x5: {  	s3 =	sshll.u32 s0, $0x1;
	[smem:$0x7FF] =	sst s2;
	s7 =	smul.u32 $0x30D40, s0  }
0x6: {  	s3 =	sor.u32 s5, s3;
	s8 =	ssub.s32 $0x2, s5;
	s10 =	smul.u32 $0x186A0, s5  }
0x7: {  	_ =	strace $0x80000065;
	s6 =	smul.u32 $0x4E2, s3;
	s9 =	sshrl.u32 s8, $0x1  }
0x8: {  	s3 =	sadd.s32 $0x65600, s4;
	s29 =	sadd.s32 s7, s4;
	s30 =	ssub.s32 s8, s9  }
0x9: {  	s31 =	sadd.s32 s10, s29;
	s9 =	simm.s32 $0x2;
	s10 =	simm.s32 $0x2710  }
0xa: {  	s28 =	sadd.s32 s6, s4;
	s6 =	smax.u32 s30, $0x1;
	s7 =	sadd.s32 $0xB61E00, s31  }
0xb: {  	s8 =	sadd.s32 $0x7DE00, s31;
	s4 =	sadd.s32 $0x12000, s28;
	s5 =	sadd.s32 $0x1BE00, s28  }
.LBB2_1:
0xc: {  	[tilespmem:s2], [sflag:$0x2] =	stream.linear.gather [hbm4b:s4+s2], $0x2710, $0x38;
	[tilespmem:$0x6720] =	vst v63  }
0xd: {  	_ =	swait.ge [sflag:s9], $0x2710  }
0xe: {  	[sflag:s9] =	ssyncset.done $0x0  }
0xf: {  	[sflag:s9] =	ssyncadd.s32 $0xFFFFD8F0  }
0x10: {  	[tilespmem:s10], [sflag:$0x2] =	stream.linear.gather [hbm4b:s5+s2], $0x2710, $0x38;
	[tilespmem:$0x6720] =	vst v63  }
0x11: {  	_ =	swait.ge [sflag:s9], $0x2710  }
0x12: {  	[sflag:s9] =	ssyncset.done $0x0  }
0x13: {  	s15 =	simm.s32 $0x0;
	[sflag:s9] =	ssyncadd.s32 $0xFFFFD8F0  }
0x14: {  	[tilespmem:s12], [sflag:$0x1] =	stream.indirect.gather [hbm4b:s3+s11], $0x50, s15, s11, $0xb8;
	[tilespmem:$0x6720] =	vst v63  }
0x15: {  	_ =	swait.ge [sflag:s13], $0x1900  }
0x16: {  	[sflag:s13] =	ssyncset.done $0x0  }
0x17: {  	[sflag:s13] =	ssyncadd.s32 $0xFFFFE700  }
0x18: {  	[hbm4b:s7+s2] =	stream.linear.scatter [tilespmem:s12], [sflag:$0x2], $0x1900, $0x38;
	[tilespmem:$0x6720] =	vst v63  }
0x19: {  	_ =	swait.ge [sflag:s9], $0x1900  }
0x1a: {  	[sflag:s9] =	ssyncset.done $0x0  }
0x1b: {  	s31 =	simm.s32 $0x2710;
	[sflag:s9] =	ssyncadd.s32 $0xFFFFE700  }
0x1c: {  	[tilespmem:s12], [sflag:$0x1] =	stream.indirect.gather [hbm4b:s3+s11], $0x50, s31, s11, $0xb8;
	[tilespmem:$0x6720] =	vst v63  }
0x1d: {  	_ =	swait.ge [sflag:s13], $0x1900  }
0x1e: {  	[sflag:s13] =	ssyncset.done $0x0  }
0x1f: {  	[sflag:s13] =	ssyncadd.s32 $0xFFFFE700  }
0x20: {  	[hbm4b:s8+s2] =	stream.linear.scatter [tilespmem:s12], [sflag:$0x2], $0x1900, $0x38;
	[tilespmem:$0x6720] =	vst v63  }
0x21: {  	s17 =	simm.s32 $0x140;
	s18 =	simm.s32 $0x280;
	_ =	swait.ge [sflag:s9], $0x1900  }
0x22: {  	s16 =	sadd.s32 $0x320, s7;
	s15 =	sadd.s32 $0x320, s8;
	[sflag:s9] =	ssyncset.done $0x0  }
.LBB2_2:
0x23: {  	s19 =	sshra.s32 s17, $0x2  }
0x24: {  	[sflag:s9] =	ssyncadd.s32 $0xFFFFE700;
	s17 =	smov.u32 s18;
	s20 =	sadd.s32 $0x140, s18  }
0x25: {  	[tilespmem:s12], [sflag:$0x1] =	stream.indirect.gather [hbm4b:s3+s11], $0x50, s19, s11, $0xb8;
	[tilespmem:$0x6720] =	vst v63  }
0x26: {  	p0 =	sne.s32 s18, $0x9B00;
	_ =	swait.ge [sflag:s13], $0x1900  }
0x27: {  	[sflag:s13] =	ssyncset.done $0x0  }
0x28: {  	[sflag:s13] =	ssyncadd.s32 $0xFFFFE700  }
0x29: {  	[hbm4b:s16+s2] =	stream.linear.scatter [tilespmem:s12], [sflag:$0x2], $0x1900, $0x38;
	[tilespmem:$0x6720] =	vst v63  }
0x2a: {  	_ =	swait.ge [sflag:s9], $0x1900  }
0x2b: {  	[sflag:s9] =	ssyncset.done $0x0  }
0x2c: {  	s18 =	sadd.s32 $0x2710, s19;
	[sflag:s9] =	ssyncadd.s32 $0xFFFFE700  }
0x2d: {  	[tilespmem:s12], [sflag:$0x1] =	stream.indirect.gather [hbm4b:s3+s11], $0x50, s18, s11, $0xb8;
	[tilespmem:$0x6720] =	vst v63  }
0x2e: {  	_ =	swait.ge [sflag:s13], $0x1900  }
.Ltmp0:
0x2f: {  	[sflag:s13] =	ssyncset.done $0x0;
	(pc) =	sbr.rel @p0 .LBB2_2-.Ltmp0, $4  }
0x30: {  	[sflag:s13] =	ssyncadd.s32 $0xFFFFE700  }
0x31: {  	[hbm4b:s15+s2] =	stream.linear.scatter [tilespmem:s12], [sflag:$0x2], $0x1900, $0x38;
	[tilespmem:$0x6720] =	vst v63  }
0x32: {  	s16 =	sadd.s32 $0x320, s16;
	_ =	swait.ge [sflag:s9], $0x1900  }
0x33: {  	s18 =	smov.u32 s20;
	s15 =	sadd.s32 $0x320, s15;
	[sflag:s9] =	ssyncset.done $0x0  }
0x34: {  	s17 =	sshra.s32 s17, $0x2;
	[sflag:s9] =	ssyncadd.s32 $0xFFFFE700  }
0x35: {  	[tilespmem:s12], [sflag:$0x1] =	stream.indirect.gather [hbm4b:s3+s11], $0x50, s17, s11, $0xb8;
	[tilespmem:$0x6720] =	vst v63  }
0x36: {  	_ =	swait.ge [sflag:s13], $0x1900  }
0x37: {  	[sflag:s13] =	ssyncset.done $0x0  }
0x38: {  	[sflag:s13] =	ssyncadd.s32 $0xFFFFE700  }
0x39: {  	[hbm4b:s16+s2] =	stream.linear.scatter [tilespmem:s12], [sflag:$0x2], $0x1900, $0x38;
	[tilespmem:$0x6720] =	vst v63  }
0x3a: {  	_ =	swait.ge [sflag:s9], $0x1900  }
0x3b: {  	[sflag:s9] =	ssyncset.done $0x0  }
0x3c: {  	s31 =	sadd.s32 $0x2710, s17;
	[sflag:s9] =	ssyncadd.s32 $0xFFFFE700  }
0x3d: {  	[tilespmem:s12], [sflag:$0x1] =	stream.indirect.gather [hbm4b:s3+s11], $0x50, s31, s11, $0xb8;
	[tilespmem:$0x6720] =	vst v63  }
0x3e: {  	s14 =	sadd.s32 $0x1, s14;
	_ =	swait.ge [sflag:s13], $0x1900  }
0x3f: {  	p0 =	sne.s32 s14, s6;
	[sflag:s13] =	ssyncset.done $0x0  }
.Ltmp1:
0x40: {  	[sflag:s13] =	ssyncadd.s32 $0xFFFFE700;
	(pc) =	sbr.rel @p0 .LBB2_1-.Ltmp1, $4  }
0x41: {  	[hbm4b:s15+s2] =	stream.linear.scatter [tilespmem:s12], [sflag:$0x2], $0x1900, $0x38;
	[tilespmem:$0x6720] =	vst v63  }
0x42: {  	_ =	swait.ge [sflag:s9], $0x1900  }
0x43: {  	[sflag:s9] =	ssyncset.done $0x0  }
0x44: {  	[sflag:s9] =	ssyncadd.s32 $0xFFFFE700  }
0x45: {  	_ =	sfence.sel $0x180000  }
0x46: {  	[bflag:$0x0] =	sbarrier.arrive $0xFFFF  }
0x47: {  	p0 =	sne.s32 s0, $0x0;
	_ =	strace $0x90000065  }
0x48: {  	s0 =	sadd.s32 @!p0 $0x100000, s1;
	[bflag:$0x2] =	sbarrier.arrive $0xFFFF  }
0x49: {  	[sflag:s0] =	ssyncadd.tile.s32 @!p0 $0x1;
	_ =	shalt  }
.Lfunc_end2:
_tile_overlayer_lowered:
.L_overlay_start_2:
0x4a: {  	(tag) =	ssettag $0x2  }
0x4b: {  	s0 =	rddreg [dreg:$0x0];
	s2 =	stileid.u32  }
0x4c: {  	s1 =	rddreg [dreg:$0x1];
	p0 =	sne.s32 s2, $0x0  }
0x4d: {  	s3 =	rddreg [dreg:$0x2];
	[bflag:$0x3] =	sbarrier.arrive $0xFFFF;
	s2 =	simm.s32 @!p0 $0x1C02  }
0x4e: {  	[timem:s3], [sflag:s2] =	dma.local @!p0 [hbm:s0], s1  }
0x4f: {  	s0 =	simm.s32 @!p0 $0x2  }
0x50: {  	_ =	swait.ge @!p0 [sflag:s0], s1  }
0x51: {  	s1 =	ssub.s32 @!p0 $0x0, s1;
	[sflag:s0] =	ssyncset.done @!p0 $0x0  }
0x52: {  	[sflag:s0] =	ssyncadd.s32 @!p0 s1  }
0x53: {  	[bflag:$0x3] =	sbarrier.arrive $0xFFFF  }
0x54: {  	_ =	shalt  }

// kernel: kernel.60.cloned.1.call-start
scs
__scs_entry_jumppad:
0x0: {  	(pc) =	sbr.rel $0x88, $3  }
0x1: {  	(tag) =	ssettag $0x0;
	lr =	simm.s32 $0x1  }
0x2: {  	[smem:$0x3F4E] =	sst lr;
	_ =	strace $0xD0000000  }
0x3: {  	_ = 	snop  }
0x4: {  	_ = 	snop  }
0x5: {  	_ = 	snop  }
0x6: {  	_ = 	snop  }
0x7: {  	_ = 	snop  }
__scs_overlays_trampoline_lowered:
0x8: {  	[smem:$0x3F5D] =	sst s0  }
0x9: {  	[smem:$0x3F5E] =	sst s1  }
0xa: {  	[smem:$0x3F5F] =	sst s2  }
0xb: {  	[smem:$0x3F60] =	sst s3  }
0xc: {  	[smem:$0x3F61] =	sst s4  }
0xd: {  	[smem:$0x3F62] =	sst s5  }
0xe: {  	[smem:$0x3F63] =	sst s6  }
0xf: {  	[smem:$0x3F64] =	sst s7  }
0x10: {  	[smem:$0x3F65] =	sst s8  }
0x11: {  	[smem:$0x3F66] =	sst s9;
	s0 =	simm.s32 @!p0 $0x0  }
0x12: {  	s1 =	sld [smem:$0x3F4C];
	s0 =	simm.s32 @p0 $0x1  }
0x13: {  	[smem:$0x3F67] =	sst s0;
	s0 =	simm.s32 @!p1 $0x0  }
0x14: {  	s2 =	sld [smem:$0x3F4B];
	s0 =	simm.s32 @p1 $0x1  }
0x15: {  	[smem:$0x3F68] =	sst s0;
	s0 =	simm.s32 @!p2 $0x0  }
0x16: {  	s3 =	sld [smem:$0x3FDB];
	s0 =	simm.s32 @p2 $0x1  }
0x17: {  	s4 =	simm.s32 $0x1BF5;
	[smem:$0x3F6A] =	sst s0  }
0x18: {  	s0 =	sld [smem:$0x3F4D];
	_ =	swait.ge [sflag:s4], $0x0  }
0x19: {  	s7 =	sld [smem:$0x3F4E]  }
0x1a: {  	s8 =	sadd.s32 $0xFFFFE003, lr  }
0x1b: {  	s9 =	sadd.s32 $0xFFFFFEF7, lr;
	s5 =	simm.s32 $0xFFFFFFFF;
	p2 =	slt.u32 s8, $0xFFFFF086  }
0x1c: {  	p1 =	slt.u32 s9, $0xF7A;
	s5 =	simm.s32 @!p2 $0x0  }
0x1d: {  	s5 =	simm.s32 @p1 $0x1;
	p0 =	seq.s32 s7, s2  }
0x1e: {  	s7 =	smul.u32 @!p0 $0xF7A, s2;
	p2 =	seq.s32 @!p0 s5, $0x0  }
0x1f: {  	s9 =	smul.u32 $0xF7A, s1;
	s8 =	simm.s32 @!p0 $0x1BF5;
	p2 =	por !p2, p0  }
0x20: {  	[sflag:s8] =	ssyncset.s32 @!p0 $0xFFFFF086;
	s6 =	sadd.s32 @!p0 s3, s7;
	s7 =	simm.s32 @!p0 $0x108  }
0x21: {  	s3 =	sadd.s32 s3, s9;
	s6 =	sadd.s32 @!p0 $0x88, s6;
	s7 =	simm.s32 @p2 $0x1082  }
0x22: {  	[simem:s7], [sflag:s8] =	dma.local @!p0 [hbm:s6], $0xF7A  }
0x23: {  	s9 =	sor.u32 $0xD0000000, s2;
	s6 =	simm.s32 $0x108;
	_ =	swait.ge @!p0 [sflag:s8], $0x0  }
0x24: {  	s3 =	sadd.s32 $0x88, s3;
	s6 =	simm.s32 @!p1 $0x1082;
	[sflag:s4] =	ssyncset.s32 $0xFFFFF086  }
0x25: {  	[simem:s6], [sflag:s4] =	dma.local [hbm:s3], $0xF7A  }
0x26: {  	[smem:$0x3F4E] =	sst s1;
	(tag) =	ssettag s2;
	_ =	strace s9  }
0x27: {  	s1 =	sld [smem:$0x3F5E]  }
0x28: {  	s2 =	sld [smem:$0x3F5F]  }
0x29: {  	s4 =	sld [smem:$0x3F61]  }
0x2a: {  	p0 =	seq.s32 s5, $0x0;
	s5 =	sld [smem:$0x3F62]  }
0x2b: {  	s6 =	sld [smem:$0x3F63]  }
0x2c: {  	s7 =	sld [smem:$0x3F64]  }
0x2d: {  	s3 =	simm.s32 $0x108;
	s8 =	sld [smem:$0x3F65]  }
0x2e: {  	s3 =	simm.s32 @!p0 $0x1082;
	s9 =	sld [smem:$0x3F66]  }
0x2f: {  	lr =	sadd.s32 s0, s3;
	s0 =	sld [smem:$0x3F5D]  }
0x30: {  	s3 =	sld [smem:$0x3F60]  }
0x31: {  	[smem:$0x3F69] =	sst s10  }
0x32: {  	s10 =	sld [smem:$0x3F67];
	_ =	sdelay $0x3  }
0x33: {  	p0 =	seq.s32 s10, $0x1;
	s10 =	sld [smem:$0x3F69];
	_ =	sdelay $0x3  }
0x34: {  	[smem:$0x3F69] =	sst s10  }
0x35: {  	s10 =	sld [smem:$0x3F68];
	_ =	sdelay $0x3  }
0x36: {  	p1 =	seq.s32 s10, $0x1;
	s10 =	sld [smem:$0x3F69];
	_ =	sdelay $0x3  }
0x37: {  	[smem:$0x3F69] =	sst s10  }
0x38: {  	s10 =	sld [smem:$0x3F6A]  }
0x39: {  	_ = 	snop;
	(pc) =	sbr.ind lr, $3  }
0x3a: {  	_ = 	snop  }
0x3b: {  	_ = 	snop  }
0x3c: {  	p2 =	seq.s32 s10, $0x1;
	s10 =	sld [smem:$0x3F69]  }
0x3d: {  	_ =	shalt  }
0x3e: {  	_ =	shalt  }
0x3f: {  	_ =	shalt  }
0x40: {  	_ =	shalt  }
0x41: {  	_ =	shalt  }
0x42: {  	_ =	shalt  }
0x43: {  	_ =	shalt  }
0x44: {  	_ =	shalt  }
0x45: {  	_ =	shalt  }
0x46: {  	_ =	shalt  }
0x47: {  	_ =	shalt  }
0x48: {  	_ =	shalt  }
0x49: {  	_ =	shalt  }
0x4a: {  	_ =	shalt  }
0x4b: {  	_ =	shalt  }
0x4c: {  	_ =	shalt  }
0x4d: {  	_ =	shalt  }
0x4e: {  	_ =	shalt  }
0x4f: {  	_ =	shalt  }
0x50: {  	_ =	shalt  }
0x51: {  	_ =	shalt  }
0x52: {  	_ =	shalt  }
0x53: {  	_ =	shalt  }
0x54: {  	_ =	shalt  }
0x55: {  	_ =	shalt  }
0x56: {  	_ =	shalt  }
0x57: {  	_ =	shalt  }
0x58: {  	_ =	shalt  }
0x59: {  	_ =	shalt  }
0x5a: {  	_ =	shalt  }
0x5b: {  	_ =	shalt  }
0x5c: {  	_ =	shalt  }
0x5d: {  	_ =	shalt  }
0x5e: {  	_ =	shalt  }
0x5f: {  	_ =	shalt  }
0x60: {  	_ =	shalt  }
0x61: {  	_ =	shalt  }
0x62: {  	_ =	shalt  }
0x63: {  	_ =	shalt  }
0x64: {  	_ =	shalt  }
0x65: {  	_ =	shalt  }
0x66: {  	_ =	shalt  }
0x67: {  	_ =	shalt  }
0x68: {  	_ =	shalt  }
0x69: {  	_ =	shalt  }
0x6a: {  	_ =	shalt  }
0x6b: {  	_ =	shalt  }
0x6c: {  	_ =	shalt  }
0x6d: {  	_ =	shalt  }
0x6e: {  	_ =	shalt  }
0x6f: {  	_ =	shalt  }
0x70: {  	_ =	shalt  }
0x71: {  	_ =	shalt  }
0x72: {  	_ =	shalt  }
0x73: {  	_ =	shalt  }
0x74: {  	_ =	shalt  }
0x75: {  	_ =	shalt  }
0x76: {  	_ =	shalt  }
0x77: {  	_ =	shalt  }
0x78: {  	_ =	shalt  }
0x79: {  	_ =	shalt  }
0x7a: {  	_ =	shalt  }
0x7b: {  	_ =	shalt  }
0x7c: {  	_ =	shalt  }
0x7d: {  	_ =	shalt  }
0x7e: {  	_ =	shalt  }
0x7f: {  	_ =	shalt  }
0x80: {  	_ =	shalt  }
0x81: {  	_ =	shalt  }
0x82: {  	_ =	shalt  }
0x83: {  	_ =	shalt  }
0x84: {  	_ =	shalt  }
0x85: {  	_ =	shalt  }
0x86: {  	_ =	shalt  }
0x87: {  	_ =	shalt  }
.Lfunc_end0:
.L_simem_size_0:
called_computation.11_lowered:
.L_overlay_start_0:
0x88: {  	s2 =	sld [smem:$0x3FD9]  }
0x89: {  	s3 =	sld [smem:$0x3FFE];
	_ =	sdelay $0x1  }
0x8a: {  	s1 =	srdreg.scid  }
0x8b: {  	s0 =	sand.u32 $0x1, s1  }
0x8c: {  	s16 =	sshll.u32 s0, $0xA;
	s2 =	sadd.s32 s3, s2  }
0x8d: {  	s2 =	sadd.s32 s2, s16  }
0x8e: {  	[smem:$0x3F75] =	sst s2  }
0x8f: {  	_ = 	snop  }
0x90: {  	(tm) =	ssettm $0x1  }
0x91: {  	s17 =	sld [smem:$0x3FFB];
	_ =	sdelay $0x3  }
0x92: {  	_ =	strace s17  }
0x93: {  	s2 =	sld [smem:$0x3FFC];
	_ =	sdelay $0x3  }
0x94: {  	_ =	strace s2  }
0x95: {  	s2 =	sld [smem:$0x3FFD];
	_ =	sdelay $0x3  }
0x96: {  	_ =	strace s2  }
0x97: {  	_ =	strace $0x8FFFFFFF  }
0x98: {  	s18 =	sld [smem:$0x3FDB];
	_ =	sdelay $0x1  }
0x99: {  	s19 =	simm.s32 $_scs_section_size  }
0x9a: {  	s4 =	simm.s32 $_size__tile_overlayer_lowered;
	s5 =	simm.s32 $_tile_overlayer_lowered  }
0x9b: {  	s22 =	simm.s32 $0x1BFF;
	s21 =	sshll.u32 s5, $0x1;
	s2 =	sadd.s32 s19, s18  }
0x9c: {  	s6 =	simm.s32 $0x0;
	s20 =	sshll.u32 s4, $0x1;
	s4 =	sadd.s32 s21, s2  }
0x9d: {  	[timem:s6], [sflag:s22] =	dma.local [hbm:s4], s20  }
0x9e: {  	_ =	swait.ge [sflag:s22], s20  }
0x9f: {  	s3 =	ssub.s32 $0x0, s20;
	[sflag:s22] =	ssyncset.done $0x0  }
0xa0: {  	[sflag:s22] =	ssyncadd.s32 s3;
	_ =	sdelay $0x1  }
0xa1: {  	s23 =	simm.s32 $0x1B8B  }
0xa2: {  	_ =	swait.ge [sflag:s23], $0x1  }
0xa3: {  	[sflag:s23] =	ssyncset.done $0x0  }
0xa4: {  	s25 =	simm.s32 $0x1B8E;
	s24 =	sld [smem:$0x3FFE];
	[sflag:s23] =	ssyncadd.s32 $0xFFFFFFFF  }
0xa5: {  	s26 =	simm.s32 $execute0_lowered;
	[smem:$0x3FD2] =	sst s25  }
0xa6: {  	s4 =	sshll.u32 s26, $0x1;
	_ =	strace $0x80000067;
	[dreg:$0x1] =	wrdreg $0xFFFFFFFF  }
0xa7: {  	s28 =	simm.s32 $_size_execute0_lowered;
	s2 =	sadd.s32 s2, s4;
	[dreg:$0x0] =	wrdreg $0x0  }
0xa8: {  	s4 =	sshll.u32 s28, $0x1;
	[dreg:$0x2] =	wrdreg s2  }
0xa9: {  	[dreg:$0x3] =	wrdreg s4  }
0xaa: {  	[dreg:$0x4] =	wrdreg $0xC0  }
0xab: {  	_ =	task [dreg:s6], $0x5FFFF  }
0xac: {  	[dreg:$0x1] =	wrdreg $0xFFFFFFFF  }
0xad: {  	[dreg:$0x0] =	wrdreg $0x60  }
0xae: {  	[dreg:$0x2] =	wrdreg s24  }
0xaf: {  	[dreg:$0x3] =	wrdreg $0x40100  }
0xb0: {  	[dreg:$0x4] =	wrdreg $0x9  }
0xb1: {  	_ =	task.clear_ibuf [dreg:s6], $0x5FFFF;
	_ =	strace $0x90000067  }
0xb2: {  	s29 =	simm.s32 $0x9;
	_ =	strace $0x80000069  }
0xb3: {  	_ =	swait.ge [sflag:s29], $0x1  }
0xb4: {  	[sflag:s29] =	ssyncadd.s32 $0xFFFFFFFF  }
0xb5: {  	_ =	strace $0x90000069  }
0xb6: {  	_ =	sfence  }
0xb7: {  	s30 =	sld [smem:$0x0];
	_ =	sdelay $0x2  }
0xb8: {  	s31 =	sshll.u32 s1, $0xD;
	s1 =	sshrl.u32 s1, $0x2  }
0xb9: {  	s3 =	sand.u32 $0x4000, s31;
	s1 =	sadd.s32 s1, s30  }
0xba: {  	s0 =	sor.u32 s3, s0;
	s1 =	sshll.u32 s1, $0x11  }
0xbb: {  	s0 =	sor.u32 s1, s0  }
0xbc: {  	s0 =	sadd.s32 $0x8F2B, s0  }
0xbd: {  	[sflag:s0] =	ssyncadd.remote.s32 $0x1  }
0xbe: {  	_ =	sfence.sel $0xFFFF  }
0xbf: {  	[dreg:$0x0] =	wrdreg $0xFFFFFFFF;
	(pc) =	sbr.abs _section_cstart, $3  }
0xc0: {  	[dreg:$0x1] =	wrdreg $0xFFFFFFFF  }
0xc1: {  	_ =	task.clear_ibuf [dreg:s6], $0x2FFFF;
	_ =	strace $0x9FFFFFFF  }
0xc2: {  	(tm) =	ssettm $0x7FFFFFFF  }
0xc3: {  	_ =	shalt  }
tec
execute0_lowered:
.L_overlay_start_1:
0x0: {  	(tag) =	ssettag $0x1  }
0x1: {  	s6 =	rddreg [dreg:$0x0]  }
0x2: {  	s2 =	rddreg [dreg:$0x1]  }
0x3: {  	s0 =	rddreg [dreg:$0x2];
	s3 =	simm.s32 $0x0;
	s1 =	stileid.u32  }
0x4: {  	s4 =	srdreg.scid;
	s17 =	simm.s32 $0x0;
	s5 =	smul.u32 $0x30D40, s1  }
0x5: {  	s7 =	sand.u32 $0x1, s4;
	s24 =	sshll.u32 s1, $0x1;
	[smem:$0x7FF] =	sst s3  }
0x6: {  	s8 =	smul.u32 $0xC300, s1;
	s12 =	sadd.s32 $0x372A00, s6;
	s29 =	sshll.u32 s1, $0x6  }
0x7: {  	s15 =	sadd.s32 $0xC3000, s2;
	p0 =	sne.s32 s1, $0xF;
	s30 =	smul.u32 $0xC3500, s7  }
0x8: {  	s4 =	sor.u32 s7, s24;
	_ =	strace $0x80000068;
	s16 =	smul.u32 $0x186A0, s7  }
0x9: {  	s9 =	ssub.s32 $0x2, s7;
	s4 =	smul.u32 $0x4E2, s4;
	s10 =	sadd.s32 s5, s6  }
0xa: {  	s25 =	sshrl.u32 s8, $0x3;
	s28 =	sshrl.u32 s9, $0x1;
	s14 =	sadd.s32 s8, s2  }
0xb: {  	s5 =	sor.u32 $0x1C01, s29;
	s26 =	sadd.s32 s25, s6;
	s13 =	ssub.s32 s9, s28  }
0xc: {  	s8 =	sadd.s32 s8, s30;
	s9 =	sshrl.u32 s30, $0x3;
	s31 =	sadd.s32 s16, s10  }
0xd: {  	s16 =	simm.s32 $0x50;
	s11 =	sadd.s32 s4, s6;
	s4 =	sadd.s32 $0x4CE00, s26  }
0xe: {  	s6 =	sadd.s32 $0x65400, s6;
	s8 =	sshrl.u32 s8, $0x3;
	s9 =	sadd.s32 s12, s9  }
0xf: {  	s10 =	smax.u32 s13, $0x1;
	s13 =	simm.s32 $0x1;
	s7 =	sadd.s32 $0x1BE00, s11  }
0x10: {  	s8 =	sadd.s32 s12, s8;
	s9 =	sadd.s32 $0x18600, s9;
	s11 =	sadd.s32 $0x65600, s31  }
0x11: {  	s12 =	sshrl.u32 s14, $0x3;
	s14 =	sshrl.u32 @!p0 s15, $0x3;
	s15 =	simm.s32 $0x2710  }
.LBB2_1:
0x12: {  	[spmem:s12], [sflag:s5] =	dma.local [hbm:s4], $0x1860  }
0x13: {  	_ =	swait.ge [sflag:s13], $0x1860  }
0x14: {  	[sflag:s13] =	ssyncset.done $0x0  }
0x15: {  	s18 =	simm.s32 @!p0 $0x1;
	[sflag:s13] =	ssyncadd.s32 $0xFFFFE7A0  }
0x16: {  	[spmem:s14], [sflag:s5] =	dma.local @!p0 [hbm:s6], $0xA0  }
0x17: {  	_ =	swait.ge @!p0 [sflag:s18], $0xA0  }
0x18: {  	[sflag:s18] =	ssyncset.done @!p0 $0x0  }
0x19: {  	[sflag:s18] =	ssyncadd.s32 @!p0 $0xFFFFFF60  }
0x1a: {  	[tilespmem:s3], [sflag:$0x1] =	stream.linear.gather [hbm4b:s7+s3], $0x2710, $0x38;
	[tilespmem:$0x10360] =	vst v63  }
0x1b: {  	_ =	swait.ge [sflag:s13], $0x2710  }
0x1c: {  	[sflag:s13] =	ssyncset.done $0x0  }
0x1d: {  	[sflag:s13] =	ssyncadd.s32 $0xFFFFD8F0  }
0x1e: {  	[bflag:$0x0] =	sbarrier.arrive $0xFFFF  }
0x1f: {  	[tilespmem:s15], [sflag:$0x1] =	stream.linear.gather [hbm4b:s11+s3], $0x1900, $0x38;
	[tilespmem:$0x10360] =	vst v63  }
0x20: {  	_ =	swait.ge [sflag:s13], $0x1900  }
0x21: {  	[sflag:s13] =	ssyncset.done $0x0  }
0x22: {  	s31 =	simm.s32 $0x0;
	[sflag:s13] =	ssyncadd.s32 $0xFFFFE700  }
0x23: {  	[spmem:s2] =	stream.indirect.scatter.add.f32 [tilespmem:s15], [sflag:$0x1], $0x50, s31, s16, $0xb8;
	[tilespmem:$0x10360] =	vst v63  }
0x24: {  	_ =	swait.ge [sflag:s13], $0x1900  }
0x25: {  	s19 =	smov.u32 s11;
	s18 =	simm.s32 $0x140;
	[sflag:s13] =	ssyncset.done $0x0  }
.LBB2_2:
0x26: {  	p1 =	sne.s32 s18, $0x9B00;
	[sflag:s13] =	ssyncadd.s32 $0xFFFFE700;
	s19 =	sadd.s32 $0x320, s19  }
0x27: {  	[tilespmem:s15], [sflag:$0x1] =	stream.linear.gather [hbm4b:s19+s3], $0x1900, $0x38;
	[tilespmem:$0x10360] =	vst v63  }
0x28: {  	s20 =	smov.u32 s18;
	s18 =	sadd.s32 $0x140, s18;
	_ =	swait.ge [sflag:s13], $0x1900  }
.Ltmp0:
0x29: {  	[sflag:s13] =	ssyncset.done $0x0;
	(pc) =	sbr.rel @p1 .LBB2_2-.Ltmp0, $4  }
0x2a: {  	s20 =	sshra.s32 s20, $0x2;
	[sflag:s13] =	ssyncadd.s32 $0xFFFFE700  }
0x2b: {  	[spmem:s2] =	stream.indirect.scatter.add.f32 [tilespmem:s15], [sflag:$0x1], $0x50, s20, s16, $0xb8;
	[tilespmem:$0x10360] =	vst v63  }
0x2c: {  	_ =	swait.ge [sflag:s13], $0x1900  }
0x2d: {  	[sflag:s13] =	ssyncset.done $0x0  }
0x2e: {  	[sflag:s13] =	ssyncadd.s32 $0xFFFFE700  }
0x2f: {  	[bflag:$0x0] =	sbarrier.arrive $0xFFFF  }
0x30: {  	[hbm:s8], [sflag:s5] =	dma.local [spmem:s12], $0x1860  }
0x31: {  	s17 =	sadd.s32 $0x1, s17;
	_ =	swait.ge [sflag:s13], $0x1860  }
0x32: {  	p1 =	sne.s32 s17, s10;
	[sflag:s13] =	ssyncset.done $0x0  }
.Ltmp1:
0x33: {  	s18 =	simm.s32 @!p0 $0x1;
	[sflag:s13] =	ssyncadd.s32 $0xFFFFE7A0;
	(pc) =	sbr.rel @p1 .LBB2_1-.Ltmp1, $4  }
0x34: {  	[hbm:s9], [sflag:s5] =	dma.local @!p0 [spmem:s14], $0xA0  }
0x35: {  	_ =	swait.ge @!p0 [sflag:s18], $0xA0  }
0x36: {  	[sflag:s18] =	ssyncset.done @!p0 $0x0  }
0x37: {  	[sflag:s18] =	ssyncadd.s32 @!p0 $0xFFFFFF60  }
0x38: {  	_ =	sfence.sel $0x180000  }
0x39: {  	[bflag:$0x0] =	sbarrier.arrive $0xFFFF  }
0x3a: {  	p0 =	sne.s32 s1, $0x0;
	_ =	strace $0x90000068  }
0x3b: {  	s0 =	sadd.s32 @!p0 $0x100000, s0;
	[bflag:$0x2] =	sbarrier.arrive $0xFFFF  }
0x3c: {  	[sflag:s0] =	ssyncadd.tile.s32 @!p0 $0x1;
	_ =	shalt  }
.Lfunc_end2:
_tile_overlayer_lowered:
.L_overlay_start_2:
0x3d: {  	(tag) =	ssettag $0x2  }
0x3e: {  	s0 =	rddreg [dreg:$0x0];
	s2 =	stileid.u32  }
0x3f: {  	s1 =	rddreg [dreg:$0x1];
	p0 =	sne.s32 s2, $0x0  }
0x40: {  	s3 =	rddreg [dreg:$0x2];
	[bflag:$0x3] =	sbarrier.arrive $0xFFFF;
	s2 =	simm.s32 @!p0 $0x1C01  }
0x41: {  	[timem:s3], [sflag:s2] =	dma.local @!p0 [hbm:s0], s1  }
0x42: {  	s0 =	simm.s32 @!p0 $0x1  }
0x43: {  	_ =	swait.ge @!p0 [sflag:s0], s1  }
0x44: {  	s1 =	ssub.s32 @!p0 $0x0, s1;
	[sflag:s0] =	ssyncset.done @!p0 $0x0  }
0x45: {  	[sflag:s0] =	ssyncadd.s32 @!p0 s1  }
0x46: {  	[bflag:$0x3] =	sbarrier.arrive $0xFFFF  }
0x47: {  	_ =	shalt  }

</sc_bundles>
